<compile_context>
chip_gen: v7x
topology: tpu7x:2x2x1
jax: 0.10.2.dev20260603
libtpu: 0.0.44.dev20260713+nightly
codegen_flags: <defaults>
</compile_context>

<pallas_src>
import functools

import numpy as np
import jax
import jax.numpy as jnp
from jax import lax
from jax.experimental import pallas as pl
from jax.experimental.pallas import tpu as pltpu
from jax.experimental.pallas import tpu_sc as plsc

_D = 768
_MAX_LEN = 2048
_BATCH = 4
_SCALE = float(np.sqrt(np.float32(_D)))


def _positional_encoding() -> np.ndarray:
    pos = np.arange(_MAX_LEN)[:, np.newaxis].astype(np.float64)
    i = np.arange(_D)[np.newaxis, :].astype(np.float64)
    angle_rates = 1.0 / np.power(10000.0, 2.0 * (i // 2) / np.float32(_D))
    angle_rads = pos * angle_rates
    angle_rads[:, 0::2] = np.sin(angle_rads[:, 0::2])
    angle_rads[:, 1::2] = np.cos(angle_rads[:, 1::2])
    return angle_rads.astype(np.float32)


_POS_ENC = _positional_encoding()

_INFO = plsc.get_sparse_core_info()
_NC = _INFO.num_cores
_NS = _INFO.num_subcores
_NW = _NC * _NS
_T_PER_W = _MAX_LEN // _NW
_TCH = 8
_NCH = _T_PER_W // _TCH
_NRING = 4
_PREF = 2
_LANES = 16
_COLS = _D // _LANES

_mesh = plsc.VectorSubcoreMesh(core_axis_name="c", subcore_axis_name="s")


@functools.partial(
    pl.kernel,
    mesh=_mesh,
    out_type=jax.ShapeDtypeStruct((_BATCH, _MAX_LEN, _D), jnp.float32),
    scratch_types=[
        pltpu.VMEM((_BATCH, _T_PER_W), jnp.int32),
        *[pltpu.VMEM((_TCH, _D), jnp.float32) for _ in range(_NRING)],
        *[pltpu.VMEM((_TCH, _D), jnp.float32)
          for _ in range(_NRING * _BATCH)],
        *[pltpu.SemaphoreType.DMA for _ in range(2 * _NRING)],
        *[pltpu.SemaphoreType.DMA for _ in range(_NRING * _BATCH)],
        pltpu.SemaphoreType.DMA,
    ],
)
def _embed(x_hbm, table_hbm, pos_hbm, out_hbm, idx_v, *refs):
    pos_v = refs[:_NRING]
    rows_v = [refs[_NRING + g * _BATCH:_NRING + (g + 1) * _BATCH]
              for g in range(_NRING)]
    psem = refs[_NRING * (1 + _BATCH):_NRING * (2 + _BATCH)]
    wsem = [refs[_NRING * (2 + _BATCH) + g * _BATCH:]
            [:_BATCH] for g in range(_NRING)]
    gsem = refs[_NRING * (2 + _BATCH) + _NRING * _BATCH:][:_NRING]
    isem = refs[-1]

    wid = lax.axis_index("s") * _NC + lax.axis_index("c")
    t_base = wid * _T_PER_W

    idx_cps = [
        pltpu.async_copy(x_hbm.at[b, pl.ds(t_base, _T_PER_W)],
                         idx_v.at[b], isem)
        for b in range(_BATCH)
    ]
    for cp in idx_cps:
        cp.wait()

    def fire_chunk(ct):
        g = ct % _NRING
        t0 = t_base + ct * _TCH
        pos_cp = pltpu.async_copy(pos_hbm.at[pl.ds(t0, _TCH)], pos_v[g],
                                  psem[g])
        row_cps = []
        for b in range(_BATCH):
            idx = idx_v.at[b, pl.ds(ct * _TCH, _TCH)]
            row_cps.append(
                pltpu.async_copy(table_hbm.at[idx], rows_v[g][b], gsem[g]))
        return pos_cp, row_cps

    chunks = {k: fire_chunk(k) for k in range(_PREF)}
    writes = {}
    for ct in range(_NCH):
        g = ct % _NRING
        if ct + _PREF < _NCH:
            if ct + _PREF - _NRING in writes:
                for w in writes[ct + _PREF - _NRING]:
                    w.wait()
            chunks[ct + _PREF] = fire_chunk(ct + _PREF)
        pos_cp, row_cps = chunks[ct]
        pos_cp.wait()
        for cp in row_cps:
            cp.wait()

        pv = pos_v[g]
        bufs = rows_v[g]

        @plsc.parallel_loop(0, _TCH * _COLS, unroll=4)
        def _slice(i):
            r = i // _COLS
            col = i - r * _COLS
            sl = pl.ds(col * _LANES, _LANES)
            p = pv[r, sl]
            for b in range(_BATCH):
                rb = bufs[b]
                rb[r, sl] = rb[r, sl] * _SCALE + p

        t0 = t_base + ct * _TCH
        writes[ct] = [
            pltpu.async_copy(bufs[b], out_hbm.at[b, pl.ds(t0, _TCH)],
                             wsem[g][b])
            for b in range(_BATCH)
        ]
    for ct in range(_NCH - _NRING, _NCH):
        for w in writes[ct]:
            w.wait()


def kernel(x, table):
    return _embed(x.astype(jnp.int32), table, jnp.asarray(_POS_ENC))

# --- scband reference (transcript-rebuilt; emitter-appended) ---
"""Pipeline reference for scband-positional-embedding-41961830482634 (READ-ONLY COPY).

The authoritative reference and input builder live on the scoring server;
editing this copy changes nothing except your own understanding.
"""

import jax, jax.numpy as jnp
import numpy as np

VOCAB = 100000
D_MODEL = 768
MAX_LEN = 2048


def positional_encoding(position, d_model):
    pos = np.arange(position)[:, np.newaxis].astype(np.float64)
    i = np.arange(d_model)[np.newaxis, :].astype(np.float64)
    angle_rates = 1.0 / np.power(10000.0, 2.0 * (i // 2) / np.float32(d_model))
    angle_rads = pos * angle_rates
    angle_rads[:, 0::2] = np.sin(angle_rads[:, 0::2])
    angle_rads[:, 1::2] = np.cos(angle_rads[:, 1::2])
    return jnp.asarray(angle_rads[np.newaxis, ...], dtype=jnp.float32)


POS_ENC = positional_encoding(MAX_LEN, D_MODEL)


def setup_inputs(seed: int = 0) -> dict:
    key = jax.random.key(seed)
    k1, k2 = jax.random.split(key)
    x = jax.random.randint(k1, (4, 2048), 0, VOCAB, dtype=jnp.int64 if jax.config.read('jax_enable_x64') else jnp.int32)
    # embedding table (keras Embedding default: uniform [-0.05, 0.05])
    table = jax.random.uniform(k2, (VOCAB, D_MODEL), dtype=jnp.float32, minval=-0.05, maxval=0.05)
    return {"x": x, "table": table}


def reference(x, table):
    length = x.shape[1]
    emb = jnp.take(table, x, axis=0)
    emb = emb * jnp.sqrt(jnp.asarray(D_MODEL, dtype=jnp.float32))
    out = emb + POS_ENC[:, :length, :]
    return out

if __name__ == "__main__":
    import jax
    _d = setup_inputs()
    print(jax.jit(kernel)(*tuple(_d.values())))

</pallas_src>

<mosaic_0001>
#map = affine_map<(d0, d1) -> (0, 0)>
#map1 = affine_map<(d0, d1) -> (0, 0, 0)>
module attributes {stable_mosaic.version = 14 : i64} {
  func.func @_embed(%arg0: i32, %arg1: i32, %arg2: memref<4x2048xi32, #tpu.memory_space<hbm>>, %arg3: memref<100000x768xf32, #tpu.memory_space<hbm>>, %arg4: memref<2048x768xf32, #tpu.memory_space<hbm>>, %arg5: memref<4x2048x768xf32, #tpu.memory_space<hbm>>, %arg6: memref<4x64xi32, #tpu.memory_space<vmem>>, %arg7: memref<8x768xf32, #tpu.memory_space<vmem>>, %arg8: memref<8x768xf32, #tpu.memory_space<vmem>>, %arg9: memref<8x768xf32, #tpu.memory_space<vmem>>, %arg10: memref<8x768xf32, #tpu.memory_space<vmem>>, %arg11: memref<8x768xf32, #tpu.memory_space<vmem>>, %arg12: memref<8x768xf32, #tpu.memory_space<vmem>>, %arg13: memref<8x768xf32, #tpu.memory_space<vmem>>, %arg14: memref<8x768xf32, #tpu.memory_space<vmem>>, %arg15: memref<8x768xf32, #tpu.memory_space<vmem>>, %arg16: memref<8x768xf32, #tpu.memory_space<vmem>>, %arg17: memref<8x768xf32, #tpu.memory_space<vmem>>, %arg18: memref<8x768xf32, #tpu.memory_space<vmem>>, %arg19: memref<8x768xf32, #tpu.memory_space<vmem>>, %arg20: memref<8x768xf32, #tpu.memory_space<vmem>>, %arg21: memref<8x768xf32, #tpu.memory_space<vmem>>, %arg22: memref<8x768xf32, #tpu.memory_space<vmem>>, %arg23: memref<8x768xf32, #tpu.memory_space<vmem>>, %arg24: memref<8x768xf32, #tpu.memory_space<vmem>>, %arg25: memref<8x768xf32, #tpu.memory_space<vmem>>, %arg26: memref<8x768xf32, #tpu.memory_space<vmem>>, %arg27: memref<!tpu.dma_semaphore, #tpu.memory_space<semaphore_mem>>, %arg28: memref<!tpu.dma_semaphore, #tpu.memory_space<semaphore_mem>>, %arg29: memref<!tpu.dma_semaphore, #tpu.memory_space<semaphore_mem>>, %arg30: memref<!tpu.dma_semaphore, #tpu.memory_space<semaphore_mem>>, %arg31: memref<!tpu.dma_semaphore, #tpu.memory_space<semaphore_mem>>, %arg32: memref<!tpu.dma_semaphore, #tpu.memory_space<semaphore_mem>>, %arg33: memref<!tpu.dma_semaphore, #tpu.memory_space<semaphore_mem>>, %arg34: memref<!tpu.dma_semaphore, #tpu.memory_space<semaphore_mem>>, %arg35: memref<!tpu.dma_semaphore, #tpu.memory_space<semaphore_mem>>, %arg36: memref<!tpu.dma_semaphore, #tpu.memory_space<semaphore_mem>>, %arg37: memref<!tpu.dma_semaphore, #tpu.memory_space<semaphore_mem>>, %arg38: memref<!tpu.dma_semaphore, #tpu.memory_space<semaphore_mem>>, %arg39: memref<!tpu.dma_semaphore, #tpu.memory_space<semaphore_mem>>, %arg40: memref<!tpu.dma_semaphore, #tpu.memory_space<semaphore_mem>>, %arg41: memref<!tpu.dma_semaphore, #tpu.memory_space<semaphore_mem>>, %arg42: memref<!tpu.dma_semaphore, #tpu.memory_space<semaphore_mem>>, %arg43: memref<!tpu.dma_semaphore, #tpu.memory_space<semaphore_mem>>, %arg44: memref<!tpu.dma_semaphore, #tpu.memory_space<semaphore_mem>>, %arg45: memref<!tpu.dma_semaphore, #tpu.memory_space<semaphore_mem>>, %arg46: memref<!tpu.dma_semaphore, #tpu.memory_space<semaphore_mem>>, %arg47: memref<!tpu.dma_semaphore, #tpu.memory_space<semaphore_mem>>, %arg48: memref<!tpu.dma_semaphore, #tpu.memory_space<semaphore_mem>>, %arg49: memref<!tpu.dma_semaphore, #tpu.memory_space<semaphore_mem>>, %arg50: memref<!tpu.dma_semaphore, #tpu.memory_space<semaphore_mem>>, %arg51: memref<!tpu.dma_semaphore, #tpu.memory_space<semaphore_mem>>) attributes {dimension_semantics = [#tpu.dimension_semantics<core_parallel>, #tpu.dimension_semantics<subcore_parallel>], iteration_bounds = array<i64: 2, 16>, scalar_prefetch = 0 : i64, scratch_operands = 46 : i64, tpu.core_type = #tpu.core_type<sc_vector_subcore>, window_params = [{transform_indices = #map}, {transform_indices = #map}, {transform_indices = #map}, {transform_indices = #map1}]} {
    %mul3A = arith.constant 2 : i32
    %mul3A_0 = arith.muli %arg1, %mul3A : i32
    %add3A = arith.addi %mul3A_0, %arg0 : i32
    %mul3A_1 = arith.constant 64 : i32
    %mul3A_2 = arith.muli %add3A, %mul3A_1 : i32
    %dma_start3A = arith.constant 0 : i32
    %dma_start3A_3 = arith.constant 0 : i32
    %dma_start3A_4 = arith.constant 0 : i32
    %dma_start3A_5 = tpu.memref_slice %arg6[%dma_start3A_3, %dma_start3A_4] : memref<4x64xi32, #tpu.memory_space<vmem>> -> memref<1x64xi32, #tpu.memory_space<vmem>>
    %dma_start3A_6 = tpu.memref_squeeze %dma_start3A_5 : memref<1x64xi32, #tpu.memory_space<vmem>> -> memref<64xi32, #tpu.memory_space<vmem>>
    %dma_start3A_7 = tpu.memref_slice %arg2[%dma_start3A, %mul3A_2] : memref<4x2048xi32, #tpu.memory_space<hbm>> -> memref<1x64xi32, #tpu.memory_space<hbm>>
    %dma_start3A_8 = tpu.memref_squeeze %dma_start3A_7 : memref<1x64xi32, #tpu.memory_space<hbm>> -> memref<64xi32, #tpu.memory_space<hbm>>
    %dma_start3A_9 = arith.constant 0 : i32
    %dma_start3A_10 = tpu.memref_slice %arg6[%dma_start3A_3, %dma_start3A_9] : memref<4x64xi32, #tpu.memory_space<vmem>> -> memref<1x64xi32, #tpu.memory_space<vmem>>
    %dma_start3A_11 = tpu.memref_squeeze %dma_start3A_10 : memref<1x64xi32, #tpu.memory_space<vmem>> -> memref<64xi32, #tpu.memory_space<vmem>>
    %dma_start3A_12 = tpu.memref_slice %arg2[%dma_start3A, %mul3A_2] : memref<4x2048xi32, #tpu.memory_space<hbm>> -> memref<1x64xi32, #tpu.memory_space<hbm>>
    %dma_start3A_13 = tpu.memref_squeeze %dma_start3A_12 : memref<1x64xi32, #tpu.memory_space<hbm>> -> memref<64xi32, #tpu.memory_space<hbm>>
    tpu.enqueue_dma source(%dma_start3A_13 : memref<64xi32, #tpu.memory_space<hbm>>) target(%dma_start3A_11 : memref<64xi32, #tpu.memory_space<vmem>>) target_semaphore(%arg51 : memref<!tpu.dma_semaphore, #tpu.memory_space<semaphore_mem>>)
    %dma_start3A_14 = arith.constant 1 : i32
    %dma_start3A_15 = arith.constant 1 : i32
    %dma_start3A_16 = arith.constant 0 : i32
    %dma_start3A_17 = tpu.memref_slice %arg6[%dma_start3A_15, %dma_start3A_16] : memref<4x64xi32, #tpu.memory_space<vmem>> -> memref<1x64xi32, #tpu.memory_space<vmem>>
    %dma_start3A_18 = tpu.memref_squeeze %dma_start3A_17 : memref<1x64xi32, #tpu.memory_space<vmem>> -> memref<64xi32, #tpu.memory_space<vmem>>
    %dma_start3A_19 = tpu.memref_slice %arg2[%dma_start3A_14, %mul3A_2] : memref<4x2048xi32, #tpu.memory_space<hbm>> -> memref<1x64xi32, #tpu.memory_space<hbm>>
    %dma_start3A_20 = tpu.memref_squeeze %dma_start3A_19 : memref<1x64xi32, #tpu.memory_space<hbm>> -> memref<64xi32, #tpu.memory_space<hbm>>
    %dma_start3A_21 = arith.constant 0 : i32
    %dma_start3A_22 = tpu.memref_slice %arg6[%dma_start3A_15, %dma_start3A_21] : memref<4x64xi32, #tpu.memory_space<vmem>> -> memref<1x64xi32, #tpu.memory_space<vmem>>
    %dma_start3A_23 = tpu.memref_squeeze %dma_start3A_22 : memref<1x64xi32, #tpu.memory_space<vmem>> -> memref<64xi32, #tpu.memory_space<vmem>>
    %dma_start3A_24 = tpu.memref_slice %arg2[%dma_start3A_14, %mul3A_2] : memref<4x2048xi32, #tpu.memory_space<hbm>> -> memref<1x64xi32, #tpu.memory_space<hbm>>
    %dma_start3A_25 = tpu.memref_squeeze %dma_start3A_24 : memref<1x64xi32, #tpu.memory_space<hbm>> -> memref<64xi32, #tpu.memory_space<hbm>>
    tpu.enqueue_dma source(%dma_start3A_25 : memref<64xi32, #tpu.memory_space<hbm>>) target(%dma_start3A_23 : memref<64xi32, #tpu.memory_space<vmem>>) target_semaphore(%arg51 : memref<!tpu.dma_semaphore, #tpu.memory_space<semaphore_mem>>)
    %dma_start3A_26 = arith.constant 2 : i32
    %dma_start3A_27 = arith.constant 2 : i32
    %dma_start3A_28 = arith.constant 0 : i32
    %dma_start3A_29 = tpu.memref_slice %arg6[%dma_start3A_27, %dma_start3A_28] : memref<4x64xi32, #tpu.memory_space<vmem>> -> memref<1x64xi32, #tpu.memory_space<vmem>>
    %dma_start3A_30 = tpu.memref_squeeze %dma_start3A_29 : memref<1x64xi32, #tpu.memory_space<vmem>> -> memref<64xi32, #tpu.memory_space<vmem>>
    %dma_start3A_31 = tpu.memref_slice %arg2[%dma_start3A_26, %mul3A_2] : memref<4x2048xi32, #tpu.memory_space<hbm>> -> memref<1x64xi32, #tpu.memory_space<hbm>>
    %dma_start3A_32 = tpu.memref_squeeze %dma_start3A_31 : memref<1x64xi32, #tpu.memory_space<hbm>> -> memref<64xi32, #tpu.memory_space<hbm>>
    %dma_start3A_33 = arith.constant 0 : i32
    %dma_start3A_34 = tpu.memref_slice %arg6[%dma_start3A_27, %dma_start3A_33] : memref<4x64xi32, #tpu.memory_space<vmem>> -> memref<1x64xi32, #tpu.memory_space<vmem>>
    %dma_start3A_35 = tpu.memref_squeeze %dma_start3A_34 : memref<1x64xi32, #tpu.memory_space<vmem>> -> memref<64xi32, #tpu.memory_space<vmem>>
    %dma_start3A_36 = tpu.memref_slice %arg2[%dma_start3A_26, %mul3A_2] : memref<4x2048xi32, #tpu.memory_space<hbm>> -> memref<1x64xi32, #tpu.memory_space<hbm>>
    %dma_start3A_37 = tpu.memref_squeeze %dma_start3A_36 : memref<1x64xi32, #tpu.memory_space<hbm>> -> memref<64xi32, #tpu.memory_space<hbm>>
    tpu.enqueue_dma source(%dma_start3A_37 : memref<64xi32, #tpu.memory_space<hbm>>) target(%dma_start3A_35 : memref<64xi32, #tpu.memory_space<vmem>>) target_semaphore(%arg51 : memref<!tpu.dma_semaphore, #tpu.memory_space<semaphore_mem>>)
    %dma_start3A_38 = arith.constant 3 : i32
    %dma_start3A_39 = arith.constant 3 : i32
    %dma_start3A_40 = arith.constant 0 : i32
    %dma_start3A_41 = tpu.memref_slice %arg6[%dma_start3A_39, %dma_start3A_40] : memref<4x64xi32, #tpu.memory_space<vmem>> -> memref<1x64xi32, #tpu.memory_space<vmem>>
    %dma_start3A_42 = tpu.memref_squeeze %dma_start3A_41 : memref<1x64xi32, #tpu.memory_space<vmem>> -> memref<64xi32, #tpu.memory_space<vmem>>
    %dma_start3A_43 = tpu.memref_slice %arg2[%dma_start3A_38, %mul3A_2] : memref<4x2048xi32, #tpu.memory_space<hbm>> -> memref<1x64xi32, #tpu.memory_space<hbm>>
    %dma_start3A_44 = tpu.memref_squeeze %dma_start3A_43 : memref<1x64xi32, #tpu.memory_space<hbm>> -> memref<64xi32, #tpu.memory_space<hbm>>
    %dma_start3A_45 = arith.constant 0 : i32
    %dma_start3A_46 = tpu.memref_slice %arg6[%dma_start3A_39, %dma_start3A_45] : memref<4x64xi32, #tpu.memory_space<vmem>> -> memref<1x64xi32, #tpu.memory_space<vmem>>
    %dma_start3A_47 = tpu.memref_squeeze %dma_start3A_46 : memref<1x64xi32, #tpu.memory_space<vmem>> -> memref<64xi32, #tpu.memory_space<vmem>>
    %dma_start3A_48 = tpu.memref_slice %arg2[%dma_start3A_38, %mul3A_2] : memref<4x2048xi32, #tpu.memory_space<hbm>> -> memref<1x64xi32, #tpu.memory_space<hbm>>
    %dma_start3A_49 = tpu.memref_squeeze %dma_start3A_48 : memref<1x64xi32, #tpu.memory_space<hbm>> -> memref<64xi32, #tpu.memory_space<hbm>>
    tpu.enqueue_dma source(%dma_start3A_49 : memref<64xi32, #tpu.memory_space<hbm>>) target(%dma_start3A_47 : memref<64xi32, #tpu.memory_space<vmem>>) target_semaphore(%arg51 : memref<!tpu.dma_semaphore, #tpu.memory_space<semaphore_mem>>)
    %dma_wait3A = arith.constant 0 : i32
    %dma_wait3A_50 = arith.constant 0 : i32
    %dma_wait3A_51 = arith.constant 0 : i32
    %dma_wait3A_52 = tpu.memref_slice %arg6[%dma_wait3A_50, %dma_wait3A_51] : memref<4x64xi32, #tpu.memory_space<vmem>> -> memref<1x64xi32, #tpu.memory_space<vmem>>
    %dma_wait3A_53 = tpu.memref_squeeze %dma_wait3A_52 : memref<1x64xi32, #tpu.memory_space<vmem>> -> memref<64xi32, #tpu.memory_space<vmem>>
    %dma_wait3A_54 = tpu.memref_slice %arg2[%dma_wait3A, %mul3A_2] : memref<4x2048xi32, #tpu.memory_space<hbm>> -> memref<1x64xi32, #tpu.memory_space<hbm>>
    %dma_wait3A_55 = tpu.memref_squeeze %dma_wait3A_54 : memref<1x64xi32, #tpu.memory_space<hbm>> -> memref<64xi32, #tpu.memory_space<hbm>>
    %dma_wait3A_56 = arith.constant 0 : i32
    %dma_wait3A_57 = tpu.memref_slice %arg6[%dma_wait3A_50, %dma_wait3A_56] : memref<4x64xi32, #tpu.memory_space<vmem>> -> memref<1x64xi32, #tpu.memory_space<vmem>>
    %dma_wait3A_58 = tpu.memref_squeeze %dma_wait3A_57 : memref<1x64xi32, #tpu.memory_space<vmem>> -> memref<64xi32, #tpu.memory_space<vmem>>
    %dma_wait3A_59 = tpu.memref_slice %arg2[%dma_wait3A, %mul3A_2] : memref<4x2048xi32, #tpu.memory_space<hbm>> -> memref<1x64xi32, #tpu.memory_space<hbm>>
    %dma_wait3A_60 = tpu.memref_squeeze %dma_wait3A_59 : memref<1x64xi32, #tpu.memory_space<hbm>> -> memref<64xi32, #tpu.memory_space<hbm>>
    tpu.wait_dma2 semaphore(%arg51 : memref<!tpu.dma_semaphore, #tpu.memory_space<semaphore_mem>>) src(%dma_wait3A_60 : memref<64xi32, #tpu.memory_space<hbm>>) dst(%dma_wait3A_58 : memref<64xi32, #tpu.memory_space<vmem>>)
    %dma_wait3A_61 = arith.constant 1 : i32
    %dma_wait3A_62 = arith.constant 1 : i32
    %dma_wait3A_63 = arith.constant 0 : i32
    %dma_wait3A_64 = tpu.memref_slice %arg6[%dma_wait3A_62, %dma_wait3A_63] : memref<4x64xi32, #tpu.memory_space<vmem>> -> memref<1x64xi32, #tpu.memory_space<vmem>>
    %dma_wait3A_65 = tpu.memref_squeeze %dma_wait3A_64 : memref<1x64xi32, #tpu.memory_space<vmem>> -> memref<64xi32, #tpu.memory_space<vmem>>
    %dma_wait3A_66 = tpu.memref_slice %arg2[%dma_wait3A_61, %mul3A_2] : memref<4x2048xi32, #tpu.memory_space<hbm>> -> memref<1x64xi32, #tpu.memory_space<hbm>>
    %dma_wait3A_67 = tpu.memref_squeeze %dma_wait3A_66 : memref<1x64xi32, #tpu.memory_space<hbm>> -> memref<64xi32, #tpu.memory_space<hbm>>
    %dma_wait3A_68 = arith.constant 0 : i32
    %dma_wait3A_69 = tpu.memref_slice %arg6[%dma_wait3A_62, %dma_wait3A_68] : memref<4x64xi32, #tpu.memory_space<vmem>> -> memref<1x64xi32, #tpu.memory_space<vmem>>
    %dma_wait3A_70 = tpu.memref_squeeze %dma_wait3A_69 : memref<1x64xi32, #tpu.memory_space<vmem>> -> memref<64xi32, #tpu.memory_space<vmem>>
    %dma_wait3A_71 = tpu.memref_slice %arg2[%dma_wait3A_61, %mul3A_2] : memref<4x2048xi32, #tpu.memory_space<hbm>> -> memref<1x64xi32, #tpu.memory_space<hbm>>
    %dma_wait3A_72 = tpu.memref_squeeze %dma_wait3A_71 : memref<1x64xi32, #tpu.memory_space<hbm>> -> memref<64xi32, #tpu.memory_space<hbm>>
    tpu.wait_dma2 semaphore(%arg51 : memref<!tpu.dma_semaphore, #tpu.memory_space<semaphore_mem>>) src(%dma_wait3A_72 : memref<64xi32, #tpu.memory_space<hbm>>) dst(%dma_wait3A_70 : memref<64xi32, #tpu.memory_space<vmem>>)
    %dma_wait3A_73 = arith.constant 2 : i32
    %dma_wait3A_74 = arith.constant 2 : i32
    %dma_wait3A_75 = arith.constant 0 : i32
    %dma_wait3A_76 = tpu.memref_slice %arg6[%dma_wait3A_74, %dma_wait3A_75] : memref<4x64xi32, #tpu.memory_space<vmem>> -> memref<1x64xi32, #tpu.memory_space<vmem>>
    %dma_wait3A_77 = tpu.memref_squeeze %dma_wait3A_76 : memref<1x64xi32, #tpu.memory_space<vmem>> -> memref<64xi32, #tpu.memory_space<vmem>>
    %dma_wait3A_78 = tpu.memref_slice %arg2[%dma_wait3A_73, %mul3A_2] : memref<4x2048xi32, #tpu.memory_space<hbm>> -> memref<1x64xi32, #tpu.memory_space<hbm>>
    %dma_wait3A_79 = tpu.memref_squeeze %dma_wait3A_78 : memref<1x64xi32, #tpu.memory_space<hbm>> -> memref<64xi32, #tpu.memory_space<hbm>>
    %dma_wait3A_80 = arith.constant 0 : i32
    %dma_wait3A_81 = tpu.memref_slice %arg6[%dma_wait3A_74, %dma_wait3A_80] : memref<4x64xi32, #tpu.memory_space<vmem>> -> memref<1x64xi32, #tpu.memory_space<vmem>>
    %dma_wait3A_82 = tpu.memref_squeeze %dma_wait3A_81 : memref<1x64xi32, #tpu.memory_space<vmem>> -> memref<64xi32, #tpu.memory_space<vmem>>
    %dma_wait3A_83 = tpu.memref_slice %arg2[%dma_wait3A_73, %mul3A_2] : memref<4x2048xi32, #tpu.memory_space<hbm>> -> memref<1x64xi32, #tpu.memory_space<hbm>>
    %dma_wait3A_84 = tpu.memref_squeeze %dma_wait3A_83 : memref<1x64xi32, #tpu.memory_space<hbm>> -> memref<64xi32, #tpu.memory_space<hbm>>
    tpu.wait_dma2 semaphore(%arg51 : memref<!tpu.dma_semaphore, #tpu.memory_space<semaphore_mem>>) src(%dma_wait3A_84 : memref<64xi32, #tpu.memory_space<hbm>>) dst(%dma_wait3A_82 : memref<64xi32, #tpu.memory_space<vmem>>)
    %dma_wait3A_85 = arith.constant 3 : i32
    %dma_wait3A_86 = arith.constant 3 : i32
    %dma_wait3A_87 = arith.constant 0 : i32
    %dma_wait3A_88 = tpu.memref_slice %arg6[%dma_wait3A_86, %dma_wait3A_87] : memref<4x64xi32, #tpu.memory_space<vmem>> -> memref<1x64xi32, #tpu.memory_space<vmem>>
    %dma_wait3A_89 = tpu.memref_squeeze %dma_wait3A_88 : memref<1x64xi32, #tpu.memory_space<vmem>> -> memref<64xi32, #tpu.memory_space<vmem>>
    %dma_wait3A_90 = tpu.memref_slice %arg2[%dma_wait3A_85, %mul3A_2] : memref<4x2048xi32, #tpu.memory_space<hbm>> -> memref<1x64xi32, #tpu.memory_space<hbm>>
    %dma_wait3A_91 = tpu.memref_squeeze %dma_wait3A_90 : memref<1x64xi32, #tpu.memory_space<hbm>> -> memref<64xi32, #tpu.memory_space<hbm>>
    %dma_wait3A_92 = arith.constant 0 : i32
    %dma_wait3A_93 = tpu.memref_slice %arg6[%dma_wait3A_86, %dma_wait3A_92] : memref<4x64xi32, #tpu.memory_space<vmem>> -> memref<1x64xi32, #tpu.memory_space<vmem>>
    %dma_wait3A_94 = tpu.memref_squeeze %dma_wait3A_93 : memref<1x64xi32, #tpu.memory_space<vmem>> -> memref<64xi32, #tpu.memory_space<vmem>>
    %dma_wait3A_95 = tpu.memref_slice %arg2[%dma_wait3A_85, %mul3A_2] : memref<4x2048xi32, #tpu.memory_space<hbm>> -> memref<1x64xi32, #tpu.memory_space<hbm>>
    %dma_wait3A_96 = tpu.memref_squeeze %dma_wait3A_95 : memref<1x64xi32, #tpu.memory_space<hbm>> -> memref<64xi32, #tpu.memory_space<hbm>>
    tpu.wait_dma2 semaphore(%arg51 : memref<!tpu.dma_semaphore, #tpu.memory_space<semaphore_mem>>) src(%dma_wait3A_96 : memref<64xi32, #tpu.memory_space<hbm>>) dst(%dma_wait3A_94 : memref<64xi32, #tpu.memory_space<vmem>>)
    %add3A_97 = arith.constant 0 : i32
    %add3A_98 = arith.addi %mul3A_2, %add3A_97 : i32
    %dma_start3A_99 = arith.constant 0 : i32
    %dma_start3A_100 = tpu.memref_slice %arg4[%add3A_98, %dma_start3A_99] : memref<2048x768xf32, #tpu.memory_space<hbm>> -> memref<8x768xf32, #tpu.memory_space<hbm>>
    %dma_start3A_101 = arith.constant 0 : i32
    %dma_start3A_102 = tpu.memref_slice %arg4[%add3A_98, %dma_start3A_101] : memref<2048x768xf32, #tpu.memory_space<hbm>> -> memref<8x768xf32, #tpu.memory_space<hbm>>
    tpu.enqueue_dma source(%dma_start3A_102 : memref<8x768xf32, #tpu.memory_space<hbm>>) target(%arg7 : memref<8x768xf32, #tpu.memory_space<vmem>>) target_semaphore(%arg27 : memref<!tpu.dma_semaphore, #tpu.memory_space<semaphore_mem>>)
    %dma_start3A_103 = arith.constant 0 : i32
    %dma_start3A_104 = arith.constant 0 : i32
    %dma_start3A_105 = tpu.memref_slice %arg6[%dma_start3A_103, %dma_start3A_104] : memref<4x64xi32, #tpu.memory_space<vmem>> -> memref<1x8xi32, #tpu.memory_space<vmem>>
    %dma_start3A_106 = tpu.memref_squeeze %dma_start3A_105 : memref<1x8xi32, #tpu.memory_space<vmem>> -> memref<8xi32, #tpu.memory_space<vmem>>
    %dma_start3A_107 = arith.constant 0 : i32
    %dma_start3A_108 = arith.constant 0 : i32
    %dma_start3A_109 = tpu.memref_slice %arg3[%dma_start3A_107, %dma_start3A_108] : memref<100000x768xf32, #tpu.memory_space<hbm>> -> memref<100000x768xf32, #tpu.memory_space<hbm>>
    tpu.enqueue_indirect_dma source(%dma_start3A_109 : memref<100000x768xf32, #tpu.memory_space<hbm>>) target(%arg11 : memref<8x768xf32, #tpu.memory_space<vmem>>) offsets(%dma_start3A_106 : memref<8xi32, #tpu.memory_space<vmem>>) semaphore(%arg47 : memref<!tpu.dma_semaphore, #tpu.memory_space<semaphore_mem>>)
    %dma_start3A_110 = arith.constant 1 : i32
    %dma_start3A_111 = arith.constant 0 : i32
    %dma_start3A_112 = tpu.memref_slice %arg6[%dma_start3A_110, %dma_start3A_111] : memref<4x64xi32, #tpu.memory_space<vmem>> -> memref<1x8xi32, #tpu.memory_space<vmem>>
    %dma_start3A_113 = tpu.memref_squeeze %dma_start3A_112 : memref<1x8xi32, #tpu.memory_space<vmem>> -> memref<8xi32, #tpu.memory_space<vmem>>
    %dma_start3A_114 = arith.constant 0 : i32
    %dma_start3A_115 = arith.constant 0 : i32
    %dma_start3A_116 = tpu.memref_slice %arg3[%dma_start3A_114, %dma_start3A_115] : memref<100000x768xf32, #tpu.memory_space<hbm>> -> memref<100000x768xf32, #tpu.memory_space<hbm>>
    tpu.enqueue_indirect_dma source(%dma_start3A_116 : memref<100000x768xf32, #tpu.memory_space<hbm>>) target(%arg12 : memref<8x768xf32, #tpu.memory_space<vmem>>) offsets(%dma_start3A_113 : memref<8xi32, #tpu.memory_space<vmem>>) semaphore(%arg47 : memref<!tpu.dma_semaphore, #tpu.memory_space<semaphore_mem>>)
    %dma_start3A_117 = arith.constant 2 : i32
    %dma_start3A_118 = arith.constant 0 : i32
    %dma_start3A_119 = tpu.memref_slice %arg6[%dma_start3A_117, %dma_start3A_118] : memref<4x64xi32, #tpu.memory_space<vmem>> -> memref<1x8xi32, #tpu.memory_space<vmem>>
    %dma_start3A_120 = tpu.memref_squeeze %dma_start3A_119 : memref<1x8xi32, #tpu.memory_space<vmem>> -> memref<8xi32, #tpu.memory_space<vmem>>
    %dma_start3A_121 = arith.constant 0 : i32
    %dma_start3A_122 = arith.constant 0 : i32
    %dma_start3A_123 = tpu.memref_slice %arg3[%dma_start3A_121, %dma_start3A_122] : memref<100000x768xf32, #tpu.memory_space<hbm>> -> memref<100000x768xf32, #tpu.memory_space<hbm>>
    tpu.enqueue_indirect_dma source(%dma_start3A_123 : memref<100000x768xf32, #tpu.memory_space<hbm>>) target(%arg13 : memref<8x768xf32, #tpu.memory_space<vmem>>) offsets(%dma_start3A_120 : memref<8xi32, #tpu.memory_space<vmem>>) semaphore(%arg47 : memref<!tpu.dma_semaphore, #tpu.memory_space<semaphore_mem>>)
    %dma_start3A_124 = arith.constant 3 : i32
    %dma_start3A_125 = arith.constant 0 : i32
    %dma_start3A_126 = tpu.memref_slice %arg6[%dma_start3A_124, %dma_start3A_125] : memref<4x64xi32, #tpu.memory_space<vmem>> -> memref<1x8xi32, #tpu.memory_space<vmem>>
    %dma_start3A_127 = tpu.memref_squeeze %dma_start3A_126 : memref<1x8xi32, #tpu.memory_space<vmem>> -> memref<8xi32, #tpu.memory_space<vmem>>
    %dma_start3A_128 = arith.constant 0 : i32
    %dma_start3A_129 = arith.constant 0 : i32
    %dma_start3A_130 = tpu.memref_slice %arg3[%dma_start3A_128, %dma_start3A_129] : memref<100000x768xf32, #tpu.memory_space<hbm>> -> memref<100000x768xf32, #tpu.memory_space<hbm>>
    tpu.enqueue_indirect_dma source(%dma_start3A_130 : memref<100000x768xf32, #tpu.memory_space<hbm>>) target(%arg14 : memref<8x768xf32, #tpu.memory_space<vmem>>) offsets(%dma_start3A_127 : memref<8xi32, #tpu.memory_space<vmem>>) semaphore(%arg47 : memref<!tpu.dma_semaphore, #tpu.memory_space<semaphore_mem>>)
    %add3A_131 = arith.constant 8 : i32
    %add3A_132 = arith.addi %mul3A_2, %add3A_131 : i32
    %dma_start3A_133 = arith.constant 0 : i32
    %dma_start3A_134 = tpu.memref_slice %arg4[%add3A_132, %dma_start3A_133] : memref<2048x768xf32, #tpu.memory_space<hbm>> -> memref<8x768xf32, #tpu.memory_space<hbm>>
    %dma_start3A_135 = arith.constant 0 : i32
    %dma_start3A_136 = tpu.memref_slice %arg4[%add3A_132, %dma_start3A_135] : memref<2048x768xf32, #tpu.memory_space<hbm>> -> memref<8x768xf32, #tpu.memory_space<hbm>>
    tpu.enqueue_dma source(%dma_start3A_136 : memref<8x768xf32, #tpu.memory_space<hbm>>) target(%arg8 : memref<8x768xf32, #tpu.memory_space<vmem>>) target_semaphore(%arg28 : memref<!tpu.dma_semaphore, #tpu.memory_space<semaphore_mem>>)
    %dma_start3A_137 = arith.constant 0 : i32
    %dma_start3A_138 = arith.constant 8 : i32
    %dma_start3A_139 = tpu.memref_slice %arg6[%dma_start3A_137, %dma_start3A_138] : memref<4x64xi32, #tpu.memory_space<vmem>> -> memref<1x8xi32, #tpu.memory_space<vmem>>
    %dma_start3A_140 = tpu.memref_squeeze %dma_start3A_139 : memref<1x8xi32, #tpu.memory_space<vmem>> -> memref<8xi32, #tpu.memory_space<vmem>>
    %dma_start3A_141 = arith.constant 0 : i32
    %dma_start3A_142 = arith.constant 0 : i32
    %dma_start3A_143 = tpu.memref_slice %arg3[%dma_start3A_141, %dma_start3A_142] : memref<100000x768xf32, #tpu.memory_space<hbm>> -> memref<100000x768xf32, #tpu.memory_space<hbm>>
    tpu.enqueue_indirect_dma source(%dma_start3A_143 : memref<100000x768xf32, #tpu.memory_space<hbm>>) target(%arg15 : memref<8x768xf32, #tpu.memory_space<vmem>>) offsets(%dma_start3A_140 : memref<8xi32, #tpu.memory_space<vmem>>) semaphore(%arg48 : memref<!tpu.dma_semaphore, #tpu.memory_space<semaphore_mem>>)
    %dma_start3A_144 = arith.constant 1 : i32
    %dma_start3A_145 = arith.constant 8 : i32
    %dma_start3A_146 = tpu.memref_slice %arg6[%dma_start3A_144, %dma_start3A_145] : memref<4x64xi32, #tpu.memory_space<vmem>> -> memref<1x8xi32, #tpu.memory_space<vmem>>
    %dma_start3A_147 = tpu.memref_squeeze %dma_start3A_146 : memref<1x8xi32, #tpu.memory_space<vmem>> -> memref<8xi32, #tpu.memory_space<vmem>>
    %dma_start3A_148 = arith.constant 0 : i32
    %dma_start3A_149 = arith.constant 0 : i32
    %dma_start3A_150 = tpu.memref_slice %arg3[%dma_start3A_148, %dma_start3A_149] : memref<100000x768xf32, #tpu.memory_space<hbm>> -> memref<100000x768xf32, #tpu.memory_space<hbm>>
    tpu.enqueue_indirect_dma source(%dma_start3A_150 : memref<100000x768xf32, #tpu.memory_space<hbm>>) target(%arg16 : memref<8x768xf32, #tpu.memory_space<vmem>>) offsets(%dma_start3A_147 : memref<8xi32, #tpu.memory_space<vmem>>) semaphore(%arg48 : memref<!tpu.dma_semaphore, #tpu.memory_space<semaphore_mem>>)
    %dma_start3A_151 = arith.constant 2 : i32
    %dma_start3A_152 = arith.constant 8 : i32
    %dma_start3A_153 = tpu.memref_slice %arg6[%dma_start3A_151, %dma_start3A_152] : memref<4x64xi32, #tpu.memory_space<vmem>> -> memref<1x8xi32, #tpu.memory_space<vmem>>
    %dma_start3A_154 = tpu.memref_squeeze %dma_start3A_153 : memref<1x8xi32, #tpu.memory_space<vmem>> -> memref<8xi32, #tpu.memory_space<vmem>>
    %dma_start3A_155 = arith.constant 0 : i32
    %dma_start3A_156 = arith.constant 0 : i32
    %dma_start3A_157 = tpu.memref_slice %arg3[%dma_start3A_155, %dma_start3A_156] : memref<100000x768xf32, #tpu.memory_space<hbm>> -> memref<100000x768xf32, #tpu.memory_space<hbm>>
    tpu.enqueue_indirect_dma source(%dma_start3A_157 : memref<100000x768xf32, #tpu.memory_space<hbm>>) target(%arg17 : memref<8x768xf32, #tpu.memory_space<vmem>>) offsets(%dma_start3A_154 : memref<8xi32, #tpu.memory_space<vmem>>) semaphore(%arg48 : memref<!tpu.dma_semaphore, #tpu.memory_space<semaphore_mem>>)
    %dma_start3A_158 = arith.constant 3 : i32
    %dma_start3A_159 = arith.constant 8 : i32
    %dma_start3A_160 = tpu.memref_slice %arg6[%dma_start3A_158, %dma_start3A_159] : memref<4x64xi32, #tpu.memory_space<vmem>> -> memref<1x8xi32, #tpu.memory_space<vmem>>
    %dma_start3A_161 = tpu.memref_squeeze %dma_start3A_160 : memref<1x8xi32, #tpu.memory_space<vmem>> -> memref<8xi32, #tpu.memory_space<vmem>>
    %dma_start3A_162 = arith.constant 0 : i32
    %dma_start3A_163 = arith.constant 0 : i32
    %dma_start3A_164 = tpu.memref_slice %arg3[%dma_start3A_162, %dma_start3A_163] : memref<100000x768xf32, #tpu.memory_space<hbm>> -> memref<100000x768xf32, #tpu.memory_space<hbm>>
    tpu.enqueue_indirect_dma source(%dma_start3A_164 : memref<100000x768xf32, #tpu.memory_space<hbm>>) target(%arg18 : memref<8x768xf32, #tpu.memory_space<vmem>>) offsets(%dma_start3A_161 : memref<8xi32, #tpu.memory_space<vmem>>) semaphore(%arg48 : memref<!tpu.dma_semaphore, #tpu.memory_space<semaphore_mem>>)
    %add3A_165 = arith.constant 16 : i32
    %add3A_166 = arith.addi %mul3A_2, %add3A_165 : i32
    %dma_start3A_167 = arith.constant 0 : i32
    %dma_start3A_168 = tpu.memref_slice %arg4[%add3A_166, %dma_start3A_167] : memref<2048x768xf32, #tpu.memory_space<hbm>> -> memref<8x768xf32, #tpu.memory_space<hbm>>
    %dma_start3A_169 = arith.constant 0 : i32
    %dma_start3A_170 = tpu.memref_slice %arg4[%add3A_166, %dma_start3A_169] : memref<2048x768xf32, #tpu.memory_space<hbm>> -> memref<8x768xf32, #tpu.memory_space<hbm>>
    tpu.enqueue_dma source(%dma_start3A_170 : memref<8x768xf32, #tpu.memory_space<hbm>>) target(%arg9 : memref<8x768xf32, #tpu.memory_space<vmem>>) target_semaphore(%arg29 : memref<!tpu.dma_semaphore, #tpu.memory_space<semaphore_mem>>)
    %dma_start3A_171 = arith.constant 0 : i32
    %dma_start3A_172 = arith.constant 16 : i32
    %dma_start3A_173 = tpu.memref_slice %arg6[%dma_start3A_171, %dma_start3A_172] : memref<4x64xi32, #tpu.memory_space<vmem>> -> memref<1x8xi32, #tpu.memory_space<vmem>>
    %dma_start3A_174 = tpu.memref_squeeze %dma_start3A_173 : memref<1x8xi32, #tpu.memory_space<vmem>> -> memref<8xi32, #tpu.memory_space<vmem>>
    %dma_start3A_175 = arith.constant 0 : i32
    %dma_start3A_176 = arith.constant 0 : i32
    %dma_start3A_177 = tpu.memref_slice %arg3[%dma_start3A_175, %dma_start3A_176] : memref<100000x768xf32, #tpu.memory_space<hbm>> -> memref<100000x768xf32, #tpu.memory_space<hbm>>
    tpu.enqueue_indirect_dma source(%dma_start3A_177 : memref<100000x768xf32, #tpu.memory_space<hbm>>) target(%arg19 : memref<8x768xf32, #tpu.memory_space<vmem>>) offsets(%dma_start3A_174 : memref<8xi32, #tpu.memory_space<vmem>>) semaphore(%arg49 : memref<!tpu.dma_semaphore, #tpu.memory_space<semaphore_mem>>)
    %dma_start3A_178 = arith.constant 1 : i32
    %dma_start3A_179 = arith.constant 16 : i32
    %dma_start3A_180 = tpu.memref_slice %arg6[%dma_start3A_178, %dma_start3A_179] : memref<4x64xi32, #tpu.memory_space<vmem>> -> memref<1x8xi32, #tpu.memory_space<vmem>>
    %dma_start3A_181 = tpu.memref_squeeze %dma_start3A_180 : memref<1x8xi32, #tpu.memory_space<vmem>> -> memref<8xi32, #tpu.memory_space<vmem>>
    %dma_start3A_182 = arith.constant 0 : i32
    %dma_start3A_183 = arith.constant 0 : i32
    %dma_start3A_184 = tpu.memref_slice %arg3[%dma_start3A_182, %dma_start3A_183] : memref<100000x768xf32, #tpu.memory_space<hbm>> -> memref<100000x768xf32, #tpu.memory_space<hbm>>
    tpu.enqueue_indirect_dma source(%dma_start3A_184 : memref<100000x768xf32, #tpu.memory_space<hbm>>) target(%arg20 : memref<8x768xf32, #tpu.memory_space<vmem>>) offsets(%dma_start3A_181 : memref<8xi32, #tpu.memory_space<vmem>>) semaphore(%arg49 : memref<!tpu.dma_semaphore, #tpu.memory_space<semaphore_mem>>)
    %dma_start3A_185 = arith.constant 2 : i32
    %dma_start3A_186 = arith.constant 16 : i32
    %dma_start3A_187 = tpu.memref_slice %arg6[%dma_start3A_185, %dma_start3A_186] : memref<4x64xi32, #tpu.memory_space<vmem>> -> memref<1x8xi32, #tpu.memory_space<vmem>>
    %dma_start3A_188 = tpu.memref_squeeze %dma_start3A_187 : memref<1x8xi32, #tpu.memory_space<vmem>> -> memref<8xi32, #tpu.memory_space<vmem>>
    %dma_start3A_189 = arith.constant 0 : i32
    %dma_start3A_190 = arith.constant 0 : i32
    %dma_start3A_191 = tpu.memref_slice %arg3[%dma_start3A_189, %dma_start3A_190] : memref<100000x768xf32, #tpu.memory_space<hbm>> -> memref<100000x768xf32, #tpu.memory_space<hbm>>
    tpu.enqueue_indirect_dma source(%dma_start3A_191 : memref<100000x768xf32, #tpu.memory_space<hbm>>) target(%arg21 : memref<8x768xf32, #tpu.memory_space<vmem>>) offsets(%dma_start3A_188 : memref<8xi32, #tpu.memory_space<vmem>>) semaphore(%arg49 : memref<!tpu.dma_semaphore, #tpu.memory_space<semaphore_mem>>)
    %dma_start3A_192 = arith.constant 3 : i32
    %dma_start3A_193 = arith.constant 16 : i32
    %dma_start3A_194 = tpu.memref_slice %arg6[%dma_start3A_192, %dma_start3A_193] : memref<4x64xi32, #tpu.memory_space<vmem>> -> memref<1x8xi32, #tpu.memory_space<vmem>>
    %dma_start3A_195 = tpu.memref_squeeze %dma_start3A_194 : memref<1x8xi32, #tpu.memory_space<vmem>> -> memref<8xi32, #tpu.memory_space<vmem>>
    %dma_start3A_196 = arith.constant 0 : i32
    %dma_start3A_197 = arith.constant 0 : i32
    %dma_start3A_198 = tpu.memref_slice %arg3[%dma_start3A_196, %dma_start3A_197] : memref<100000x768xf32, #tpu.memory_space<hbm>> -> memref<100000x768xf32, #tpu.memory_space<hbm>>
    tpu.enqueue_indirect_dma source(%dma_start3A_198 : memref<100000x768xf32, #tpu.memory_space<hbm>>) target(%arg22 : memref<8x768xf32, #tpu.memory_space<vmem>>) offsets(%dma_start3A_195 : memref<8xi32, #tpu.memory_space<vmem>>) semaphore(%arg49 : memref<!tpu.dma_semaphore, #tpu.memory_space<semaphore_mem>>)
    %dma_wait3A_199 = arith.constant 0 : i32
    %dma_wait3A_200 = tpu.memref_slice %arg4[%add3A_98, %dma_wait3A_199] : memref<2048x768xf32, #tpu.memory_space<hbm>> -> memref<8x768xf32, #tpu.memory_space<hbm>>
    %dma_wait3A_201 = arith.constant 0 : i32
    %dma_wait3A_202 = tpu.memref_slice %arg4[%add3A_98, %dma_wait3A_201] : memref<2048x768xf32, #tpu.memory_space<hbm>> -> memref<8x768xf32, #tpu.memory_space<hbm>>
    tpu.wait_dma2 semaphore(%arg27 : memref<!tpu.dma_semaphore, #tpu.memory_space<semaphore_mem>>) src(%dma_wait3A_202 : memref<8x768xf32, #tpu.memory_space<hbm>>) dst(%arg7 : memref<8x768xf32, #tpu.memory_space<vmem>>)
    %dma_wait3A_203 = arith.constant 0 : i32
    %dma_wait3A_204 = arith.constant 0 : i32
    %dma_wait3A_205 = tpu.memref_slice %arg6[%dma_wait3A_203, %dma_wait3A_204] : memref<4x64xi32, #tpu.memory_space<vmem>> -> memref<1x8xi32, #tpu.memory_space<vmem>>
    %dma_wait3A_206 = tpu.memref_squeeze %dma_wait3A_205 : memref<1x8xi32, #tpu.memory_space<vmem>> -> memref<8xi32, #tpu.memory_space<vmem>>
    %dma_wait3A_207 = arith.constant 0 : i32
    %dma_wait3A_208 = arith.constant 0 : i32
    %dma_wait3A_209 = tpu.memref_slice %arg3[%dma_wait3A_207, %dma_wait3A_208] : memref<100000x768xf32, #tpu.memory_space<hbm>> -> memref<100000x768xf32, #tpu.memory_space<hbm>>
    tpu.wait_indirect_dma semaphore(%arg47 : memref<!tpu.dma_semaphore, #tpu.memory_space<semaphore_mem>>) src(%dma_wait3A_209 : memref<100000x768xf32, #tpu.memory_space<hbm>>) dst(%arg11 : memref<8x768xf32, #tpu.memory_space<vmem>>)
    %dma_wait3A_210 = arith.constant 1 : i32
    %dma_wait3A_211 = arith.constant 0 : i32
    %dma_wait3A_212 = tpu.memref_slice %arg6[%dma_wait3A_210, %dma_wait3A_211] : memref<4x64xi32, #tpu.memory_space<vmem>> -> memref<1x8xi32, #tpu.memory_space<vmem>>
    %dma_wait3A_213 = tpu.memref_squeeze %dma_wait3A_212 : memref<1x8xi32, #tpu.memory_space<vmem>> -> memref<8xi32, #tpu.memory_space<vmem>>
    %dma_wait3A_214 = arith.constant 0 : i32
    %dma_wait3A_215 = arith.constant 0 : i32
    %dma_wait3A_216 = tpu.memref_slice %arg3[%dma_wait3A_214, %dma_wait3A_215] : memref<100000x768xf32, #tpu.memory_space<hbm>> -> memref<100000x768xf32, #tpu.memory_space<hbm>>
    tpu.wait_indirect_dma semaphore(%arg47 : memref<!tpu.dma_semaphore, #tpu.memory_space<semaphore_mem>>) src(%dma_wait3A_216 : memref<100000x768xf32, #tpu.memory_space<hbm>>) dst(%arg12 : memref<8x768xf32, #tpu.memory_space<vmem>>)
    %dma_wait3A_217 = arith.constant 2 : i32
    %dma_wait3A_218 = arith.constant 0 : i32
    %dma_wait3A_219 = tpu.memref_slice %arg6[%dma_wait3A_217, %dma_wait3A_218] : memref<4x64xi32, #tpu.memory_space<vmem>> -> memref<1x8xi32, #tpu.memory_space<vmem>>
    %dma_wait3A_220 = tpu.memref_squeeze %dma_wait3A_219 : memref<1x8xi32, #tpu.memory_space<vmem>> -> memref<8xi32, #tpu.memory_space<vmem>>
    %dma_wait3A_221 = arith.constant 0 : i32
    %dma_wait3A_222 = arith.constant 0 : i32
    %dma_wait3A_223 = tpu.memref_slice %arg3[%dma_wait3A_221, %dma_wait3A_222] : memref<100000x768xf32, #tpu.memory_space<hbm>> -> memref<100000x768xf32, #tpu.memory_space<hbm>>
    tpu.wait_indirect_dma semaphore(%arg47 : memref<!tpu.dma_semaphore, #tpu.memory_space<semaphore_mem>>) src(%dma_wait3A_223 : memref<100000x768xf32, #tpu.memory_space<hbm>>) dst(%arg13 : memref<8x768xf32, #tpu.memory_space<vmem>>)
    %dma_wait3A_224 = arith.constant 3 : i32
    %dma_wait3A_225 = arith.constant 0 : i32
    %dma_wait3A_226 = tpu.memref_slice %arg6[%dma_wait3A_224, %dma_wait3A_225] : memref<4x64xi32, #tpu.memory_space<vmem>> -> memref<1x8xi32, #tpu.memory_space<vmem>>
    %dma_wait3A_227 = tpu.memref_squeeze %dma_wait3A_226 : memref<1x8xi32, #tpu.memory_space<vmem>> -> memref<8xi32, #tpu.memory_space<vmem>>
    %dma_wait3A_228 = arith.constant 0 : i32
    %dma_wait3A_229 = arith.constant 0 : i32
    %dma_wait3A_230 = tpu.memref_slice %arg3[%dma_wait3A_228, %dma_wait3A_229] : memref<100000x768xf32, #tpu.memory_space<hbm>> -> memref<100000x768xf32, #tpu.memory_space<hbm>>
    tpu.wait_indirect_dma semaphore(%arg47 : memref<!tpu.dma_semaphore, #tpu.memory_space<semaphore_mem>>) src(%dma_wait3A_230 : memref<100000x768xf32, #tpu.memory_space<hbm>>) dst(%arg14 : memref<8x768xf32, #tpu.memory_space<vmem>>)
    %parallel_loop3A = arith.constant 0 : i32
    %parallel_loop3A_231 = arith.constant 384 : i32
    %parallel_loop3A_232 = arith.constant 1 : i32
    scf.for %parallel_loop3A_1112 = %parallel_loop3A to %parallel_loop3A_231 step %parallel_loop3A_232  : i32 {
      %parallel_loop3A_1113 = arith.constant 48 : i32
      %parallel_loop3A_1114 = arith.divsi %parallel_loop3A_1112, %parallel_loop3A_1113 : i32
      %parallel_loop3A_1115 = arith.constant 0 : i32
      %parallel_loop3A_1116 = arith.cmpi sgt, %parallel_loop3A_1112, %parallel_loop3A_1115 : i32
      %parallel_loop3A_1117 = arith.extui %parallel_loop3A_1116 : i1 to i32
      %parallel_loop3A_1118 = arith.constant 0 : i32
      %parallel_loop3A_1119 = arith.cmpi slt, %parallel_loop3A_1112, %parallel_loop3A_1118 : i32
      %parallel_loop3A_1120 = arith.extui %parallel_loop3A_1119 : i1 to i32
      %parallel_loop3A_1121 = arith.subi %parallel_loop3A_1117, %parallel_loop3A_1120 : i32
      %parallel_loop3A_1122 = arith.constant 0 : i32
      %parallel_loop3A_1123 = arith.cmpi sgt, %parallel_loop3A_1113, %parallel_loop3A_1122 : i32
      %parallel_loop3A_1124 = arith.extui %parallel_loop3A_1123 : i1 to i32
      %parallel_loop3A_1125 = arith.constant 0 : i32
      %parallel_loop3A_1126 = arith.cmpi slt, %parallel_loop3A_1113, %parallel_loop3A_1125 : i32
      %parallel_loop3A_1127 = arith.extui %parallel_loop3A_1126 : i1 to i32
      %parallel_loop3A_1128 = arith.subi %parallel_loop3A_1124, %parallel_loop3A_1127 : i32
      %parallel_loop3A_1129 = arith.cmpi ne, %parallel_loop3A_1121, %parallel_loop3A_1128 : i32
      %parallel_loop3A_1130 = arith.remsi %parallel_loop3A_1112, %parallel_loop3A_1113 : i32
      %parallel_loop3A_1131 = arith.constant 0 : i32
      %parallel_loop3A_1132 = arith.cmpi ne, %parallel_loop3A_1130, %parallel_loop3A_1131 : i32
      %parallel_loop3A_1133 = arith.andi %parallel_loop3A_1129, %parallel_loop3A_1132 : i1
      %parallel_loop3A_1134 = arith.constant 1 : i32
      %parallel_loop3A_1135 = arith.subi %parallel_loop3A_1114, %parallel_loop3A_1134 : i32
      %parallel_loop3A_1136 = arith.select %parallel_loop3A_1133, %parallel_loop3A_1135, %parallel_loop3A_1114 : i32
      %parallel_loop3A_1137 = arith.constant 48 : i32
      %parallel_loop3A_1138 = arith.muli %parallel_loop3A_1136, %parallel_loop3A_1137 : i32
      %parallel_loop3A_1139 = arith.subi %parallel_loop3A_1112, %parallel_loop3A_1138 : i32
      %parallel_loop3A_1140 = arith.constant 16 : i32
      %parallel_loop3A_1141 = arith.muli %parallel_loop3A_1139, %parallel_loop3A_1140 : i32
      %parallel_loop3A_1142 = arith.index_cast %parallel_loop3A_1136 : i32 to index
      %parallel_loop3A_1143 = arith.index_cast %parallel_loop3A_1141 : i32 to index
      %parallel_loop3A_1144 = tpu.vector_load %arg7[%parallel_loop3A_1142, %parallel_loop3A_1143] {strides = array<i32>} : memref<8x768xf32, #tpu.memory_space<vmem>>, vector<1x16xf32>,
      %parallel_loop3A_1145 = vector.shape_cast %parallel_loop3A_1144 : vector<1x16xf32> to vector<16xf32>
      %parallel_loop3A_1146 = arith.index_cast %parallel_loop3A_1136 : i32 to index
      %parallel_loop3A_1147 = arith.index_cast %parallel_loop3A_1141 : i32 to index
      %parallel_loop3A_1148 = tpu.vector_load %arg11[%parallel_loop3A_1146, %parallel_loop3A_1147] {strides = array<i32>} : memref<8x768xf32, #tpu.memory_space<vmem>>, vector<1x16xf32>,
      %parallel_loop3A_1149 = vector.shape_cast %parallel_loop3A_1148 : vector<1x16xf32> to vector<16xf32>
      %parallel_loop3A_1150 = arith.constant 27.7128124 : f32
      %parallel_loop3A_1151 = vector.broadcast %parallel_loop3A_1150 : f32 to vector<16xf32>
      %parallel_loop3A_1152 = arith.mulf %parallel_loop3A_1149, %parallel_loop3A_1151 : vector<16xf32>
      %parallel_loop3A_1153 = arith.addf %parallel_loop3A_1152, %parallel_loop3A_1145 : vector<16xf32>
      %parallel_loop3A_1154 = arith.index_cast %parallel_loop3A_1136 : i32 to index
      %parallel_loop3A_1155 = arith.index_cast %parallel_loop3A_1141 : i32 to index
      %parallel_loop3A_1156 = tpu.vector_load %arg11[%parallel_loop3A_1154, %parallel_loop3A_1155] {strides = array<i32>} : memref<8x768xf32, #tpu.memory_space<vmem>>, vector<1x16xf32>,
      %parallel_loop3A_1157 = vector.shape_cast %parallel_loop3A_1156 : vector<1x16xf32> to vector<16xf32>
      %parallel_loop3A_1158 = vector.shape_cast %parallel_loop3A_1153 : vector<16xf32> to vector<1x16xf32>
      tpu.vector_store %arg11[%parallel_loop3A_1154, %parallel_loop3A_1155], %parallel_loop3A_1158 {strides = array<i32>} : memref<8x768xf32, #tpu.memory_space<vmem>>, vector<1x16xf32>,
      %parallel_loop3A_1159 = arith.index_cast %parallel_loop3A_1136 : i32 to index
      %parallel_loop3A_1160 = arith.index_cast %parallel_loop3A_1141 : i32 to index
      %parallel_loop3A_1161 = tpu.vector_load %arg12[%parallel_loop3A_1159, %parallel_loop3A_1160] {strides = array<i32>} : memref<8x768xf32, #tpu.memory_space<vmem>>, vector<1x16xf32>,
      %parallel_loop3A_1162 = vector.shape_cast %parallel_loop3A_1161 : vector<1x16xf32> to vector<16xf32>
      %parallel_loop3A_1163 = arith.constant 27.7128124 : f32
      %parallel_loop3A_1164 = vector.broadcast %parallel_loop3A_1163 : f32 to vector<16xf32>
      %parallel_loop3A_1165 = arith.mulf %parallel_loop3A_1162, %parallel_loop3A_1164 : vector<16xf32>
      %parallel_loop3A_1166 = arith.addf %parallel_loop3A_1165, %parallel_loop3A_1145 : vector<16xf32>
      %parallel_loop3A_1167 = arith.index_cast %parallel_loop3A_1136 : i32 to index
      %parallel_loop3A_1168 = arith.index_cast %parallel_loop3A_1141 : i32 to index
      %parallel_loop3A_1169 = tpu.vector_load %arg12[%parallel_loop3A_1167, %parallel_loop3A_1168] {strides = array<i32>} : memref<8x768xf32, #tpu.memory_space<vmem>>, vector<1x16xf32>,
      %parallel_loop3A_1170 = vector.shape_cast %parallel_loop3A_1169 : vector<1x16xf32> to vector<16xf32>
      %parallel_loop3A_1171 = vector.shape_cast %parallel_loop3A_1166 : vector<16xf32> to vector<1x16xf32>
      tpu.vector_store %arg12[%parallel_loop3A_1167, %parallel_loop3A_1168], %parallel_loop3A_1171 {strides = array<i32>} : memref<8x768xf32, #tpu.memory_space<vmem>>, vector<1x16xf32>,
      %parallel_loop3A_1172 = arith.index_cast %parallel_loop3A_1136 : i32 to index
      %parallel_loop3A_1173 = arith.index_cast %parallel_loop3A_1141 : i32 to index
      %parallel_loop3A_1174 = tpu.vector_load %arg13[%parallel_loop3A_1172, %parallel_loop3A_1173] {strides = array<i32>} : memref<8x768xf32, #tpu.memory_space<vmem>>, vector<1x16xf32>,
      %parallel_loop3A_1175 = vector.shape_cast %parallel_loop3A_1174 : vector<1x16xf32> to vector<16xf32>
      %parallel_loop3A_1176 = arith.constant 27.7128124 : f32
      %parallel_loop3A_1177 = vector.broadcast %parallel_loop3A_1176 : f32 to vector<16xf32>
      %parallel_loop3A_1178 = arith.mulf %parallel_loop3A_1175, %parallel_loop3A_1177 : vector<16xf32>
      %parallel_loop3A_1179 = arith.addf %parallel_loop3A_1178, %parallel_loop3A_1145 : vector<16xf32>
      %parallel_loop3A_1180 = arith.index_cast %parallel_loop3A_1136 : i32 to index
      %parallel_loop3A_1181 = arith.index_cast %parallel_loop3A_1141 : i32 to index
      %parallel_loop3A_1182 = tpu.vector_load %arg13[%parallel_loop3A_1180, %parallel_loop3A_1181] {strides = array<i32>} : memref<8x768xf32, #tpu.memory_space<vmem>>, vector<1x16xf32>,
      %parallel_loop3A_1183 = vector.shape_cast %parallel_loop3A_1182 : vector<1x16xf32> to vector<16xf32>
      %parallel_loop3A_1184 = vector.shape_cast %parallel_loop3A_1179 : vector<16xf32> to vector<1x16xf32>
      tpu.vector_store %arg13[%parallel_loop3A_1180, %parallel_loop3A_1181], %parallel_loop3A_1184 {strides = array<i32>} : memref<8x768xf32, #tpu.memory_space<vmem>>, vector<1x16xf32>,
      %parallel_loop3A_1185 = arith.index_cast %parallel_loop3A_1136 : i32 to index
      %parallel_loop3A_1186 = arith.index_cast %parallel_loop3A_1141 : i32 to index
      %parallel_loop3A_1187 = tpu.vector_load %arg14[%parallel_loop3A_1185, %parallel_loop3A_1186] {strides = array<i32>} : memref<8x768xf32, #tpu.memory_space<vmem>>, vector<1x16xf32>,
      %parallel_loop3A_1188 = vector.shape_cast %parallel_loop3A_1187 : vector<1x16xf32> to vector<16xf32>
      %parallel_loop3A_1189 = arith.constant 27.7128124 : f32
      %parallel_loop3A_1190 = vector.broadcast %parallel_loop3A_1189 : f32 to vector<16xf32>
      %parallel_loop3A_1191 = arith.mulf %parallel_loop3A_1188, %parallel_loop3A_1190 : vector<16xf32>
      %parallel_loop3A_1192 = arith.addf %parallel_loop3A_1191, %parallel_loop3A_1145 : vector<16xf32>
      %parallel_loop3A_1193 = arith.index_cast %parallel_loop3A_1136 : i32 to index
      %parallel_loop3A_1194 = arith.index_cast %parallel_loop3A_1141 : i32 to index
      %parallel_loop3A_1195 = tpu.vector_load %arg14[%parallel_loop3A_1193, %parallel_loop3A_1194] {strides = array<i32>} : memref<8x768xf32, #tpu.memory_space<vmem>>, vector<1x16xf32>,
      %parallel_loop3A_1196 = vector.shape_cast %parallel_loop3A_1195 : vector<1x16xf32> to vector<16xf32>
      %parallel_loop3A_1197 = vector.shape_cast %parallel_loop3A_1192 : vector<16xf32> to vector<1x16xf32>
      tpu.vector_store %arg14[%parallel_loop3A_1193, %parallel_loop3A_1194], %parallel_loop3A_1197 {strides = array<i32>} : memref<8x768xf32, #tpu.memory_space<vmem>>, vector<1x16xf32>,
    } {sc.loop_unroll_factor = 4 : i64, sc.parallel_access}
    %add3A_233 = arith.constant 0 : i32
    %add3A_234 = arith.addi %mul3A_2, %add3A_233 : i32
    %dma_start3A_235 = arith.constant 0 : i32
    %dma_start3A_236 = arith.constant 0 : i32
    %dma_start3A_237 = tpu.memref_slice %arg5[%dma_start3A_235, %add3A_234, %dma_start3A_236] : memref<4x2048x768xf32, #tpu.memory_space<hbm>> -> memref<1x8x768xf32, #tpu.memory_space<hbm>>
    %dma_start3A_238 = tpu.memref_squeeze %dma_start3A_237 : memref<1x8x768xf32, #tpu.memory_space<hbm>> -> memref<8x768xf32, #tpu.memory_space<hbm>>
    %dma_start3A_239 = arith.constant 0 : i32
    %dma_start3A_240 = tpu.memref_slice %arg5[%dma_start3A_235, %add3A_234, %dma_start3A_239] : memref<4x2048x768xf32, #tpu.memory_space<hbm>> -> memref<1x8x768xf32, #tpu.memory_space<hbm>>
    %dma_start3A_241 = tpu.memref_squeeze %dma_start3A_240 : memref<1x8x768xf32, #tpu.memory_space<hbm>> -> memref<8x768xf32, #tpu.memory_space<hbm>>
    tpu.enqueue_dma source(%arg11 : memref<8x768xf32, #tpu.memory_space<vmem>>) target(%dma_start3A_241 : memref<8x768xf32, #tpu.memory_space<hbm>>) target_semaphore(%arg31 : memref<!tpu.dma_semaphore, #tpu.memory_space<semaphore_mem>>)
    %dma_start3A_242 = arith.constant 1 : i32
    %dma_start3A_243 = arith.constant 0 : i32
    %dma_start3A_244 = tpu.memref_slice %arg5[%dma_start3A_242, %add3A_234, %dma_start3A_243] : memref<4x2048x768xf32, #tpu.memory_space<hbm>> -> memref<1x8x768xf32, #tpu.memory_space<hbm>>
    %dma_start3A_245 = tpu.memref_squeeze %dma_start3A_244 : memref<1x8x768xf32, #tpu.memory_space<hbm>> -> memref<8x768xf32, #tpu.memory_space<hbm>>
    %dma_start3A_246 = arith.constant 0 : i32
    %dma_start3A_247 = tpu.memref_slice %arg5[%dma_start3A_242, %add3A_234, %dma_start3A_246] : memref<4x2048x768xf32, #tpu.memory_space<hbm>> -> memref<1x8x768xf32, #tpu.memory_space<hbm>>
    %dma_start3A_248 = tpu.memref_squeeze %dma_start3A_247 : memref<1x8x768xf32, #tpu.memory_space<hbm>> -> memref<8x768xf32, #tpu.memory_space<hbm>>
    tpu.enqueue_dma source(%arg12 : memref<8x768xf32, #tpu.memory_space<vmem>>) target(%dma_start3A_248 : memref<8x768xf32, #tpu.memory_space<hbm>>) target_semaphore(%arg32 : memref<!tpu.dma_semaphore, #tpu.memory_space<semaphore_mem>>)
    %dma_start3A_249 = arith.constant 2 : i32
    %dma_start3A_250 = arith.constant 0 : i32
    %dma_start3A_251 = tpu.memref_slice %arg5[%dma_start3A_249, %add3A_234, %dma_start3A_250] : memref<4x2048x768xf32, #tpu.memory_space<hbm>> -> memref<1x8x768xf32, #tpu.memory_space<hbm>>
    %dma_start3A_252 = tpu.memref_squeeze %dma_start3A_251 : memref<1x8x768xf32, #tpu.memory_space<hbm>> -> memref<8x768xf32, #tpu.memory_space<hbm>>
    %dma_start3A_253 = arith.constant 0 : i32
    %dma_start3A_254 = tpu.memref_slice %arg5[%dma_start3A_249, %add3A_234, %dma_start3A_253] : memref<4x2048x768xf32, #tpu.memory_space<hbm>> -> memref<1x8x768xf32, #tpu.memory_space<hbm>>
    %dma_start3A_255 = tpu.memref_squeeze %dma_start3A_254 : memref<1x8x768xf32, #tpu.memory_space<hbm>> -> memref<8x768xf32, #tpu.memory_space<hbm>>
    tpu.enqueue_dma source(%arg13 : memref<8x768xf32, #tpu.memory_space<vmem>>) target(%dma_start3A_255 : memref<8x768xf32, #tpu.memory_space<hbm>>) target_semaphore(%arg33 : memref<!tpu.dma_semaphore, #tpu.memory_space<semaphore_mem>>)
    %dma_start3A_256 = arith.constant 3 : i32
    %dma_start3A_257 = arith.constant 0 : i32
    %dma_start3A_258 = tpu.memref_slice %arg5[%dma_start3A_256, %add3A_234, %dma_start3A_257] : memref<4x2048x768xf32, #tpu.memory_space<hbm>> -> memref<1x8x768xf32, #tpu.memory_space<hbm>>
    %dma_start3A_259 = tpu.memref_squeeze %dma_start3A_258 : memref<1x8x768xf32, #tpu.memory_space<hbm>> -> memref<8x768xf32, #tpu.memory_space<hbm>>
    %dma_start3A_260 = arith.constant 0 : i32
    %dma_start3A_261 = tpu.memref_slice %arg5[%dma_start3A_256, %add3A_234, %dma_start3A_260] : memref<4x2048x768xf32, #tpu.memory_space<hbm>> -> memref<1x8x768xf32, #tpu.memory_space<hbm>>
    %dma_start3A_262 = tpu.memref_squeeze %dma_start3A_261 : memref<1x8x768xf32, #tpu.memory_space<hbm>> -> memref<8x768xf32, #tpu.memory_space<hbm>>
    tpu.enqueue_dma source(%arg14 : memref<8x768xf32, #tpu.memory_space<vmem>>) target(%dma_start3A_262 : memref<8x768xf32, #tpu.memory_space<hbm>>) target_semaphore(%arg34 : memref<!tpu.dma_semaphore, #tpu.memory_space<semaphore_mem>>)
    %add3A_263 = arith.constant 24 : i32
    %add3A_264 = arith.addi %mul3A_2, %add3A_263 : i32
    %dma_start3A_265 = arith.constant 0 : i32
    %dma_start3A_266 = tpu.memref_slice %arg4[%add3A_264, %dma_start3A_265] : memref<2048x768xf32, #tpu.memory_space<hbm>> -> memref<8x768xf32, #tpu.memory_space<hbm>>
    %dma_start3A_267 = arith.constant 0 : i32
    %dma_start3A_268 = tpu.memref_slice %arg4[%add3A_264, %dma_start3A_267] : memref<2048x768xf32, #tpu.memory_space<hbm>> -> memref<8x768xf32, #tpu.memory_space<hbm>>
    tpu.enqueue_dma source(%dma_start3A_268 : memref<8x768xf32, #tpu.memory_space<hbm>>) target(%arg10 : memref<8x768xf32, #tpu.memory_space<vmem>>) target_semaphore(%arg30 : memref<!tpu.dma_semaphore, #tpu.memory_space<semaphore_mem>>)
    %dma_start3A_269 = arith.constant 0 : i32
    %dma_start3A_270 = arith.constant 24 : i32
    %dma_start3A_271 = tpu.memref_slice %arg6[%dma_start3A_269, %dma_start3A_270] : memref<4x64xi32, #tpu.memory_space<vmem>> -> memref<1x8xi32, #tpu.memory_space<vmem>>
    %dma_start3A_272 = tpu.memref_squeeze %dma_start3A_271 : memref<1x8xi32, #tpu.memory_space<vmem>> -> memref<8xi32, #tpu.memory_space<vmem>>
    %dma_start3A_273 = arith.constant 0 : i32
    %dma_start3A_274 = arith.constant 0 : i32
    %dma_start3A_275 = tpu.memref_slice %arg3[%dma_start3A_273, %dma_start3A_274] : memref<100000x768xf32, #tpu.memory_space<hbm>> -> memref<100000x768xf32, #tpu.memory_space<hbm>>
    tpu.enqueue_indirect_dma source(%dma_start3A_275 : memref<100000x768xf32, #tpu.memory_space<hbm>>) target(%arg23 : memref<8x768xf32, #tpu.memory_space<vmem>>) offsets(%dma_start3A_272 : memref<8xi32, #tpu.memory_space<vmem>>) semaphore(%arg50 : memref<!tpu.dma_semaphore, #tpu.memory_space<semaphore_mem>>)
    %dma_start3A_276 = arith.constant 1 : i32
    %dma_start3A_277 = arith.constant 24 : i32
    %dma_start3A_278 = tpu.memref_slice %arg6[%dma_start3A_276, %dma_start3A_277] : memref<4x64xi32, #tpu.memory_space<vmem>> -> memref<1x8xi32, #tpu.memory_space<vmem>>
    %dma_start3A_279 = tpu.memref_squeeze %dma_start3A_278 : memref<1x8xi32, #tpu.memory_space<vmem>> -> memref<8xi32, #tpu.memory_space<vmem>>
    %dma_start3A_280 = arith.constant 0 : i32
    %dma_start3A_281 = arith.constant 0 : i32
    %dma_start3A_282 = tpu.memref_slice %arg3[%dma_start3A_280, %dma_start3A_281] : memref<100000x768xf32, #tpu.memory_space<hbm>> -> memref<100000x768xf32, #tpu.memory_space<hbm>>
    tpu.enqueue_indirect_dma source(%dma_start3A_282 : memref<100000x768xf32, #tpu.memory_space<hbm>>) target(%arg24 : memref<8x768xf32, #tpu.memory_space<vmem>>) offsets(%dma_start3A_279 : memref<8xi32, #tpu.memory_space<vmem>>) semaphore(%arg50 : memref<!tpu.dma_semaphore, #tpu.memory_space<semaphore_mem>>)
    %dma_start3A_283 = arith.constant 2 : i32
    %dma_start3A_284 = arith.constant 24 : i32
    %dma_start3A_285 = tpu.memref_slice %arg6[%dma_start3A_283, %dma_start3A_284] : memref<4x64xi32, #tpu.memory_space<vmem>> -> memref<1x8xi32, #tpu.memory_space<vmem>>
    %dma_start3A_286 = tpu.memref_squeeze %dma_start3A_285 : memref<1x8xi32, #tpu.memory_space<vmem>> -> memref<8xi32, #tpu.memory_space<vmem>>
    %dma_start3A_287 = arith.constant 0 : i32
    %dma_start3A_288 = arith.constant 0 : i32
    %dma_start3A_289 = tpu.memref_slice %arg3[%dma_start3A_287, %dma_start3A_288] : memref<100000x768xf32, #tpu.memory_space<hbm>> -> memref<100000x768xf32, #tpu.memory_space<hbm>>
    tpu.enqueue_indirect_dma source(%dma_start3A_289 : memref<100000x768xf32, #tpu.memory_space<hbm>>) target(%arg25 : memref<8x768xf32, #tpu.memory_space<vmem>>) offsets(%dma_start3A_286 : memref<8xi32, #tpu.memory_space<vmem>>) semaphore(%arg50 : memref<!tpu.dma_semaphore, #tpu.memory_space<semaphore_mem>>)
    %dma_start3A_290 = arith.constant 3 : i32
    %dma_start3A_291 = arith.constant 24 : i32
    %dma_start3A_292 = tpu.memref_slice %arg6[%dma_start3A_290, %dma_start3A_291] : memref<4x64xi32, #tpu.memory_space<vmem>> -> memref<1x8xi32, #tpu.memory_space<vmem>>
    %dma_start3A_293 = tpu.memref_squeeze %dma_start3A_292 : memref<1x8xi32, #tpu.memory_space<vmem>> -> memref<8xi32, #tpu.memory_space<vmem>>
    %dma_start3A_294 = arith.constant 0 : i32
    %dma_start3A_295 = arith.constant 0 : i32
    %dma_start3A_296 = tpu.memref_slice %arg3[%dma_start3A_294, %dma_start3A_295] : memref<100000x768xf32, #tpu.memory_space<hbm>> -> memref<100000x768xf32, #tpu.memory_space<hbm>>
    tpu.enqueue_indirect_dma source(%dma_start3A_296 : memref<100000x768xf32, #tpu.memory_space<hbm>>) target(%arg26 : memref<8x768xf32, #tpu.memory_space<vmem>>) offsets(%dma_start3A_293 : memref<8xi32, #tpu.memory_space<vmem>>) semaphore(%arg50 : memref<!tpu.dma_semaphore, #tpu.memory_space<semaphore_mem>>)
    %dma_wait3A_297 = arith.constant 0 : i32
    %dma_wait3A_298 = tpu.memref_slice %arg4[%add3A_132, %dma_wait3A_297] : memref<2048x768xf32, #tpu.memory_space<hbm>> -> memref<8x768xf32, #tpu.memory_space<hbm>>
    %dma_wait3A_299 = arith.constant 0 : i32
    %dma_wait3A_300 = tpu.memref_slice %arg4[%add3A_132, %dma_wait3A_299] : memref<2048x768xf32, #tpu.memory_space<hbm>> -> memref<8x768xf32, #tpu.memory_space<hbm>>
    tpu.wait_dma2 semaphore(%arg28 : memref<!tpu.dma_semaphore, #tpu.memory_space<semaphore_mem>>) src(%dma_wait3A_300 : memref<8x768xf32, #tpu.memory_space<hbm>>) dst(%arg8 : memref<8x768xf32, #tpu.memory_space<vmem>>)
    %dma_wait3A_301 = arith.constant 0 : i32
    %dma_wait3A_302 = arith.constant 8 : i32
    %dma_wait3A_303 = tpu.memref_slice %arg6[%dma_wait3A_301, %dma_wait3A_302] : memref<4x64xi32, #tpu.memory_space<vmem>> -> memref<1x8xi32, #tpu.memory_space<vmem>>
    %dma_wait3A_304 = tpu.memref_squeeze %dma_wait3A_303 : memref<1x8xi32, #tpu.memory_space<vmem>> -> memref<8xi32, #tpu.memory_space<vmem>>
    %dma_wait3A_305 = arith.constant 0 : i32
    %dma_wait3A_306 = arith.constant 0 : i32
    %dma_wait3A_307 = tpu.memref_slice %arg3[%dma_wait3A_305, %dma_wait3A_306] : memref<100000x768xf32, #tpu.memory_space<hbm>> -> memref<100000x768xf32, #tpu.memory_space<hbm>>
    tpu.wait_indirect_dma semaphore(%arg48 : memref<!tpu.dma_semaphore, #tpu.memory_space<semaphore_mem>>) src(%dma_wait3A_307 : memref<100000x768xf32, #tpu.memory_space<hbm>>) dst(%arg15 : memref<8x768xf32, #tpu.memory_space<vmem>>)
    %dma_wait3A_308 = arith.constant 1 : i32
    %dma_wait3A_309 = arith.constant 8 : i32
    %dma_wait3A_310 = tpu.memref_slice %arg6[%dma_wait3A_308, %dma_wait3A_309] : memref<4x64xi32, #tpu.memory_space<vmem>> -> memref<1x8xi32, #tpu.memory_space<vmem>>
    %dma_wait3A_311 = tpu.memref_squeeze %dma_wait3A_310 : memref<1x8xi32, #tpu.memory_space<vmem>> -> memref<8xi32, #tpu.memory_space<vmem>>
    %dma_wait3A_312 = arith.constant 0 : i32
    %dma_wait3A_313 = arith.constant 0 : i32
    %dma_wait3A_314 = tpu.memref_slice %arg3[%dma_wait3A_312, %dma_wait3A_313] : memref<100000x768xf32, #tpu.memory_space<hbm>> -> memref<100000x768xf32, #tpu.memory_space<hbm>>
    tpu.wait_indirect_dma semaphore(%arg48 : memref<!tpu.dma_semaphore, #tpu.memory_space<semaphore_mem>>) src(%dma_wait3A_314 : memref<100000x768xf32, #tpu.memory_space<hbm>>) dst(%arg16 : memref<8x768xf32, #tpu.memory_space<vmem>>)
    %dma_wait3A_315 = arith.constant 2 : i32
    %dma_wait3A_316 = arith.constant 8 : i32
    %dma_wait3A_317 = tpu.memref_slice %arg6[%dma_wait3A_315, %dma_wait3A_316] : memref<4x64xi32, #tpu.memory_space<vmem>> -> memref<1x8xi32, #tpu.memory_space<vmem>>
    %dma_wait3A_318 = tpu.memref_squeeze %dma_wait3A_317 : memref<1x8xi32, #tpu.memory_space<vmem>> -> memref<8xi32, #tpu.memory_space<vmem>>
    %dma_wait3A_319 = arith.constant 0 : i32
    %dma_wait3A_320 = arith.constant 0 : i32
    %dma_wait3A_321 = tpu.memref_slice %arg3[%dma_wait3A_319, %dma_wait3A_320] : memref<100000x768xf32, #tpu.memory_space<hbm>> -> memref<100000x768xf32, #tpu.memory_space<hbm>>
    tpu.wait_indirect_dma semaphore(%arg48 : memref<!tpu.dma_semaphore, #tpu.memory_space<semaphore_mem>>) src(%dma_wait3A_321 : memref<100000x768xf32, #tpu.memory_space<hbm>>) dst(%arg17 : memref<8x768xf32, #tpu.memory_space<vmem>>)
    %dma_wait3A_322 = arith.constant 3 : i32
    %dma_wait3A_323 = arith.constant 8 : i32
    %dma_wait3A_324 = tpu.memref_slice %arg6[%dma_wait3A_322, %dma_wait3A_323] : memref<4x64xi32, #tpu.memory_space<vmem>> -> memref<1x8xi32, #tpu.memory_space<vmem>>
    %dma_wait3A_325 = tpu.memref_squeeze %dma_wait3A_324 : memref<1x8xi32, #tpu.memory_space<vmem>> -> memref<8xi32, #tpu.memory_space<vmem>>
    %dma_wait3A_326 = arith.constant 0 : i32
    %dma_wait3A_327 = arith.constant 0 : i32
    %dma_wait3A_328 = tpu.memref_slice %arg3[%dma_wait3A_326, %dma_wait3A_327] : memref<100000x768xf32, #tpu.memory_space<hbm>> -> memref<100000x768xf32, #tpu.memory_space<hbm>>
    tpu.wait_indirect_dma semaphore(%arg48 : memref<!tpu.dma_semaphore, #tpu.memory_space<semaphore_mem>>) src(%dma_wait3A_328 : memref<100000x768xf32, #tpu.memory_space<hbm>>) dst(%arg18 : memref<8x768xf32, #tpu.memory_space<vmem>>)
    %parallel_loop3A_329 = arith.constant 0 : i32
    %parallel_loop3A_330 = arith.constant 384 : i32
    %parallel_loop3A_331 = arith.constant 1 : i32
    scf.for %parallel_loop3A_1112 = %parallel_loop3A_329 to %parallel_loop3A_330 step %parallel_loop3A_331  : i32 {
      %parallel_loop3A_1113 = arith.constant 48 : i32
      %parallel_loop3A_1114 = arith.divsi %parallel_loop3A_1112, %parallel_loop3A_1113 : i32
      %parallel_loop3A_1115 = arith.constant 0 : i32
      %parallel_loop3A_1116 = arith.cmpi sgt, %parallel_loop3A_1112, %parallel_loop3A_1115 : i32
      %parallel_loop3A_1117 = arith.extui %parallel_loop3A_1116 : i1 to i32
      %parallel_loop3A_1118 = arith.constant 0 : i32
      %parallel_loop3A_1119 = arith.cmpi slt, %parallel_loop3A_1112, %parallel_loop3A_1118 : i32
      %parallel_loop3A_1120 = arith.extui %parallel_loop3A_1119 : i1 to i32
      %parallel_loop3A_1121 = arith.subi %parallel_loop3A_1117, %parallel_loop3A_1120 : i32
      %parallel_loop3A_1122 = arith.constant 0 : i32
      %parallel_loop3A_1123 = arith.cmpi sgt, %parallel_loop3A_1113, %parallel_loop3A_1122 : i32
      %parallel_loop3A_1124 = arith.extui %parallel_loop3A_1123 : i1 to i32
      %parallel_loop3A_1125 = arith.constant 0 : i32
      %parallel_loop3A_1126 = arith.cmpi slt, %parallel_loop3A_1113, %parallel_loop3A_1125 : i32
      %parallel_loop3A_1127 = arith.extui %parallel_loop3A_1126 : i1 to i32
      %parallel_loop3A_1128 = arith.subi %parallel_loop3A_1124, %parallel_loop3A_1127 : i32
      %parallel_loop3A_1129 = arith.cmpi ne, %parallel_loop3A_1121, %parallel_loop3A_1128 : i32
      %parallel_loop3A_1130 = arith.remsi %parallel_loop3A_1112, %parallel_loop3A_1113 : i32
      %parallel_loop3A_1131 = arith.constant 0 : i32
      %parallel_loop3A_1132 = arith.cmpi ne, %parallel_loop3A_1130, %parallel_loop3A_1131 : i32
      %parallel_loop3A_1133 = arith.andi %parallel_loop3A_1129, %parallel_loop3A_1132 : i1
      %parallel_loop3A_1134 = arith.constant 1 : i32
      %parallel_loop3A_1135 = arith.subi %parallel_loop3A_1114, %parallel_loop3A_1134 : i32
      %parallel_loop3A_1136 = arith.select %parallel_loop3A_1133, %parallel_loop3A_1135, %parallel_loop3A_1114 : i32
      %parallel_loop3A_1137 = arith.constant 48 : i32
      %parallel_loop3A_1138 = arith.muli %parallel_loop3A_1136, %parallel_loop3A_1137 : i32
      %parallel_loop3A_1139 = arith.subi %parallel_loop3A_1112, %parallel_loop3A_1138 : i32
      %parallel_loop3A_1140 = arith.constant 16 : i32
      %parallel_loop3A_1141 = arith.muli %parallel_loop3A_1139, %parallel_loop3A_1140 : i32
      %parallel_loop3A_1142 = arith.index_cast %parallel_loop3A_1136 : i32 to index
      %parallel_loop3A_1143 = arith.index_cast %parallel_loop3A_1141 : i32 to index
      %parallel_loop3A_1144 = tpu.vector_load %arg8[%parallel_loop3A_1142, %parallel_loop3A_1143] {strides = array<i32>} : memref<8x768xf32, #tpu.memory_space<vmem>>, vector<1x16xf32>,
      %parallel_loop3A_1145 = vector.shape_cast %parallel_loop3A_1144 : vector<1x16xf32> to vector<16xf32>
      %parallel_loop3A_1146 = arith.index_cast %parallel_loop3A_1136 : i32 to index
      %parallel_loop3A_1147 = arith.index_cast %parallel_loop3A_1141 : i32 to index
      %parallel_loop3A_1148 = tpu.vector_load %arg15[%parallel_loop3A_1146, %parallel_loop3A_1147] {strides = array<i32>} : memref<8x768xf32, #tpu.memory_space<vmem>>, vector<1x16xf32>,
      %parallel_loop3A_1149 = vector.shape_cast %parallel_loop3A_1148 : vector<1x16xf32> to vector<16xf32>
      %parallel_loop3A_1150 = arith.constant 27.7128124 : f32
      %parallel_loop3A_1151 = vector.broadcast %parallel_loop3A_1150 : f32 to vector<16xf32>
      %parallel_loop3A_1152 = arith.mulf %parallel_loop3A_1149, %parallel_loop3A_1151 : vector<16xf32>
      %parallel_loop3A_1153 = arith.addf %parallel_loop3A_1152, %parallel_loop3A_1145 : vector<16xf32>
      %parallel_loop3A_1154 = arith.index_cast %parallel_loop3A_1136 : i32 to index
      %parallel_loop3A_1155 = arith.index_cast %parallel_loop3A_1141 : i32 to index
      %parallel_loop3A_1156 = tpu.vector_load %arg15[%parallel_loop3A_1154, %parallel_loop3A_1155] {strides = array<i32>} : memref<8x768xf32, #tpu.memory_space<vmem>>, vector<1x16xf32>,
      %parallel_loop3A_1157 = vector.shape_cast %parallel_loop3A_1156 : vector<1x16xf32> to vector<16xf32>
      %parallel_loop3A_1158 = vector.shape_cast %parallel_loop3A_1153 : vector<16xf32> to vector<1x16xf32>
      tpu.vector_store %arg15[%parallel_loop3A_1154, %parallel_loop3A_1155], %parallel_loop3A_1158 {strides = array<i32>} : memref<8x768xf32, #tpu.memory_space<vmem>>, vector<1x16xf32>,
      %parallel_loop3A_1159 = arith.index_cast %parallel_loop3A_1136 : i32 to index
      %parallel_loop3A_1160 = arith.index_cast %parallel_loop3A_1141 : i32 to index
      %parallel_loop3A_1161 = tpu.vector_load %arg16[%parallel_loop3A_1159, %parallel_loop3A_1160] {strides = array<i32>} : memref<8x768xf32, #tpu.memory_space<vmem>>, vector<1x16xf32>,
      %parallel_loop3A_1162 = vector.shape_cast %parallel_loop3A_1161 : vector<1x16xf32> to vector<16xf32>
      %parallel_loop3A_1163 = arith.constant 27.7128124 : f32
      %parallel_loop3A_1164 = vector.broadcast %parallel_loop3A_1163 : f32 to vector<16xf32>
      %parallel_loop3A_1165 = arith.mulf %parallel_loop3A_1162, %parallel_loop3A_1164 : vector<16xf32>
      %parallel_loop3A_1166 = arith.addf %parallel_loop3A_1165, %parallel_loop3A_1145 : vector<16xf32>
      %parallel_loop3A_1167 = arith.index_cast %parallel_loop3A_1136 : i32 to index
      %parallel_loop3A_1168 = arith.index_cast %parallel_loop3A_1141 : i32 to index
      %parallel_loop3A_1169 = tpu.vector_load %arg16[%parallel_loop3A_1167, %parallel_loop3A_1168] {strides = array<i32>} : memref<8x768xf32, #tpu.memory_space<vmem>>, vector<1x16xf32>,
      %parallel_loop3A_1170 = vector.shape_cast %parallel_loop3A_1169 : vector<1x16xf32> to vector<16xf32>
      %parallel_loop3A_1171 = vector.shape_cast %parallel_loop3A_1166 : vector<16xf32> to vector<1x16xf32>
      tpu.vector_store %arg16[%parallel_loop3A_1167, %parallel_loop3A_1168], %parallel_loop3A_1171 {strides = array<i32>} : memref<8x768xf32, #tpu.memory_space<vmem>>, vector<1x16xf32>,
      %parallel_loop3A_1172 = arith.index_cast %parallel_loop3A_1136 : i32 to index
      %parallel_loop3A_1173 = arith.index_cast %parallel_loop3A_1141 : i32 to index
      %parallel_loop3A_1174 = tpu.vector_load %arg17[%parallel_loop3A_1172, %parallel_loop3A_1173] {strides = array<i32>} : memref<8x768xf32, #tpu.memory_space<vmem>>, vector<1x16xf32>,
      %parallel_loop3A_1175 = vector.shape_cast %parallel_loop3A_1174 : vector<1x16xf32> to vector<16xf32>
      %parallel_loop3A_1176 = arith.constant 27.7128124 : f32
      %parallel_loop3A_1177 = vector.broadcast %parallel_loop3A_1176 : f32 to vector<16xf32>
      %parallel_loop3A_1178 = arith.mulf %parallel_loop3A_1175, %parallel_loop3A_1177 : vector<16xf32>
      %parallel_loop3A_1179 = arith.addf %parallel_loop3A_1178, %parallel_loop3A_1145 : vector<16xf32>
      %parallel_loop3A_1180 = arith.index_cast %parallel_loop3A_1136 : i32 to index
      %parallel_loop3A_1181 = arith.index_cast %parallel_loop3A_1141 : i32 to index
      %parallel_loop3A_1182 = tpu.vector_load %arg17[%parallel_loop3A_1180, %parallel_loop3A_1181] {strides = array<i32>} : memref<8x768xf32, #tpu.memory_space<vmem>>, vector<1x16xf32>,
      %parallel_loop3A_1183 = vector.shape_cast %parallel_loop3A_1182 : vector<1x16xf32> to vector<16xf32>
      %parallel_loop3A_1184 = vector.shape_cast %parallel_loop3A_1179 : vector<16xf32> to vector<1x16xf32>
      tpu.vector_store %arg17[%parallel_loop3A_1180, %parallel_loop3A_1181], %parallel_loop3A_1184 {strides = array<i32>} : memref<8x768xf32, #tpu.memory_space<vmem>>, vector<1x16xf32>,
      %parallel_loop3A_1185 = arith.index_cast %parallel_loop3A_1136 : i32 to index
      %parallel_loop3A_1186 = arith.index_cast %parallel_loop3A_1141 : i32 to index
      %parallel_loop3A_1187 = tpu.vector_load %arg18[%parallel_loop3A_1185, %parallel_loop3A_1186] {strides = array<i32>} : memref<8x768xf32, #tpu.memory_space<vmem>>, vector<1x16xf32>,
      %parallel_loop3A_1188 = vector.shape_cast %parallel_loop3A_1187 : vector<1x16xf32> to vector<16xf32>
      %parallel_loop3A_1189 = arith.constant 27.7128124 : f32
      %parallel_loop3A_1190 = vector.broadcast %parallel_loop3A_1189 : f32 to vector<16xf32>
      %parallel_loop3A_1191 = arith.mulf %parallel_loop3A_1188, %parallel_loop3A_1190 : vector<16xf32>
      %parallel_loop3A_1192 = arith.addf %parallel_loop3A_1191, %parallel_loop3A_1145 : vector<16xf32>
      %parallel_loop3A_1193 = arith.index_cast %parallel_loop3A_1136 : i32 to index
      %parallel_loop3A_1194 = arith.index_cast %parallel_loop3A_1141 : i32 to index
      %parallel_loop3A_1195 = tpu.vector_load %arg18[%parallel_loop3A_1193, %parallel_loop3A_1194] {strides = array<i32>} : memref<8x768xf32, #tpu.memory_space<vmem>>, vector<1x16xf32>,
      %parallel_loop3A_1196 = vector.shape_cast %parallel_loop3A_1195 : vector<1x16xf32> to vector<16xf32>
      %parallel_loop3A_1197 = vector.shape_cast %parallel_loop3A_1192 : vector<16xf32> to vector<1x16xf32>
      tpu.vector_store %arg18[%parallel_loop3A_1193, %parallel_loop3A_1194], %parallel_loop3A_1197 {strides = array<i32>} : memref<8x768xf32, #tpu.memory_space<vmem>>, vector<1x16xf32>,
    } {sc.loop_unroll_factor = 4 : i64, sc.parallel_access}
    %add3A_332 = arith.constant 8 : i32
    %add3A_333 = arith.addi %mul3A_2, %add3A_332 : i32
    %dma_start3A_334 = arith.constant 0 : i32
    %dma_start3A_335 = arith.constant 0 : i32
    %dma_start3A_336 = tpu.memref_slice %arg5[%dma_start3A_334, %add3A_333, %dma_start3A_335] : memref<4x2048x768xf32, #tpu.memory_space<hbm>> -> memref<1x8x768xf32, #tpu.memory_space<hbm>>
    %dma_start3A_337 = tpu.memref_squeeze %dma_start3A_336 : memref<1x8x768xf32, #tpu.memory_space<hbm>> -> memref<8x768xf32, #tpu.memory_space<hbm>>
    %dma_start3A_338 = arith.constant 0 : i32
    %dma_start3A_339 = tpu.memref_slice %arg5[%dma_start3A_334, %add3A_333, %dma_start3A_338] : memref<4x2048x768xf32, #tpu.memory_space<hbm>> -> memref<1x8x768xf32, #tpu.memory_space<hbm>>
    %dma_start3A_340 = tpu.memref_squeeze %dma_start3A_339 : memref<1x8x768xf32, #tpu.memory_space<hbm>> -> memref<8x768xf32, #tpu.memory_space<hbm>>
    tpu.enqueue_dma source(%arg15 : memref<8x768xf32, #tpu.memory_space<vmem>>) target(%dma_start3A_340 : memref<8x768xf32, #tpu.memory_space<hbm>>) target_semaphore(%arg35 : memref<!tpu.dma_semaphore, #tpu.memory_space<semaphore_mem>>)
    %dma_start3A_341 = arith.constant 1 : i32
    %dma_start3A_342 = arith.constant 0 : i32
    %dma_start3A_343 = tpu.memref_slice %arg5[%dma_start3A_341, %add3A_333, %dma_start3A_342] : memref<4x2048x768xf32, #tpu.memory_space<hbm>> -> memref<1x8x768xf32, #tpu.memory_space<hbm>>
    %dma_start3A_344 = tpu.memref_squeeze %dma_start3A_343 : memref<1x8x768xf32, #tpu.memory_space<hbm>> -> memref<8x768xf32, #tpu.memory_space<hbm>>
    %dma_start3A_345 = arith.constant 0 : i32
    %dma_start3A_346 = tpu.memref_slice %arg5[%dma_start3A_341, %add3A_333, %dma_start3A_345] : memref<4x2048x768xf32, #tpu.memory_space<hbm>> -> memref<1x8x768xf32, #tpu.memory_space<hbm>>
    %dma_start3A_347 = tpu.memref_squeeze %dma_start3A_346 : memref<1x8x768xf32, #tpu.memory_space<hbm>> -> memref<8x768xf32, #tpu.memory_space<hbm>>
    tpu.enqueue_dma source(%arg16 : memref<8x768xf32, #tpu.memory_space<vmem>>) target(%dma_start3A_347 : memref<8x768xf32, #tpu.memory_space<hbm>>) target_semaphore(%arg36 : memref<!tpu.dma_semaphore, #tpu.memory_space<semaphore_mem>>)
    %dma_start3A_348 = arith.constant 2 : i32
    %dma_start3A_349 = arith.constant 0 : i32
    %dma_start3A_350 = tpu.memref_slice %arg5[%dma_start3A_348, %add3A_333, %dma_start3A_349] : memref<4x2048x768xf32, #tpu.memory_space<hbm>> -> memref<1x8x768xf32, #tpu.memory_space<hbm>>
    %dma_start3A_351 = tpu.memref_squeeze %dma_start3A_350 : memref<1x8x768xf32, #tpu.memory_space<hbm>> -> memref<8x768xf32, #tpu.memory_space<hbm>>
    %dma_start3A_352 = arith.constant 0 : i32
    %dma_start3A_353 = tpu.memref_slice %arg5[%dma_start3A_348, %add3A_333, %dma_start3A_352] : memref<4x2048x768xf32, #tpu.memory_space<hbm>> -> memref<1x8x768xf32, #tpu.memory_space<hbm>>
    %dma_start3A_354 = tpu.memref_squeeze %dma_start3A_353 : memref<1x8x768xf32, #tpu.memory_space<hbm>> -> memref<8x768xf32, #tpu.memory_space<hbm>>
    tpu.enqueue_dma source(%arg17 : memref<8x768xf32, #tpu.memory_space<vmem>>) target(%dma_start3A_354 : memref<8x768xf32, #tpu.memory_space<hbm>>) target_semaphore(%arg37 : memref<!tpu.dma_semaphore, #tpu.memory_space<semaphore_mem>>)
    %dma_start3A_355 = arith.constant 3 : i32
    %dma_start3A_356 = arith.constant 0 : i32
    %dma_start3A_357 = tpu.memref_slice %arg5[%dma_start3A_355, %add3A_333, %dma_start3A_356] : memref<4x2048x768xf32, #tpu.memory_space<hbm>> -> memref<1x8x768xf32, #tpu.memory_space<hbm>>
    %dma_start3A_358 = tpu.memref_squeeze %dma_start3A_357 : memref<1x8x768xf32, #tpu.memory_space<hbm>> -> memref<8x768xf32, #tpu.memory_space<hbm>>
    %dma_start3A_359 = arith.constant 0 : i32
    %dma_start3A_360 = tpu.memref_slice %arg5[%dma_start3A_355, %add3A_333, %dma_start3A_359] : memref<4x2048x768xf32, #tpu.memory_space<hbm>> -> memref<1x8x768xf32, #tpu.memory_space<hbm>>
    %dma_start3A_361 = tpu.memref_squeeze %dma_start3A_360 : memref<1x8x768xf32, #tpu.memory_space<hbm>> -> memref<8x768xf32, #tpu.memory_space<hbm>>
    tpu.enqueue_dma source(%arg18 : memref<8x768xf32, #tpu.memory_space<vmem>>) target(%dma_start3A_361 : memref<8x768xf32, #tpu.memory_space<hbm>>) target_semaphore(%arg38 : memref<!tpu.dma_semaphore, #tpu.memory_space<semaphore_mem>>)
    %dma_wait3A_362 = arith.constant 0 : i32
    %dma_wait3A_363 = arith.constant 0 : i32
    %dma_wait3A_364 = tpu.memref_slice %arg5[%dma_wait3A_362, %add3A_234, %dma_wait3A_363] : memref<4x2048x768xf32, #tpu.memory_space<hbm>> -> memref<1x8x768xf32, #tpu.memory_space<hbm>>
    %dma_wait3A_365 = tpu.memref_squeeze %dma_wait3A_364 : memref<1x8x768xf32, #tpu.memory_space<hbm>> -> memref<8x768xf32, #tpu.memory_space<hbm>>
    %dma_wait3A_366 = arith.constant 0 : i32
    %dma_wait3A_367 = tpu.memref_slice %arg5[%dma_wait3A_362, %add3A_234, %dma_wait3A_366] : memref<4x2048x768xf32, #tpu.memory_space<hbm>> -> memref<1x8x768xf32, #tpu.memory_space<hbm>>
    %dma_wait3A_368 = tpu.memref_squeeze %dma_wait3A_367 : memref<1x8x768xf32, #tpu.memory_space<hbm>> -> memref<8x768xf32, #tpu.memory_space<hbm>>
    tpu.wait_dma2 semaphore(%arg31 : memref<!tpu.dma_semaphore, #tpu.memory_space<semaphore_mem>>) src(%arg11 : memref<8x768xf32, #tpu.memory_space<vmem>>) dst(%dma_wait3A_368 : memref<8x768xf32, #tpu.memory_space<hbm>>)
    %dma_wait3A_369 = arith.constant 1 : i32
    %dma_wait3A_370 = arith.constant 0 : i32
    %dma_wait3A_371 = tpu.memref_slice %arg5[%dma_wait3A_369, %add3A_234, %dma_wait3A_370] : memref<4x2048x768xf32, #tpu.memory_space<hbm>> -> memref<1x8x768xf32, #tpu.memory_space<hbm>>
    %dma_wait3A_372 = tpu.memref_squeeze %dma_wait3A_371 : memref<1x8x768xf32, #tpu.memory_space<hbm>> -> memref<8x768xf32, #tpu.memory_space<hbm>>
    %dma_wait3A_373 = arith.constant 0 : i32
    %dma_wait3A_374 = tpu.memref_slice %arg5[%dma_wait3A_369, %add3A_234, %dma_wait3A_373] : memref<4x2048x768xf32, #tpu.memory_space<hbm>> -> memref<1x8x768xf32, #tpu.memory_space<hbm>>
    %dma_wait3A_375 = tpu.memref_squeeze %dma_wait3A_374 : memref<1x8x768xf32, #tpu.memory_space<hbm>> -> memref<8x768xf32, #tpu.memory_space<hbm>>
    tpu.wait_dma2 semaphore(%arg32 : memref<!tpu.dma_semaphore, #tpu.memory_space<semaphore_mem>>) src(%arg12 : memref<8x768xf32, #tpu.memory_space<vmem>>) dst(%dma_wait3A_375 : memref<8x768xf32, #tpu.memory_space<hbm>>)
    %dma_wait3A_376 = arith.constant 2 : i32
    %dma_wait3A_377 = arith.constant 0 : i32
    %dma_wait3A_378 = tpu.memref_slice %arg5[%dma_wait3A_376, %add3A_234, %dma_wait3A_377] : memref<4x2048x768xf32, #tpu.memory_space<hbm>> -> memref<1x8x768xf32, #tpu.memory_space<hbm>>
    %dma_wait3A_379 = tpu.memref_squeeze %dma_wait3A_378 : memref<1x8x768xf32, #tpu.memory_space<hbm>> -> memref<8x768xf32, #tpu.memory_space<hbm>>
    %dma_wait3A_380 = arith.constant 0 : i32
    %dma_wait3A_381 = tpu.memref_slice %arg5[%dma_wait3A_376, %add3A_234, %dma_wait3A_380] : memref<4x2048x768xf32, #tpu.memory_space<hbm>> -> memref<1x8x768xf32, #tpu.memory_space<hbm>>
    %dma_wait3A_382 = tpu.memref_squeeze %dma_wait3A_381 : memref<1x8x768xf32, #tpu.memory_space<hbm>> -> memref<8x768xf32, #tpu.memory_space<hbm>>
    tpu.wait_dma2 semaphore(%arg33 : memref<!tpu.dma_semaphore, #tpu.memory_space<semaphore_mem>>) src(%arg13 : memref<8x768xf32, #tpu.memory_space<vmem>>) dst(%dma_wait3A_382 : memref<8x768xf32, #tpu.memory_space<hbm>>)
    %dma_wait3A_383 = arith.constant 3 : i32
    %dma_wait3A_384 = arith.constant 0 : i32
    %dma_wait3A_385 = tpu.memref_slice %arg5[%dma_wait3A_383, %add3A_234, %dma_wait3A_384] : memref<4x2048x768xf32, #tpu.memory_space<hbm>> -> memref<1x8x768xf32, #tpu.memory_space<hbm>>
    %dma_wait3A_386 = tpu.memref_squeeze %dma_wait3A_385 : memref<1x8x768xf32, #tpu.memory_space<hbm>> -> memref<8x768xf32, #tpu.memory_space<hbm>>
    %dma_wait3A_387 = arith.constant 0 : i32
    %dma_wait3A_388 = tpu.memref_slice %arg5[%dma_wait3A_383, %add3A_234, %dma_wait3A_387] : memref<4x2048x768xf32, #tpu.memory_space<hbm>> -> memref<1x8x768xf32, #tpu.memory_space<hbm>>
    %dma_wait3A_389 = tpu.memref_squeeze %dma_wait3A_388 : memref<1x8x768xf32, #tpu.memory_space<hbm>> -> memref<8x768xf32, #tpu.memory_space<hbm>>
    tpu.wait_dma2 semaphore(%arg34 : memref<!tpu.dma_semaphore, #tpu.memory_space<semaphore_mem>>) src(%arg14 : memref<8x768xf32, #tpu.memory_space<vmem>>) dst(%dma_wait3A_389 : memref<8x768xf32, #tpu.memory_space<hbm>>)
    %add3A_390 = arith.constant 32 : i32
    %add3A_391 = arith.addi %mul3A_2, %add3A_390 : i32
    %dma_start3A_392 = arith.constant 0 : i32
    %dma_start3A_393 = tpu.memref_slice %arg4[%add3A_391, %dma_start3A_392] : memref<2048x768xf32, #tpu.memory_space<hbm>> -> memref<8x768xf32, #tpu.memory_space<hbm>>
    %dma_start3A_394 = arith.constant 0 : i32
    %dma_start3A_395 = tpu.memref_slice %arg4[%add3A_391, %dma_start3A_394] : memref<2048x768xf32, #tpu.memory_space<hbm>> -> memref<8x768xf32, #tpu.memory_space<hbm>>
    tpu.enqueue_dma source(%dma_start3A_395 : memref<8x768xf32, #tpu.memory_space<hbm>>) target(%arg7 : memref<8x768xf32, #tpu.memory_space<vmem>>) target_semaphore(%arg27 : memref<!tpu.dma_semaphore, #tpu.memory_space<semaphore_mem>>)
    %dma_start3A_396 = arith.constant 0 : i32
    %dma_start3A_397 = arith.constant 32 : i32
    %dma_start3A_398 = tpu.memref_slice %arg6[%dma_start3A_396, %dma_start3A_397] : memref<4x64xi32, #tpu.memory_space<vmem>> -> memref<1x8xi32, #tpu.memory_space<vmem>>
    %dma_start3A_399 = tpu.memref_squeeze %dma_start3A_398 : memref<1x8xi32, #tpu.memory_space<vmem>> -> memref<8xi32, #tpu.memory_space<vmem>>
    %dma_start3A_400 = arith.constant 0 : i32
    %dma_start3A_401 = arith.constant 0 : i32
    %dma_start3A_402 = tpu.memref_slice %arg3[%dma_start3A_400, %dma_start3A_401] : memref<100000x768xf32, #tpu.memory_space<hbm>> -> memref<100000x768xf32, #tpu.memory_space<hbm>>
    tpu.enqueue_indirect_dma source(%dma_start3A_402 : memref<100000x768xf32, #tpu.memory_space<hbm>>) target(%arg11 : memref<8x768xf32, #tpu.memory_space<vmem>>) offsets(%dma_start3A_399 : memref<8xi32, #tpu.memory_space<vmem>>) semaphore(%arg47 : memref<!tpu.dma_semaphore, #tpu.memory_space<semaphore_mem>>)
    %dma_start3A_403 = arith.constant 1 : i32
    %dma_start3A_404 = arith.constant 32 : i32
    %dma_start3A_405 = tpu.memref_slice %arg6[%dma_start3A_403, %dma_start3A_404] : memref<4x64xi32, #tpu.memory_space<vmem>> -> memref<1x8xi32, #tpu.memory_space<vmem>>
    %dma_start3A_406 = tpu.memref_squeeze %dma_start3A_405 : memref<1x8xi32, #tpu.memory_space<vmem>> -> memref<8xi32, #tpu.memory_space<vmem>>
    %dma_start3A_407 = arith.constant 0 : i32
    %dma_start3A_408 = arith.constant 0 : i32
    %dma_start3A_409 = tpu.memref_slice %arg3[%dma_start3A_407, %dma_start3A_408] : memref<100000x768xf32, #tpu.memory_space<hbm>> -> memref<100000x768xf32, #tpu.memory_space<hbm>>
    tpu.enqueue_indirect_dma source(%dma_start3A_409 : memref<100000x768xf32, #tpu.memory_space<hbm>>) target(%arg12 : memref<8x768xf32, #tpu.memory_space<vmem>>) offsets(%dma_start3A_406 : memref<8xi32, #tpu.memory_space<vmem>>) semaphore(%arg47 : memref<!tpu.dma_semaphore, #tpu.memory_space<semaphore_mem>>)
    %dma_start3A_410 = arith.constant 2 : i32
    %dma_start3A_411 = arith.constant 32 : i32
    %dma_start3A_412 = tpu.memref_slice %arg6[%dma_start3A_410, %dma_start3A_411] : memref<4x64xi32, #tpu.memory_space<vmem>> -> memref<1x8xi32, #tpu.memory_space<vmem>>
    %dma_start3A_413 = tpu.memref_squeeze %dma_start3A_412 : memref<1x8xi32, #tpu.memory_space<vmem>> -> memref<8xi32, #tpu.memory_space<vmem>>
    %dma_start3A_414 = arith.constant 0 : i32
    %dma_start3A_415 = arith.constant 0 : i32
    %dma_start3A_416 = tpu.memref_slice %arg3[%dma_start3A_414, %dma_start3A_415] : memref<100000x768xf32, #tpu.memory_space<hbm>> -> memref<100000x768xf32, #tpu.memory_space<hbm>>
    tpu.enqueue_indirect_dma source(%dma_start3A_416 : memref<100000x768xf32, #tpu.memory_space<hbm>>) target(%arg13 : memref<8x768xf32, #tpu.memory_space<vmem>>) offsets(%dma_start3A_413 : memref<8xi32, #tpu.memory_space<vmem>>) semaphore(%arg47 : memref<!tpu.dma_semaphore, #tpu.memory_space<semaphore_mem>>)
    %dma_start3A_417 = arith.constant 3 : i32
    %dma_start3A_418 = arith.constant 32 : i32
    %dma_start3A_419 = tpu.memref_slice %arg6[%dma_start3A_417, %dma_start3A_418] : memref<4x64xi32, #tpu.memory_space<vmem>> -> memref<1x8xi32, #tpu.memory_space<vmem>>
    %dma_start3A_420 = tpu.memref_squeeze %dma_start3A_419 : memref<1x8xi32, #tpu.memory_space<vmem>> -> memref<8xi32, #tpu.memory_space<vmem>>
    %dma_start3A_421 = arith.constant 0 : i32
    %dma_start3A_422 = arith.constant 0 : i32
    %dma_start3A_423 = tpu.memref_slice %arg3[%dma_start3A_421, %dma_start3A_422] : memref<100000x768xf32, #tpu.memory_space<hbm>> -> memref<100000x768xf32, #tpu.memory_space<hbm>>
    tpu.enqueue_indirect_dma source(%dma_start3A_423 : memref<100000x768xf32, #tpu.memory_space<hbm>>) target(%arg14 : memref<8x768xf32, #tpu.memory_space<vmem>>) offsets(%dma_start3A_420 : memref<8xi32, #tpu.memory_space<vmem>>) semaphore(%arg47 : memref<!tpu.dma_semaphore, #tpu.memory_space<semaphore_mem>>)
    %dma_wait3A_424 = arith.constant 0 : i32
    %dma_wait3A_425 = tpu.memref_slice %arg4[%add3A_166, %dma_wait3A_424] : memref<2048x768xf32, #tpu.memory_space<hbm>> -> memref<8x768xf32, #tpu.memory_space<hbm>>
    %dma_wait3A_426 = arith.constant 0 : i32
    %dma_wait3A_427 = tpu.memref_slice %arg4[%add3A_166, %dma_wait3A_426] : memref<2048x768xf32, #tpu.memory_space<hbm>> -> memref<8x768xf32, #tpu.memory_space<hbm>>
    tpu.wait_dma2 semaphore(%arg29 : memref<!tpu.dma_semaphore, #tpu.memory_space<semaphore_mem>>) src(%dma_wait3A_427 : memref<8x768xf32, #tpu.memory_space<hbm>>) dst(%arg9 : memref<8x768xf32, #tpu.memory_space<vmem>>)
    %dma_wait3A_428 = arith.constant 0 : i32
    %dma_wait3A_429 = arith.constant 16 : i32
    %dma_wait3A_430 = tpu.memref_slice %arg6[%dma_wait3A_428, %dma_wait3A_429] : memref<4x64xi32, #tpu.memory_space<vmem>> -> memref<1x8xi32, #tpu.memory_space<vmem>>
    %dma_wait3A_431 = tpu.memref_squeeze %dma_wait3A_430 : memref<1x8xi32, #tpu.memory_space<vmem>> -> memref<8xi32, #tpu.memory_space<vmem>>
    %dma_wait3A_432 = arith.constant 0 : i32
    %dma_wait3A_433 = arith.constant 0 : i32
    %dma_wait3A_434 = tpu.memref_slice %arg3[%dma_wait3A_432, %dma_wait3A_433] : memref<100000x768xf32, #tpu.memory_space<hbm>> -> memref<100000x768xf32, #tpu.memory_space<hbm>>
    tpu.wait_indirect_dma semaphore(%arg49 : memref<!tpu.dma_semaphore, #tpu.memory_space<semaphore_mem>>) src(%dma_wait3A_434 : memref<100000x768xf32, #tpu.memory_space<hbm>>) dst(%arg19 : memref<8x768xf32, #tpu.memory_space<vmem>>)
    %dma_wait3A_435 = arith.constant 1 : i32
    %dma_wait3A_436 = arith.constant 16 : i32
    %dma_wait3A_437 = tpu.memref_slice %arg6[%dma_wait3A_435, %dma_wait3A_436] : memref<4x64xi32, #tpu.memory_space<vmem>> -> memref<1x8xi32, #tpu.memory_space<vmem>>
    %dma_wait3A_438 = tpu.memref_squeeze %dma_wait3A_437 : memref<1x8xi32, #tpu.memory_space<vmem>> -> memref<8xi32, #tpu.memory_space<vmem>>
    %dma_wait3A_439 = arith.constant 0 : i32
    %dma_wait3A_440 = arith.constant 0 : i32
    %dma_wait3A_441 = tpu.memref_slice %arg3[%dma_wait3A_439, %dma_wait3A_440] : memref<100000x768xf32, #tpu.memory_space<hbm>> -> memref<100000x768xf32, #tpu.memory_space<hbm>>
    tpu.wait_indirect_dma semaphore(%arg49 : memref<!tpu.dma_semaphore, #tpu.memory_space<semaphore_mem>>) src(%dma_wait3A_441 : memref<100000x768xf32, #tpu.memory_space<hbm>>) dst(%arg20 : memref<8x768xf32, #tpu.memory_space<vmem>>)
    %dma_wait3A_442 = arith.constant 2 : i32
    %dma_wait3A_443 = arith.constant 16 : i32
    %dma_wait3A_444 = tpu.memref_slice %arg6[%dma_wait3A_442, %dma_wait3A_443] : memref<4x64xi32, #tpu.memory_space<vmem>> -> memref<1x8xi32, #tpu.memory_space<vmem>>
    %dma_wait3A_445 = tpu.memref_squeeze %dma_wait3A_444 : memref<1x8xi32, #tpu.memory_space<vmem>> -> memref<8xi32, #tpu.memory_space<vmem>>
    %dma_wait3A_446 = arith.constant 0 : i32
    %dma_wait3A_447 = arith.constant 0 : i32
    %dma_wait3A_448 = tpu.memref_slice %arg3[%dma_wait3A_446, %dma_wait3A_447] : memref<100000x768xf32, #tpu.memory_space<hbm>> -> memref<100000x768xf32, #tpu.memory_space<hbm>>
    tpu.wait_indirect_dma semaphore(%arg49 : memref<!tpu.dma_semaphore, #tpu.memory_space<semaphore_mem>>) src(%dma_wait3A_448 : memref<100000x768xf32, #tpu.memory_space<hbm>>) dst(%arg21 : memref<8x768xf32, #tpu.memory_space<vmem>>)
    %dma_wait3A_449 = arith.constant 3 : i32
    %dma_wait3A_450 = arith.constant 16 : i32
    %dma_wait3A_451 = tpu.memref_slice %arg6[%dma_wait3A_449, %dma_wait3A_450] : memref<4x64xi32, #tpu.memory_space<vmem>> -> memref<1x8xi32, #tpu.memory_space<vmem>>
    %dma_wait3A_452 = tpu.memref_squeeze %dma_wait3A_451 : memref<1x8xi32, #tpu.memory_space<vmem>> -> memref<8xi32, #tpu.memory_space<vmem>>
    %dma_wait3A_453 = arith.constant 0 : i32
    %dma_wait3A_454 = arith.constant 0 : i32
    %dma_wait3A_455 = tpu.memref_slice %arg3[%dma_wait3A_453, %dma_wait3A_454] : memref<100000x768xf32, #tpu.memory_space<hbm>> -> memref<100000x768xf32, #tpu.memory_space<hbm>>
    tpu.wait_indirect_dma semaphore(%arg49 : memref<!tpu.dma_semaphore, #tpu.memory_space<semaphore_mem>>) src(%dma_wait3A_455 : memref<100000x768xf32, #tpu.memory_space<hbm>>) dst(%arg22 : memref<8x768xf32, #tpu.memory_space<vmem>>)
    %parallel_loop3A_456 = arith.constant 0 : i32
    %parallel_loop3A_457 = arith.constant 384 : i32
    %parallel_loop3A_458 = arith.constant 1 : i32
    scf.for %parallel_loop3A_1112 = %parallel_loop3A_456 to %parallel_loop3A_457 step %parallel_loop3A_458  : i32 {
      %parallel_loop3A_1113 = arith.constant 48 : i32
      %parallel_loop3A_1114 = arith.divsi %parallel_loop3A_1112, %parallel_loop3A_1113 : i32
      %parallel_loop3A_1115 = arith.constant 0 : i32
      %parallel_loop3A_1116 = arith.cmpi sgt, %parallel_loop3A_1112, %parallel_loop3A_1115 : i32
      %parallel_loop3A_1117 = arith.extui %parallel_loop3A_1116 : i1 to i32
      %parallel_loop3A_1118 = arith.constant 0 : i32
      %parallel_loop3A_1119 = arith.cmpi slt, %parallel_loop3A_1112, %parallel_loop3A_1118 : i32
      %parallel_loop3A_1120 = arith.extui %parallel_loop3A_1119 : i1 to i32
      %parallel_loop3A_1121 = arith.subi %parallel_loop3A_1117, %parallel_loop3A_1120 : i32
      %parallel_loop3A_1122 = arith.constant 0 : i32
      %parallel_loop3A_1123 = arith.cmpi sgt, %parallel_loop3A_1113, %parallel_loop3A_1122 : i32
      %parallel_loop3A_1124 = arith.extui %parallel_loop3A_1123 : i1 to i32
      %parallel_loop3A_1125 = arith.constant 0 : i32
      %parallel_loop3A_1126 = arith.cmpi slt, %parallel_loop3A_1113, %parallel_loop3A_1125 : i32
      %parallel_loop3A_1127 = arith.extui %parallel_loop3A_1126 : i1 to i32
      %parallel_loop3A_1128 = arith.subi %parallel_loop3A_1124, %parallel_loop3A_1127 : i32
      %parallel_loop3A_1129 = arith.cmpi ne, %parallel_loop3A_1121, %parallel_loop3A_1128 : i32
      %parallel_loop3A_1130 = arith.remsi %parallel_loop3A_1112, %parallel_loop3A_1113 : i32
      %parallel_loop3A_1131 = arith.constant 0 : i32
      %parallel_loop3A_1132 = arith.cmpi ne, %parallel_loop3A_1130, %parallel_loop3A_1131 : i32
      %parallel_loop3A_1133 = arith.andi %parallel_loop3A_1129, %parallel_loop3A_1132 : i1
      %parallel_loop3A_1134 = arith.constant 1 : i32
      %parallel_loop3A_1135 = arith.subi %parallel_loop3A_1114, %parallel_loop3A_1134 : i32
      %parallel_loop3A_1136 = arith.select %parallel_loop3A_1133, %parallel_loop3A_1135, %parallel_loop3A_1114 : i32
      %parallel_loop3A_1137 = arith.constant 48 : i32
      %parallel_loop3A_1138 = arith.muli %parallel_loop3A_1136, %parallel_loop3A_1137 : i32
      %parallel_loop3A_1139 = arith.subi %parallel_loop3A_1112, %parallel_loop3A_1138 : i32
      %parallel_loop3A_1140 = arith.constant 16 : i32
      %parallel_loop3A_1141 = arith.muli %parallel_loop3A_1139, %parallel_loop3A_1140 : i32
      %parallel_loop3A_1142 = arith.index_cast %parallel_loop3A_1136 : i32 to index
      %parallel_loop3A_1143 = arith.index_cast %parallel_loop3A_1141 : i32 to index
      %parallel_loop3A_1144 = tpu.vector_load %arg9[%parallel_loop3A_1142, %parallel_loop3A_1143] {strides = array<i32>} : memref<8x768xf32, #tpu.memory_space<vmem>>, vector<1x16xf32>,
      %parallel_loop3A_1145 = vector.shape_cast %parallel_loop3A_1144 : vector<1x16xf32> to vector<16xf32>
      %parallel_loop3A_1146 = arith.index_cast %parallel_loop3A_1136 : i32 to index
      %parallel_loop3A_1147 = arith.index_cast %parallel_loop3A_1141 : i32 to index
      %parallel_loop3A_1148 = tpu.vector_load %arg19[%parallel_loop3A_1146, %parallel_loop3A_1147] {strides = array<i32>} : memref<8x768xf32, #tpu.memory_space<vmem>>, vector<1x16xf32>,
      %parallel_loop3A_1149 = vector.shape_cast %parallel_loop3A_1148 : vector<1x16xf32> to vector<16xf32>
      %parallel_loop3A_1150 = arith.constant 27.7128124 : f32
      %parallel_loop3A_1151 = vector.broadcast %parallel_loop3A_1150 : f32 to vector<16xf32>
      %parallel_loop3A_1152 = arith.mulf %parallel_loop3A_1149, %parallel_loop3A_1151 : vector<16xf32>
      %parallel_loop3A_1153 = arith.addf %parallel_loop3A_1152, %parallel_loop3A_1145 : vector<16xf32>
      %parallel_loop3A_1154 = arith.index_cast %parallel_loop3A_1136 : i32 to index
      %parallel_loop3A_1155 = arith.index_cast %parallel_loop3A_1141 : i32 to index
      %parallel_loop3A_1156 = tpu.vector_load %arg19[%parallel_loop3A_1154, %parallel_loop3A_1155] {strides = array<i32>} : memref<8x768xf32, #tpu.memory_space<vmem>>, vector<1x16xf32>,
      %parallel_loop3A_1157 = vector.shape_cast %parallel_loop3A_1156 : vector<1x16xf32> to vector<16xf32>
      %parallel_loop3A_1158 = vector.shape_cast %parallel_loop3A_1153 : vector<16xf32> to vector<1x16xf32>
      tpu.vector_store %arg19[%parallel_loop3A_1154, %parallel_loop3A_1155], %parallel_loop3A_1158 {strides = array<i32>} : memref<8x768xf32, #tpu.memory_space<vmem>>, vector<1x16xf32>,
      %parallel_loop3A_1159 = arith.index_cast %parallel_loop3A_1136 : i32 to index
      %parallel_loop3A_1160 = arith.index_cast %parallel_loop3A_1141 : i32 to index
      %parallel_loop3A_1161 = tpu.vector_load %arg20[%parallel_loop3A_1159, %parallel_loop3A_1160] {strides = array<i32>} : memref<8x768xf32, #tpu.memory_space<vmem>>, vector<1x16xf32>,
      %parallel_loop3A_1162 = vector.shape_cast %parallel_loop3A_1161 : vector<1x16xf32> to vector<16xf32>
      %parallel_loop3A_1163 = arith.constant 27.7128124 : f32
      %parallel_loop3A_1164 = vector.broadcast %parallel_loop3A_1163 : f32 to vector<16xf32>
      %parallel_loop3A_1165 = arith.mulf %parallel_loop3A_1162, %parallel_loop3A_1164 : vector<16xf32>
      %parallel_loop3A_1166 = arith.addf %parallel_loop3A_1165, %parallel_loop3A_1145 : vector<16xf32>
      %parallel_loop3A_1167 = arith.index_cast %parallel_loop3A_1136 : i32 to index
      %parallel_loop3A_1168 = arith.index_cast %parallel_loop3A_1141 : i32 to index
      %parallel_loop3A_1169 = tpu.vector_load %arg20[%parallel_loop3A_1167, %parallel_loop3A_1168] {strides = array<i32>} : memref<8x768xf32, #tpu.memory_space<vmem>>, vector<1x16xf32>,
      %parallel_loop3A_1170 = vector.shape_cast %parallel_loop3A_1169 : vector<1x16xf32> to vector<16xf32>
      %parallel_loop3A_1171 = vector.shape_cast %parallel_loop3A_1166 : vector<16xf32> to vector<1x16xf32>
      tpu.vector_store %arg20[%parallel_loop3A_1167, %parallel_loop3A_1168], %parallel_loop3A_1171 {strides = array<i32>} : memref<8x768xf32, #tpu.memory_space<vmem>>, vector<1x16xf32>,
      %parallel_loop3A_1172 = arith.index_cast %parallel_loop3A_1136 : i32 to index
      %parallel_loop3A_1173 = arith.index_cast %parallel_loop3A_1141 : i32 to index
      %parallel_loop3A_1174 = tpu.vector_load %arg21[%parallel_loop3A_1172, %parallel_loop3A_1173] {strides = array<i32>} : memref<8x768xf32, #tpu.memory_space<vmem>>, vector<1x16xf32>,
      %parallel_loop3A_1175 = vector.shape_cast %parallel_loop3A_1174 : vector<1x16xf32> to vector<16xf32>
      %parallel_loop3A_1176 = arith.constant 27.7128124 : f32
      %parallel_loop3A_1177 = vector.broadcast %parallel_loop3A_1176 : f32 to vector<16xf32>
      %parallel_loop3A_1178 = arith.mulf %parallel_loop3A_1175, %parallel_loop3A_1177 : vector<16xf32>
      %parallel_loop3A_1179 = arith.addf %parallel_loop3A_1178, %parallel_loop3A_1145 : vector<16xf32>
      %parallel_loop3A_1180 = arith.index_cast %parallel_loop3A_1136 : i32 to index
      %parallel_loop3A_1181 = arith.index_cast %parallel_loop3A_1141 : i32 to index
      %parallel_loop3A_1182 = tpu.vector_load %arg21[%parallel_loop3A_1180, %parallel_loop3A_1181] {strides = array<i32>} : memref<8x768xf32, #tpu.memory_space<vmem>>, vector<1x16xf32>,
      %parallel_loop3A_1183 = vector.shape_cast %parallel_loop3A_1182 : vector<1x16xf32> to vector<16xf32>
      %parallel_loop3A_1184 = vector.shape_cast %parallel_loop3A_1179 : vector<16xf32> to vector<1x16xf32>
      tpu.vector_store %arg21[%parallel_loop3A_1180, %parallel_loop3A_1181], %parallel_loop3A_1184 {strides = array<i32>} : memref<8x768xf32, #tpu.memory_space<vmem>>, vector<1x16xf32>,
      %parallel_loop3A_1185 = arith.index_cast %parallel_loop3A_1136 : i32 to index
      %parallel_loop3A_1186 = arith.index_cast %parallel_loop3A_1141 : i32 to index
      %parallel_loop3A_1187 = tpu.vector_load %arg22[%parallel_loop3A_1185, %parallel_loop3A_1186] {strides = array<i32>} : memref<8x768xf32, #tpu.memory_space<vmem>>, vector<1x16xf32>,
      %parallel_loop3A_1188 = vector.shape_cast %parallel_loop3A_1187 : vector<1x16xf32> to vector<16xf32>
      %parallel_loop3A_1189 = arith.constant 27.7128124 : f32
      %parallel_loop3A_1190 = vector.broadcast %parallel_loop3A_1189 : f32 to vector<16xf32>
      %parallel_loop3A_1191 = arith.mulf %parallel_loop3A_1188, %parallel_loop3A_1190 : vector<16xf32>
      %parallel_loop3A_1192 = arith.addf %parallel_loop3A_1191, %parallel_loop3A_1145 : vector<16xf32>
      %parallel_loop3A_1193 = arith.index_cast %parallel_loop3A_1136 : i32 to index
      %parallel_loop3A_1194 = arith.index_cast %parallel_loop3A_1141 : i32 to index
      %parallel_loop3A_1195 = tpu.vector_load %arg22[%parallel_loop3A_1193, %parallel_loop3A_1194] {strides = array<i32>} : memref<8x768xf32, #tpu.memory_space<vmem>>, vector<1x16xf32>,
      %parallel_loop3A_1196 = vector.shape_cast %parallel_loop3A_1195 : vector<1x16xf32> to vector<16xf32>
      %parallel_loop3A_1197 = vector.shape_cast %parallel_loop3A_1192 : vector<16xf32> to vector<1x16xf32>
      tpu.vector_store %arg22[%parallel_loop3A_1193, %parallel_loop3A_1194], %parallel_loop3A_1197 {strides = array<i32>} : memref<8x768xf32, #tpu.memory_space<vmem>>, vector<1x16xf32>,
    } {sc.loop_unroll_factor = 4 : i64, sc.parallel_access}
    %add3A_459 = arith.constant 16 : i32
    %add3A_460 = arith.addi %mul3A_2, %add3A_459 : i32
    %dma_start3A_461 = arith.constant 0 : i32
    %dma_start3A_462 = arith.constant 0 : i32
    %dma_start3A_463 = tpu.memref_slice %arg5[%dma_start3A_461, %add3A_460, %dma_start3A_462] : memref<4x2048x768xf32, #tpu.memory_space<hbm>> -> memref<1x8x768xf32, #tpu.memory_space<hbm>>
    %dma_start3A_464 = tpu.memref_squeeze %dma_start3A_463 : memref<1x8x768xf32, #tpu.memory_space<hbm>> -> memref<8x768xf32, #tpu.memory_space<hbm>>
    %dma_start3A_465 = arith.constant 0 : i32
    %dma_start3A_466 = tpu.memref_slice %arg5[%dma_start3A_461, %add3A_460, %dma_start3A_465] : memref<4x2048x768xf32, #tpu.memory_space<hbm>> -> memref<1x8x768xf32, #tpu.memory_space<hbm>>
    %dma_start3A_467 = tpu.memref_squeeze %dma_start3A_466 : memref<1x8x768xf32, #tpu.memory_space<hbm>> -> memref<8x768xf32, #tpu.memory_space<hbm>>
    tpu.enqueue_dma source(%arg19 : memref<8x768xf32, #tpu.memory_space<vmem>>) target(%dma_start3A_467 : memref<8x768xf32, #tpu.memory_space<hbm>>) target_semaphore(%arg39 : memref<!tpu.dma_semaphore, #tpu.memory_space<semaphore_mem>>)
    %dma_start3A_468 = arith.constant 1 : i32
    %dma_start3A_469 = arith.constant 0 : i32
    %dma_start3A_470 = tpu.memref_slice %arg5[%dma_start3A_468, %add3A_460, %dma_start3A_469] : memref<4x2048x768xf32, #tpu.memory_space<hbm>> -> memref<1x8x768xf32, #tpu.memory_space<hbm>>
    %dma_start3A_471 = tpu.memref_squeeze %dma_start3A_470 : memref<1x8x768xf32, #tpu.memory_space<hbm>> -> memref<8x768xf32, #tpu.memory_space<hbm>>
    %dma_start3A_472 = arith.constant 0 : i32
    %dma_start3A_473 = tpu.memref_slice %arg5[%dma_start3A_468, %add3A_460, %dma_start3A_472] : memref<4x2048x768xf32, #tpu.memory_space<hbm>> -> memref<1x8x768xf32, #tpu.memory_space<hbm>>
    %dma_start3A_474 = tpu.memref_squeeze %dma_start3A_473 : memref<1x8x768xf32, #tpu.memory_space<hbm>> -> memref<8x768xf32, #tpu.memory_space<hbm>>
    tpu.enqueue_dma source(%arg20 : memref<8x768xf32, #tpu.memory_space<vmem>>) target(%dma_start3A_474 : memref<8x768xf32, #tpu.memory_space<hbm>>) target_semaphore(%arg40 : memref<!tpu.dma_semaphore, #tpu.memory_space<semaphore_mem>>)
    %dma_start3A_475 = arith.constant 2 : i32
    %dma_start3A_476 = arith.constant 0 : i32
    %dma_start3A_477 = tpu.memref_slice %arg5[%dma_start3A_475, %add3A_460, %dma_start3A_476] : memref<4x2048x768xf32, #tpu.memory_space<hbm>> -> memref<1x8x768xf32, #tpu.memory_space<hbm>>
    %dma_start3A_478 = tpu.memref_squeeze %dma_start3A_477 : memref<1x8x768xf32, #tpu.memory_space<hbm>> -> memref<8x768xf32, #tpu.memory_space<hbm>>
    %dma_start3A_479 = arith.constant 0 : i32
    %dma_start3A_480 = tpu.memref_slice %arg5[%dma_start3A_475, %add3A_460, %dma_start3A_479] : memref<4x2048x768xf32, #tpu.memory_space<hbm>> -> memref<1x8x768xf32, #tpu.memory_space<hbm>>
    %dma_start3A_481 = tpu.memref_squeeze %dma_start3A_480 : memref<1x8x768xf32, #tpu.memory_space<hbm>> -> memref<8x768xf32, #tpu.memory_space<hbm>>
    tpu.enqueue_dma source(%arg21 : memref<8x768xf32, #tpu.memory_space<vmem>>) target(%dma_start3A_481 : memref<8x768xf32, #tpu.memory_space<hbm>>) target_semaphore(%arg41 : memref<!tpu.dma_semaphore, #tpu.memory_space<semaphore_mem>>)
    %dma_start3A_482 = arith.constant 3 : i32
    %dma_start3A_483 = arith.constant 0 : i32
    %dma_start3A_484 = tpu.memref_slice %arg5[%dma_start3A_482, %add3A_460, %dma_start3A_483] : memref<4x2048x768xf32, #tpu.memory_space<hbm>> -> memref<1x8x768xf32, #tpu.memory_space<hbm>>
    %dma_start3A_485 = tpu.memref_squeeze %dma_start3A_484 : memref<1x8x768xf32, #tpu.memory_space<hbm>> -> memref<8x768xf32, #tpu.memory_space<hbm>>
    %dma_start3A_486 = arith.constant 0 : i32
    %dma_start3A_487 = tpu.memref_slice %arg5[%dma_start3A_482, %add3A_460, %dma_start3A_486] : memref<4x2048x768xf32, #tpu.memory_space<hbm>> -> memref<1x8x768xf32, #tpu.memory_space<hbm>>
    %dma_start3A_488 = tpu.memref_squeeze %dma_start3A_487 : memref<1x8x768xf32, #tpu.memory_space<hbm>> -> memref<8x768xf32, #tpu.memory_space<hbm>>
    tpu.enqueue_dma source(%arg22 : memref<8x768xf32, #tpu.memory_space<vmem>>) target(%dma_start3A_488 : memref<8x768xf32, #tpu.memory_space<hbm>>) target_semaphore(%arg42 : memref<!tpu.dma_semaphore, #tpu.memory_space<semaphore_mem>>)
    %dma_wait3A_489 = arith.constant 0 : i32
    %dma_wait3A_490 = arith.constant 0 : i32
    %dma_wait3A_491 = tpu.memref_slice %arg5[%dma_wait3A_489, %add3A_333, %dma_wait3A_490] : memref<4x2048x768xf32, #tpu.memory_space<hbm>> -> memref<1x8x768xf32, #tpu.memory_space<hbm>>
    %dma_wait3A_492 = tpu.memref_squeeze %dma_wait3A_491 : memref<1x8x768xf32, #tpu.memory_space<hbm>> -> memref<8x768xf32, #tpu.memory_space<hbm>>
    %dma_wait3A_493 = arith.constant 0 : i32
    %dma_wait3A_494 = tpu.memref_slice %arg5[%dma_wait3A_489, %add3A_333, %dma_wait3A_493] : memref<4x2048x768xf32, #tpu.memory_space<hbm>> -> memref<1x8x768xf32, #tpu.memory_space<hbm>>
    %dma_wait3A_495 = tpu.memref_squeeze %dma_wait3A_494 : memref<1x8x768xf32, #tpu.memory_space<hbm>> -> memref<8x768xf32, #tpu.memory_space<hbm>>
    tpu.wait_dma2 semaphore(%arg35 : memref<!tpu.dma_semaphore, #tpu.memory_space<semaphore_mem>>) src(%arg15 : memref<8x768xf32, #tpu.memory_space<vmem>>) dst(%dma_wait3A_495 : memref<8x768xf32, #tpu.memory_space<hbm>>)
    %dma_wait3A_496 = arith.constant 1 : i32
    %dma_wait3A_497 = arith.constant 0 : i32
    %dma_wait3A_498 = tpu.memref_slice %arg5[%dma_wait3A_496, %add3A_333, %dma_wait3A_497] : memref<4x2048x768xf32, #tpu.memory_space<hbm>> -> memref<1x8x768xf32, #tpu.memory_space<hbm>>
    %dma_wait3A_499 = tpu.memref_squeeze %dma_wait3A_498 : memref<1x8x768xf32, #tpu.memory_space<hbm>> -> memref<8x768xf32, #tpu.memory_space<hbm>>
    %dma_wait3A_500 = arith.constant 0 : i32
    %dma_wait3A_501 = tpu.memref_slice %arg5[%dma_wait3A_496, %add3A_333, %dma_wait3A_500] : memref<4x2048x768xf32, #tpu.memory_space<hbm>> -> memref<1x8x768xf32, #tpu.memory_space<hbm>>
    %dma_wait3A_502 = tpu.memref_squeeze %dma_wait3A_501 : memref<1x8x768xf32, #tpu.memory_space<hbm>> -> memref<8x768xf32, #tpu.memory_space<hbm>>
    tpu.wait_dma2 semaphore(%arg36 : memref<!tpu.dma_semaphore, #tpu.memory_space<semaphore_mem>>) src(%arg16 : memref<8x768xf32, #tpu.memory_space<vmem>>) dst(%dma_wait3A_502 : memref<8x768xf32, #tpu.memory_space<hbm>>)
    %dma_wait3A_503 = arith.constant 2 : i32
    %dma_wait3A_504 = arith.constant 0 : i32
    %dma_wait3A_505 = tpu.memref_slice %arg5[%dma_wait3A_503, %add3A_333, %dma_wait3A_504] : memref<4x2048x768xf32, #tpu.memory_space<hbm>> -> memref<1x8x768xf32, #tpu.memory_space<hbm>>
    %dma_wait3A_506 = tpu.memref_squeeze %dma_wait3A_505 : memref<1x8x768xf32, #tpu.memory_space<hbm>> -> memref<8x768xf32, #tpu.memory_space<hbm>>
    %dma_wait3A_507 = arith.constant 0 : i32
    %dma_wait3A_508 = tpu.memref_slice %arg5[%dma_wait3A_503, %add3A_333, %dma_wait3A_507] : memref<4x2048x768xf32, #tpu.memory_space<hbm>> -> memref<1x8x768xf32, #tpu.memory_space<hbm>>
    %dma_wait3A_509 = tpu.memref_squeeze %dma_wait3A_508 : memref<1x8x768xf32, #tpu.memory_space<hbm>> -> memref<8x768xf32, #tpu.memory_space<hbm>>
    tpu.wait_dma2 semaphore(%arg37 : memref<!tpu.dma_semaphore, #tpu.memory_space<semaphore_mem>>) src(%arg17 : memref<8x768xf32, #tpu.memory_space<vmem>>) dst(%dma_wait3A_509 : memref<8x768xf32, #tpu.memory_space<hbm>>)
    %dma_wait3A_510 = arith.constant 3 : i32
    %dma_wait3A_511 = arith.constant 0 : i32
    %dma_wait3A_512 = tpu.memref_slice %arg5[%dma_wait3A_510, %add3A_333, %dma_wait3A_511] : memref<4x2048x768xf32, #tpu.memory_space<hbm>> -> memref<1x8x768xf32, #tpu.memory_space<hbm>>
    %dma_wait3A_513 = tpu.memref_squeeze %dma_wait3A_512 : memref<1x8x768xf32, #tpu.memory_space<hbm>> -> memref<8x768xf32, #tpu.memory_space<hbm>>
    %dma_wait3A_514 = arith.constant 0 : i32
    %dma_wait3A_515 = tpu.memref_slice %arg5[%dma_wait3A_510, %add3A_333, %dma_wait3A_514] : memref<4x2048x768xf32, #tpu.memory_space<hbm>> -> memref<1x8x768xf32, #tpu.memory_space<hbm>>
    %dma_wait3A_516 = tpu.memref_squeeze %dma_wait3A_515 : memref<1x8x768xf32, #tpu.memory_space<hbm>> -> memref<8x768xf32, #tpu.memory_space<hbm>>
    tpu.wait_dma2 semaphore(%arg38 : memref<!tpu.dma_semaphore, #tpu.memory_space<semaphore_mem>>) src(%arg18 : memref<8x768xf32, #tpu.memory_space<vmem>>) dst(%dma_wait3A_516 : memref<8x768xf32, #tpu.memory_space<hbm>>)
    %add3A_517 = arith.constant 40 : i32
    %add3A_518 = arith.addi %mul3A_2, %add3A_517 : i32
    %dma_start3A_519 = arith.constant 0 : i32
    %dma_start3A_520 = tpu.memref_slice %arg4[%add3A_518, %dma_start3A_519] : memref<2048x768xf32, #tpu.memory_space<hbm>> -> memref<8x768xf32, #tpu.memory_space<hbm>>
    %dma_start3A_521 = arith.constant 0 : i32
    %dma_start3A_522 = tpu.memref_slice %arg4[%add3A_518, %dma_start3A_521] : memref<2048x768xf32, #tpu.memory_space<hbm>> -> memref<8x768xf32, #tpu.memory_space<hbm>>
    tpu.enqueue_dma source(%dma_start3A_522 : memref<8x768xf32, #tpu.memory_space<hbm>>) target(%arg8 : memref<8x768xf32, #tpu.memory_space<vmem>>) target_semaphore(%arg28 : memref<!tpu.dma_semaphore, #tpu.memory_space<semaphore_mem>>)
    %dma_start3A_523 = arith.constant 0 : i32
    %dma_start3A_524 = arith.constant 40 : i32
    %dma_start3A_525 = tpu.memref_slice %arg6[%dma_start3A_523, %dma_start3A_524] : memref<4x64xi32, #tpu.memory_space<vmem>> -> memref<1x8xi32, #tpu.memory_space<vmem>>
    %dma_start3A_526 = tpu.memref_squeeze %dma_start3A_525 : memref<1x8xi32, #tpu.memory_space<vmem>> -> memref<8xi32, #tpu.memory_space<vmem>>
    %dma_start3A_527 = arith.constant 0 : i32
    %dma_start3A_528 = arith.constant 0 : i32
    %dma_start3A_529 = tpu.memref_slice %arg3[%dma_start3A_527, %dma_start3A_528] : memref<100000x768xf32, #tpu.memory_space<hbm>> -> memref<100000x768xf32, #tpu.memory_space<hbm>>
    tpu.enqueue_indirect_dma source(%dma_start3A_529 : memref<100000x768xf32, #tpu.memory_space<hbm>>) target(%arg15 : memref<8x768xf32, #tpu.memory_space<vmem>>) offsets(%dma_start3A_526 : memref<8xi32, #tpu.memory_space<vmem>>) semaphore(%arg48 : memref<!tpu.dma_semaphore, #tpu.memory_space<semaphore_mem>>)
    %dma_start3A_530 = arith.constant 1 : i32
    %dma_start3A_531 = arith.constant 40 : i32
    %dma_start3A_532 = tpu.memref_slice %arg6[%dma_start3A_530, %dma_start3A_531] : memref<4x64xi32, #tpu.memory_space<vmem>> -> memref<1x8xi32, #tpu.memory_space<vmem>>
    %dma_start3A_533 = tpu.memref_squeeze %dma_start3A_532 : memref<1x8xi32, #tpu.memory_space<vmem>> -> memref<8xi32, #tpu.memory_space<vmem>>
    %dma_start3A_534 = arith.constant 0 : i32
    %dma_start3A_535 = arith.constant 0 : i32
    %dma_start3A_536 = tpu.memref_slice %arg3[%dma_start3A_534, %dma_start3A_535] : memref<100000x768xf32, #tpu.memory_space<hbm>> -> memref<100000x768xf32, #tpu.memory_space<hbm>>
    tpu.enqueue_indirect_dma source(%dma_start3A_536 : memref<100000x768xf32, #tpu.memory_space<hbm>>) target(%arg16 : memref<8x768xf32, #tpu.memory_space<vmem>>) offsets(%dma_start3A_533 : memref<8xi32, #tpu.memory_space<vmem>>) semaphore(%arg48 : memref<!tpu.dma_semaphore, #tpu.memory_space<semaphore_mem>>)
    %dma_start3A_537 = arith.constant 2 : i32
    %dma_start3A_538 = arith.constant 40 : i32
    %dma_start3A_539 = tpu.memref_slice %arg6[%dma_start3A_537, %dma_start3A_538] : memref<4x64xi32, #tpu.memory_space<vmem>> -> memref<1x8xi32, #tpu.memory_space<vmem>>
    %dma_start3A_540 = tpu.memref_squeeze %dma_start3A_539 : memref<1x8xi32, #tpu.memory_space<vmem>> -> memref<8xi32, #tpu.memory_space<vmem>>
    %dma_start3A_541 = arith.constant 0 : i32
    %dma_start3A_542 = arith.constant 0 : i32
    %dma_start3A_543 = tpu.memref_slice %arg3[%dma_start3A_541, %dma_start3A_542] : memref<100000x768xf32, #tpu.memory_space<hbm>> -> memref<100000x768xf32, #tpu.memory_space<hbm>>
    tpu.enqueue_indirect_dma source(%dma_start3A_543 : memref<100000x768xf32, #tpu.memory_space<hbm>>) target(%arg17 : memref<8x768xf32, #tpu.memory_space<vmem>>) offsets(%dma_start3A_540 : memref<8xi32, #tpu.memory_space<vmem>>) semaphore(%arg48 : memref<!tpu.dma_semaphore, #tpu.memory_space<semaphore_mem>>)
    %dma_start3A_544 = arith.constant 3 : i32
    %dma_start3A_545 = arith.constant 40 : i32
    %dma_start3A_546 = tpu.memref_slice %arg6[%dma_start3A_544, %dma_start3A_545] : memref<4x64xi32, #tpu.memory_space<vmem>> -> memref<1x8xi32, #tpu.memory_space<vmem>>
    %dma_start3A_547 = tpu.memref_squeeze %dma_start3A_546 : memref<1x8xi32, #tpu.memory_space<vmem>> -> memref<8xi32, #tpu.memory_space<vmem>>
    %dma_start3A_548 = arith.constant 0 : i32
    %dma_start3A_549 = arith.constant 0 : i32
    %dma_start3A_550 = tpu.memref_slice %arg3[%dma_start3A_548, %dma_start3A_549] : memref<100000x768xf32, #tpu.memory_space<hbm>> -> memref<100000x768xf32, #tpu.memory_space<hbm>>
    tpu.enqueue_indirect_dma source(%dma_start3A_550 : memref<100000x768xf32, #tpu.memory_space<hbm>>) target(%arg18 : memref<8x768xf32, #tpu.memory_space<vmem>>) offsets(%dma_start3A_547 : memref<8xi32, #tpu.memory_space<vmem>>) semaphore(%arg48 : memref<!tpu.dma_semaphore, #tpu.memory_space<semaphore_mem>>)
    %dma_wait3A_551 = arith.constant 0 : i32
    %dma_wait3A_552 = tpu.memref_slice %arg4[%add3A_264, %dma_wait3A_551] : memref<2048x768xf32, #tpu.memory_space<hbm>> -> memref<8x768xf32, #tpu.memory_space<hbm>>
    %dma_wait3A_553 = arith.constant 0 : i32
    %dma_wait3A_554 = tpu.memref_slice %arg4[%add3A_264, %dma_wait3A_553] : memref<2048x768xf32, #tpu.memory_space<hbm>> -> memref<8x768xf32, #tpu.memory_space<hbm>>
    tpu.wait_dma2 semaphore(%arg30 : memref<!tpu.dma_semaphore, #tpu.memory_space<semaphore_mem>>) src(%dma_wait3A_554 : memref<8x768xf32, #tpu.memory_space<hbm>>) dst(%arg10 : memref<8x768xf32, #tpu.memory_space<vmem>>)
    %dma_wait3A_555 = arith.constant 0 : i32
    %dma_wait3A_556 = arith.constant 24 : i32
    %dma_wait3A_557 = tpu.memref_slice %arg6[%dma_wait3A_555, %dma_wait3A_556] : memref<4x64xi32, #tpu.memory_space<vmem>> -> memref<1x8xi32, #tpu.memory_space<vmem>>
    %dma_wait3A_558 = tpu.memref_squeeze %dma_wait3A_557 : memref<1x8xi32, #tpu.memory_space<vmem>> -> memref<8xi32, #tpu.memory_space<vmem>>
    %dma_wait3A_559 = arith.constant 0 : i32
    %dma_wait3A_560 = arith.constant 0 : i32
    %dma_wait3A_561 = tpu.memref_slice %arg3[%dma_wait3A_559, %dma_wait3A_560] : memref<100000x768xf32, #tpu.memory_space<hbm>> -> memref<100000x768xf32, #tpu.memory_space<hbm>>
    tpu.wait_indirect_dma semaphore(%arg50 : memref<!tpu.dma_semaphore, #tpu.memory_space<semaphore_mem>>) src(%dma_wait3A_561 : memref<100000x768xf32, #tpu.memory_space<hbm>>) dst(%arg23 : memref<8x768xf32, #tpu.memory_space<vmem>>)
    %dma_wait3A_562 = arith.constant 1 : i32
    %dma_wait3A_563 = arith.constant 24 : i32
    %dma_wait3A_564 = tpu.memref_slice %arg6[%dma_wait3A_562, %dma_wait3A_563] : memref<4x64xi32, #tpu.memory_space<vmem>> -> memref<1x8xi32, #tpu.memory_space<vmem>>
    %dma_wait3A_565 = tpu.memref_squeeze %dma_wait3A_564 : memref<1x8xi32, #tpu.memory_space<vmem>> -> memref<8xi32, #tpu.memory_space<vmem>>
    %dma_wait3A_566 = arith.constant 0 : i32
    %dma_wait3A_567 = arith.constant 0 : i32
    %dma_wait3A_568 = tpu.memref_slice %arg3[%dma_wait3A_566, %dma_wait3A_567] : memref<100000x768xf32, #tpu.memory_space<hbm>> -> memref<100000x768xf32, #tpu.memory_space<hbm>>
    tpu.wait_indirect_dma semaphore(%arg50 : memref<!tpu.dma_semaphore, #tpu.memory_space<semaphore_mem>>) src(%dma_wait3A_568 : memref<100000x768xf32, #tpu.memory_space<hbm>>) dst(%arg24 : memref<8x768xf32, #tpu.memory_space<vmem>>)
    %dma_wait3A_569 = arith.constant 2 : i32
    %dma_wait3A_570 = arith.constant 24 : i32
    %dma_wait3A_571 = tpu.memref_slice %arg6[%dma_wait3A_569, %dma_wait3A_570] : memref<4x64xi32, #tpu.memory_space<vmem>> -> memref<1x8xi32, #tpu.memory_space<vmem>>
    %dma_wait3A_572 = tpu.memref_squeeze %dma_wait3A_571 : memref<1x8xi32, #tpu.memory_space<vmem>> -> memref<8xi32, #tpu.memory_space<vmem>>
    %dma_wait3A_573 = arith.constant 0 : i32
    %dma_wait3A_574 = arith.constant 0 : i32
    %dma_wait3A_575 = tpu.memref_slice %arg3[%dma_wait3A_573, %dma_wait3A_574] : memref<100000x768xf32, #tpu.memory_space<hbm>> -> memref<100000x768xf32, #tpu.memory_space<hbm>>
    tpu.wait_indirect_dma semaphore(%arg50 : memref<!tpu.dma_semaphore, #tpu.memory_space<semaphore_mem>>) src(%dma_wait3A_575 : memref<100000x768xf32, #tpu.memory_space<hbm>>) dst(%arg25 : memref<8x768xf32, #tpu.memory_space<vmem>>)
    %dma_wait3A_576 = arith.constant 3 : i32
    %dma_wait3A_577 = arith.constant 24 : i32
    %dma_wait3A_578 = tpu.memref_slice %arg6[%dma_wait3A_576, %dma_wait3A_577] : memref<4x64xi32, #tpu.memory_space<vmem>> -> memref<1x8xi32, #tpu.memory_space<vmem>>
    %dma_wait3A_579 = tpu.memref_squeeze %dma_wait3A_578 : memref<1x8xi32, #tpu.memory_space<vmem>> -> memref<8xi32, #tpu.memory_space<vmem>>
    %dma_wait3A_580 = arith.constant 0 : i32
    %dma_wait3A_581 = arith.constant 0 : i32
    %dma_wait3A_582 = tpu.memref_slice %arg3[%dma_wait3A_580, %dma_wait3A_581] : memref<100000x768xf32, #tpu.memory_space<hbm>> -> memref<100000x768xf32, #tpu.memory_space<hbm>>
    tpu.wait_indirect_dma semaphore(%arg50 : memref<!tpu.dma_semaphore, #tpu.memory_space<semaphore_mem>>) src(%dma_wait3A_582 : memref<100000x768xf32, #tpu.memory_space<hbm>>) dst(%arg26 : memref<8x768xf32, #tpu.memory_space<vmem>>)
    %parallel_loop3A_583 = arith.constant 0 : i32
    %parallel_loop3A_584 = arith.constant 384 : i32
    %parallel_loop3A_585 = arith.constant 1 : i32
    scf.for %parallel_loop3A_1112 = %parallel_loop3A_583 to %parallel_loop3A_584 step %parallel_loop3A_585  : i32 {
      %parallel_loop3A_1113 = arith.constant 48 : i32
      %parallel_loop3A_1114 = arith.divsi %parallel_loop3A_1112, %parallel_loop3A_1113 : i32
      %parallel_loop3A_1115 = arith.constant 0 : i32
      %parallel_loop3A_1116 = arith.cmpi sgt, %parallel_loop3A_1112, %parallel_loop3A_1115 : i32
      %parallel_loop3A_1117 = arith.extui %parallel_loop3A_1116 : i1 to i32
      %parallel_loop3A_1118 = arith.constant 0 : i32
      %parallel_loop3A_1119 = arith.cmpi slt, %parallel_loop3A_1112, %parallel_loop3A_1118 : i32
      %parallel_loop3A_1120 = arith.extui %parallel_loop3A_1119 : i1 to i32
      %parallel_loop3A_1121 = arith.subi %parallel_loop3A_1117, %parallel_loop3A_1120 : i32
      %parallel_loop3A_1122 = arith.constant 0 : i32
      %parallel_loop3A_1123 = arith.cmpi sgt, %parallel_loop3A_1113, %parallel_loop3A_1122 : i32
      %parallel_loop3A_1124 = arith.extui %parallel_loop3A_1123 : i1 to i32
      %parallel_loop3A_1125 = arith.constant 0 : i32
      %parallel_loop3A_1126 = arith.cmpi slt, %parallel_loop3A_1113, %parallel_loop3A_1125 : i32
      %parallel_loop3A_1127 = arith.extui %parallel_loop3A_1126 : i1 to i32
      %parallel_loop3A_1128 = arith.subi %parallel_loop3A_1124, %parallel_loop3A_1127 : i32
      %parallel_loop3A_1129 = arith.cmpi ne, %parallel_loop3A_1121, %parallel_loop3A_1128 : i32
      %parallel_loop3A_1130 = arith.remsi %parallel_loop3A_1112, %parallel_loop3A_1113 : i32
      %parallel_loop3A_1131 = arith.constant 0 : i32
      %parallel_loop3A_1132 = arith.cmpi ne, %parallel_loop3A_1130, %parallel_loop3A_1131 : i32
      %parallel_loop3A_1133 = arith.andi %parallel_loop3A_1129, %parallel_loop3A_1132 : i1
      %parallel_loop3A_1134 = arith.constant 1 : i32
      %parallel_loop3A_1135 = arith.subi %parallel_loop3A_1114, %parallel_loop3A_1134 : i32
      %parallel_loop3A_1136 = arith.select %parallel_loop3A_1133, %parallel_loop3A_1135, %parallel_loop3A_1114 : i32
      %parallel_loop3A_1137 = arith.constant 48 : i32
      %parallel_loop3A_1138 = arith.muli %parallel_loop3A_1136, %parallel_loop3A_1137 : i32
      %parallel_loop3A_1139 = arith.subi %parallel_loop3A_1112, %parallel_loop3A_1138 : i32
      %parallel_loop3A_1140 = arith.constant 16 : i32
      %parallel_loop3A_1141 = arith.muli %parallel_loop3A_1139, %parallel_loop3A_1140 : i32
      %parallel_loop3A_1142 = arith.index_cast %parallel_loop3A_1136 : i32 to index
      %parallel_loop3A_1143 = arith.index_cast %parallel_loop3A_1141 : i32 to index
      %parallel_loop3A_1144 = tpu.vector_load %arg10[%parallel_loop3A_1142, %parallel_loop3A_1143] {strides = array<i32>} : memref<8x768xf32, #tpu.memory_space<vmem>>, vector<1x16xf32>,
      %parallel_loop3A_1145 = vector.shape_cast %parallel_loop3A_1144 : vector<1x16xf32> to vector<16xf32>
      %parallel_loop3A_1146 = arith.index_cast %parallel_loop3A_1136 : i32 to index
      %parallel_loop3A_1147 = arith.index_cast %parallel_loop3A_1141 : i32 to index
      %parallel_loop3A_1148 = tpu.vector_load %arg23[%parallel_loop3A_1146, %parallel_loop3A_1147] {strides = array<i32>} : memref<8x768xf32, #tpu.memory_space<vmem>>, vector<1x16xf32>,
      %parallel_loop3A_1149 = vector.shape_cast %parallel_loop3A_1148 : vector<1x16xf32> to vector<16xf32>
      %parallel_loop3A_1150 = arith.constant 27.7128124 : f32
      %parallel_loop3A_1151 = vector.broadcast %parallel_loop3A_1150 : f32 to vector<16xf32>
      %parallel_loop3A_1152 = arith.mulf %parallel_loop3A_1149, %parallel_loop3A_1151 : vector<16xf32>
      %parallel_loop3A_1153 = arith.addf %parallel_loop3A_1152, %parallel_loop3A_1145 : vector<16xf32>
      %parallel_loop3A_1154 = arith.index_cast %parallel_loop3A_1136 : i32 to index
      %parallel_loop3A_1155 = arith.index_cast %parallel_loop3A_1141 : i32 to index
      %parallel_loop3A_1156 = tpu.vector_load %arg23[%parallel_loop3A_1154, %parallel_loop3A_1155] {strides = array<i32>} : memref<8x768xf32, #tpu.memory_space<vmem>>, vector<1x16xf32>,
      %parallel_loop3A_1157 = vector.shape_cast %parallel_loop3A_1156 : vector<1x16xf32> to vector<16xf32>
      %parallel_loop3A_1158 = vector.shape_cast %parallel_loop3A_1153 : vector<16xf32> to vector<1x16xf32>
      tpu.vector_store %arg23[%parallel_loop3A_1154, %parallel_loop3A_1155], %parallel_loop3A_1158 {strides = array<i32>} : memref<8x768xf32, #tpu.memory_space<vmem>>, vector<1x16xf32>,
      %parallel_loop3A_1159 = arith.index_cast %parallel_loop3A_1136 : i32 to index
      %parallel_loop3A_1160 = arith.index_cast %parallel_loop3A_1141 : i32 to index
      %parallel_loop3A_1161 = tpu.vector_load %arg24[%parallel_loop3A_1159, %parallel_loop3A_1160] {strides = array<i32>} : memref<8x768xf32, #tpu.memory_space<vmem>>, vector<1x16xf32>,
      %parallel_loop3A_1162 = vector.shape_cast %parallel_loop3A_1161 : vector<1x16xf32> to vector<16xf32>
      %parallel_loop3A_1163 = arith.constant 27.7128124 : f32
      %parallel_loop3A_1164 = vector.broadcast %parallel_loop3A_1163 : f32 to vector<16xf32>
      %parallel_loop3A_1165 = arith.mulf %parallel_loop3A_1162, %parallel_loop3A_1164 : vector<16xf32>
      %parallel_loop3A_1166 = arith.addf %parallel_loop3A_1165, %parallel_loop3A_1145 : vector<16xf32>
      %parallel_loop3A_1167 = arith.index_cast %parallel_loop3A_1136 : i32 to index
      %parallel_loop3A_1168 = arith.index_cast %parallel_loop3A_1141 : i32 to index
      %parallel_loop3A_1169 = tpu.vector_load %arg24[%parallel_loop3A_1167, %parallel_loop3A_1168] {strides = array<i32>} : memref<8x768xf32, #tpu.memory_space<vmem>>, vector<1x16xf32>,
      %parallel_loop3A_1170 = vector.shape_cast %parallel_loop3A_1169 : vector<1x16xf32> to vector<16xf32>
      %parallel_loop3A_1171 = vector.shape_cast %parallel_loop3A_1166 : vector<16xf32> to vector<1x16xf32>
      tpu.vector_store %arg24[%parallel_loop3A_1167, %parallel_loop3A_1168], %parallel_loop3A_1171 {strides = array<i32>} : memref<8x768xf32, #tpu.memory_space<vmem>>, vector<1x16xf32>,
      %parallel_loop3A_1172 = arith.index_cast %parallel_loop3A_1136 : i32 to index
      %parallel_loop3A_1173 = arith.index_cast %parallel_loop3A_1141 : i32 to index
      %parallel_loop3A_1174 = tpu.vector_load %arg25[%parallel_loop3A_1172, %parallel_loop3A_1173] {strides = array<i32>} : memref<8x768xf32, #tpu.memory_space<vmem>>, vector<1x16xf32>,
      %parallel_loop3A_1175 = vector.shape_cast %parallel_loop3A_1174 : vector<1x16xf32> to vector<16xf32>
      %parallel_loop3A_1176 = arith.constant 27.7128124 : f32
      %parallel_loop3A_1177 = vector.broadcast %parallel_loop3A_1176 : f32 to vector<16xf32>
      %parallel_loop3A_1178 = arith.mulf %parallel_loop3A_1175, %parallel_loop3A_1177 : vector<16xf32>
      %parallel_loop3A_1179 = arith.addf %parallel_loop3A_1178, %parallel_loop3A_1145 : vector<16xf32>
      %parallel_loop3A_1180 = arith.index_cast %parallel_loop3A_1136 : i32 to index
      %parallel_loop3A_1181 = arith.index_cast %parallel_loop3A_1141 : i32 to index
      %parallel_loop3A_1182 = tpu.vector_load %arg25[%parallel_loop3A_1180, %parallel_loop3A_1181] {strides = array<i32>} : memref<8x768xf32, #tpu.memory_space<vmem>>, vector<1x16xf32>,
      %parallel_loop3A_1183 = vector.shape_cast %parallel_loop3A_1182 : vector<1x16xf32> to vector<16xf32>
      %parallel_loop3A_1184 = vector.shape_cast %parallel_loop3A_1179 : vector<16xf32> to vector<1x16xf32>
      tpu.vector_store %arg25[%parallel_loop3A_1180, %parallel_loop3A_1181], %parallel_loop3A_1184 {strides = array<i32>} : memref<8x768xf32, #tpu.memory_space<vmem>>, vector<1x16xf32>,
      %parallel_loop3A_1185 = arith.index_cast %parallel_loop3A_1136 : i32 to index
      %parallel_loop3A_1186 = arith.index_cast %parallel_loop3A_1141 : i32 to index
      %parallel_loop3A_1187 = tpu.vector_load %arg26[%parallel_loop3A_1185, %parallel_loop3A_1186] {strides = array<i32>} : memref<8x768xf32, #tpu.memory_space<vmem>>, vector<1x16xf32>,
      %parallel_loop3A_1188 = vector.shape_cast %parallel_loop3A_1187 : vector<1x16xf32> to vector<16xf32>
      %parallel_loop3A_1189 = arith.constant 27.7128124 : f32
      %parallel_loop3A_1190 = vector.broadcast %parallel_loop3A_1189 : f32 to vector<16xf32>
      %parallel_loop3A_1191 = arith.mulf %parallel_loop3A_1188, %parallel_loop3A_1190 : vector<16xf32>
      %parallel_loop3A_1192 = arith.addf %parallel_loop3A_1191, %parallel_loop3A_1145 : vector<16xf32>
      %parallel_loop3A_1193 = arith.index_cast %parallel_loop3A_1136 : i32 to index
      %parallel_loop3A_1194 = arith.index_cast %parallel_loop3A_1141 : i32 to index
      %parallel_loop3A_1195 = tpu.vector_load %arg26[%parallel_loop3A_1193, %parallel_loop3A_1194] {strides = array<i32>} : memref<8x768xf32, #tpu.memory_space<vmem>>, vector<1x16xf32>,
      %parallel_loop3A_1196 = vector.shape_cast %parallel_loop3A_1195 : vector<1x16xf32> to vector<16xf32>
      %parallel_loop3A_1197 = vector.shape_cast %parallel_loop3A_1192 : vector<16xf32> to vector<1x16xf32>
      tpu.vector_store %arg26[%parallel_loop3A_1193, %parallel_loop3A_1194], %parallel_loop3A_1197 {strides = array<i32>} : memref<8x768xf32, #tpu.memory_space<vmem>>, vector<1x16xf32>,
    } {sc.loop_unroll_factor = 4 : i64, sc.parallel_access}
    %add3A_586 = arith.constant 24 : i32
    %add3A_587 = arith.addi %mul3A_2, %add3A_586 : i32
    %dma_start3A_588 = arith.constant 0 : i32
    %dma_start3A_589 = arith.constant 0 : i32
    %dma_start3A_590 = tpu.memref_slice %arg5[%dma_start3A_588, %add3A_587, %dma_start3A_589] : memref<4x2048x768xf32, #tpu.memory_space<hbm>> -> memref<1x8x768xf32, #tpu.memory_space<hbm>>
    %dma_start3A_591 = tpu.memref_squeeze %dma_start3A_590 : memref<1x8x768xf32, #tpu.memory_space<hbm>> -> memref<8x768xf32, #tpu.memory_space<hbm>>
    %dma_start3A_592 = arith.constant 0 : i32
    %dma_start3A_593 = tpu.memref_slice %arg5[%dma_start3A_588, %add3A_587, %dma_start3A_592] : memref<4x2048x768xf32, #tpu.memory_space<hbm>> -> memref<1x8x768xf32, #tpu.memory_space<hbm>>
    %dma_start3A_594 = tpu.memref_squeeze %dma_start3A_593 : memref<1x8x768xf32, #tpu.memory_space<hbm>> -> memref<8x768xf32, #tpu.memory_space<hbm>>
    tpu.enqueue_dma source(%arg23 : memref<8x768xf32, #tpu.memory_space<vmem>>) target(%dma_start3A_594 : memref<8x768xf32, #tpu.memory_space<hbm>>) target_semaphore(%arg43 : memref<!tpu.dma_semaphore, #tpu.memory_space<semaphore_mem>>)
    %dma_start3A_595 = arith.constant 1 : i32
    %dma_start3A_596 = arith.constant 0 : i32
    %dma_start3A_597 = tpu.memref_slice %arg5[%dma_start3A_595, %add3A_587, %dma_start3A_596] : memref<4x2048x768xf32, #tpu.memory_space<hbm>> -> memref<1x8x768xf32, #tpu.memory_space<hbm>>
    %dma_start3A_598 = tpu.memref_squeeze %dma_start3A_597 : memref<1x8x768xf32, #tpu.memory_space<hbm>> -> memref<8x768xf32, #tpu.memory_space<hbm>>
    %dma_start3A_599 = arith.constant 0 : i32
    %dma_start3A_600 = tpu.memref_slice %arg5[%dma_start3A_595, %add3A_587, %dma_start3A_599] : memref<4x2048x768xf32, #tpu.memory_space<hbm>> -> memref<1x8x768xf32, #tpu.memory_space<hbm>>
    %dma_start3A_601 = tpu.memref_squeeze %dma_start3A_600 : memref<1x8x768xf32, #tpu.memory_space<hbm>> -> memref<8x768xf32, #tpu.memory_space<hbm>>
    tpu.enqueue_dma source(%arg24 : memref<8x768xf32, #tpu.memory_space<vmem>>) target(%dma_start3A_601 : memref<8x768xf32, #tpu.memory_space<hbm>>) target_semaphore(%arg44 : memref<!tpu.dma_semaphore, #tpu.memory_space<semaphore_mem>>)
    %dma_start3A_602 = arith.constant 2 : i32
    %dma_start3A_603 = arith.constant 0 : i32
    %dma_start3A_604 = tpu.memref_slice %arg5[%dma_start3A_602, %add3A_587, %dma_start3A_603] : memref<4x2048x768xf32, #tpu.memory_space<hbm>> -> memref<1x8x768xf32, #tpu.memory_space<hbm>>
    %dma_start3A_605 = tpu.memref_squeeze %dma_start3A_604 : memref<1x8x768xf32, #tpu.memory_space<hbm>> -> memref<8x768xf32, #tpu.memory_space<hbm>>
    %dma_start3A_606 = arith.constant 0 : i32
    %dma_start3A_607 = tpu.memref_slice %arg5[%dma_start3A_602, %add3A_587, %dma_start3A_606] : memref<4x2048x768xf32, #tpu.memory_space<hbm>> -> memref<1x8x768xf32, #tpu.memory_space<hbm>>
    %dma_start3A_608 = tpu.memref_squeeze %dma_start3A_607 : memref<1x8x768xf32, #tpu.memory_space<hbm>> -> memref<8x768xf32, #tpu.memory_space<hbm>>
    tpu.enqueue_dma source(%arg25 : memref<8x768xf32, #tpu.memory_space<vmem>>) target(%dma_start3A_608 : memref<8x768xf32, #tpu.memory_space<hbm>>) target_semaphore(%arg45 : memref<!tpu.dma_semaphore, #tpu.memory_space<semaphore_mem>>)
    %dma_start3A_609 = arith.constant 3 : i32
    %dma_start3A_610 = arith.constant 0 : i32
    %dma_start3A_611 = tpu.memref_slice %arg5[%dma_start3A_609, %add3A_587, %dma_start3A_610] : memref<4x2048x768xf32, #tpu.memory_space<hbm>> -> memref<1x8x768xf32, #tpu.memory_space<hbm>>
    %dma_start3A_612 = tpu.memref_squeeze %dma_start3A_611 : memref<1x8x768xf32, #tpu.memory_space<hbm>> -> memref<8x768xf32, #tpu.memory_space<hbm>>
    %dma_start3A_613 = arith.constant 0 : i32
    %dma_start3A_614 = tpu.memref_slice %arg5[%dma_start3A_609, %add3A_587, %dma_start3A_613] : memref<4x2048x768xf32, #tpu.memory_space<hbm>> -> memref<1x8x768xf32, #tpu.memory_space<hbm>>
    %dma_start3A_615 = tpu.memref_squeeze %dma_start3A_614 : memref<1x8x768xf32, #tpu.memory_space<hbm>> -> memref<8x768xf32, #tpu.memory_space<hbm>>
    tpu.enqueue_dma source(%arg26 : memref<8x768xf32, #tpu.memory_space<vmem>>) target(%dma_start3A_615 : memref<8x768xf32, #tpu.memory_space<hbm>>) target_semaphore(%arg46 : memref<!tpu.dma_semaphore, #tpu.memory_space<semaphore_mem>>)
    %dma_wait3A_616 = arith.constant 0 : i32
    %dma_wait3A_617 = arith.constant 0 : i32
    %dma_wait3A_618 = tpu.memref_slice %arg5[%dma_wait3A_616, %add3A_460, %dma_wait3A_617] : memref<4x2048x768xf32, #tpu.memory_space<hbm>> -> memref<1x8x768xf32, #tpu.memory_space<hbm>>
    %dma_wait3A_619 = tpu.memref_squeeze %dma_wait3A_618 : memref<1x8x768xf32, #tpu.memory_space<hbm>> -> memref<8x768xf32, #tpu.memory_space<hbm>>
    %dma_wait3A_620 = arith.constant 0 : i32
    %dma_wait3A_621 = tpu.memref_slice %arg5[%dma_wait3A_616, %add3A_460, %dma_wait3A_620] : memref<4x2048x768xf32, #tpu.memory_space<hbm>> -> memref<1x8x768xf32, #tpu.memory_space<hbm>>
    %dma_wait3A_622 = tpu.memref_squeeze %dma_wait3A_621 : memref<1x8x768xf32, #tpu.memory_space<hbm>> -> memref<8x768xf32, #tpu.memory_space<hbm>>
    tpu.wait_dma2 semaphore(%arg39 : memref<!tpu.dma_semaphore, #tpu.memory_space<semaphore_mem>>) src(%arg19 : memref<8x768xf32, #tpu.memory_space<vmem>>) dst(%dma_wait3A_622 : memref<8x768xf32, #tpu.memory_space<hbm>>)
    %dma_wait3A_623 = arith.constant 1 : i32
    %dma_wait3A_624 = arith.constant 0 : i32
    %dma_wait3A_625 = tpu.memref_slice %arg5[%dma_wait3A_623, %add3A_460, %dma_wait3A_624] : memref<4x2048x768xf32, #tpu.memory_space<hbm>> -> memref<1x8x768xf32, #tpu.memory_space<hbm>>
    %dma_wait3A_626 = tpu.memref_squeeze %dma_wait3A_625 : memref<1x8x768xf32, #tpu.memory_space<hbm>> -> memref<8x768xf32, #tpu.memory_space<hbm>>
    %dma_wait3A_627 = arith.constant 0 : i32
    %dma_wait3A_628 = tpu.memref_slice %arg5[%dma_wait3A_623, %add3A_460, %dma_wait3A_627] : memref<4x2048x768xf32, #tpu.memory_space<hbm>> -> memref<1x8x768xf32, #tpu.memory_space<hbm>>
    %dma_wait3A_629 = tpu.memref_squeeze %dma_wait3A_628 : memref<1x8x768xf32, #tpu.memory_space<hbm>> -> memref<8x768xf32, #tpu.memory_space<hbm>>
    tpu.wait_dma2 semaphore(%arg40 : memref<!tpu.dma_semaphore, #tpu.memory_space<semaphore_mem>>) src(%arg20 : memref<8x768xf32, #tpu.memory_space<vmem>>) dst(%dma_wait3A_629 : memref<8x768xf32, #tpu.memory_space<hbm>>)
    %dma_wait3A_630 = arith.constant 2 : i32
    %dma_wait3A_631 = arith.constant 0 : i32
    %dma_wait3A_632 = tpu.memref_slice %arg5[%dma_wait3A_630, %add3A_460, %dma_wait3A_631] : memref<4x2048x768xf32, #tpu.memory_space<hbm>> -> memref<1x8x768xf32, #tpu.memory_space<hbm>>
    %dma_wait3A_633 = tpu.memref_squeeze %dma_wait3A_632 : memref<1x8x768xf32, #tpu.memory_space<hbm>> -> memref<8x768xf32, #tpu.memory_space<hbm>>
    %dma_wait3A_634 = arith.constant 0 : i32
    %dma_wait3A_635 = tpu.memref_slice %arg5[%dma_wait3A_630, %add3A_460, %dma_wait3A_634] : memref<4x2048x768xf32, #tpu.memory_space<hbm>> -> memref<1x8x768xf32, #tpu.memory_space<hbm>>
    %dma_wait3A_636 = tpu.memref_squeeze %dma_wait3A_635 : memref<1x8x768xf32, #tpu.memory_space<hbm>> -> memref<8x768xf32, #tpu.memory_space<hbm>>
    tpu.wait_dma2 semaphore(%arg41 : memref<!tpu.dma_semaphore, #tpu.memory_space<semaphore_mem>>) src(%arg21 : memref<8x768xf32, #tpu.memory_space<vmem>>) dst(%dma_wait3A_636 : memref<8x768xf32, #tpu.memory_space<hbm>>)
    %dma_wait3A_637 = arith.constant 3 : i32
    %dma_wait3A_638 = arith.constant 0 : i32
    %dma_wait3A_639 = tpu.memref_slice %arg5[%dma_wait3A_637, %add3A_460, %dma_wait3A_638] : memref<4x2048x768xf32, #tpu.memory_space<hbm>> -> memref<1x8x768xf32, #tpu.memory_space<hbm>>
    %dma_wait3A_640 = tpu.memref_squeeze %dma_wait3A_639 : memref<1x8x768xf32, #tpu.memory_space<hbm>> -> memref<8x768xf32, #tpu.memory_space<hbm>>
    %dma_wait3A_641 = arith.constant 0 : i32
    %dma_wait3A_642 = tpu.memref_slice %arg5[%dma_wait3A_637, %add3A_460, %dma_wait3A_641] : memref<4x2048x768xf32, #tpu.memory_space<hbm>> -> memref<1x8x768xf32, #tpu.memory_space<hbm>>
    %dma_wait3A_643 = tpu.memref_squeeze %dma_wait3A_642 : memref<1x8x768xf32, #tpu.memory_space<hbm>> -> memref<8x768xf32, #tpu.memory_space<hbm>>
    tpu.wait_dma2 semaphore(%arg42 : memref<!tpu.dma_semaphore, #tpu.memory_space<semaphore_mem>>) src(%arg22 : memref<8x768xf32, #tpu.memory_space<vmem>>) dst(%dma_wait3A_643 : memref<8x768xf32, #tpu.memory_space<hbm>>)
    %add3A_644 = arith.constant 48 : i32
    %add3A_645 = arith.addi %mul3A_2, %add3A_644 : i32
    %dma_start3A_646 = arith.constant 0 : i32
    %dma_start3A_647 = tpu.memref_slice %arg4[%add3A_645, %dma_start3A_646] : memref<2048x768xf32, #tpu.memory_space<hbm>> -> memref<8x768xf32, #tpu.memory_space<hbm>>
    %dma_start3A_648 = arith.constant 0 : i32
    %dma_start3A_649 = tpu.memref_slice %arg4[%add3A_645, %dma_start3A_648] : memref<2048x768xf32, #tpu.memory_space<hbm>> -> memref<8x768xf32, #tpu.memory_space<hbm>>
    tpu.enqueue_dma source(%dma_start3A_649 : memref<8x768xf32, #tpu.memory_space<hbm>>) target(%arg9 : memref<8x768xf32, #tpu.memory_space<vmem>>) target_semaphore(%arg29 : memref<!tpu.dma_semaphore, #tpu.memory_space<semaphore_mem>>)
    %dma_start3A_650 = arith.constant 0 : i32
    %dma_start3A_651 = arith.constant 48 : i32
    %dma_start3A_652 = tpu.memref_slice %arg6[%dma_start3A_650, %dma_start3A_651] : memref<4x64xi32, #tpu.memory_space<vmem>> -> memref<1x8xi32, #tpu.memory_space<vmem>>
    %dma_start3A_653 = tpu.memref_squeeze %dma_start3A_652 : memref<1x8xi32, #tpu.memory_space<vmem>> -> memref<8xi32, #tpu.memory_space<vmem>>
    %dma_start3A_654 = arith.constant 0 : i32
    %dma_start3A_655 = arith.constant 0 : i32
    %dma_start3A_656 = tpu.memref_slice %arg3[%dma_start3A_654, %dma_start3A_655] : memref<100000x768xf32, #tpu.memory_space<hbm>> -> memref<100000x768xf32, #tpu.memory_space<hbm>>
    tpu.enqueue_indirect_dma source(%dma_start3A_656 : memref<100000x768xf32, #tpu.memory_space<hbm>>) target(%arg19 : memref<8x768xf32, #tpu.memory_space<vmem>>) offsets(%dma_start3A_653 : memref<8xi32, #tpu.memory_space<vmem>>) semaphore(%arg49 : memref<!tpu.dma_semaphore, #tpu.memory_space<semaphore_mem>>)
    %dma_start3A_657 = arith.constant 1 : i32
    %dma_start3A_658 = arith.constant 48 : i32
    %dma_start3A_659 = tpu.memref_slice %arg6[%dma_start3A_657, %dma_start3A_658] : memref<4x64xi32, #tpu.memory_space<vmem>> -> memref<1x8xi32, #tpu.memory_space<vmem>>
    %dma_start3A_660 = tpu.memref_squeeze %dma_start3A_659 : memref<1x8xi32, #tpu.memory_space<vmem>> -> memref<8xi32, #tpu.memory_space<vmem>>
    %dma_start3A_661 = arith.constant 0 : i32
    %dma_start3A_662 = arith.constant 0 : i32
    %dma_start3A_663 = tpu.memref_slice %arg3[%dma_start3A_661, %dma_start3A_662] : memref<100000x768xf32, #tpu.memory_space<hbm>> -> memref<100000x768xf32, #tpu.memory_space<hbm>>
    tpu.enqueue_indirect_dma source(%dma_start3A_663 : memref<100000x768xf32, #tpu.memory_space<hbm>>) target(%arg20 : memref<8x768xf32, #tpu.memory_space<vmem>>) offsets(%dma_start3A_660 : memref<8xi32, #tpu.memory_space<vmem>>) semaphore(%arg49 : memref<!tpu.dma_semaphore, #tpu.memory_space<semaphore_mem>>)
    %dma_start3A_664 = arith.constant 2 : i32
    %dma_start3A_665 = arith.constant 48 : i32
    %dma_start3A_666 = tpu.memref_slice %arg6[%dma_start3A_664, %dma_start3A_665] : memref<4x64xi32, #tpu.memory_space<vmem>> -> memref<1x8xi32, #tpu.memory_space<vmem>>
    %dma_start3A_667 = tpu.memref_squeeze %dma_start3A_666 : memref<1x8xi32, #tpu.memory_space<vmem>> -> memref<8xi32, #tpu.memory_space<vmem>>
    %dma_start3A_668 = arith.constant 0 : i32
    %dma_start3A_669 = arith.constant 0 : i32
    %dma_start3A_670 = tpu.memref_slice %arg3[%dma_start3A_668, %dma_start3A_669] : memref<100000x768xf32, #tpu.memory_space<hbm>> -> memref<100000x768xf32, #tpu.memory_space<hbm>>
    tpu.enqueue_indirect_dma source(%dma_start3A_670 : memref<100000x768xf32, #tpu.memory_space<hbm>>) target(%arg21 : memref<8x768xf32, #tpu.memory_space<vmem>>) offsets(%dma_start3A_667 : memref<8xi32, #tpu.memory_space<vmem>>) semaphore(%arg49 : memref<!tpu.dma_semaphore, #tpu.memory_space<semaphore_mem>>)
    %dma_start3A_671 = arith.constant 3 : i32
    %dma_start3A_672 = arith.constant 48 : i32
    %dma_start3A_673 = tpu.memref_slice %arg6[%dma_start3A_671, %dma_start3A_672] : memref<4x64xi32, #tpu.memory_space<vmem>> -> memref<1x8xi32, #tpu.memory_space<vmem>>
    %dma_start3A_674 = tpu.memref_squeeze %dma_start3A_673 : memref<1x8xi32, #tpu.memory_space<vmem>> -> memref<8xi32, #tpu.memory_space<vmem>>
    %dma_start3A_675 = arith.constant 0 : i32
    %dma_start3A_676 = arith.constant 0 : i32
    %dma_start3A_677 = tpu.memref_slice %arg3[%dma_start3A_675, %dma_start3A_676] : memref<100000x768xf32, #tpu.memory_space<hbm>> -> memref<100000x768xf32, #tpu.memory_space<hbm>>
    tpu.enqueue_indirect_dma source(%dma_start3A_677 : memref<100000x768xf32, #tpu.memory_space<hbm>>) target(%arg22 : memref<8x768xf32, #tpu.memory_space<vmem>>) offsets(%dma_start3A_674 : memref<8xi32, #tpu.memory_space<vmem>>) semaphore(%arg49 : memref<!tpu.dma_semaphore, #tpu.memory_space<semaphore_mem>>)
    %dma_wait3A_678 = arith.constant 0 : i32
    %dma_wait3A_679 = tpu.memref_slice %arg4[%add3A_391, %dma_wait3A_678] : memref<2048x768xf32, #tpu.memory_space<hbm>> -> memref<8x768xf32, #tpu.memory_space<hbm>>
    %dma_wait3A_680 = arith.constant 0 : i32
    %dma_wait3A_681 = tpu.memref_slice %arg4[%add3A_391, %dma_wait3A_680] : memref<2048x768xf32, #tpu.memory_space<hbm>> -> memref<8x768xf32, #tpu.memory_space<hbm>>
    tpu.wait_dma2 semaphore(%arg27 : memref<!tpu.dma_semaphore, #tpu.memory_space<semaphore_mem>>) src(%dma_wait3A_681 : memref<8x768xf32, #tpu.memory_space<hbm>>) dst(%arg7 : memref<8x768xf32, #tpu.memory_space<vmem>>)
    %dma_wait3A_682 = arith.constant 0 : i32
    %dma_wait3A_683 = arith.constant 32 : i32
    %dma_wait3A_684 = tpu.memref_slice %arg6[%dma_wait3A_682, %dma_wait3A_683] : memref<4x64xi32, #tpu.memory_space<vmem>> -> memref<1x8xi32, #tpu.memory_space<vmem>>
    %dma_wait3A_685 = tpu.memref_squeeze %dma_wait3A_684 : memref<1x8xi32, #tpu.memory_space<vmem>> -> memref<8xi32, #tpu.memory_space<vmem>>
    %dma_wait3A_686 = arith.constant 0 : i32
    %dma_wait3A_687 = arith.constant 0 : i32
    %dma_wait3A_688 = tpu.memref_slice %arg3[%dma_wait3A_686, %dma_wait3A_687] : memref<100000x768xf32, #tpu.memory_space<hbm>> -> memref<100000x768xf32, #tpu.memory_space<hbm>>
    tpu.wait_indirect_dma semaphore(%arg47 : memref<!tpu.dma_semaphore, #tpu.memory_space<semaphore_mem>>) src(%dma_wait3A_688 : memref<100000x768xf32, #tpu.memory_space<hbm>>) dst(%arg11 : memref<8x768xf32, #tpu.memory_space<vmem>>)
    %dma_wait3A_689 = arith.constant 1 : i32
    %dma_wait3A_690 = arith.constant 32 : i32
    %dma_wait3A_691 = tpu.memref_slice %arg6[%dma_wait3A_689, %dma_wait3A_690] : memref<4x64xi32, #tpu.memory_space<vmem>> -> memref<1x8xi32, #tpu.memory_space<vmem>>
    %dma_wait3A_692 = tpu.memref_squeeze %dma_wait3A_691 : memref<1x8xi32, #tpu.memory_space<vmem>> -> memref<8xi32, #tpu.memory_space<vmem>>
    %dma_wait3A_693 = arith.constant 0 : i32
    %dma_wait3A_694 = arith.constant 0 : i32
    %dma_wait3A_695 = tpu.memref_slice %arg3[%dma_wait3A_693, %dma_wait3A_694] : memref<100000x768xf32, #tpu.memory_space<hbm>> -> memref<100000x768xf32, #tpu.memory_space<hbm>>
    tpu.wait_indirect_dma semaphore(%arg47 : memref<!tpu.dma_semaphore, #tpu.memory_space<semaphore_mem>>) src(%dma_wait3A_695 : memref<100000x768xf32, #tpu.memory_space<hbm>>) dst(%arg12 : memref<8x768xf32, #tpu.memory_space<vmem>>)
    %dma_wait3A_696 = arith.constant 2 : i32
    %dma_wait3A_697 = arith.constant 32 : i32
    %dma_wait3A_698 = tpu.memref_slice %arg6[%dma_wait3A_696, %dma_wait3A_697] : memref<4x64xi32, #tpu.memory_space<vmem>> -> memref<1x8xi32, #tpu.memory_space<vmem>>
    %dma_wait3A_699 = tpu.memref_squeeze %dma_wait3A_698 : memref<1x8xi32, #tpu.memory_space<vmem>> -> memref<8xi32, #tpu.memory_space<vmem>>
    %dma_wait3A_700 = arith.constant 0 : i32
    %dma_wait3A_701 = arith.constant 0 : i32
    %dma_wait3A_702 = tpu.memref_slice %arg3[%dma_wait3A_700, %dma_wait3A_701] : memref<100000x768xf32, #tpu.memory_space<hbm>> -> memref<100000x768xf32, #tpu.memory_space<hbm>>
    tpu.wait_indirect_dma semaphore(%arg47 : memref<!tpu.dma_semaphore, #tpu.memory_space<semaphore_mem>>) src(%dma_wait3A_702 : memref<100000x768xf32, #tpu.memory_space<hbm>>) dst(%arg13 : memref<8x768xf32, #tpu.memory_space<vmem>>)
    %dma_wait3A_703 = arith.constant 3 : i32
    %dma_wait3A_704 = arith.constant 32 : i32
    %dma_wait3A_705 = tpu.memref_slice %arg6[%dma_wait3A_703, %dma_wait3A_704] : memref<4x64xi32, #tpu.memory_space<vmem>> -> memref<1x8xi32, #tpu.memory_space<vmem>>
    %dma_wait3A_706 = tpu.memref_squeeze %dma_wait3A_705 : memref<1x8xi32, #tpu.memory_space<vmem>> -> memref<8xi32, #tpu.memory_space<vmem>>
    %dma_wait3A_707 = arith.constant 0 : i32
    %dma_wait3A_708 = arith.constant 0 : i32
    %dma_wait3A_709 = tpu.memref_slice %arg3[%dma_wait3A_707, %dma_wait3A_708] : memref<100000x768xf32, #tpu.memory_space<hbm>> -> memref<100000x768xf32, #tpu.memory_space<hbm>>
    tpu.wait_indirect_dma semaphore(%arg47 : memref<!tpu.dma_semaphore, #tpu.memory_space<semaphore_mem>>) src(%dma_wait3A_709 : memref<100000x768xf32, #tpu.memory_space<hbm>>) dst(%arg14 : memref<8x768xf32, #tpu.memory_space<vmem>>)
    %parallel_loop3A_710 = arith.constant 0 : i32
    %parallel_loop3A_711 = arith.constant 384 : i32
    %parallel_loop3A_712 = arith.constant 1 : i32
    scf.for %parallel_loop3A_1112 = %parallel_loop3A_710 to %parallel_loop3A_711 step %parallel_loop3A_712  : i32 {
      %parallel_loop3A_1113 = arith.constant 48 : i32
      %parallel_loop3A_1114 = arith.divsi %parallel_loop3A_1112, %parallel_loop3A_1113 : i32
      %parallel_loop3A_1115 = arith.constant 0 : i32
      %parallel_loop3A_1116 = arith.cmpi sgt, %parallel_loop3A_1112, %parallel_loop3A_1115 : i32
      %parallel_loop3A_1117 = arith.extui %parallel_loop3A_1116 : i1 to i32
      %parallel_loop3A_1118 = arith.constant 0 : i32
      %parallel_loop3A_1119 = arith.cmpi slt, %parallel_loop3A_1112, %parallel_loop3A_1118 : i32
      %parallel_loop3A_1120 = arith.extui %parallel_loop3A_1119 : i1 to i32
      %parallel_loop3A_1121 = arith.subi %parallel_loop3A_1117, %parallel_loop3A_1120 : i32
      %parallel_loop3A_1122 = arith.constant 0 : i32
      %parallel_loop3A_1123 = arith.cmpi sgt, %parallel_loop3A_1113, %parallel_loop3A_1122 : i32
      %parallel_loop3A_1124 = arith.extui %parallel_loop3A_1123 : i1 to i32
      %parallel_loop3A_1125 = arith.constant 0 : i32
      %parallel_loop3A_1126 = arith.cmpi slt, %parallel_loop3A_1113, %parallel_loop3A_1125 : i32
      %parallel_loop3A_1127 = arith.extui %parallel_loop3A_1126 : i1 to i32
      %parallel_loop3A_1128 = arith.subi %parallel_loop3A_1124, %parallel_loop3A_1127 : i32
      %parallel_loop3A_1129 = arith.cmpi ne, %parallel_loop3A_1121, %parallel_loop3A_1128 : i32
      %parallel_loop3A_1130 = arith.remsi %parallel_loop3A_1112, %parallel_loop3A_1113 : i32
      %parallel_loop3A_1131 = arith.constant 0 : i32
      %parallel_loop3A_1132 = arith.cmpi ne, %parallel_loop3A_1130, %parallel_loop3A_1131 : i32
      %parallel_loop3A_1133 = arith.andi %parallel_loop3A_1129, %parallel_loop3A_1132 : i1
      %parallel_loop3A_1134 = arith.constant 1 : i32
      %parallel_loop3A_1135 = arith.subi %parallel_loop3A_1114, %parallel_loop3A_1134 : i32
      %parallel_loop3A_1136 = arith.select %parallel_loop3A_1133, %parallel_loop3A_1135, %parallel_loop3A_1114 : i32
      %parallel_loop3A_1137 = arith.constant 48 : i32
      %parallel_loop3A_1138 = arith.muli %parallel_loop3A_1136, %parallel_loop3A_1137 : i32
      %parallel_loop3A_1139 = arith.subi %parallel_loop3A_1112, %parallel_loop3A_1138 : i32
      %parallel_loop3A_1140 = arith.constant 16 : i32
      %parallel_loop3A_1141 = arith.muli %parallel_loop3A_1139, %parallel_loop3A_1140 : i32
      %parallel_loop3A_1142 = arith.index_cast %parallel_loop3A_1136 : i32 to index
      %parallel_loop3A_1143 = arith.index_cast %parallel_loop3A_1141 : i32 to index
      %parallel_loop3A_1144 = tpu.vector_load %arg7[%parallel_loop3A_1142, %parallel_loop3A_1143] {strides = array<i32>} : memref<8x768xf32, #tpu.memory_space<vmem>>, vector<1x16xf32>,
      %parallel_loop3A_1145 = vector.shape_cast %parallel_loop3A_1144 : vector<1x16xf32> to vector<16xf32>
      %parallel_loop3A_1146 = arith.index_cast %parallel_loop3A_1136 : i32 to index
      %parallel_loop3A_1147 = arith.index_cast %parallel_loop3A_1141 : i32 to index
      %parallel_loop3A_1148 = tpu.vector_load %arg11[%parallel_loop3A_1146, %parallel_loop3A_1147] {strides = array<i32>} : memref<8x768xf32, #tpu.memory_space<vmem>>, vector<1x16xf32>,
      %parallel_loop3A_1149 = vector.shape_cast %parallel_loop3A_1148 : vector<1x16xf32> to vector<16xf32>
      %parallel_loop3A_1150 = arith.constant 27.7128124 : f32
      %parallel_loop3A_1151 = vector.broadcast %parallel_loop3A_1150 : f32 to vector<16xf32>
      %parallel_loop3A_1152 = arith.mulf %parallel_loop3A_1149, %parallel_loop3A_1151 : vector<16xf32>
      %parallel_loop3A_1153 = arith.addf %parallel_loop3A_1152, %parallel_loop3A_1145 : vector<16xf32>
      %parallel_loop3A_1154 = arith.index_cast %parallel_loop3A_1136 : i32 to index
      %parallel_loop3A_1155 = arith.index_cast %parallel_loop3A_1141 : i32 to index
      %parallel_loop3A_1156 = tpu.vector_load %arg11[%parallel_loop3A_1154, %parallel_loop3A_1155] {strides = array<i32>} : memref<8x768xf32, #tpu.memory_space<vmem>>, vector<1x16xf32>,
      %parallel_loop3A_1157 = vector.shape_cast %parallel_loop3A_1156 : vector<1x16xf32> to vector<16xf32>
      %parallel_loop3A_1158 = vector.shape_cast %parallel_loop3A_1153 : vector<16xf32> to vector<1x16xf32>
      tpu.vector_store %arg11[%parallel_loop3A_1154, %parallel_loop3A_1155], %parallel_loop3A_1158 {strides = array<i32>} : memref<8x768xf32, #tpu.memory_space<vmem>>, vector<1x16xf32>,
      %parallel_loop3A_1159 = arith.index_cast %parallel_loop3A_1136 : i32 to index
      %parallel_loop3A_1160 = arith.index_cast %parallel_loop3A_1141 : i32 to index
      %parallel_loop3A_1161 = tpu.vector_load %arg12[%parallel_loop3A_1159, %parallel_loop3A_1160] {strides = array<i32>} : memref<8x768xf32, #tpu.memory_space<vmem>>, vector<1x16xf32>,
      %parallel_loop3A_1162 = vector.shape_cast %parallel_loop3A_1161 : vector<1x16xf32> to vector<16xf32>
      %parallel_loop3A_1163 = arith.constant 27.7128124 : f32
      %parallel_loop3A_1164 = vector.broadcast %parallel_loop3A_1163 : f32 to vector<16xf32>
      %parallel_loop3A_1165 = arith.mulf %parallel_loop3A_1162, %parallel_loop3A_1164 : vector<16xf32>
      %parallel_loop3A_1166 = arith.addf %parallel_loop3A_1165, %parallel_loop3A_1145 : vector<16xf32>
      %parallel_loop3A_1167 = arith.index_cast %parallel_loop3A_1136 : i32 to index
      %parallel_loop3A_1168 = arith.index_cast %parallel_loop3A_1141 : i32 to index
      %parallel_loop3A_1169 = tpu.vector_load %arg12[%parallel_loop3A_1167, %parallel_loop3A_1168] {strides = array<i32>} : memref<8x768xf32, #tpu.memory_space<vmem>>, vector<1x16xf32>,
      %parallel_loop3A_1170 = vector.shape_cast %parallel_loop3A_1169 : vector<1x16xf32> to vector<16xf32>
      %parallel_loop3A_1171 = vector.shape_cast %parallel_loop3A_1166 : vector<16xf32> to vector<1x16xf32>
      tpu.vector_store %arg12[%parallel_loop3A_1167, %parallel_loop3A_1168], %parallel_loop3A_1171 {strides = array<i32>} : memref<8x768xf32, #tpu.memory_space<vmem>>, vector<1x16xf32>,
      %parallel_loop3A_1172 = arith.index_cast %parallel_loop3A_1136 : i32 to index
      %parallel_loop3A_1173 = arith.index_cast %parallel_loop3A_1141 : i32 to index
      %parallel_loop3A_1174 = tpu.vector_load %arg13[%parallel_loop3A_1172, %parallel_loop3A_1173] {strides = array<i32>} : memref<8x768xf32, #tpu.memory_space<vmem>>, vector<1x16xf32>,
      %parallel_loop3A_1175 = vector.shape_cast %parallel_loop3A_1174 : vector<1x16xf32> to vector<16xf32>
      %parallel_loop3A_1176 = arith.constant 27.7128124 : f32
      %parallel_loop3A_1177 = vector.broadcast %parallel_loop3A_1176 : f32 to vector<16xf32>
      %parallel_loop3A_1178 = arith.mulf %parallel_loop3A_1175, %parallel_loop3A_1177 : vector<16xf32>
      %parallel_loop3A_1179 = arith.addf %parallel_loop3A_1178, %parallel_loop3A_1145 : vector<16xf32>
      %parallel_loop3A_1180 = arith.index_cast %parallel_loop3A_1136 : i32 to index
      %parallel_loop3A_1181 = arith.index_cast %parallel_loop3A_1141 : i32 to index
      %parallel_loop3A_1182 = tpu.vector_load %arg13[%parallel_loop3A_1180, %parallel_loop3A_1181] {strides = array<i32>} : memref<8x768xf32, #tpu.memory_space<vmem>>, vector<1x16xf32>,
      %parallel_loop3A_1183 = vector.shape_cast %parallel_loop3A_1182 : vector<1x16xf32> to vector<16xf32>
      %parallel_loop3A_1184 = vector.shape_cast %parallel_loop3A_1179 : vector<16xf32> to vector<1x16xf32>
      tpu.vector_store %arg13[%parallel_loop3A_1180, %parallel_loop3A_1181], %parallel_loop3A_1184 {strides = array<i32>} : memref<8x768xf32, #tpu.memory_space<vmem>>, vector<1x16xf32>,
      %parallel_loop3A_1185 = arith.index_cast %parallel_loop3A_1136 : i32 to index
      %parallel_loop3A_1186 = arith.index_cast %parallel_loop3A_1141 : i32 to index
      %parallel_loop3A_1187 = tpu.vector_load %arg14[%parallel_loop3A_1185, %parallel_loop3A_1186] {strides = array<i32>} : memref<8x768xf32, #tpu.memory_space<vmem>>, vector<1x16xf32>,
      %parallel_loop3A_1188 = vector.shape_cast %parallel_loop3A_1187 : vector<1x16xf32> to vector<16xf32>
      %parallel_loop3A_1189 = arith.constant 27.7128124 : f32
      %parallel_loop3A_1190 = vector.broadcast %parallel_loop3A_1189 : f32 to vector<16xf32>
      %parallel_loop3A_1191 = arith.mulf %parallel_loop3A_1188, %parallel_loop3A_1190 : vector<16xf32>
      %parallel_loop3A_1192 = arith.addf %parallel_loop3A_1191, %parallel_loop3A_1145 : vector<16xf32>
      %parallel_loop3A_1193 = arith.index_cast %parallel_loop3A_1136 : i32 to index
      %parallel_loop3A_1194 = arith.index_cast %parallel_loop3A_1141 : i32 to index
      %parallel_loop3A_1195 = tpu.vector_load %arg14[%parallel_loop3A_1193, %parallel_loop3A_1194] {strides = array<i32>} : memref<8x768xf32, #tpu.memory_space<vmem>>, vector<1x16xf32>,
      %parallel_loop3A_1196 = vector.shape_cast %parallel_loop3A_1195 : vector<1x16xf32> to vector<16xf32>
      %parallel_loop3A_1197 = vector.shape_cast %parallel_loop3A_1192 : vector<16xf32> to vector<1x16xf32>
      tpu.vector_store %arg14[%parallel_loop3A_1193, %parallel_loop3A_1194], %parallel_loop3A_1197 {strides = array<i32>} : memref<8x768xf32, #tpu.memory_space<vmem>>, vector<1x16xf32>,
    } {sc.loop_unroll_factor = 4 : i64, sc.parallel_access}
    %add3A_713 = arith.constant 32 : i32
    %add3A_714 = arith.addi %mul3A_2, %add3A_713 : i32
    %dma_start3A_715 = arith.constant 0 : i32
    %dma_start3A_716 = arith.constant 0 : i32
    %dma_start3A_717 = tpu.memref_slice %arg5[%dma_start3A_715, %add3A_714, %dma_start3A_716] : memref<4x2048x768xf32, #tpu.memory_space<hbm>> -> memref<1x8x768xf32, #tpu.memory_space<hbm>>
    %dma_start3A_718 = tpu.memref_squeeze %dma_start3A_717 : memref<1x8x768xf32, #tpu.memory_space<hbm>> -> memref<8x768xf32, #tpu.memory_space<hbm>>
    %dma_start3A_719 = arith.constant 0 : i32
    %dma_start3A_720 = tpu.memref_slice %arg5[%dma_start3A_715, %add3A_714, %dma_start3A_719] : memref<4x2048x768xf32, #tpu.memory_space<hbm>> -> memref<1x8x768xf32, #tpu.memory_space<hbm>>
    %dma_start3A_721 = tpu.memref_squeeze %dma_start3A_720 : memref<1x8x768xf32, #tpu.memory_space<hbm>> -> memref<8x768xf32, #tpu.memory_space<hbm>>
    tpu.enqueue_dma source(%arg11 : memref<8x768xf32, #tpu.memory_space<vmem>>) target(%dma_start3A_721 : memref<8x768xf32, #tpu.memory_space<hbm>>) target_semaphore(%arg31 : memref<!tpu.dma_semaphore, #tpu.memory_space<semaphore_mem>>)
    %dma_start3A_722 = arith.constant 1 : i32
    %dma_start3A_723 = arith.constant 0 : i32
    %dma_start3A_724 = tpu.memref_slice %arg5[%dma_start3A_722, %add3A_714, %dma_start3A_723] : memref<4x2048x768xf32, #tpu.memory_space<hbm>> -> memref<1x8x768xf32, #tpu.memory_space<hbm>>
    %dma_start3A_725 = tpu.memref_squeeze %dma_start3A_724 : memref<1x8x768xf32, #tpu.memory_space<hbm>> -> memref<8x768xf32, #tpu.memory_space<hbm>>
    %dma_start3A_726 = arith.constant 0 : i32
    %dma_start3A_727 = tpu.memref_slice %arg5[%dma_start3A_722, %add3A_714, %dma_start3A_726] : memref<4x2048x768xf32, #tpu.memory_space<hbm>> -> memref<1x8x768xf32, #tpu.memory_space<hbm>>
    %dma_start3A_728 = tpu.memref_squeeze %dma_start3A_727 : memref<1x8x768xf32, #tpu.memory_space<hbm>> -> memref<8x768xf32, #tpu.memory_space<hbm>>
    tpu.enqueue_dma source(%arg12 : memref<8x768xf32, #tpu.memory_space<vmem>>) target(%dma_start3A_728 : memref<8x768xf32, #tpu.memory_space<hbm>>) target_semaphore(%arg32 : memref<!tpu.dma_semaphore, #tpu.memory_space<semaphore_mem>>)
    %dma_start3A_729 = arith.constant 2 : i32
    %dma_start3A_730 = arith.constant 0 : i32
    %dma_start3A_731 = tpu.memref_slice %arg5[%dma_start3A_729, %add3A_714, %dma_start3A_730] : memref<4x2048x768xf32, #tpu.memory_space<hbm>> -> memref<1x8x768xf32, #tpu.memory_space<hbm>>
    %dma_start3A_732 = tpu.memref_squeeze %dma_start3A_731 : memref<1x8x768xf32, #tpu.memory_space<hbm>> -> memref<8x768xf32, #tpu.memory_space<hbm>>
    %dma_start3A_733 = arith.constant 0 : i32
    %dma_start3A_734 = tpu.memref_slice %arg5[%dma_start3A_729, %add3A_714, %dma_start3A_733] : memref<4x2048x768xf32, #tpu.memory_space<hbm>> -> memref<1x8x768xf32, #tpu.memory_space<hbm>>
    %dma_start3A_735 = tpu.memref_squeeze %dma_start3A_734 : memref<1x8x768xf32, #tpu.memory_space<hbm>> -> memref<8x768xf32, #tpu.memory_space<hbm>>
    tpu.enqueue_dma source(%arg13 : memref<8x768xf32, #tpu.memory_space<vmem>>) target(%dma_start3A_735 : memref<8x768xf32, #tpu.memory_space<hbm>>) target_semaphore(%arg33 : memref<!tpu.dma_semaphore, #tpu.memory_space<semaphore_mem>>)
    %dma_start3A_736 = arith.constant 3 : i32
    %dma_start3A_737 = arith.constant 0 : i32
    %dma_start3A_738 = tpu.memref_slice %arg5[%dma_start3A_736, %add3A_714, %dma_start3A_737] : memref<4x2048x768xf32, #tpu.memory_space<hbm>> -> memref<1x8x768xf32, #tpu.memory_space<hbm>>
    %dma_start3A_739 = tpu.memref_squeeze %dma_start3A_738 : memref<1x8x768xf32, #tpu.memory_space<hbm>> -> memref<8x768xf32, #tpu.memory_space<hbm>>
    %dma_start3A_740 = arith.constant 0 : i32
    %dma_start3A_741 = tpu.memref_slice %arg5[%dma_start3A_736, %add3A_714, %dma_start3A_740] : memref<4x2048x768xf32, #tpu.memory_space<hbm>> -> memref<1x8x768xf32, #tpu.memory_space<hbm>>
    %dma_start3A_742 = tpu.memref_squeeze %dma_start3A_741 : memref<1x8x768xf32, #tpu.memory_space<hbm>> -> memref<8x768xf32, #tpu.memory_space<hbm>>
    tpu.enqueue_dma source(%arg14 : memref<8x768xf32, #tpu.memory_space<vmem>>) target(%dma_start3A_742 : memref<8x768xf32, #tpu.memory_space<hbm>>) target_semaphore(%arg34 : memref<!tpu.dma_semaphore, #tpu.memory_space<semaphore_mem>>)
    %dma_wait3A_743 = arith.constant 0 : i32
    %dma_wait3A_744 = arith.constant 0 : i32
    %dma_wait3A_745 = tpu.memref_slice %arg5[%dma_wait3A_743, %add3A_587, %dma_wait3A_744] : memref<4x2048x768xf32, #tpu.memory_space<hbm>> -> memref<1x8x768xf32, #tpu.memory_space<hbm>>
    %dma_wait3A_746 = tpu.memref_squeeze %dma_wait3A_745 : memref<1x8x768xf32, #tpu.memory_space<hbm>> -> memref<8x768xf32, #tpu.memory_space<hbm>>
    %dma_wait3A_747 = arith.constant 0 : i32
    %dma_wait3A_748 = tpu.memref_slice %arg5[%dma_wait3A_743, %add3A_587, %dma_wait3A_747] : memref<4x2048x768xf32, #tpu.memory_space<hbm>> -> memref<1x8x768xf32, #tpu.memory_space<hbm>>
    %dma_wait3A_749 = tpu.memref_squeeze %dma_wait3A_748 : memref<1x8x768xf32, #tpu.memory_space<hbm>> -> memref<8x768xf32, #tpu.memory_space<hbm>>
    tpu.wait_dma2 semaphore(%arg43 : memref<!tpu.dma_semaphore, #tpu.memory_space<semaphore_mem>>) src(%arg23 : memref<8x768xf32, #tpu.memory_space<vmem>>) dst(%dma_wait3A_749 : memref<8x768xf32, #tpu.memory_space<hbm>>)
    %dma_wait3A_750 = arith.constant 1 : i32
    %dma_wait3A_751 = arith.constant 0 : i32
    %dma_wait3A_752 = tpu.memref_slice %arg5[%dma_wait3A_750, %add3A_587, %dma_wait3A_751] : memref<4x2048x768xf32, #tpu.memory_space<hbm>> -> memref<1x8x768xf32, #tpu.memory_space<hbm>>
    %dma_wait3A_753 = tpu.memref_squeeze %dma_wait3A_752 : memref<1x8x768xf32, #tpu.memory_space<hbm>> -> memref<8x768xf32, #tpu.memory_space<hbm>>
    %dma_wait3A_754 = arith.constant 0 : i32
    %dma_wait3A_755 = tpu.memref_slice %arg5[%dma_wait3A_750, %add3A_587, %dma_wait3A_754] : memref<4x2048x768xf32, #tpu.memory_space<hbm>> -> memref<1x8x768xf32, #tpu.memory_space<hbm>>
    %dma_wait3A_756 = tpu.memref_squeeze %dma_wait3A_755 : memref<1x8x768xf32, #tpu.memory_space<hbm>> -> memref<8x768xf32, #tpu.memory_space<hbm>>
    tpu.wait_dma2 semaphore(%arg44 : memref<!tpu.dma_semaphore, #tpu.memory_space<semaphore_mem>>) src(%arg24 : memref<8x768xf32, #tpu.memory_space<vmem>>) dst(%dma_wait3A_756 : memref<8x768xf32, #tpu.memory_space<hbm>>)
    %dma_wait3A_757 = arith.constant 2 : i32
    %dma_wait3A_758 = arith.constant 0 : i32
    %dma_wait3A_759 = tpu.memref_slice %arg5[%dma_wait3A_757, %add3A_587, %dma_wait3A_758] : memref<4x2048x768xf32, #tpu.memory_space<hbm>> -> memref<1x8x768xf32, #tpu.memory_space<hbm>>
    %dma_wait3A_760 = tpu.memref_squeeze %dma_wait3A_759 : memref<1x8x768xf32, #tpu.memory_space<hbm>> -> memref<8x768xf32, #tpu.memory_space<hbm>>
    %dma_wait3A_761 = arith.constant 0 : i32
    %dma_wait3A_762 = tpu.memref_slice %arg5[%dma_wait3A_757, %add3A_587, %dma_wait3A_761] : memref<4x2048x768xf32, #tpu.memory_space<hbm>> -> memref<1x8x768xf32, #tpu.memory_space<hbm>>
    %dma_wait3A_763 = tpu.memref_squeeze %dma_wait3A_762 : memref<1x8x768xf32, #tpu.memory_space<hbm>> -> memref<8x768xf32, #tpu.memory_space<hbm>>
    tpu.wait_dma2 semaphore(%arg45 : memref<!tpu.dma_semaphore, #tpu.memory_space<semaphore_mem>>) src(%arg25 : memref<8x768xf32, #tpu.memory_space<vmem>>) dst(%dma_wait3A_763 : memref<8x768xf32, #tpu.memory_space<hbm>>)
    %dma_wait3A_764 = arith.constant 3 : i32
    %dma_wait3A_765 = arith.constant 0 : i32
    %dma_wait3A_766 = tpu.memref_slice %arg5[%dma_wait3A_764, %add3A_587, %dma_wait3A_765] : memref<4x2048x768xf32, #tpu.memory_space<hbm>> -> memref<1x8x768xf32, #tpu.memory_space<hbm>>
    %dma_wait3A_767 = tpu.memref_squeeze %dma_wait3A_766 : memref<1x8x768xf32, #tpu.memory_space<hbm>> -> memref<8x768xf32, #tpu.memory_space<hbm>>
    %dma_wait3A_768 = arith.constant 0 : i32
    %dma_wait3A_769 = tpu.memref_slice %arg5[%dma_wait3A_764, %add3A_587, %dma_wait3A_768] : memref<4x2048x768xf32, #tpu.memory_space<hbm>> -> memref<1x8x768xf32, #tpu.memory_space<hbm>>
    %dma_wait3A_770 = tpu.memref_squeeze %dma_wait3A_769 : memref<1x8x768xf32, #tpu.memory_space<hbm>> -> memref<8x768xf32, #tpu.memory_space<hbm>>
    tpu.wait_dma2 semaphore(%arg46 : memref<!tpu.dma_semaphore, #tpu.memory_space<semaphore_mem>>) src(%arg26 : memref<8x768xf32, #tpu.memory_space<vmem>>) dst(%dma_wait3A_770 : memref<8x768xf32, #tpu.memory_space<hbm>>)
    %add3A_771 = arith.constant 56 : i32
    %add3A_772 = arith.addi %mul3A_2, %add3A_771 : i32
    %dma_start3A_773 = arith.constant 0 : i32
    %dma_start3A_774 = tpu.memref_slice %arg4[%add3A_772, %dma_start3A_773] : memref<2048x768xf32, #tpu.memory_space<hbm>> -> memref<8x768xf32, #tpu.memory_space<hbm>>
    %dma_start3A_775 = arith.constant 0 : i32
    %dma_start3A_776 = tpu.memref_slice %arg4[%add3A_772, %dma_start3A_775] : memref<2048x768xf32, #tpu.memory_space<hbm>> -> memref<8x768xf32, #tpu.memory_space<hbm>>
    tpu.enqueue_dma source(%dma_start3A_776 : memref<8x768xf32, #tpu.memory_space<hbm>>) target(%arg10 : memref<8x768xf32, #tpu.memory_space<vmem>>) target_semaphore(%arg30 : memref<!tpu.dma_semaphore, #tpu.memory_space<semaphore_mem>>)
    %dma_start3A_777 = arith.constant 0 : i32
    %dma_start3A_778 = arith.constant 56 : i32
    %dma_start3A_779 = tpu.memref_slice %arg6[%dma_start3A_777, %dma_start3A_778] : memref<4x64xi32, #tpu.memory_space<vmem>> -> memref<1x8xi32, #tpu.memory_space<vmem>>
    %dma_start3A_780 = tpu.memref_squeeze %dma_start3A_779 : memref<1x8xi32, #tpu.memory_space<vmem>> -> memref<8xi32, #tpu.memory_space<vmem>>
    %dma_start3A_781 = arith.constant 0 : i32
    %dma_start3A_782 = arith.constant 0 : i32
    %dma_start3A_783 = tpu.memref_slice %arg3[%dma_start3A_781, %dma_start3A_782] : memref<100000x768xf32, #tpu.memory_space<hbm>> -> memref<100000x768xf32, #tpu.memory_space<hbm>>
    tpu.enqueue_indirect_dma source(%dma_start3A_783 : memref<100000x768xf32, #tpu.memory_space<hbm>>) target(%arg23 : memref<8x768xf32, #tpu.memory_space<vmem>>) offsets(%dma_start3A_780 : memref<8xi32, #tpu.memory_space<vmem>>) semaphore(%arg50 : memref<!tpu.dma_semaphore, #tpu.memory_space<semaphore_mem>>)
    %dma_start3A_784 = arith.constant 1 : i32
    %dma_start3A_785 = arith.constant 56 : i32
    %dma_start3A_786 = tpu.memref_slice %arg6[%dma_start3A_784, %dma_start3A_785] : memref<4x64xi32, #tpu.memory_space<vmem>> -> memref<1x8xi32, #tpu.memory_space<vmem>>
    %dma_start3A_787 = tpu.memref_squeeze %dma_start3A_786 : memref<1x8xi32, #tpu.memory_space<vmem>> -> memref<8xi32, #tpu.memory_space<vmem>>
    %dma_start3A_788 = arith.constant 0 : i32
    %dma_start3A_789 = arith.constant 0 : i32
    %dma_start3A_790 = tpu.memref_slice %arg3[%dma_start3A_788, %dma_start3A_789] : memref<100000x768xf32, #tpu.memory_space<hbm>> -> memref<100000x768xf32, #tpu.memory_space<hbm>>
    tpu.enqueue_indirect_dma source(%dma_start3A_790 : memref<100000x768xf32, #tpu.memory_space<hbm>>) target(%arg24 : memref<8x768xf32, #tpu.memory_space<vmem>>) offsets(%dma_start3A_787 : memref<8xi32, #tpu.memory_space<vmem>>) semaphore(%arg50 : memref<!tpu.dma_semaphore, #tpu.memory_space<semaphore_mem>>)
    %dma_start3A_791 = arith.constant 2 : i32
    %dma_start3A_792 = arith.constant 56 : i32
    %dma_start3A_793 = tpu.memref_slice %arg6[%dma_start3A_791, %dma_start3A_792] : memref<4x64xi32, #tpu.memory_space<vmem>> -> memref<1x8xi32, #tpu.memory_space<vmem>>
    %dma_start3A_794 = tpu.memref_squeeze %dma_start3A_793 : memref<1x8xi32, #tpu.memory_space<vmem>> -> memref<8xi32, #tpu.memory_space<vmem>>
    %dma_start3A_795 = arith.constant 0 : i32
    %dma_start3A_796 = arith.constant 0 : i32
    %dma_start3A_797 = tpu.memref_slice %arg3[%dma_start3A_795, %dma_start3A_796] : memref<100000x768xf32, #tpu.memory_space<hbm>> -> memref<100000x768xf32, #tpu.memory_space<hbm>>
    tpu.enqueue_indirect_dma source(%dma_start3A_797 : memref<100000x768xf32, #tpu.memory_space<hbm>>) target(%arg25 : memref<8x768xf32, #tpu.memory_space<vmem>>) offsets(%dma_start3A_794 : memref<8xi32, #tpu.memory_space<vmem>>) semaphore(%arg50 : memref<!tpu.dma_semaphore, #tpu.memory_space<semaphore_mem>>)
    %dma_start3A_798 = arith.constant 3 : i32
    %dma_start3A_799 = arith.constant 56 : i32
    %dma_start3A_800 = tpu.memref_slice %arg6[%dma_start3A_798, %dma_start3A_799] : memref<4x64xi32, #tpu.memory_space<vmem>> -> memref<1x8xi32, #tpu.memory_space<vmem>>
    %dma_start3A_801 = tpu.memref_squeeze %dma_start3A_800 : memref<1x8xi32, #tpu.memory_space<vmem>> -> memref<8xi32, #tpu.memory_space<vmem>>
    %dma_start3A_802 = arith.constant 0 : i32
    %dma_start3A_803 = arith.constant 0 : i32
    %dma_start3A_804 = tpu.memref_slice %arg3[%dma_start3A_802, %dma_start3A_803] : memref<100000x768xf32, #tpu.memory_space<hbm>> -> memref<100000x768xf32, #tpu.memory_space<hbm>>
    tpu.enqueue_indirect_dma source(%dma_start3A_804 : memref<100000x768xf32, #tpu.memory_space<hbm>>) target(%arg26 : memref<8x768xf32, #tpu.memory_space<vmem>>) offsets(%dma_start3A_801 : memref<8xi32, #tpu.memory_space<vmem>>) semaphore(%arg50 : memref<!tpu.dma_semaphore, #tpu.memory_space<semaphore_mem>>)
    %dma_wait3A_805 = arith.constant 0 : i32
    %dma_wait3A_806 = tpu.memref_slice %arg4[%add3A_518, %dma_wait3A_805] : memref<2048x768xf32, #tpu.memory_space<hbm>> -> memref<8x768xf32, #tpu.memory_space<hbm>>
    %dma_wait3A_807 = arith.constant 0 : i32
    %dma_wait3A_808 = tpu.memref_slice %arg4[%add3A_518, %dma_wait3A_807] : memref<2048x768xf32, #tpu.memory_space<hbm>> -> memref<8x768xf32, #tpu.memory_space<hbm>>
    tpu.wait_dma2 semaphore(%arg28 : memref<!tpu.dma_semaphore, #tpu.memory_space<semaphore_mem>>) src(%dma_wait3A_808 : memref<8x768xf32, #tpu.memory_space<hbm>>) dst(%arg8 : memref<8x768xf32, #tpu.memory_space<vmem>>)
    %dma_wait3A_809 = arith.constant 0 : i32
    %dma_wait3A_810 = arith.constant 40 : i32
    %dma_wait3A_811 = tpu.memref_slice %arg6[%dma_wait3A_809, %dma_wait3A_810] : memref<4x64xi32, #tpu.memory_space<vmem>> -> memref<1x8xi32, #tpu.memory_space<vmem>>
    %dma_wait3A_812 = tpu.memref_squeeze %dma_wait3A_811 : memref<1x8xi32, #tpu.memory_space<vmem>> -> memref<8xi32, #tpu.memory_space<vmem>>
    %dma_wait3A_813 = arith.constant 0 : i32
    %dma_wait3A_814 = arith.constant 0 : i32
    %dma_wait3A_815 = tpu.memref_slice %arg3[%dma_wait3A_813, %dma_wait3A_814] : memref<100000x768xf32, #tpu.memory_space<hbm>> -> memref<100000x768xf32, #tpu.memory_space<hbm>>
    tpu.wait_indirect_dma semaphore(%arg48 : memref<!tpu.dma_semaphore, #tpu.memory_space<semaphore_mem>>) src(%dma_wait3A_815 : memref<100000x768xf32, #tpu.memory_space<hbm>>) dst(%arg15 : memref<8x768xf32, #tpu.memory_space<vmem>>)
    %dma_wait3A_816 = arith.constant 1 : i32
    %dma_wait3A_817 = arith.constant 40 : i32
    %dma_wait3A_818 = tpu.memref_slice %arg6[%dma_wait3A_816, %dma_wait3A_817] : memref<4x64xi32, #tpu.memory_space<vmem>> -> memref<1x8xi32, #tpu.memory_space<vmem>>
    %dma_wait3A_819 = tpu.memref_squeeze %dma_wait3A_818 : memref<1x8xi32, #tpu.memory_space<vmem>> -> memref<8xi32, #tpu.memory_space<vmem>>
    %dma_wait3A_820 = arith.constant 0 : i32
    %dma_wait3A_821 = arith.constant 0 : i32
    %dma_wait3A_822 = tpu.memref_slice %arg3[%dma_wait3A_820, %dma_wait3A_821] : memref<100000x768xf32, #tpu.memory_space<hbm>> -> memref<100000x768xf32, #tpu.memory_space<hbm>>
    tpu.wait_indirect_dma semaphore(%arg48 : memref<!tpu.dma_semaphore, #tpu.memory_space<semaphore_mem>>) src(%dma_wait3A_822 : memref<100000x768xf32, #tpu.memory_space<hbm>>) dst(%arg16 : memref<8x768xf32, #tpu.memory_space<vmem>>)
    %dma_wait3A_823 = arith.constant 2 : i32
    %dma_wait3A_824 = arith.constant 40 : i32
    %dma_wait3A_825 = tpu.memref_slice %arg6[%dma_wait3A_823, %dma_wait3A_824] : memref<4x64xi32, #tpu.memory_space<vmem>> -> memref<1x8xi32, #tpu.memory_space<vmem>>
    %dma_wait3A_826 = tpu.memref_squeeze %dma_wait3A_825 : memref<1x8xi32, #tpu.memory_space<vmem>> -> memref<8xi32, #tpu.memory_space<vmem>>
    %dma_wait3A_827 = arith.constant 0 : i32
    %dma_wait3A_828 = arith.constant 0 : i32
    %dma_wait3A_829 = tpu.memref_slice %arg3[%dma_wait3A_827, %dma_wait3A_828] : memref<100000x768xf32, #tpu.memory_space<hbm>> -> memref<100000x768xf32, #tpu.memory_space<hbm>>
    tpu.wait_indirect_dma semaphore(%arg48 : memref<!tpu.dma_semaphore, #tpu.memory_space<semaphore_mem>>) src(%dma_wait3A_829 : memref<100000x768xf32, #tpu.memory_space<hbm>>) dst(%arg17 : memref<8x768xf32, #tpu.memory_space<vmem>>)
    %dma_wait3A_830 = arith.constant 3 : i32
    %dma_wait3A_831 = arith.constant 40 : i32
    %dma_wait3A_832 = tpu.memref_slice %arg6[%dma_wait3A_830, %dma_wait3A_831] : memref<4x64xi32, #tpu.memory_space<vmem>> -> memref<1x8xi32, #tpu.memory_space<vmem>>
    %dma_wait3A_833 = tpu.memref_squeeze %dma_wait3A_832 : memref<1x8xi32, #tpu.memory_space<vmem>> -> memref<8xi32, #tpu.memory_space<vmem>>
    %dma_wait3A_834 = arith.constant 0 : i32
    %dma_wait3A_835 = arith.constant 0 : i32
    %dma_wait3A_836 = tpu.memref_slice %arg3[%dma_wait3A_834, %dma_wait3A_835] : memref<100000x768xf32, #tpu.memory_space<hbm>> -> memref<100000x768xf32, #tpu.memory_space<hbm>>
    tpu.wait_indirect_dma semaphore(%arg48 : memref<!tpu.dma_semaphore, #tpu.memory_space<semaphore_mem>>) src(%dma_wait3A_836 : memref<100000x768xf32, #tpu.memory_space<hbm>>) dst(%arg18 : memref<8x768xf32, #tpu.memory_space<vmem>>)
    %parallel_loop3A_837 = arith.constant 0 : i32
    %parallel_loop3A_838 = arith.constant 384 : i32
    %parallel_loop3A_839 = arith.constant 1 : i32
    scf.for %parallel_loop3A_1112 = %parallel_loop3A_837 to %parallel_loop3A_838 step %parallel_loop3A_839  : i32 {
      %parallel_loop3A_1113 = arith.constant 48 : i32
      %parallel_loop3A_1114 = arith.divsi %parallel_loop3A_1112, %parallel_loop3A_1113 : i32
      %parallel_loop3A_1115 = arith.constant 0 : i32
      %parallel_loop3A_1116 = arith.cmpi sgt, %parallel_loop3A_1112, %parallel_loop3A_1115 : i32
      %parallel_loop3A_1117 = arith.extui %parallel_loop3A_1116 : i1 to i32
      %parallel_loop3A_1118 = arith.constant 0 : i32
      %parallel_loop3A_1119 = arith.cmpi slt, %parallel_loop3A_1112, %parallel_loop3A_1118 : i32
      %parallel_loop3A_1120 = arith.extui %parallel_loop3A_1119 : i1 to i32
      %parallel_loop3A_1121 = arith.subi %parallel_loop3A_1117, %parallel_loop3A_1120 : i32
      %parallel_loop3A_1122 = arith.constant 0 : i32
      %parallel_loop3A_1123 = arith.cmpi sgt, %parallel_loop3A_1113, %parallel_loop3A_1122 : i32
      %parallel_loop3A_1124 = arith.extui %parallel_loop3A_1123 : i1 to i32
      %parallel_loop3A_1125 = arith.constant 0 : i32
      %parallel_loop3A_1126 = arith.cmpi slt, %parallel_loop3A_1113, %parallel_loop3A_1125 : i32
      %parallel_loop3A_1127 = arith.extui %parallel_loop3A_1126 : i1 to i32
      %parallel_loop3A_1128 = arith.subi %parallel_loop3A_1124, %parallel_loop3A_1127 : i32
      %parallel_loop3A_1129 = arith.cmpi ne, %parallel_loop3A_1121, %parallel_loop3A_1128 : i32
      %parallel_loop3A_1130 = arith.remsi %parallel_loop3A_1112, %parallel_loop3A_1113 : i32
      %parallel_loop3A_1131 = arith.constant 0 : i32
      %parallel_loop3A_1132 = arith.cmpi ne, %parallel_loop3A_1130, %parallel_loop3A_1131 : i32
      %parallel_loop3A_1133 = arith.andi %parallel_loop3A_1129, %parallel_loop3A_1132 : i1
      %parallel_loop3A_1134 = arith.constant 1 : i32
      %parallel_loop3A_1135 = arith.subi %parallel_loop3A_1114, %parallel_loop3A_1134 : i32
      %parallel_loop3A_1136 = arith.select %parallel_loop3A_1133, %parallel_loop3A_1135, %parallel_loop3A_1114 : i32
      %parallel_loop3A_1137 = arith.constant 48 : i32
      %parallel_loop3A_1138 = arith.muli %parallel_loop3A_1136, %parallel_loop3A_1137 : i32
      %parallel_loop3A_1139 = arith.subi %parallel_loop3A_1112, %parallel_loop3A_1138 : i32
      %parallel_loop3A_1140 = arith.constant 16 : i32
      %parallel_loop3A_1141 = arith.muli %parallel_loop3A_1139, %parallel_loop3A_1140 : i32
      %parallel_loop3A_1142 = arith.index_cast %parallel_loop3A_1136 : i32 to index
      %parallel_loop3A_1143 = arith.index_cast %parallel_loop3A_1141 : i32 to index
      %parallel_loop3A_1144 = tpu.vector_load %arg8[%parallel_loop3A_1142, %parallel_loop3A_1143] {strides = array<i32>} : memref<8x768xf32, #tpu.memory_space<vmem>>, vector<1x16xf32>,
      %parallel_loop3A_1145 = vector.shape_cast %parallel_loop3A_1144 : vector<1x16xf32> to vector<16xf32>
      %parallel_loop3A_1146 = arith.index_cast %parallel_loop3A_1136 : i32 to index
      %parallel_loop3A_1147 = arith.index_cast %parallel_loop3A_1141 : i32 to index
      %parallel_loop3A_1148 = tpu.vector_load %arg15[%parallel_loop3A_1146, %parallel_loop3A_1147] {strides = array<i32>} : memref<8x768xf32, #tpu.memory_space<vmem>>, vector<1x16xf32>,
      %parallel_loop3A_1149 = vector.shape_cast %parallel_loop3A_1148 : vector<1x16xf32> to vector<16xf32>
      %parallel_loop3A_1150 = arith.constant 27.7128124 : f32
      %parallel_loop3A_1151 = vector.broadcast %parallel_loop3A_1150 : f32 to vector<16xf32>
      %parallel_loop3A_1152 = arith.mulf %parallel_loop3A_1149, %parallel_loop3A_1151 : vector<16xf32>
      %parallel_loop3A_1153 = arith.addf %parallel_loop3A_1152, %parallel_loop3A_1145 : vector<16xf32>
      %parallel_loop3A_1154 = arith.index_cast %parallel_loop3A_1136 : i32 to index
      %parallel_loop3A_1155 = arith.index_cast %parallel_loop3A_1141 : i32 to index
      %parallel_loop3A_1156 = tpu.vector_load %arg15[%parallel_loop3A_1154, %parallel_loop3A_1155] {strides = array<i32>} : memref<8x768xf32, #tpu.memory_space<vmem>>, vector<1x16xf32>,
      %parallel_loop3A_1157 = vector.shape_cast %parallel_loop3A_1156 : vector<1x16xf32> to vector<16xf32>
      %parallel_loop3A_1158 = vector.shape_cast %parallel_loop3A_1153 : vector<16xf32> to vector<1x16xf32>
      tpu.vector_store %arg15[%parallel_loop3A_1154, %parallel_loop3A_1155], %parallel_loop3A_1158 {strides = array<i32>} : memref<8x768xf32, #tpu.memory_space<vmem>>, vector<1x16xf32>,
      %parallel_loop3A_1159 = arith.index_cast %parallel_loop3A_1136 : i32 to index
      %parallel_loop3A_1160 = arith.index_cast %parallel_loop3A_1141 : i32 to index
      %parallel_loop3A_1161 = tpu.vector_load %arg16[%parallel_loop3A_1159, %parallel_loop3A_1160] {strides = array<i32>} : memref<8x768xf32, #tpu.memory_space<vmem>>, vector<1x16xf32>,
      %parallel_loop3A_1162 = vector.shape_cast %parallel_loop3A_1161 : vector<1x16xf32> to vector<16xf32>
      %parallel_loop3A_1163 = arith.constant 27.7128124 : f32
      %parallel_loop3A_1164 = vector.broadcast %parallel_loop3A_1163 : f32 to vector<16xf32>
      %parallel_loop3A_1165 = arith.mulf %parallel_loop3A_1162, %parallel_loop3A_1164 : vector<16xf32>
      %parallel_loop3A_1166 = arith.addf %parallel_loop3A_1165, %parallel_loop3A_1145 : vector<16xf32>
      %parallel_loop3A_1167 = arith.index_cast %parallel_loop3A_1136 : i32 to index
      %parallel_loop3A_1168 = arith.index_cast %parallel_loop3A_1141 : i32 to index
      %parallel_loop3A_1169 = tpu.vector_load %arg16[%parallel_loop3A_1167, %parallel_loop3A_1168] {strides = array<i32>} : memref<8x768xf32, #tpu.memory_space<vmem>>, vector<1x16xf32>,
      %parallel_loop3A_1170 = vector.shape_cast %parallel_loop3A_1169 : vector<1x16xf32> to vector<16xf32>
      %parallel_loop3A_1171 = vector.shape_cast %parallel_loop3A_1166 : vector<16xf32> to vector<1x16xf32>
      tpu.vector_store %arg16[%parallel_loop3A_1167, %parallel_loop3A_1168], %parallel_loop3A_1171 {strides = array<i32>} : memref<8x768xf32, #tpu.memory_space<vmem>>, vector<1x16xf32>,
      %parallel_loop3A_1172 = arith.index_cast %parallel_loop3A_1136 : i32 to index
      %parallel_loop3A_1173 = arith.index_cast %parallel_loop3A_1141 : i32 to index
      %parallel_loop3A_1174 = tpu.vector_load %arg17[%parallel_loop3A_1172, %parallel_loop3A_1173] {strides = array<i32>} : memref<8x768xf32, #tpu.memory_space<vmem>>, vector<1x16xf32>,
      %parallel_loop3A_1175 = vector.shape_cast %parallel_loop3A_1174 : vector<1x16xf32> to vector<16xf32>
      %parallel_loop3A_1176 = arith.constant 27.7128124 : f32
      %parallel_loop3A_1177 = vector.broadcast %parallel_loop3A_1176 : f32 to vector<16xf32>
      %parallel_loop3A_1178 = arith.mulf %parallel_loop3A_1175, %parallel_loop3A_1177 : vector<16xf32>
      %parallel_loop3A_1179 = arith.addf %parallel_loop3A_1178, %parallel_loop3A_1145 : vector<16xf32>
      %parallel_loop3A_1180 = arith.index_cast %parallel_loop3A_1136 : i32 to index
      %parallel_loop3A_1181 = arith.index_cast %parallel_loop3A_1141 : i32 to index
      %parallel_loop3A_1182 = tpu.vector_load %arg17[%parallel_loop3A_1180, %parallel_loop3A_1181] {strides = array<i32>} : memref<8x768xf32, #tpu.memory_space<vmem>>, vector<1x16xf32>,
      %parallel_loop3A_1183 = vector.shape_cast %parallel_loop3A_1182 : vector<1x16xf32> to vector<16xf32>
      %parallel_loop3A_1184 = vector.shape_cast %parallel_loop3A_1179 : vector<16xf32> to vector<1x16xf32>
      tpu.vector_store %arg17[%parallel_loop3A_1180, %parallel_loop3A_1181], %parallel_loop3A_1184 {strides = array<i32>} : memref<8x768xf32, #tpu.memory_space<vmem>>, vector<1x16xf32>,
      %parallel_loop3A_1185 = arith.index_cast %parallel_loop3A_1136 : i32 to index
      %parallel_loop3A_1186 = arith.index_cast %parallel_loop3A_1141 : i32 to index
      %parallel_loop3A_1187 = tpu.vector_load %arg18[%parallel_loop3A_1185, %parallel_loop3A_1186] {strides = array<i32>} : memref<8x768xf32, #tpu.memory_space<vmem>>, vector<1x16xf32>,
      %parallel_loop3A_1188 = vector.shape_cast %parallel_loop3A_1187 : vector<1x16xf32> to vector<16xf32>
      %parallel_loop3A_1189 = arith.constant 27.7128124 : f32
      %parallel_loop3A_1190 = vector.broadcast %parallel_loop3A_1189 : f32 to vector<16xf32>
      %parallel_loop3A_1191 = arith.mulf %parallel_loop3A_1188, %parallel_loop3A_1190 : vector<16xf32>
      %parallel_loop3A_1192 = arith.addf %parallel_loop3A_1191, %parallel_loop3A_1145 : vector<16xf32>
      %parallel_loop3A_1193 = arith.index_cast %parallel_loop3A_1136 : i32 to index
      %parallel_loop3A_1194 = arith.index_cast %parallel_loop3A_1141 : i32 to index
      %parallel_loop3A_1195 = tpu.vector_load %arg18[%parallel_loop3A_1193, %parallel_loop3A_1194] {strides = array<i32>} : memref<8x768xf32, #tpu.memory_space<vmem>>, vector<1x16xf32>,
      %parallel_loop3A_1196 = vector.shape_cast %parallel_loop3A_1195 : vector<1x16xf32> to vector<16xf32>
      %parallel_loop3A_1197 = vector.shape_cast %parallel_loop3A_1192 : vector<16xf32> to vector<1x16xf32>
      tpu.vector_store %arg18[%parallel_loop3A_1193, %parallel_loop3A_1194], %parallel_loop3A_1197 {strides = array<i32>} : memref<8x768xf32, #tpu.memory_space<vmem>>, vector<1x16xf32>,
    } {sc.loop_unroll_factor = 4 : i64, sc.parallel_access}
    %add3A_840 = arith.constant 40 : i32
    %add3A_841 = arith.addi %mul3A_2, %add3A_840 : i32
    %dma_start3A_842 = arith.constant 0 : i32
    %dma_start3A_843 = arith.constant 0 : i32
    %dma_start3A_844 = tpu.memref_slice %arg5[%dma_start3A_842, %add3A_841, %dma_start3A_843] : memref<4x2048x768xf32, #tpu.memory_space<hbm>> -> memref<1x8x768xf32, #tpu.memory_space<hbm>>
    %dma_start3A_845 = tpu.memref_squeeze %dma_start3A_844 : memref<1x8x768xf32, #tpu.memory_space<hbm>> -> memref<8x768xf32, #tpu.memory_space<hbm>>
    %dma_start3A_846 = arith.constant 0 : i32
    %dma_start3A_847 = tpu.memref_slice %arg5[%dma_start3A_842, %add3A_841, %dma_start3A_846] : memref<4x2048x768xf32, #tpu.memory_space<hbm>> -> memref<1x8x768xf32, #tpu.memory_space<hbm>>
    %dma_start3A_848 = tpu.memref_squeeze %dma_start3A_847 : memref<1x8x768xf32, #tpu.memory_space<hbm>> -> memref<8x768xf32, #tpu.memory_space<hbm>>
    tpu.enqueue_dma source(%arg15 : memref<8x768xf32, #tpu.memory_space<vmem>>) target(%dma_start3A_848 : memref<8x768xf32, #tpu.memory_space<hbm>>) target_semaphore(%arg35 : memref<!tpu.dma_semaphore, #tpu.memory_space<semaphore_mem>>)
    %dma_start3A_849 = arith.constant 1 : i32
    %dma_start3A_850 = arith.constant 0 : i32
    %dma_start3A_851 = tpu.memref_slice %arg5[%dma_start3A_849, %add3A_841, %dma_start3A_850] : memref<4x2048x768xf32, #tpu.memory_space<hbm>> -> memref<1x8x768xf32, #tpu.memory_space<hbm>>
    %dma_start3A_852 = tpu.memref_squeeze %dma_start3A_851 : memref<1x8x768xf32, #tpu.memory_space<hbm>> -> memref<8x768xf32, #tpu.memory_space<hbm>>
    %dma_start3A_853 = arith.constant 0 : i32
    %dma_start3A_854 = tpu.memref_slice %arg5[%dma_start3A_849, %add3A_841, %dma_start3A_853] : memref<4x2048x768xf32, #tpu.memory_space<hbm>> -> memref<1x8x768xf32, #tpu.memory_space<hbm>>
    %dma_start3A_855 = tpu.memref_squeeze %dma_start3A_854 : memref<1x8x768xf32, #tpu.memory_space<hbm>> -> memref<8x768xf32, #tpu.memory_space<hbm>>
    tpu.enqueue_dma source(%arg16 : memref<8x768xf32, #tpu.memory_space<vmem>>) target(%dma_start3A_855 : memref<8x768xf32, #tpu.memory_space<hbm>>) target_semaphore(%arg36 : memref<!tpu.dma_semaphore, #tpu.memory_space<semaphore_mem>>)
    %dma_start3A_856 = arith.constant 2 : i32
    %dma_start3A_857 = arith.constant 0 : i32
    %dma_start3A_858 = tpu.memref_slice %arg5[%dma_start3A_856, %add3A_841, %dma_start3A_857] : memref<4x2048x768xf32, #tpu.memory_space<hbm>> -> memref<1x8x768xf32, #tpu.memory_space<hbm>>
    %dma_start3A_859 = tpu.memref_squeeze %dma_start3A_858 : memref<1x8x768xf32, #tpu.memory_space<hbm>> -> memref<8x768xf32, #tpu.memory_space<hbm>>
    %dma_start3A_860 = arith.constant 0 : i32
    %dma_start3A_861 = tpu.memref_slice %arg5[%dma_start3A_856, %add3A_841, %dma_start3A_860] : memref<4x2048x768xf32, #tpu.memory_space<hbm>> -> memref<1x8x768xf32, #tpu.memory_space<hbm>>
    %dma_start3A_862 = tpu.memref_squeeze %dma_start3A_861 : memref<1x8x768xf32, #tpu.memory_space<hbm>> -> memref<8x768xf32, #tpu.memory_space<hbm>>
    tpu.enqueue_dma source(%arg17 : memref<8x768xf32, #tpu.memory_space<vmem>>) target(%dma_start3A_862 : memref<8x768xf32, #tpu.memory_space<hbm>>) target_semaphore(%arg37 : memref<!tpu.dma_semaphore, #tpu.memory_space<semaphore_mem>>)
    %dma_start3A_863 = arith.constant 3 : i32
    %dma_start3A_864 = arith.constant 0 : i32
    %dma_start3A_865 = tpu.memref_slice %arg5[%dma_start3A_863, %add3A_841, %dma_start3A_864] : memref<4x2048x768xf32, #tpu.memory_space<hbm>> -> memref<1x8x768xf32, #tpu.memory_space<hbm>>
    %dma_start3A_866 = tpu.memref_squeeze %dma_start3A_865 : memref<1x8x768xf32, #tpu.memory_space<hbm>> -> memref<8x768xf32, #tpu.memory_space<hbm>>
    %dma_start3A_867 = arith.constant 0 : i32
    %dma_start3A_868 = tpu.memref_slice %arg5[%dma_start3A_863, %add3A_841, %dma_start3A_867] : memref<4x2048x768xf32, #tpu.memory_space<hbm>> -> memref<1x8x768xf32, #tpu.memory_space<hbm>>
    %dma_start3A_869 = tpu.memref_squeeze %dma_start3A_868 : memref<1x8x768xf32, #tpu.memory_space<hbm>> -> memref<8x768xf32, #tpu.memory_space<hbm>>
    tpu.enqueue_dma source(%arg18 : memref<8x768xf32, #tpu.memory_space<vmem>>) target(%dma_start3A_869 : memref<8x768xf32, #tpu.memory_space<hbm>>) target_semaphore(%arg38 : memref<!tpu.dma_semaphore, #tpu.memory_space<semaphore_mem>>)
    %dma_wait3A_870 = arith.constant 0 : i32
    %dma_wait3A_871 = tpu.memref_slice %arg4[%add3A_645, %dma_wait3A_870] : memref<2048x768xf32, #tpu.memory_space<hbm>> -> memref<8x768xf32, #tpu.memory_space<hbm>>
    %dma_wait3A_872 = arith.constant 0 : i32
    %dma_wait3A_873 = tpu.memref_slice %arg4[%add3A_645, %dma_wait3A_872] : memref<2048x768xf32, #tpu.memory_space<hbm>> -> memref<8x768xf32, #tpu.memory_space<hbm>>
    tpu.wait_dma2 semaphore(%arg29 : memref<!tpu.dma_semaphore, #tpu.memory_space<semaphore_mem>>) src(%dma_wait3A_873 : memref<8x768xf32, #tpu.memory_space<hbm>>) dst(%arg9 : memref<8x768xf32, #tpu.memory_space<vmem>>)
    %dma_wait3A_874 = arith.constant 0 : i32
    %dma_wait3A_875 = arith.constant 48 : i32
    %dma_wait3A_876 = tpu.memref_slice %arg6[%dma_wait3A_874, %dma_wait3A_875] : memref<4x64xi32, #tpu.memory_space<vmem>> -> memref<1x8xi32, #tpu.memory_space<vmem>>
    %dma_wait3A_877 = tpu.memref_squeeze %dma_wait3A_876 : memref<1x8xi32, #tpu.memory_space<vmem>> -> memref<8xi32, #tpu.memory_space<vmem>>
    %dma_wait3A_878 = arith.constant 0 : i32
    %dma_wait3A_879 = arith.constant 0 : i32
    %dma_wait3A_880 = tpu.memref_slice %arg3[%dma_wait3A_878, %dma_wait3A_879] : memref<100000x768xf32, #tpu.memory_space<hbm>> -> memref<100000x768xf32, #tpu.memory_space<hbm>>
    tpu.wait_indirect_dma semaphore(%arg49 : memref<!tpu.dma_semaphore, #tpu.memory_space<semaphore_mem>>) src(%dma_wait3A_880 : memref<100000x768xf32, #tpu.memory_space<hbm>>) dst(%arg19 : memref<8x768xf32, #tpu.memory_space<vmem>>)
    %dma_wait3A_881 = arith.constant 1 : i32
    %dma_wait3A_882 = arith.constant 48 : i32
    %dma_wait3A_883 = tpu.memref_slice %arg6[%dma_wait3A_881, %dma_wait3A_882] : memref<4x64xi32, #tpu.memory_space<vmem>> -> memref<1x8xi32, #tpu.memory_space<vmem>>
    %dma_wait3A_884 = tpu.memref_squeeze %dma_wait3A_883 : memref<1x8xi32, #tpu.memory_space<vmem>> -> memref<8xi32, #tpu.memory_space<vmem>>
    %dma_wait3A_885 = arith.constant 0 : i32
    %dma_wait3A_886 = arith.constant 0 : i32
    %dma_wait3A_887 = tpu.memref_slice %arg3[%dma_wait3A_885, %dma_wait3A_886] : memref<100000x768xf32, #tpu.memory_space<hbm>> -> memref<100000x768xf32, #tpu.memory_space<hbm>>
    tpu.wait_indirect_dma semaphore(%arg49 : memref<!tpu.dma_semaphore, #tpu.memory_space<semaphore_mem>>) src(%dma_wait3A_887 : memref<100000x768xf32, #tpu.memory_space<hbm>>) dst(%arg20 : memref<8x768xf32, #tpu.memory_space<vmem>>)
    %dma_wait3A_888 = arith.constant 2 : i32
    %dma_wait3A_889 = arith.constant 48 : i32
    %dma_wait3A_890 = tpu.memref_slice %arg6[%dma_wait3A_888, %dma_wait3A_889] : memref<4x64xi32, #tpu.memory_space<vmem>> -> memref<1x8xi32, #tpu.memory_space<vmem>>
    %dma_wait3A_891 = tpu.memref_squeeze %dma_wait3A_890 : memref<1x8xi32, #tpu.memory_space<vmem>> -> memref<8xi32, #tpu.memory_space<vmem>>
    %dma_wait3A_892 = arith.constant 0 : i32
    %dma_wait3A_893 = arith.constant 0 : i32
    %dma_wait3A_894 = tpu.memref_slice %arg3[%dma_wait3A_892, %dma_wait3A_893] : memref<100000x768xf32, #tpu.memory_space<hbm>> -> memref<100000x768xf32, #tpu.memory_space<hbm>>
    tpu.wait_indirect_dma semaphore(%arg49 : memref<!tpu.dma_semaphore, #tpu.memory_space<semaphore_mem>>) src(%dma_wait3A_894 : memref<100000x768xf32, #tpu.memory_space<hbm>>) dst(%arg21 : memref<8x768xf32, #tpu.memory_space<vmem>>)
    %dma_wait3A_895 = arith.constant 3 : i32
    %dma_wait3A_896 = arith.constant 48 : i32
    %dma_wait3A_897 = tpu.memref_slice %arg6[%dma_wait3A_895, %dma_wait3A_896] : memref<4x64xi32, #tpu.memory_space<vmem>> -> memref<1x8xi32, #tpu.memory_space<vmem>>
    %dma_wait3A_898 = tpu.memref_squeeze %dma_wait3A_897 : memref<1x8xi32, #tpu.memory_space<vmem>> -> memref<8xi32, #tpu.memory_space<vmem>>
    %dma_wait3A_899 = arith.constant 0 : i32
    %dma_wait3A_900 = arith.constant 0 : i32
    %dma_wait3A_901 = tpu.memref_slice %arg3[%dma_wait3A_899, %dma_wait3A_900] : memref<100000x768xf32, #tpu.memory_space<hbm>> -> memref<100000x768xf32, #tpu.memory_space<hbm>>
    tpu.wait_indirect_dma semaphore(%arg49 : memref<!tpu.dma_semaphore, #tpu.memory_space<semaphore_mem>>) src(%dma_wait3A_901 : memref<100000x768xf32, #tpu.memory_space<hbm>>) dst(%arg22 : memref<8x768xf32, #tpu.memory_space<vmem>>)
    %parallel_loop3A_902 = arith.constant 0 : i32
    %parallel_loop3A_903 = arith.constant 384 : i32
    %parallel_loop3A_904 = arith.constant 1 : i32
    scf.for %parallel_loop3A_1112 = %parallel_loop3A_902 to %parallel_loop3A_903 step %parallel_loop3A_904  : i32 {
      %parallel_loop3A_1113 = arith.constant 48 : i32
      %parallel_loop3A_1114 = arith.divsi %parallel_loop3A_1112, %parallel_loop3A_1113 : i32
      %parallel_loop3A_1115 = arith.constant 0 : i32
      %parallel_loop3A_1116 = arith.cmpi sgt, %parallel_loop3A_1112, %parallel_loop3A_1115 : i32
      %parallel_loop3A_1117 = arith.extui %parallel_loop3A_1116 : i1 to i32
      %parallel_loop3A_1118 = arith.constant 0 : i32
      %parallel_loop3A_1119 = arith.cmpi slt, %parallel_loop3A_1112, %parallel_loop3A_1118 : i32
      %parallel_loop3A_1120 = arith.extui %parallel_loop3A_1119 : i1 to i32
      %parallel_loop3A_1121 = arith.subi %parallel_loop3A_1117, %parallel_loop3A_1120 : i32
      %parallel_loop3A_1122 = arith.constant 0 : i32
      %parallel_loop3A_1123 = arith.cmpi sgt, %parallel_loop3A_1113, %parallel_loop3A_1122 : i32
      %parallel_loop3A_1124 = arith.extui %parallel_loop3A_1123 : i1 to i32
      %parallel_loop3A_1125 = arith.constant 0 : i32
      %parallel_loop3A_1126 = arith.cmpi slt, %parallel_loop3A_1113, %parallel_loop3A_1125 : i32
      %parallel_loop3A_1127 = arith.extui %parallel_loop3A_1126 : i1 to i32
      %parallel_loop3A_1128 = arith.subi %parallel_loop3A_1124, %parallel_loop3A_1127 : i32
      %parallel_loop3A_1129 = arith.cmpi ne, %parallel_loop3A_1121, %parallel_loop3A_1128 : i32
      %parallel_loop3A_1130 = arith.remsi %parallel_loop3A_1112, %parallel_loop3A_1113 : i32
      %parallel_loop3A_1131 = arith.constant 0 : i32
      %parallel_loop3A_1132 = arith.cmpi ne, %parallel_loop3A_1130, %parallel_loop3A_1131 : i32
      %parallel_loop3A_1133 = arith.andi %parallel_loop3A_1129, %parallel_loop3A_1132 : i1
      %parallel_loop3A_1134 = arith.constant 1 : i32
      %parallel_loop3A_1135 = arith.subi %parallel_loop3A_1114, %parallel_loop3A_1134 : i32
      %parallel_loop3A_1136 = arith.select %parallel_loop3A_1133, %parallel_loop3A_1135, %parallel_loop3A_1114 : i32
      %parallel_loop3A_1137 = arith.constant 48 : i32
      %parallel_loop3A_1138 = arith.muli %parallel_loop3A_1136, %parallel_loop3A_1137 : i32
      %parallel_loop3A_1139 = arith.subi %parallel_loop3A_1112, %parallel_loop3A_1138 : i32
      %parallel_loop3A_1140 = arith.constant 16 : i32
      %parallel_loop3A_1141 = arith.muli %parallel_loop3A_1139, %parallel_loop3A_1140 : i32
      %parallel_loop3A_1142 = arith.index_cast %parallel_loop3A_1136 : i32 to index
      %parallel_loop3A_1143 = arith.index_cast %parallel_loop3A_1141 : i32 to index
      %parallel_loop3A_1144 = tpu.vector_load %arg9[%parallel_loop3A_1142, %parallel_loop3A_1143] {strides = array<i32>} : memref<8x768xf32, #tpu.memory_space<vmem>>, vector<1x16xf32>,
      %parallel_loop3A_1145 = vector.shape_cast %parallel_loop3A_1144 : vector<1x16xf32> to vector<16xf32>
      %parallel_loop3A_1146 = arith.index_cast %parallel_loop3A_1136 : i32 to index
      %parallel_loop3A_1147 = arith.index_cast %parallel_loop3A_1141 : i32 to index
      %parallel_loop3A_1148 = tpu.vector_load %arg19[%parallel_loop3A_1146, %parallel_loop3A_1147] {strides = array<i32>} : memref<8x768xf32, #tpu.memory_space<vmem>>, vector<1x16xf32>,
      %parallel_loop3A_1149 = vector.shape_cast %parallel_loop3A_1148 : vector<1x16xf32> to vector<16xf32>
      %parallel_loop3A_1150 = arith.constant 27.7128124 : f32
      %parallel_loop3A_1151 = vector.broadcast %parallel_loop3A_1150 : f32 to vector<16xf32>
      %parallel_loop3A_1152 = arith.mulf %parallel_loop3A_1149, %parallel_loop3A_1151 : vector<16xf32>
      %parallel_loop3A_1153 = arith.addf %parallel_loop3A_1152, %parallel_loop3A_1145 : vector<16xf32>
      %parallel_loop3A_1154 = arith.index_cast %parallel_loop3A_1136 : i32 to index
      %parallel_loop3A_1155 = arith.index_cast %parallel_loop3A_1141 : i32 to index
      %parallel_loop3A_1156 = tpu.vector_load %arg19[%parallel_loop3A_1154, %parallel_loop3A_1155] {strides = array<i32>} : memref<8x768xf32, #tpu.memory_space<vmem>>, vector<1x16xf32>,
      %parallel_loop3A_1157 = vector.shape_cast %parallel_loop3A_1156 : vector<1x16xf32> to vector<16xf32>
      %parallel_loop3A_1158 = vector.shape_cast %parallel_loop3A_1153 : vector<16xf32> to vector<1x16xf32>
      tpu.vector_store %arg19[%parallel_loop3A_1154, %parallel_loop3A_1155], %parallel_loop3A_1158 {strides = array<i32>} : memref<8x768xf32, #tpu.memory_space<vmem>>, vector<1x16xf32>,
      %parallel_loop3A_1159 = arith.index_cast %parallel_loop3A_1136 : i32 to index
      %parallel_loop3A_1160 = arith.index_cast %parallel_loop3A_1141 : i32 to index
      %parallel_loop3A_1161 = tpu.vector_load %arg20[%parallel_loop3A_1159, %parallel_loop3A_1160] {strides = array<i32>} : memref<8x768xf32, #tpu.memory_space<vmem>>, vector<1x16xf32>,
      %parallel_loop3A_1162 = vector.shape_cast %parallel_loop3A_1161 : vector<1x16xf32> to vector<16xf32>
      %parallel_loop3A_1163 = arith.constant 27.7128124 : f32
      %parallel_loop3A_1164 = vector.broadcast %parallel_loop3A_1163 : f32 to vector<16xf32>
      %parallel_loop3A_1165 = arith.mulf %parallel_loop3A_1162, %parallel_loop3A_1164 : vector<16xf32>
      %parallel_loop3A_1166 = arith.addf %parallel_loop3A_1165, %parallel_loop3A_1145 : vector<16xf32>
      %parallel_loop3A_1167 = arith.index_cast %parallel_loop3A_1136 : i32 to index
      %parallel_loop3A_1168 = arith.index_cast %parallel_loop3A_1141 : i32 to index
      %parallel_loop3A_1169 = tpu.vector_load %arg20[%parallel_loop3A_1167, %parallel_loop3A_1168] {strides = array<i32>} : memref<8x768xf32, #tpu.memory_space<vmem>>, vector<1x16xf32>,
      %parallel_loop3A_1170 = vector.shape_cast %parallel_loop3A_1169 : vector<1x16xf32> to vector<16xf32>
      %parallel_loop3A_1171 = vector.shape_cast %parallel_loop3A_1166 : vector<16xf32> to vector<1x16xf32>
      tpu.vector_store %arg20[%parallel_loop3A_1167, %parallel_loop3A_1168], %parallel_loop3A_1171 {strides = array<i32>} : memref<8x768xf32, #tpu.memory_space<vmem>>, vector<1x16xf32>,
      %parallel_loop3A_1172 = arith.index_cast %parallel_loop3A_1136 : i32 to index
      %parallel_loop3A_1173 = arith.index_cast %parallel_loop3A_1141 : i32 to index
      %parallel_loop3A_1174 = tpu.vector_load %arg21[%parallel_loop3A_1172, %parallel_loop3A_1173] {strides = array<i32>} : memref<8x768xf32, #tpu.memory_space<vmem>>, vector<1x16xf32>,
      %parallel_loop3A_1175 = vector.shape_cast %parallel_loop3A_1174 : vector<1x16xf32> to vector<16xf32>
      %parallel_loop3A_1176 = arith.constant 27.7128124 : f32
      %parallel_loop3A_1177 = vector.broadcast %parallel_loop3A_1176 : f32 to vector<16xf32>
      %parallel_loop3A_1178 = arith.mulf %parallel_loop3A_1175, %parallel_loop3A_1177 : vector<16xf32>
      %parallel_loop3A_1179 = arith.addf %parallel_loop3A_1178, %parallel_loop3A_1145 : vector<16xf32>
      %parallel_loop3A_1180 = arith.index_cast %parallel_loop3A_1136 : i32 to index
      %parallel_loop3A_1181 = arith.index_cast %parallel_loop3A_1141 : i32 to index
      %parallel_loop3A_1182 = tpu.vector_load %arg21[%parallel_loop3A_1180, %parallel_loop3A_1181] {strides = array<i32>} : memref<8x768xf32, #tpu.memory_space<vmem>>, vector<1x16xf32>,
      %parallel_loop3A_1183 = vector.shape_cast %parallel_loop3A_1182 : vector<1x16xf32> to vector<16xf32>
      %parallel_loop3A_1184 = vector.shape_cast %parallel_loop3A_1179 : vector<16xf32> to vector<1x16xf32>
      tpu.vector_store %arg21[%parallel_loop3A_1180, %parallel_loop3A_1181], %parallel_loop3A_1184 {strides = array<i32>} : memref<8x768xf32, #tpu.memory_space<vmem>>, vector<1x16xf32>,
      %parallel_loop3A_1185 = arith.index_cast %parallel_loop3A_1136 : i32 to index
      %parallel_loop3A_1186 = arith.index_cast %parallel_loop3A_1141 : i32 to index
      %parallel_loop3A_1187 = tpu.vector_load %arg22[%parallel_loop3A_1185, %parallel_loop3A_1186] {strides = array<i32>} : memref<8x768xf32, #tpu.memory_space<vmem>>, vector<1x16xf32>,
      %parallel_loop3A_1188 = vector.shape_cast %parallel_loop3A_1187 : vector<1x16xf32> to vector<16xf32>
      %parallel_loop3A_1189 = arith.constant 27.7128124 : f32
      %parallel_loop3A_1190 = vector.broadcast %parallel_loop3A_1189 : f32 to vector<16xf32>
      %parallel_loop3A_1191 = arith.mulf %parallel_loop3A_1188, %parallel_loop3A_1190 : vector<16xf32>
      %parallel_loop3A_1192 = arith.addf %parallel_loop3A_1191, %parallel_loop3A_1145 : vector<16xf32>
      %parallel_loop3A_1193 = arith.index_cast %parallel_loop3A_1136 : i32 to index
      %parallel_loop3A_1194 = arith.index_cast %parallel_loop3A_1141 : i32 to index
      %parallel_loop3A_1195 = tpu.vector_load %arg22[%parallel_loop3A_1193, %parallel_loop3A_1194] {strides = array<i32>} : memref<8x768xf32, #tpu.memory_space<vmem>>, vector<1x16xf32>,
      %parallel_loop3A_1196 = vector.shape_cast %parallel_loop3A_1195 : vector<1x16xf32> to vector<16xf32>
      %parallel_loop3A_1197 = vector.shape_cast %parallel_loop3A_1192 : vector<16xf32> to vector<1x16xf32>
      tpu.vector_store %arg22[%parallel_loop3A_1193, %parallel_loop3A_1194], %parallel_loop3A_1197 {strides = array<i32>} : memref<8x768xf32, #tpu.memory_space<vmem>>, vector<1x16xf32>,
    } {sc.loop_unroll_factor = 4 : i64, sc.parallel_access}
    %add3A_905 = arith.constant 48 : i32
    %add3A_906 = arith.addi %mul3A_2, %add3A_905 : i32
    %dma_start3A_907 = arith.constant 0 : i32
    %dma_start3A_908 = arith.constant 0 : i32
    %dma_start3A_909 = tpu.memref_slice %arg5[%dma_start3A_907, %add3A_906, %dma_start3A_908] : memref<4x2048x768xf32, #tpu.memory_space<hbm>> -> memref<1x8x768xf32, #tpu.memory_space<hbm>>
    %dma_start3A_910 = tpu.memref_squeeze %dma_start3A_909 : memref<1x8x768xf32, #tpu.memory_space<hbm>> -> memref<8x768xf32, #tpu.memory_space<hbm>>
    %dma_start3A_911 = arith.constant 0 : i32
    %dma_start3A_912 = tpu.memref_slice %arg5[%dma_start3A_907, %add3A_906, %dma_start3A_911] : memref<4x2048x768xf32, #tpu.memory_space<hbm>> -> memref<1x8x768xf32, #tpu.memory_space<hbm>>
    %dma_start3A_913 = tpu.memref_squeeze %dma_start3A_912 : memref<1x8x768xf32, #tpu.memory_space<hbm>> -> memref<8x768xf32, #tpu.memory_space<hbm>>
    tpu.enqueue_dma source(%arg19 : memref<8x768xf32, #tpu.memory_space<vmem>>) target(%dma_start3A_913 : memref<8x768xf32, #tpu.memory_space<hbm>>) target_semaphore(%arg39 : memref<!tpu.dma_semaphore, #tpu.memory_space<semaphore_mem>>)
    %dma_start3A_914 = arith.constant 1 : i32
    %dma_start3A_915 = arith.constant 0 : i32
    %dma_start3A_916 = tpu.memref_slice %arg5[%dma_start3A_914, %add3A_906, %dma_start3A_915] : memref<4x2048x768xf32, #tpu.memory_space<hbm>> -> memref<1x8x768xf32, #tpu.memory_space<hbm>>
    %dma_start3A_917 = tpu.memref_squeeze %dma_start3A_916 : memref<1x8x768xf32, #tpu.memory_space<hbm>> -> memref<8x768xf32, #tpu.memory_space<hbm>>
    %dma_start3A_918 = arith.constant 0 : i32
    %dma_start3A_919 = tpu.memref_slice %arg5[%dma_start3A_914, %add3A_906, %dma_start3A_918] : memref<4x2048x768xf32, #tpu.memory_space<hbm>> -> memref<1x8x768xf32, #tpu.memory_space<hbm>>
    %dma_start3A_920 = tpu.memref_squeeze %dma_start3A_919 : memref<1x8x768xf32, #tpu.memory_space<hbm>> -> memref<8x768xf32, #tpu.memory_space<hbm>>
    tpu.enqueue_dma source(%arg20 : memref<8x768xf32, #tpu.memory_space<vmem>>) target(%dma_start3A_920 : memref<8x768xf32, #tpu.memory_space<hbm>>) target_semaphore(%arg40 : memref<!tpu.dma_semaphore, #tpu.memory_space<semaphore_mem>>)
    %dma_start3A_921 = arith.constant 2 : i32
    %dma_start3A_922 = arith.constant 0 : i32
    %dma_start3A_923 = tpu.memref_slice %arg5[%dma_start3A_921, %add3A_906, %dma_start3A_922] : memref<4x2048x768xf32, #tpu.memory_space<hbm>> -> memref<1x8x768xf32, #tpu.memory_space<hbm>>
    %dma_start3A_924 = tpu.memref_squeeze %dma_start3A_923 : memref<1x8x768xf32, #tpu.memory_space<hbm>> -> memref<8x768xf32, #tpu.memory_space<hbm>>
    %dma_start3A_925 = arith.constant 0 : i32
    %dma_start3A_926 = tpu.memref_slice %arg5[%dma_start3A_921, %add3A_906, %dma_start3A_925] : memref<4x2048x768xf32, #tpu.memory_space<hbm>> -> memref<1x8x768xf32, #tpu.memory_space<hbm>>
    %dma_start3A_927 = tpu.memref_squeeze %dma_start3A_926 : memref<1x8x768xf32, #tpu.memory_space<hbm>> -> memref<8x768xf32, #tpu.memory_space<hbm>>
    tpu.enqueue_dma source(%arg21 : memref<8x768xf32, #tpu.memory_space<vmem>>) target(%dma_start3A_927 : memref<8x768xf32, #tpu.memory_space<hbm>>) target_semaphore(%arg41 : memref<!tpu.dma_semaphore, #tpu.memory_space<semaphore_mem>>)
    %dma_start3A_928 = arith.constant 3 : i32
    %dma_start3A_929 = arith.constant 0 : i32
    %dma_start3A_930 = tpu.memref_slice %arg5[%dma_start3A_928, %add3A_906, %dma_start3A_929] : memref<4x2048x768xf32, #tpu.memory_space<hbm>> -> memref<1x8x768xf32, #tpu.memory_space<hbm>>
    %dma_start3A_931 = tpu.memref_squeeze %dma_start3A_930 : memref<1x8x768xf32, #tpu.memory_space<hbm>> -> memref<8x768xf32, #tpu.memory_space<hbm>>
    %dma_start3A_932 = arith.constant 0 : i32
    %dma_start3A_933 = tpu.memref_slice %arg5[%dma_start3A_928, %add3A_906, %dma_start3A_932] : memref<4x2048x768xf32, #tpu.memory_space<hbm>> -> memref<1x8x768xf32, #tpu.memory_space<hbm>>
    %dma_start3A_934 = tpu.memref_squeeze %dma_start3A_933 : memref<1x8x768xf32, #tpu.memory_space<hbm>> -> memref<8x768xf32, #tpu.memory_space<hbm>>
    tpu.enqueue_dma source(%arg22 : memref<8x768xf32, #tpu.memory_space<vmem>>) target(%dma_start3A_934 : memref<8x768xf32, #tpu.memory_space<hbm>>) target_semaphore(%arg42 : memref<!tpu.dma_semaphore, #tpu.memory_space<semaphore_mem>>)
    %dma_wait3A_935 = arith.constant 0 : i32
    %dma_wait3A_936 = tpu.memref_slice %arg4[%add3A_772, %dma_wait3A_935] : memref<2048x768xf32, #tpu.memory_space<hbm>> -> memref<8x768xf32, #tpu.memory_space<hbm>>
    %dma_wait3A_937 = arith.constant 0 : i32
    %dma_wait3A_938 = tpu.memref_slice %arg4[%add3A_772, %dma_wait3A_937] : memref<2048x768xf32, #tpu.memory_space<hbm>> -> memref<8x768xf32, #tpu.memory_space<hbm>>
    tpu.wait_dma2 semaphore(%arg30 : memref<!tpu.dma_semaphore, #tpu.memory_space<semaphore_mem>>) src(%dma_wait3A_938 : memref<8x768xf32, #tpu.memory_space<hbm>>) dst(%arg10 : memref<8x768xf32, #tpu.memory_space<vmem>>)
    %dma_wait3A_939 = arith.constant 0 : i32
    %dma_wait3A_940 = arith.constant 56 : i32
    %dma_wait3A_941 = tpu.memref_slice %arg6[%dma_wait3A_939, %dma_wait3A_940] : memref<4x64xi32, #tpu.memory_space<vmem>> -> memref<1x8xi32, #tpu.memory_space<vmem>>
    %dma_wait3A_942 = tpu.memref_squeeze %dma_wait3A_941 : memref<1x8xi32, #tpu.memory_space<vmem>> -> memref<8xi32, #tpu.memory_space<vmem>>
    %dma_wait3A_943 = arith.constant 0 : i32
    %dma_wait3A_944 = arith.constant 0 : i32
    %dma_wait3A_945 = tpu.memref_slice %arg3[%dma_wait3A_943, %dma_wait3A_944] : memref<100000x768xf32, #tpu.memory_space<hbm>> -> memref<100000x768xf32, #tpu.memory_space<hbm>>
    tpu.wait_indirect_dma semaphore(%arg50 : memref<!tpu.dma_semaphore, #tpu.memory_space<semaphore_mem>>) src(%dma_wait3A_945 : memref<100000x768xf32, #tpu.memory_space<hbm>>) dst(%arg23 : memref<8x768xf32, #tpu.memory_space<vmem>>)
    %dma_wait3A_946 = arith.constant 1 : i32
    %dma_wait3A_947 = arith.constant 56 : i32
    %dma_wait3A_948 = tpu.memref_slice %arg6[%dma_wait3A_946, %dma_wait3A_947] : memref<4x64xi32, #tpu.memory_space<vmem>> -> memref<1x8xi32, #tpu.memory_space<vmem>>
    %dma_wait3A_949 = tpu.memref_squeeze %dma_wait3A_948 : memref<1x8xi32, #tpu.memory_space<vmem>> -> memref<8xi32, #tpu.memory_space<vmem>>
    %dma_wait3A_950 = arith.constant 0 : i32
    %dma_wait3A_951 = arith.constant 0 : i32
    %dma_wait3A_952 = tpu.memref_slice %arg3[%dma_wait3A_950, %dma_wait3A_951] : memref<100000x768xf32, #tpu.memory_space<hbm>> -> memref<100000x768xf32, #tpu.memory_space<hbm>>
    tpu.wait_indirect_dma semaphore(%arg50 : memref<!tpu.dma_semaphore, #tpu.memory_space<semaphore_mem>>) src(%dma_wait3A_952 : memref<100000x768xf32, #tpu.memory_space<hbm>>) dst(%arg24 : memref<8x768xf32, #tpu.memory_space<vmem>>)
    %dma_wait3A_953 = arith.constant 2 : i32
    %dma_wait3A_954 = arith.constant 56 : i32
    %dma_wait3A_955 = tpu.memref_slice %arg6[%dma_wait3A_953, %dma_wait3A_954] : memref<4x64xi32, #tpu.memory_space<vmem>> -> memref<1x8xi32, #tpu.memory_space<vmem>>
    %dma_wait3A_956 = tpu.memref_squeeze %dma_wait3A_955 : memref<1x8xi32, #tpu.memory_space<vmem>> -> memref<8xi32, #tpu.memory_space<vmem>>
    %dma_wait3A_957 = arith.constant 0 : i32
    %dma_wait3A_958 = arith.constant 0 : i32
    %dma_wait3A_959 = tpu.memref_slice %arg3[%dma_wait3A_957, %dma_wait3A_958] : memref<100000x768xf32, #tpu.memory_space<hbm>> -> memref<100000x768xf32, #tpu.memory_space<hbm>>
    tpu.wait_indirect_dma semaphore(%arg50 : memref<!tpu.dma_semaphore, #tpu.memory_space<semaphore_mem>>) src(%dma_wait3A_959 : memref<100000x768xf32, #tpu.memory_space<hbm>>) dst(%arg25 : memref<8x768xf32, #tpu.memory_space<vmem>>)
    %dma_wait3A_960 = arith.constant 3 : i32
    %dma_wait3A_961 = arith.constant 56 : i32
    %dma_wait3A_962 = tpu.memref_slice %arg6[%dma_wait3A_960, %dma_wait3A_961] : memref<4x64xi32, #tpu.memory_space<vmem>> -> memref<1x8xi32, #tpu.memory_space<vmem>>
    %dma_wait3A_963 = tpu.memref_squeeze %dma_wait3A_962 : memref<1x8xi32, #tpu.memory_space<vmem>> -> memref<8xi32, #tpu.memory_space<vmem>>
    %dma_wait3A_964 = arith.constant 0 : i32
    %dma_wait3A_965 = arith.constant 0 : i32
    %dma_wait3A_966 = tpu.memref_slice %arg3[%dma_wait3A_964, %dma_wait3A_965] : memref<100000x768xf32, #tpu.memory_space<hbm>> -> memref<100000x768xf32, #tpu.memory_space<hbm>>
    tpu.wait_indirect_dma semaphore(%arg50 : memref<!tpu.dma_semaphore, #tpu.memory_space<semaphore_mem>>) src(%dma_wait3A_966 : memref<100000x768xf32, #tpu.memory_space<hbm>>) dst(%arg26 : memref<8x768xf32, #tpu.memory_space<vmem>>)
    %parallel_loop3A_967 = arith.constant 0 : i32
    %parallel_loop3A_968 = arith.constant 384 : i32
    %parallel_loop3A_969 = arith.constant 1 : i32
    scf.for %parallel_loop3A_1112 = %parallel_loop3A_967 to %parallel_loop3A_968 step %parallel_loop3A_969  : i32 {
      %parallel_loop3A_1113 = arith.constant 48 : i32
      %parallel_loop3A_1114 = arith.divsi %parallel_loop3A_1112, %parallel_loop3A_1113 : i32
      %parallel_loop3A_1115 = arith.constant 0 : i32
      %parallel_loop3A_1116 = arith.cmpi sgt, %parallel_loop3A_1112, %parallel_loop3A_1115 : i32
      %parallel_loop3A_1117 = arith.extui %parallel_loop3A_1116 : i1 to i32
      %parallel_loop3A_1118 = arith.constant 0 : i32
      %parallel_loop3A_1119 = arith.cmpi slt, %parallel_loop3A_1112, %parallel_loop3A_1118 : i32
      %parallel_loop3A_1120 = arith.extui %parallel_loop3A_1119 : i1 to i32
      %parallel_loop3A_1121 = arith.subi %parallel_loop3A_1117, %parallel_loop3A_1120 : i32
      %parallel_loop3A_1122 = arith.constant 0 : i32
      %parallel_loop3A_1123 = arith.cmpi sgt, %parallel_loop3A_1113, %parallel_loop3A_1122 : i32
      %parallel_loop3A_1124 = arith.extui %parallel_loop3A_1123 : i1 to i32
      %parallel_loop3A_1125 = arith.constant 0 : i32
      %parallel_loop3A_1126 = arith.cmpi slt, %parallel_loop3A_1113, %parallel_loop3A_1125 : i32
      %parallel_loop3A_1127 = arith.extui %parallel_loop3A_1126 : i1 to i32
      %parallel_loop3A_1128 = arith.subi %parallel_loop3A_1124, %parallel_loop3A_1127 : i32
      %parallel_loop3A_1129 = arith.cmpi ne, %parallel_loop3A_1121, %parallel_loop3A_1128 : i32
      %parallel_loop3A_1130 = arith.remsi %parallel_loop3A_1112, %parallel_loop3A_1113 : i32
      %parallel_loop3A_1131 = arith.constant 0 : i32
      %parallel_loop3A_1132 = arith.cmpi ne, %parallel_loop3A_1130, %parallel_loop3A_1131 : i32
      %parallel_loop3A_1133 = arith.andi %parallel_loop3A_1129, %parallel_loop3A_1132 : i1
      %parallel_loop3A_1134 = arith.constant 1 : i32
      %parallel_loop3A_1135 = arith.subi %parallel_loop3A_1114, %parallel_loop3A_1134 : i32
      %parallel_loop3A_1136 = arith.select %parallel_loop3A_1133, %parallel_loop3A_1135, %parallel_loop3A_1114 : i32
      %parallel_loop3A_1137 = arith.constant 48 : i32
      %parallel_loop3A_1138 = arith.muli %parallel_loop3A_1136, %parallel_loop3A_1137 : i32
      %parallel_loop3A_1139 = arith.subi %parallel_loop3A_1112, %parallel_loop3A_1138 : i32
      %parallel_loop3A_1140 = arith.constant 16 : i32
      %parallel_loop3A_1141 = arith.muli %parallel_loop3A_1139, %parallel_loop3A_1140 : i32
      %parallel_loop3A_1142 = arith.index_cast %parallel_loop3A_1136 : i32 to index
      %parallel_loop3A_1143 = arith.index_cast %parallel_loop3A_1141 : i32 to index
      %parallel_loop3A_1144 = tpu.vector_load %arg10[%parallel_loop3A_1142, %parallel_loop3A_1143] {strides = array<i32>} : memref<8x768xf32, #tpu.memory_space<vmem>>, vector<1x16xf32>,
      %parallel_loop3A_1145 = vector.shape_cast %parallel_loop3A_1144 : vector<1x16xf32> to vector<16xf32>
      %parallel_loop3A_1146 = arith.index_cast %parallel_loop3A_1136 : i32 to index
      %parallel_loop3A_1147 = arith.index_cast %parallel_loop3A_1141 : i32 to index
      %parallel_loop3A_1148 = tpu.vector_load %arg23[%parallel_loop3A_1146, %parallel_loop3A_1147] {strides = array<i32>} : memref<8x768xf32, #tpu.memory_space<vmem>>, vector<1x16xf32>,
      %parallel_loop3A_1149 = vector.shape_cast %parallel_loop3A_1148 : vector<1x16xf32> to vector<16xf32>
      %parallel_loop3A_1150 = arith.constant 27.7128124 : f32
      %parallel_loop3A_1151 = vector.broadcast %parallel_loop3A_1150 : f32 to vector<16xf32>
      %parallel_loop3A_1152 = arith.mulf %parallel_loop3A_1149, %parallel_loop3A_1151 : vector<16xf32>
      %parallel_loop3A_1153 = arith.addf %parallel_loop3A_1152, %parallel_loop3A_1145 : vector<16xf32>
      %parallel_loop3A_1154 = arith.index_cast %parallel_loop3A_1136 : i32 to index
      %parallel_loop3A_1155 = arith.index_cast %parallel_loop3A_1141 : i32 to index
      %parallel_loop3A_1156 = tpu.vector_load %arg23[%parallel_loop3A_1154, %parallel_loop3A_1155] {strides = array<i32>} : memref<8x768xf32, #tpu.memory_space<vmem>>, vector<1x16xf32>,
      %parallel_loop3A_1157 = vector.shape_cast %parallel_loop3A_1156 : vector<1x16xf32> to vector<16xf32>
      %parallel_loop3A_1158 = vector.shape_cast %parallel_loop3A_1153 : vector<16xf32> to vector<1x16xf32>
      tpu.vector_store %arg23[%parallel_loop3A_1154, %parallel_loop3A_1155], %parallel_loop3A_1158 {strides = array<i32>} : memref<8x768xf32, #tpu.memory_space<vmem>>, vector<1x16xf32>,
      %parallel_loop3A_1159 = arith.index_cast %parallel_loop3A_1136 : i32 to index
      %parallel_loop3A_1160 = arith.index_cast %parallel_loop3A_1141 : i32 to index
      %parallel_loop3A_1161 = tpu.vector_load %arg24[%parallel_loop3A_1159, %parallel_loop3A_1160] {strides = array<i32>} : memref<8x768xf32, #tpu.memory_space<vmem>>, vector<1x16xf32>,
      %parallel_loop3A_1162 = vector.shape_cast %parallel_loop3A_1161 : vector<1x16xf32> to vector<16xf32>
      %parallel_loop3A_1163 = arith.constant 27.7128124 : f32
      %parallel_loop3A_1164 = vector.broadcast %parallel_loop3A_1163 : f32 to vector<16xf32>
      %parallel_loop3A_1165 = arith.mulf %parallel_loop3A_1162, %parallel_loop3A_1164 : vector<16xf32>
      %parallel_loop3A_1166 = arith.addf %parallel_loop3A_1165, %parallel_loop3A_1145 : vector<16xf32>
      %parallel_loop3A_1167 = arith.index_cast %parallel_loop3A_1136 : i32 to index
      %parallel_loop3A_1168 = arith.index_cast %parallel_loop3A_1141 : i32 to index
      %parallel_loop3A_1169 = tpu.vector_load %arg24[%parallel_loop3A_1167, %parallel_loop3A_1168] {strides = array<i32>} : memref<8x768xf32, #tpu.memory_space<vmem>>, vector<1x16xf32>,
      %parallel_loop3A_1170 = vector.shape_cast %parallel_loop3A_1169 : vector<1x16xf32> to vector<16xf32>
      %parallel_loop3A_1171 = vector.shape_cast %parallel_loop3A_1166 : vector<16xf32> to vector<1x16xf32>
      tpu.vector_store %arg24[%parallel_loop3A_1167, %parallel_loop3A_1168], %parallel_loop3A_1171 {strides = array<i32>} : memref<8x768xf32, #tpu.memory_space<vmem>>, vector<1x16xf32>,
      %parallel_loop3A_1172 = arith.index_cast %parallel_loop3A_1136 : i32 to index
      %parallel_loop3A_1173 = arith.index_cast %parallel_loop3A_1141 : i32 to index
      %parallel_loop3A_1174 = tpu.vector_load %arg25[%parallel_loop3A_1172, %parallel_loop3A_1173] {strides = array<i32>} : memref<8x768xf32, #tpu.memory_space<vmem>>, vector<1x16xf32>,
      %parallel_loop3A_1175 = vector.shape_cast %parallel_loop3A_1174 : vector<1x16xf32> to vector<16xf32>
      %parallel_loop3A_1176 = arith.constant 27.7128124 : f32
      %parallel_loop3A_1177 = vector.broadcast %parallel_loop3A_1176 : f32 to vector<16xf32>
      %parallel_loop3A_1178 = arith.mulf %parallel_loop3A_1175, %parallel_loop3A_1177 : vector<16xf32>
      %parallel_loop3A_1179 = arith.addf %parallel_loop3A_1178, %parallel_loop3A_1145 : vector<16xf32>
      %parallel_loop3A_1180 = arith.index_cast %parallel_loop3A_1136 : i32 to index
      %parallel_loop3A_1181 = arith.index_cast %parallel_loop3A_1141 : i32 to index
      %parallel_loop3A_1182 = tpu.vector_load %arg25[%parallel_loop3A_1180, %parallel_loop3A_1181] {strides = array<i32>} : memref<8x768xf32, #tpu.memory_space<vmem>>, vector<1x16xf32>,
      %parallel_loop3A_1183 = vector.shape_cast %parallel_loop3A_1182 : vector<1x16xf32> to vector<16xf32>
      %parallel_loop3A_1184 = vector.shape_cast %parallel_loop3A_1179 : vector<16xf32> to vector<1x16xf32>
      tpu.vector_store %arg25[%parallel_loop3A_1180, %parallel_loop3A_1181], %parallel_loop3A_1184 {strides = array<i32>} : memref<8x768xf32, #tpu.memory_space<vmem>>, vector<1x16xf32>,
      %parallel_loop3A_1185 = arith.index_cast %parallel_loop3A_1136 : i32 to index
      %parallel_loop3A_1186 = arith.index_cast %parallel_loop3A_1141 : i32 to index
      %parallel_loop3A_1187 = tpu.vector_load %arg26[%parallel_loop3A_1185, %parallel_loop3A_1186] {strides = array<i32>} : memref<8x768xf32, #tpu.memory_space<vmem>>, vector<1x16xf32>,
      %parallel_loop3A_1188 = vector.shape_cast %parallel_loop3A_1187 : vector<1x16xf32> to vector<16xf32>
      %parallel_loop3A_1189 = arith.constant 27.7128124 : f32
      %parallel_loop3A_1190 = vector.broadcast %parallel_loop3A_1189 : f32 to vector<16xf32>
      %parallel_loop3A_1191 = arith.mulf %parallel_loop3A_1188, %parallel_loop3A_1190 : vector<16xf32>
      %parallel_loop3A_1192 = arith.addf %parallel_loop3A_1191, %parallel_loop3A_1145 : vector<16xf32>
      %parallel_loop3A_1193 = arith.index_cast %parallel_loop3A_1136 : i32 to index
      %parallel_loop3A_1194 = arith.index_cast %parallel_loop3A_1141 : i32 to index
      %parallel_loop3A_1195 = tpu.vector_load %arg26[%parallel_loop3A_1193, %parallel_loop3A_1194] {strides = array<i32>} : memref<8x768xf32, #tpu.memory_space<vmem>>, vector<1x16xf32>,
      %parallel_loop3A_1196 = vector.shape_cast %parallel_loop3A_1195 : vector<1x16xf32> to vector<16xf32>
      %parallel_loop3A_1197 = vector.shape_cast %parallel_loop3A_1192 : vector<16xf32> to vector<1x16xf32>
      tpu.vector_store %arg26[%parallel_loop3A_1193, %parallel_loop3A_1194], %parallel_loop3A_1197 {strides = array<i32>} : memref<8x768xf32, #tpu.memory_space<vmem>>, vector<1x16xf32>,
    } {sc.loop_unroll_factor = 4 : i64, sc.parallel_access}
    %add3A_970 = arith.constant 56 : i32
    %add3A_971 = arith.addi %mul3A_2, %add3A_970 : i32
    %dma_start3A_972 = arith.constant 0 : i32
    %dma_start3A_973 = arith.constant 0 : i32
    %dma_start3A_974 = tpu.memref_slice %arg5[%dma_start3A_972, %add3A_971, %dma_start3A_973] : memref<4x2048x768xf32, #tpu.memory_space<hbm>> -> memref<1x8x768xf32, #tpu.memory_space<hbm>>
    %dma_start3A_975 = tpu.memref_squeeze %dma_start3A_974 : memref<1x8x768xf32, #tpu.memory_space<hbm>> -> memref<8x768xf32, #tpu.memory_space<hbm>>
    %dma_start3A_976 = arith.constant 0 : i32
    %dma_start3A_977 = tpu.memref_slice %arg5[%dma_start3A_972, %add3A_971, %dma_start3A_976] : memref<4x2048x768xf32, #tpu.memory_space<hbm>> -> memref<1x8x768xf32, #tpu.memory_space<hbm>>
    %dma_start3A_978 = tpu.memref_squeeze %dma_start3A_977 : memref<1x8x768xf32, #tpu.memory_space<hbm>> -> memref<8x768xf32, #tpu.memory_space<hbm>>
    tpu.enqueue_dma source(%arg23 : memref<8x768xf32, #tpu.memory_space<vmem>>) target(%dma_start3A_978 : memref<8x768xf32, #tpu.memory_space<hbm>>) target_semaphore(%arg43 : memref<!tpu.dma_semaphore, #tpu.memory_space<semaphore_mem>>)
    %dma_start3A_979 = arith.constant 1 : i32
    %dma_start3A_980 = arith.constant 0 : i32
    %dma_start3A_981 = tpu.memref_slice %arg5[%dma_start3A_979, %add3A_971, %dma_start3A_980] : memref<4x2048x768xf32, #tpu.memory_space<hbm>> -> memref<1x8x768xf32, #tpu.memory_space<hbm>>
    %dma_start3A_982 = tpu.memref_squeeze %dma_start3A_981 : memref<1x8x768xf32, #tpu.memory_space<hbm>> -> memref<8x768xf32, #tpu.memory_space<hbm>>
    %dma_start3A_983 = arith.constant 0 : i32
    %dma_start3A_984 = tpu.memref_slice %arg5[%dma_start3A_979, %add3A_971, %dma_start3A_983] : memref<4x2048x768xf32, #tpu.memory_space<hbm>> -> memref<1x8x768xf32, #tpu.memory_space<hbm>>
    %dma_start3A_985 = tpu.memref_squeeze %dma_start3A_984 : memref<1x8x768xf32, #tpu.memory_space<hbm>> -> memref<8x768xf32, #tpu.memory_space<hbm>>
    tpu.enqueue_dma source(%arg24 : memref<8x768xf32, #tpu.memory_space<vmem>>) target(%dma_start3A_985 : memref<8x768xf32, #tpu.memory_space<hbm>>) target_semaphore(%arg44 : memref<!tpu.dma_semaphore, #tpu.memory_space<semaphore_mem>>)
    %dma_start3A_986 = arith.constant 2 : i32
    %dma_start3A_987 = arith.constant 0 : i32
    %dma_start3A_988 = tpu.memref_slice %arg5[%dma_start3A_986, %add3A_971, %dma_start3A_987] : memref<4x2048x768xf32, #tpu.memory_space<hbm>> -> memref<1x8x768xf32, #tpu.memory_space<hbm>>
    %dma_start3A_989 = tpu.memref_squeeze %dma_start3A_988 : memref<1x8x768xf32, #tpu.memory_space<hbm>> -> memref<8x768xf32, #tpu.memory_space<hbm>>
    %dma_start3A_990 = arith.constant 0 : i32
    %dma_start3A_991 = tpu.memref_slice %arg5[%dma_start3A_986, %add3A_971, %dma_start3A_990] : memref<4x2048x768xf32, #tpu.memory_space<hbm>> -> memref<1x8x768xf32, #tpu.memory_space<hbm>>
    %dma_start3A_992 = tpu.memref_squeeze %dma_start3A_991 : memref<1x8x768xf32, #tpu.memory_space<hbm>> -> memref<8x768xf32, #tpu.memory_space<hbm>>
    tpu.enqueue_dma source(%arg25 : memref<8x768xf32, #tpu.memory_space<vmem>>) target(%dma_start3A_992 : memref<8x768xf32, #tpu.memory_space<hbm>>) target_semaphore(%arg45 : memref<!tpu.dma_semaphore, #tpu.memory_space<semaphore_mem>>)
    %dma_start3A_993 = arith.constant 3 : i32
    %dma_start3A_994 = arith.constant 0 : i32
    %dma_start3A_995 = tpu.memref_slice %arg5[%dma_start3A_993, %add3A_971, %dma_start3A_994] : memref<4x2048x768xf32, #tpu.memory_space<hbm>> -> memref<1x8x768xf32, #tpu.memory_space<hbm>>
    %dma_start3A_996 = tpu.memref_squeeze %dma_start3A_995 : memref<1x8x768xf32, #tpu.memory_space<hbm>> -> memref<8x768xf32, #tpu.memory_space<hbm>>
    %dma_start3A_997 = arith.constant 0 : i32
    %dma_start3A_998 = tpu.memref_slice %arg5[%dma_start3A_993, %add3A_971, %dma_start3A_997] : memref<4x2048x768xf32, #tpu.memory_space<hbm>> -> memref<1x8x768xf32, #tpu.memory_space<hbm>>
    %dma_start3A_999 = tpu.memref_squeeze %dma_start3A_998 : memref<1x8x768xf32, #tpu.memory_space<hbm>> -> memref<8x768xf32, #tpu.memory_space<hbm>>
    tpu.enqueue_dma source(%arg26 : memref<8x768xf32, #tpu.memory_space<vmem>>) target(%dma_start3A_999 : memref<8x768xf32, #tpu.memory_space<hbm>>) target_semaphore(%arg46 : memref<!tpu.dma_semaphore, #tpu.memory_space<semaphore_mem>>)
    %dma_wait3A_1000 = arith.constant 0 : i32
    %dma_wait3A_1001 = arith.constant 0 : i32
    %dma_wait3A_1002 = tpu.memref_slice %arg5[%dma_wait3A_1000, %add3A_714, %dma_wait3A_1001] : memref<4x2048x768xf32, #tpu.memory_space<hbm>> -> memref<1x8x768xf32, #tpu.memory_space<hbm>>
    %dma_wait3A_1003 = tpu.memref_squeeze %dma_wait3A_1002 : memref<1x8x768xf32, #tpu.memory_space<hbm>> -> memref<8x768xf32, #tpu.memory_space<hbm>>
    %dma_wait3A_1004 = arith.constant 0 : i32
    %dma_wait3A_1005 = tpu.memref_slice %arg5[%dma_wait3A_1000, %add3A_714, %dma_wait3A_1004] : memref<4x2048x768xf32, #tpu.memory_space<hbm>> -> memref<1x8x768xf32, #tpu.memory_space<hbm>>
    %dma_wait3A_1006 = tpu.memref_squeeze %dma_wait3A_1005 : memref<1x8x768xf32, #tpu.memory_space<hbm>> -> memref<8x768xf32, #tpu.memory_space<hbm>>
    tpu.wait_dma2 semaphore(%arg31 : memref<!tpu.dma_semaphore, #tpu.memory_space<semaphore_mem>>) src(%arg11 : memref<8x768xf32, #tpu.memory_space<vmem>>) dst(%dma_wait3A_1006 : memref<8x768xf32, #tpu.memory_space<hbm>>)
    %dma_wait3A_1007 = arith.constant 1 : i32
    %dma_wait3A_1008 = arith.constant 0 : i32
    %dma_wait3A_1009 = tpu.memref_slice %arg5[%dma_wait3A_1007, %add3A_714, %dma_wait3A_1008] : memref<4x2048x768xf32, #tpu.memory_space<hbm>> -> memref<1x8x768xf32, #tpu.memory_space<hbm>>
    %dma_wait3A_1010 = tpu.memref_squeeze %dma_wait3A_1009 : memref<1x8x768xf32, #tpu.memory_space<hbm>> -> memref<8x768xf32, #tpu.memory_space<hbm>>
    %dma_wait3A_1011 = arith.constant 0 : i32
    %dma_wait3A_1012 = tpu.memref_slice %arg5[%dma_wait3A_1007, %add3A_714, %dma_wait3A_1011] : memref<4x2048x768xf32, #tpu.memory_space<hbm>> -> memref<1x8x768xf32, #tpu.memory_space<hbm>>
    %dma_wait3A_1013 = tpu.memref_squeeze %dma_wait3A_1012 : memref<1x8x768xf32, #tpu.memory_space<hbm>> -> memref<8x768xf32, #tpu.memory_space<hbm>>
    tpu.wait_dma2 semaphore(%arg32 : memref<!tpu.dma_semaphore, #tpu.memory_space<semaphore_mem>>) src(%arg12 : memref<8x768xf32, #tpu.memory_space<vmem>>) dst(%dma_wait3A_1013 : memref<8x768xf32, #tpu.memory_space<hbm>>)
    %dma_wait3A_1014 = arith.constant 2 : i32
    %dma_wait3A_1015 = arith.constant 0 : i32
    %dma_wait3A_1016 = tpu.memref_slice %arg5[%dma_wait3A_1014, %add3A_714, %dma_wait3A_1015] : memref<4x2048x768xf32, #tpu.memory_space<hbm>> -> memref<1x8x768xf32, #tpu.memory_space<hbm>>
    %dma_wait3A_1017 = tpu.memref_squeeze %dma_wait3A_1016 : memref<1x8x768xf32, #tpu.memory_space<hbm>> -> memref<8x768xf32, #tpu.memory_space<hbm>>
    %dma_wait3A_1018 = arith.constant 0 : i32
    %dma_wait3A_1019 = tpu.memref_slice %arg5[%dma_wait3A_1014, %add3A_714, %dma_wait3A_1018] : memref<4x2048x768xf32, #tpu.memory_space<hbm>> -> memref<1x8x768xf32, #tpu.memory_space<hbm>>
    %dma_wait3A_1020 = tpu.memref_squeeze %dma_wait3A_1019 : memref<1x8x768xf32, #tpu.memory_space<hbm>> -> memref<8x768xf32, #tpu.memory_space<hbm>>
    tpu.wait_dma2 semaphore(%arg33 : memref<!tpu.dma_semaphore, #tpu.memory_space<semaphore_mem>>) src(%arg13 : memref<8x768xf32, #tpu.memory_space<vmem>>) dst(%dma_wait3A_1020 : memref<8x768xf32, #tpu.memory_space<hbm>>)
    %dma_wait3A_1021 = arith.constant 3 : i32
    %dma_wait3A_1022 = arith.constant 0 : i32
    %dma_wait3A_1023 = tpu.memref_slice %arg5[%dma_wait3A_1021, %add3A_714, %dma_wait3A_1022] : memref<4x2048x768xf32, #tpu.memory_space<hbm>> -> memref<1x8x768xf32, #tpu.memory_space<hbm>>
    %dma_wait3A_1024 = tpu.memref_squeeze %dma_wait3A_1023 : memref<1x8x768xf32, #tpu.memory_space<hbm>> -> memref<8x768xf32, #tpu.memory_space<hbm>>
    %dma_wait3A_1025 = arith.constant 0 : i32
    %dma_wait3A_1026 = tpu.memref_slice %arg5[%dma_wait3A_1021, %add3A_714, %dma_wait3A_1025] : memref<4x2048x768xf32, #tpu.memory_space<hbm>> -> memref<1x8x768xf32, #tpu.memory_space<hbm>>
    %dma_wait3A_1027 = tpu.memref_squeeze %dma_wait3A_1026 : memref<1x8x768xf32, #tpu.memory_space<hbm>> -> memref<8x768xf32, #tpu.memory_space<hbm>>
    tpu.wait_dma2 semaphore(%arg34 : memref<!tpu.dma_semaphore, #tpu.memory_space<semaphore_mem>>) src(%arg14 : memref<8x768xf32, #tpu.memory_space<vmem>>) dst(%dma_wait3A_1027 : memref<8x768xf32, #tpu.memory_space<hbm>>)
    %dma_wait3A_1028 = arith.constant 0 : i32
    %dma_wait3A_1029 = arith.constant 0 : i32
    %dma_wait3A_1030 = tpu.memref_slice %arg5[%dma_wait3A_1028, %add3A_841, %dma_wait3A_1029] : memref<4x2048x768xf32, #tpu.memory_space<hbm>> -> memref<1x8x768xf32, #tpu.memory_space<hbm>>
    %dma_wait3A_1031 = tpu.memref_squeeze %dma_wait3A_1030 : memref<1x8x768xf32, #tpu.memory_space<hbm>> -> memref<8x768xf32, #tpu.memory_space<hbm>>
    %dma_wait3A_1032 = arith.constant 0 : i32
    %dma_wait3A_1033 = tpu.memref_slice %arg5[%dma_wait3A_1028, %add3A_841, %dma_wait3A_1032] : memref<4x2048x768xf32, #tpu.memory_space<hbm>> -> memref<1x8x768xf32, #tpu.memory_space<hbm>>
    %dma_wait3A_1034 = tpu.memref_squeeze %dma_wait3A_1033 : memref<1x8x768xf32, #tpu.memory_space<hbm>> -> memref<8x768xf32, #tpu.memory_space<hbm>>
    tpu.wait_dma2 semaphore(%arg35 : memref<!tpu.dma_semaphore, #tpu.memory_space<semaphore_mem>>) src(%arg15 : memref<8x768xf32, #tpu.memory_space<vmem>>) dst(%dma_wait3A_1034 : memref<8x768xf32, #tpu.memory_space<hbm>>)
    %dma_wait3A_1035 = arith.constant 1 : i32
    %dma_wait3A_1036 = arith.constant 0 : i32
    %dma_wait3A_1037 = tpu.memref_slice %arg5[%dma_wait3A_1035, %add3A_841, %dma_wait3A_1036] : memref<4x2048x768xf32, #tpu.memory_space<hbm>> -> memref<1x8x768xf32, #tpu.memory_space<hbm>>
    %dma_wait3A_1038 = tpu.memref_squeeze %dma_wait3A_1037 : memref<1x8x768xf32, #tpu.memory_space<hbm>> -> memref<8x768xf32, #tpu.memory_space<hbm>>
    %dma_wait3A_1039 = arith.constant 0 : i32
    %dma_wait3A_1040 = tpu.memref_slice %arg5[%dma_wait3A_1035, %add3A_841, %dma_wait3A_1039] : memref<4x2048x768xf32, #tpu.memory_space<hbm>> -> memref<1x8x768xf32, #tpu.memory_space<hbm>>
    %dma_wait3A_1041 = tpu.memref_squeeze %dma_wait3A_1040 : memref<1x8x768xf32, #tpu.memory_space<hbm>> -> memref<8x768xf32, #tpu.memory_space<hbm>>
    tpu.wait_dma2 semaphore(%arg36 : memref<!tpu.dma_semaphore, #tpu.memory_space<semaphore_mem>>) src(%arg16 : memref<8x768xf32, #tpu.memory_space<vmem>>) dst(%dma_wait3A_1041 : memref<8x768xf32, #tpu.memory_space<hbm>>)
    %dma_wait3A_1042 = arith.constant 2 : i32
    %dma_wait3A_1043 = arith.constant 0 : i32
    %dma_wait3A_1044 = tpu.memref_slice %arg5[%dma_wait3A_1042, %add3A_841, %dma_wait3A_1043] : memref<4x2048x768xf32, #tpu.memory_space<hbm>> -> memref<1x8x768xf32, #tpu.memory_space<hbm>>
    %dma_wait3A_1045 = tpu.memref_squeeze %dma_wait3A_1044 : memref<1x8x768xf32, #tpu.memory_space<hbm>> -> memref<8x768xf32, #tpu.memory_space<hbm>>
    %dma_wait3A_1046 = arith.constant 0 : i32
    %dma_wait3A_1047 = tpu.memref_slice %arg5[%dma_wait3A_1042, %add3A_841, %dma_wait3A_1046] : memref<4x2048x768xf32, #tpu.memory_space<hbm>> -> memref<1x8x768xf32, #tpu.memory_space<hbm>>
    %dma_wait3A_1048 = tpu.memref_squeeze %dma_wait3A_1047 : memref<1x8x768xf32, #tpu.memory_space<hbm>> -> memref<8x768xf32, #tpu.memory_space<hbm>>
    tpu.wait_dma2 semaphore(%arg37 : memref<!tpu.dma_semaphore, #tpu.memory_space<semaphore_mem>>) src(%arg17 : memref<8x768xf32, #tpu.memory_space<vmem>>) dst(%dma_wait3A_1048 : memref<8x768xf32, #tpu.memory_space<hbm>>)
    %dma_wait3A_1049 = arith.constant 3 : i32
    %dma_wait3A_1050 = arith.constant 0 : i32
    %dma_wait3A_1051 = tpu.memref_slice %arg5[%dma_wait3A_1049, %add3A_841, %dma_wait3A_1050] : memref<4x2048x768xf32, #tpu.memory_space<hbm>> -> memref<1x8x768xf32, #tpu.memory_space<hbm>>
    %dma_wait3A_1052 = tpu.memref_squeeze %dma_wait3A_1051 : memref<1x8x768xf32, #tpu.memory_space<hbm>> -> memref<8x768xf32, #tpu.memory_space<hbm>>
    %dma_wait3A_1053 = arith.constant 0 : i32
    %dma_wait3A_1054 = tpu.memref_slice %arg5[%dma_wait3A_1049, %add3A_841, %dma_wait3A_1053] : memref<4x2048x768xf32, #tpu.memory_space<hbm>> -> memref<1x8x768xf32, #tpu.memory_space<hbm>>
    %dma_wait3A_1055 = tpu.memref_squeeze %dma_wait3A_1054 : memref<1x8x768xf32, #tpu.memory_space<hbm>> -> memref<8x768xf32, #tpu.memory_space<hbm>>
    tpu.wait_dma2 semaphore(%arg38 : memref<!tpu.dma_semaphore, #tpu.memory_space<semaphore_mem>>) src(%arg18 : memref<8x768xf32, #tpu.memory_space<vmem>>) dst(%dma_wait3A_1055 : memref<8x768xf32, #tpu.memory_space<hbm>>)
    %dma_wait3A_1056 = arith.constant 0 : i32
    %dma_wait3A_1057 = arith.constant 0 : i32
    %dma_wait3A_1058 = tpu.memref_slice %arg5[%dma_wait3A_1056, %add3A_906, %dma_wait3A_1057] : memref<4x2048x768xf32, #tpu.memory_space<hbm>> -> memref<1x8x768xf32, #tpu.memory_space<hbm>>
    %dma_wait3A_1059 = tpu.memref_squeeze %dma_wait3A_1058 : memref<1x8x768xf32, #tpu.memory_space<hbm>> -> memref<8x768xf32, #tpu.memory_space<hbm>>
    %dma_wait3A_1060 = arith.constant 0 : i32
    %dma_wait3A_1061 = tpu.memref_slice %arg5[%dma_wait3A_1056, %add3A_906, %dma_wait3A_1060] : memref<4x2048x768xf32, #tpu.memory_space<hbm>> -> memref<1x8x768xf32, #tpu.memory_space<hbm>>
    %dma_wait3A_1062 = tpu.memref_squeeze %dma_wait3A_1061 : memref<1x8x768xf32, #tpu.memory_space<hbm>> -> memref<8x768xf32, #tpu.memory_space<hbm>>
    tpu.wait_dma2 semaphore(%arg39 : memref<!tpu.dma_semaphore, #tpu.memory_space<semaphore_mem>>) src(%arg19 : memref<8x768xf32, #tpu.memory_space<vmem>>) dst(%dma_wait3A_1062 : memref<8x768xf32, #tpu.memory_space<hbm>>)
    %dma_wait3A_1063 = arith.constant 1 : i32
    %dma_wait3A_1064 = arith.constant 0 : i32
    %dma_wait3A_1065 = tpu.memref_slice %arg5[%dma_wait3A_1063, %add3A_906, %dma_wait3A_1064] : memref<4x2048x768xf32, #tpu.memory_space<hbm>> -> memref<1x8x768xf32, #tpu.memory_space<hbm>>
    %dma_wait3A_1066 = tpu.memref_squeeze %dma_wait3A_1065 : memref<1x8x768xf32, #tpu.memory_space<hbm>> -> memref<8x768xf32, #tpu.memory_space<hbm>>
    %dma_wait3A_1067 = arith.constant 0 : i32
    %dma_wait3A_1068 = tpu.memref_slice %arg5[%dma_wait3A_1063, %add3A_906, %dma_wait3A_1067] : memref<4x2048x768xf32, #tpu.memory_space<hbm>> -> memref<1x8x768xf32, #tpu.memory_space<hbm>>
    %dma_wait3A_1069 = tpu.memref_squeeze %dma_wait3A_1068 : memref<1x8x768xf32, #tpu.memory_space<hbm>> -> memref<8x768xf32, #tpu.memory_space<hbm>>
    tpu.wait_dma2 semaphore(%arg40 : memref<!tpu.dma_semaphore, #tpu.memory_space<semaphore_mem>>) src(%arg20 : memref<8x768xf32, #tpu.memory_space<vmem>>) dst(%dma_wait3A_1069 : memref<8x768xf32, #tpu.memory_space<hbm>>)
    %dma_wait3A_1070 = arith.constant 2 : i32
    %dma_wait3A_1071 = arith.constant 0 : i32
    %dma_wait3A_1072 = tpu.memref_slice %arg5[%dma_wait3A_1070, %add3A_906, %dma_wait3A_1071] : memref<4x2048x768xf32, #tpu.memory_space<hbm>> -> memref<1x8x768xf32, #tpu.memory_space<hbm>>
    %dma_wait3A_1073 = tpu.memref_squeeze %dma_wait3A_1072 : memref<1x8x768xf32, #tpu.memory_space<hbm>> -> memref<8x768xf32, #tpu.memory_space<hbm>>
    %dma_wait3A_1074 = arith.constant 0 : i32
    %dma_wait3A_1075 = tpu.memref_slice %arg5[%dma_wait3A_1070, %add3A_906, %dma_wait3A_1074] : memref<4x2048x768xf32, #tpu.memory_space<hbm>> -> memref<1x8x768xf32, #tpu.memory_space<hbm>>
    %dma_wait3A_1076 = tpu.memref_squeeze %dma_wait3A_1075 : memref<1x8x768xf32, #tpu.memory_space<hbm>> -> memref<8x768xf32, #tpu.memory_space<hbm>>
    tpu.wait_dma2 semaphore(%arg41 : memref<!tpu.dma_semaphore, #tpu.memory_space<semaphore_mem>>) src(%arg21 : memref<8x768xf32, #tpu.memory_space<vmem>>) dst(%dma_wait3A_1076 : memref<8x768xf32, #tpu.memory_space<hbm>>)
    %dma_wait3A_1077 = arith.constant 3 : i32
    %dma_wait3A_1078 = arith.constant 0 : i32
    %dma_wait3A_1079 = tpu.memref_slice %arg5[%dma_wait3A_1077, %add3A_906, %dma_wait3A_1078] : memref<4x2048x768xf32, #tpu.memory_space<hbm>> -> memref<1x8x768xf32, #tpu.memory_space<hbm>>
    %dma_wait3A_1080 = tpu.memref_squeeze %dma_wait3A_1079 : memref<1x8x768xf32, #tpu.memory_space<hbm>> -> memref<8x768xf32, #tpu.memory_space<hbm>>
    %dma_wait3A_1081 = arith.constant 0 : i32
    %dma_wait3A_1082 = tpu.memref_slice %arg5[%dma_wait3A_1077, %add3A_906, %dma_wait3A_1081] : memref<4x2048x768xf32, #tpu.memory_space<hbm>> -> memref<1x8x768xf32, #tpu.memory_space<hbm>>
    %dma_wait3A_1083 = tpu.memref_squeeze %dma_wait3A_1082 : memref<1x8x768xf32, #tpu.memory_space<hbm>> -> memref<8x768xf32, #tpu.memory_space<hbm>>
    tpu.wait_dma2 semaphore(%arg42 : memref<!tpu.dma_semaphore, #tpu.memory_space<semaphore_mem>>) src(%arg22 : memref<8x768xf32, #tpu.memory_space<vmem>>) dst(%dma_wait3A_1083 : memref<8x768xf32, #tpu.memory_space<hbm>>)
    %dma_wait3A_1084 = arith.constant 0 : i32
    %dma_wait3A_1085 = arith.constant 0 : i32
    %dma_wait3A_1086 = tpu.memref_slice %arg5[%dma_wait3A_1084, %add3A_971, %dma_wait3A_1085] : memref<4x2048x768xf32, #tpu.memory_space<hbm>> -> memref<1x8x768xf32, #tpu.memory_space<hbm>>
    %dma_wait3A_1087 = tpu.memref_squeeze %dma_wait3A_1086 : memref<1x8x768xf32, #tpu.memory_space<hbm>> -> memref<8x768xf32, #tpu.memory_space<hbm>>
    %dma_wait3A_1088 = arith.constant 0 : i32
    %dma_wait3A_1089 = tpu.memref_slice %arg5[%dma_wait3A_1084, %add3A_971, %dma_wait3A_1088] : memref<4x2048x768xf32, #tpu.memory_space<hbm>> -> memref<1x8x768xf32, #tpu.memory_space<hbm>>
    %dma_wait3A_1090 = tpu.memref_squeeze %dma_wait3A_1089 : memref<1x8x768xf32, #tpu.memory_space<hbm>> -> memref<8x768xf32, #tpu.memory_space<hbm>>
    tpu.wait_dma2 semaphore(%arg43 : memref<!tpu.dma_semaphore, #tpu.memory_space<semaphore_mem>>) src(%arg23 : memref<8x768xf32, #tpu.memory_space<vmem>>) dst(%dma_wait3A_1090 : memref<8x768xf32, #tpu.memory_space<hbm>>)
    %dma_wait3A_1091 = arith.constant 1 : i32
    %dma_wait3A_1092 = arith.constant 0 : i32
    %dma_wait3A_1093 = tpu.memref_slice %arg5[%dma_wait3A_1091, %add3A_971, %dma_wait3A_1092] : memref<4x2048x768xf32, #tpu.memory_space<hbm>> -> memref<1x8x768xf32, #tpu.memory_space<hbm>>
    %dma_wait3A_1094 = tpu.memref_squeeze %dma_wait3A_1093 : memref<1x8x768xf32, #tpu.memory_space<hbm>> -> memref<8x768xf32, #tpu.memory_space<hbm>>
    %dma_wait3A_1095 = arith.constant 0 : i32
    %dma_wait3A_1096 = tpu.memref_slice %arg5[%dma_wait3A_1091, %add3A_971, %dma_wait3A_1095] : memref<4x2048x768xf32, #tpu.memory_space<hbm>> -> memref<1x8x768xf32, #tpu.memory_space<hbm>>
    %dma_wait3A_1097 = tpu.memref_squeeze %dma_wait3A_1096 : memref<1x8x768xf32, #tpu.memory_space<hbm>> -> memref<8x768xf32, #tpu.memory_space<hbm>>
    tpu.wait_dma2 semaphore(%arg44 : memref<!tpu.dma_semaphore, #tpu.memory_space<semaphore_mem>>) src(%arg24 : memref<8x768xf32, #tpu.memory_space<vmem>>) dst(%dma_wait3A_1097 : memref<8x768xf32, #tpu.memory_space<hbm>>)
    %dma_wait3A_1098 = arith.constant 2 : i32
    %dma_wait3A_1099 = arith.constant 0 : i32
    %dma_wait3A_1100 = tpu.memref_slice %arg5[%dma_wait3A_1098, %add3A_971, %dma_wait3A_1099] : memref<4x2048x768xf32, #tpu.memory_space<hbm>> -> memref<1x8x768xf32, #tpu.memory_space<hbm>>
    %dma_wait3A_1101 = tpu.memref_squeeze %dma_wait3A_1100 : memref<1x8x768xf32, #tpu.memory_space<hbm>> -> memref<8x768xf32, #tpu.memory_space<hbm>>
    %dma_wait3A_1102 = arith.constant 0 : i32
    %dma_wait3A_1103 = tpu.memref_slice %arg5[%dma_wait3A_1098, %add3A_971, %dma_wait3A_1102] : memref<4x2048x768xf32, #tpu.memory_space<hbm>> -> memref<1x8x768xf32, #tpu.memory_space<hbm>>
    %dma_wait3A_1104 = tpu.memref_squeeze %dma_wait3A_1103 : memref<1x8x768xf32, #tpu.memory_space<hbm>> -> memref<8x768xf32, #tpu.memory_space<hbm>>
    tpu.wait_dma2 semaphore(%arg45 : memref<!tpu.dma_semaphore, #tpu.memory_space<semaphore_mem>>) src(%arg25 : memref<8x768xf32, #tpu.memory_space<vmem>>) dst(%dma_wait3A_1104 : memref<8x768xf32, #tpu.memory_space<hbm>>)
    %dma_wait3A_1105 = arith.constant 3 : i32
    %dma_wait3A_1106 = arith.constant 0 : i32
    %dma_wait3A_1107 = tpu.memref_slice %arg5[%dma_wait3A_1105, %add3A_971, %dma_wait3A_1106] : memref<4x2048x768xf32, #tpu.memory_space<hbm>> -> memref<1x8x768xf32, #tpu.memory_space<hbm>>
    %dma_wait3A_1108 = tpu.memref_squeeze %dma_wait3A_1107 : memref<1x8x768xf32, #tpu.memory_space<hbm>> -> memref<8x768xf32, #tpu.memory_space<hbm>>
    %dma_wait3A_1109 = arith.constant 0 : i32
    %dma_wait3A_1110 = tpu.memref_slice %arg5[%dma_wait3A_1105, %add3A_971, %dma_wait3A_1109] : memref<4x2048x768xf32, #tpu.memory_space<hbm>> -> memref<1x8x768xf32, #tpu.memory_space<hbm>>
    %dma_wait3A_1111 = tpu.memref_squeeze %dma_wait3A_1110 : memref<1x8x768xf32, #tpu.memory_space<hbm>> -> memref<8x768xf32, #tpu.memory_space<hbm>>
    tpu.wait_dma2 semaphore(%arg46 : memref<!tpu.dma_semaphore, #tpu.memory_space<semaphore_mem>>) src(%arg26 : memref<8x768xf32, #tpu.memory_space<vmem>>) dst(%dma_wait3A_1111 : memref<8x768xf32, #tpu.memory_space<hbm>>)
    return
  }
}

</mosaic_0001>

<sc_bundles>
// kernel: kernel.3.cloned.1.call-start
scs
__scs_entry_jumppad:
0x0: {  	(pc) =	sbr.rel $0x88, $3  }
0x1: {  	(tag) =	ssettag $0x0;
	lr =	simm.s32 $0x1  }
0x2: {  	[smem:$0x3F9F] =	sst lr;
	_ =	strace $0xD0000000  }
0x3: {  	_ = 	snop  }
0x4: {  	_ = 	snop  }
0x5: {  	_ = 	snop  }
0x6: {  	_ = 	snop  }
0x7: {  	_ = 	snop  }
__scs_overlays_trampoline_lowered:
0x8: {  	[smem:$0x3FAE] =	sst s0  }
0x9: {  	[smem:$0x3FAF] =	sst s1  }
0xa: {  	[smem:$0x3FB0] =	sst s2  }
0xb: {  	[smem:$0x3FB1] =	sst s3  }
0xc: {  	[smem:$0x3FB2] =	sst s4  }
0xd: {  	[smem:$0x3FB3] =	sst s5  }
0xe: {  	[smem:$0x3FB4] =	sst s6  }
0xf: {  	[smem:$0x3FB5] =	sst s7  }
0x10: {  	[smem:$0x3FB6] =	sst s8  }
0x11: {  	[smem:$0x3FB7] =	sst s9;
	s0 =	simm.s32 @!p0 $0x0  }
0x12: {  	s1 =	sld [smem:$0x3F9D];
	s0 =	simm.s32 @p0 $0x1  }
0x13: {  	[smem:$0x3FB8] =	sst s0;
	s0 =	simm.s32 @!p1 $0x0  }
0x14: {  	s2 =	sld [smem:$0x3F9C];
	s0 =	simm.s32 @p1 $0x1  }
0x15: {  	[smem:$0x3FB9] =	sst s0;
	s0 =	simm.s32 @!p2 $0x0  }
0x16: {  	s3 =	sld [smem:$0x3FDB];
	s0 =	simm.s32 @p2 $0x1  }
0x17: {  	s4 =	simm.s32 $0x1BF5;
	[smem:$0x3FBB] =	sst s0  }
0x18: {  	s0 =	sld [smem:$0x3F9E];
	_ =	swait.ge [sflag:s4], $0x0  }
0x19: {  	s7 =	sld [smem:$0x3F9F]  }
0x1a: {  	s8 =	sadd.s32 $0xFFFFE003, lr  }
0x1b: {  	s9 =	sadd.s32 $0xFFFFFEF7, lr;
	s5 =	simm.s32 $0xFFFFFFFF;
	p2 =	slt.u32 s8, $0xFFFFF086  }
0x1c: {  	p1 =	slt.u32 s9, $0xF7A;
	s5 =	simm.s32 @!p2 $0x0  }
0x1d: {  	s5 =	simm.s32 @p1 $0x1;
	p0 =	seq.s32 s7, s2  }
0x1e: {  	s7 =	smul.u32 @!p0 $0xF7A, s2;
	p2 =	seq.s32 @!p0 s5, $0x0  }
0x1f: {  	s9 =	smul.u32 $0xF7A, s1;
	s8 =	simm.s32 @!p0 $0x1BF5;
	p2 =	por !p2, p0  }
0x20: {  	[sflag:s8] =	ssyncset.s32 @!p0 $0xFFFFF086;
	s6 =	sadd.s32 @!p0 s3, s7;
	s7 =	simm.s32 @!p0 $0x108  }
0x21: {  	s3 =	sadd.s32 s3, s9;
	s6 =	sadd.s32 @!p0 $0x88, s6;
	s7 =	simm.s32 @p2 $0x1082  }
0x22: {  	[simem:s7], [sflag:s8] =	dma.local @!p0 [hbm:s6], $0xF7A  }
0x23: {  	s9 =	sor.u32 $0xD0000000, s2;
	s6 =	simm.s32 $0x108;
	_ =	swait.ge @!p0 [sflag:s8], $0x0  }
0x24: {  	s3 =	sadd.s32 $0x88, s3;
	s6 =	simm.s32 @!p1 $0x1082;
	[sflag:s4] =	ssyncset.s32 $0xFFFFF086  }
0x25: {  	[simem:s6], [sflag:s4] =	dma.local [hbm:s3], $0xF7A  }
0x26: {  	[smem:$0x3F9F] =	sst s1;
	(tag) =	ssettag s2;
	_ =	strace s9  }
0x27: {  	s1 =	sld [smem:$0x3FAF]  }
0x28: {  	s2 =	sld [smem:$0x3FB0]  }
0x29: {  	s4 =	sld [smem:$0x3FB2]  }
0x2a: {  	p0 =	seq.s32 s5, $0x0;
	s5 =	sld [smem:$0x3FB3]  }
0x2b: {  	s6 =	sld [smem:$0x3FB4]  }
0x2c: {  	s7 =	sld [smem:$0x3FB5]  }
0x2d: {  	s3 =	simm.s32 $0x108;
	s8 =	sld [smem:$0x3FB6]  }
0x2e: {  	s3 =	simm.s32 @!p0 $0x1082;
	s9 =	sld [smem:$0x3FB7]  }
0x2f: {  	lr =	sadd.s32 s0, s3;
	s0 =	sld [smem:$0x3FAE]  }
0x30: {  	s3 =	sld [smem:$0x3FB1]  }
0x31: {  	[smem:$0x3FBA] =	sst s10  }
0x32: {  	s10 =	sld [smem:$0x3FB8];
	_ =	sdelay $0x3  }
0x33: {  	p0 =	seq.s32 s10, $0x1;
	s10 =	sld [smem:$0x3FBA];
	_ =	sdelay $0x3  }
0x34: {  	[smem:$0x3FBA] =	sst s10  }
0x35: {  	s10 =	sld [smem:$0x3FB9];
	_ =	sdelay $0x3  }
0x36: {  	p1 =	seq.s32 s10, $0x1;
	s10 =	sld [smem:$0x3FBA];
	_ =	sdelay $0x3  }
0x37: {  	[smem:$0x3FBA] =	sst s10  }
0x38: {  	s10 =	sld [smem:$0x3FBB]  }
0x39: {  	_ = 	snop;
	(pc) =	sbr.ind lr, $3  }
0x3a: {  	_ = 	snop  }
0x3b: {  	_ = 	snop  }
0x3c: {  	p2 =	seq.s32 s10, $0x1;
	s10 =	sld [smem:$0x3FBA]  }
0x3d: {  	_ =	shalt  }
0x3e: {  	_ =	shalt  }
0x3f: {  	_ =	shalt  }
0x40: {  	_ =	shalt  }
0x41: {  	_ =	shalt  }
0x42: {  	_ =	shalt  }
0x43: {  	_ =	shalt  }
0x44: {  	_ =	shalt  }
0x45: {  	_ =	shalt  }
0x46: {  	_ =	shalt  }
0x47: {  	_ =	shalt  }
0x48: {  	_ =	shalt  }
0x49: {  	_ =	shalt  }
0x4a: {  	_ =	shalt  }
0x4b: {  	_ =	shalt  }
0x4c: {  	_ =	shalt  }
0x4d: {  	_ =	shalt  }
0x4e: {  	_ =	shalt  }
0x4f: {  	_ =	shalt  }
0x50: {  	_ =	shalt  }
0x51: {  	_ =	shalt  }
0x52: {  	_ =	shalt  }
0x53: {  	_ =	shalt  }
0x54: {  	_ =	shalt  }
0x55: {  	_ =	shalt  }
0x56: {  	_ =	shalt  }
0x57: {  	_ =	shalt  }
0x58: {  	_ =	shalt  }
0x59: {  	_ =	shalt  }
0x5a: {  	_ =	shalt  }
0x5b: {  	_ =	shalt  }
0x5c: {  	_ =	shalt  }
0x5d: {  	_ =	shalt  }
0x5e: {  	_ =	shalt  }
0x5f: {  	_ =	shalt  }
0x60: {  	_ =	shalt  }
0x61: {  	_ =	shalt  }
0x62: {  	_ =	shalt  }
0x63: {  	_ =	shalt  }
0x64: {  	_ =	shalt  }
0x65: {  	_ =	shalt  }
0x66: {  	_ =	shalt  }
0x67: {  	_ =	shalt  }
0x68: {  	_ =	shalt  }
0x69: {  	_ =	shalt  }
0x6a: {  	_ =	shalt  }
0x6b: {  	_ =	shalt  }
0x6c: {  	_ =	shalt  }
0x6d: {  	_ =	shalt  }
0x6e: {  	_ =	shalt  }
0x6f: {  	_ =	shalt  }
0x70: {  	_ =	shalt  }
0x71: {  	_ =	shalt  }
0x72: {  	_ =	shalt  }
0x73: {  	_ =	shalt  }
0x74: {  	_ =	shalt  }
0x75: {  	_ =	shalt  }
0x76: {  	_ =	shalt  }
0x77: {  	_ =	shalt  }
0x78: {  	_ =	shalt  }
0x79: {  	_ =	shalt  }
0x7a: {  	_ =	shalt  }
0x7b: {  	_ =	shalt  }
0x7c: {  	_ =	shalt  }
0x7d: {  	_ =	shalt  }
0x7e: {  	_ =	shalt  }
0x7f: {  	_ =	shalt  }
0x80: {  	_ =	shalt  }
0x81: {  	_ =	shalt  }
0x82: {  	_ =	shalt  }
0x83: {  	_ =	shalt  }
0x84: {  	_ =	shalt  }
0x85: {  	_ =	shalt  }
0x86: {  	_ =	shalt  }
0x87: {  	_ =	shalt  }
.Lfunc_end0:
.L_simem_size_0:
called_computation_lowered:
.L_overlay_start_0:
0x88: {  	s2 =	sld [smem:$0x3FD9]  }
0x89: {  	s3 =	sld [smem:$0x3FFE];
	_ =	sdelay $0x1  }
0x8a: {  	s1 =	srdreg.scid  }
0x8b: {  	s0 =	sand.u32 $0x1, s1  }
0x8c: {  	s17 =	sshll.u32 s0, $0xA;
	s2 =	sadd.s32 s3, s2  }
0x8d: {  	s2 =	sadd.s32 s2, s17  }
0x8e: {  	[smem:$0x3FC6] =	sst s2  }
0x8f: {  	_ = 	snop  }
0x90: {  	s2 =	sld [smem:$0x3FC9]  }
0x91: {  	s18 =	sld [smem:$0x3FC8]  }
0x92: {  	s4 =	sld [smem:$0x3FD0];
	(tm) =	ssettm $0x1  }
0x93: {  	s5 =	sld [smem:$0x3FFB];
	_ =	sdelay $0x3  }
0x94: {  	_ =	strace s5  }
0x95: {  	s5 =	sld [smem:$0x3FFC];
	_ =	sdelay $0x3  }
0x96: {  	_ =	strace s5  }
0x97: {  	s5 =	sld [smem:$0x3FFD];
	_ =	sdelay $0x3  }
0x98: {  	_ =	strace s5  }
0x99: {  	_ =	strace $0x8FFFFFFF  }
0x9a: {  	s19 =	sld [smem:$0x3FDB];
	_ =	sdelay $0x1  }
0x9b: {  	s6 =	simm.s32 $_scs_section_size  }
0x9c: {  	s7 =	simm.s32 $_size__tile_overlayer_lowered;
	s8 =	simm.s32 $_tile_overlayer_lowered  }
0x9d: {  	s22 =	simm.s32 $0x1BFF;
	s21 =	sshll.u32 s8, $0x1;
	s5 =	sadd.s32 s6, s19  }
0x9e: {  	s9 =	simm.s32 $0x0;
	s20 =	sshll.u32 s7, $0x1;
	s7 =	sadd.s32 s21, s5  }
0x9f: {  	[timem:s9], [sflag:s22] =	dma.local [hbm:s7], s20  }
0xa0: {  	_ =	swait.ge [sflag:s22], s20  }
0xa1: {  	s6 =	ssub.s32 $0x0, s20;
	[sflag:s22] =	ssyncset.done $0x0  }
0xa2: {  	[sflag:s22] =	ssyncadd.s32 s6;
	_ =	sdelay $0x1  }
0xa3: {  	s23 =	simm.s32 $0x1B8B  }
0xa4: {  	_ =	swait.ge [sflag:s23], $0x1  }
0xa5: {  	[sflag:s23] =	ssyncset.done $0x0  }
0xa6: {  	s25 =	simm.s32 $0x1B8E;
	s24 =	sld [smem:$0x3FFE];
	[sflag:s23] =	ssyncadd.s32 $0xFFFFFFFF  }
0xa7: {  	s26 =	simm.s32 $execute0_lowered;
	[smem:$0x3FD2] =	sst s25  }
0xa8: {  	s7 =	sshll.u32 s26, $0x1;
	_ =	strace $0x80000046;
	[dreg:$0x1] =	wrdreg $0xFFFFFFFF  }
0xa9: {  	s28 =	simm.s32 $_size_execute0_lowered;
	s5 =	sadd.s32 s5, s7;
	[dreg:$0x0] =	wrdreg $0x0  }
0xaa: {  	s7 =	sshll.u32 s28, $0x1;
	[dreg:$0x2] =	wrdreg s5  }
0xab: {  	[dreg:$0x3] =	wrdreg s7  }
0xac: {  	[dreg:$0x4] =	wrdreg $0xC0  }
0xad: {  	_ =	task [dreg:s9], $0x5FFFF  }
0xae: {  	[dreg:$0x1] =	wrdreg $0xFFFFFFFF  }
0xaf: {  	[dreg:$0x0] =	wrdreg $0x60  }
0xb0: {  	[dreg:$0x2] =	wrdreg s2  }
0xb1: {  	[dreg:$0x3] =	wrdreg s18  }
0xb2: {  	[dreg:$0x4] =	wrdreg s24  }
0xb3: {  	[dreg:$0x5] =	wrdreg s4  }
0xb4: {  	[dreg:$0x6] =	wrdreg $0x9  }
0xb5: {  	_ =	task.clear_ibuf [dreg:s9], $0x7FFFF;
	_ =	strace $0x90000046  }
0xb6: {  	s29 =	simm.s32 $0x9;
	_ =	strace $0x80000048  }
0xb7: {  	_ =	swait.ge [sflag:s29], $0x1  }
0xb8: {  	[sflag:s29] =	ssyncadd.s32 $0xFFFFFFFF  }
0xb9: {  	_ =	strace $0x90000048  }
0xba: {  	_ =	sfence  }
0xbb: {  	s30 =	sld [smem:$0x0];
	_ =	sdelay $0x2  }
0xbc: {  	s31 =	sshll.u32 s1, $0xD;
	s1 =	sshrl.u32 s1, $0x2  }
0xbd: {  	s3 =	sand.u32 $0x4000, s31;
	s1 =	sadd.s32 s1, s30  }
0xbe: {  	s0 =	sor.u32 s3, s0;
	s1 =	sshll.u32 s1, $0x11  }
0xbf: {  	s0 =	sor.u32 s1, s0  }
0xc0: {  	s0 =	sadd.s32 $0x8F2B, s0  }
0xc1: {  	[sflag:s0] =	ssyncadd.remote.s32 $0x1  }
0xc2: {  	_ =	sfence.sel $0xFFFF  }
0xc3: {  	[dreg:$0x0] =	wrdreg $0xFFFFFFFF;
	(pc) =	sbr.abs _section_cstart, $3  }
0xc4: {  	[dreg:$0x1] =	wrdreg $0xFFFFFFFF  }
0xc5: {  	_ =	task.clear_ibuf [dreg:s9], $0x2FFFF;
	_ =	strace $0x9FFFFFFF  }
0xc6: {  	(tm) =	ssettm $0x7FFFFFFF  }
0xc7: {  	_ =	shalt  }
tec
execute0_lowered:
.L_overlay_start_1:
0x0: {  	(tag) =	ssettag $0x1  }
0x1: {  	s0 =	rddreg [dreg:$0x0]  }
0x2: {  	s1 =	rddreg [dreg:$0x1];
	s2 =	srdreg.scid  }
0x3: {  	s4 =	rddreg [dreg:$0x2];
	s3 =	stileid.u32;
	s2 =	sand.u32 $0x1, s2  }
0x4: {  	s5 =	rddreg [dreg:$0x3];
	s6 =	sshll.u32 s3, $0x7;
	s7 =	sshll.u32 s2, $0x6  }
0x5: {  	s3 =	simm.s32 $0x0;
	s4 =	sadd.s32 $0x400, s4;
	s6 =	sor.u32 s7, s6  }
0x6: {  	[smem:$0x7FF] =	sst s3;
	s2 =	ssub.s32 $0x2, s2;
	s8 =	sshll.u32 s6, $0x2  }
0x7: {  	s10 =	sshrl.u32 s2, $0x1;
	s6 =	sshrl.u32 s6, $0x3;
	s9 =	sand.u32 $0x1E00, s8  }
0x8: {  	s2 =	ssub.s32 s2, s10;
	s6 =	smul.u32 $0x1800, s6;
	s9 =	sor.u32 s7, s9  }
0x9: {  	_ =	strace $0x80000047;
	s2 =	smax.u32 s2, $0x1;
	s9 =	sshrl.u32 s9, $0x3  }
0xa: {  	[dreg:$0x19] =	wrdreg s2;
	s6 =	sshrl.u32 s6, $0x3;
	s12 =	sadd.s32 s0, s9  }
0xb: {  	s14 =	sadd.s32 s4, s6;
	[dreg:$0x5] =	wrdreg s12  }
0xc: {  	s7 =	sor.u32 s7, s8;
	s10 =	sadd.s32 s5, s6;
	[dreg:$0x9] =	wrdreg s14  }
0xd: {  	s15 =	sor.u32 $0x300, s6;
	s8 =	sadd.s32 $0x10, s12;
	[dreg:$0xc] =	wrdreg s10  }
0xe: {  	s17 =	sor.u32 $0x600, s6;
	s16 =	sadd.s32 s4, s15;
	[dreg:$0x6] =	wrdreg s8  }
0xf: {  	s18 =	sadd.s32 $0x900, s6;
	s19 =	sadd.s32 s4, s17;
	[dreg:$0xa] =	wrdreg s16  }
0x10: {  	s21 =	sadd.s32 $0xC00, s6;
	s20 =	sadd.s32 s4, s18;
	[dreg:$0xb] =	wrdreg s19  }
0x11: {  	s22 =	sadd.s32 $0xF00, s6;
	s11 =	sadd.s32 s4, s21;
	[dreg:$0xd] =	wrdreg s20  }
0x12: {  	s23 =	sadd.s32 s4, s22;
	[dreg:$0xf] =	wrdreg s11  }
0x13: {  	s25 =	sadd.s32 $0x1200, s6;
	s24 =	sadd.s32 s5, s18;
	[dreg:$0x11] =	wrdreg s23  }
0x14: {  	s6 =	sadd.s32 $0x1500, s6;
	s26 =	sadd.s32 s4, s25;
	[dreg:$0x12] =	wrdreg s24  }
0x15: {  	s28 =	sadd.s32 s4, s6;
	[dreg:$0x13] =	wrdreg s26  }
0x16: {  	s29 =	sadd.s32 s5, s22;
	[dreg:$0x15] =	wrdreg s28  }
0x17: {  	s30 =	sadd.s32 s5, s25;
	[dreg:$0x16] =	wrdreg s29  }
0x18: {  	s31 =	sadd.s32 s5, s6;
	[dreg:$0x17] =	wrdreg s30  }
0x19: {  	s4 =	sadd.s32 $0x30000, s10;
	[dreg:$0x18] =	wrdreg s31  }
0x1a: {  	s6 =	sadd.s32 $0x90000, s10;
	[dreg:$0x1a] =	wrdreg s4  }
0x1b: {  	s9 =	sadd.s32 $0x90300, s10;
	[dreg:$0x1c] =	wrdreg s6  }
0x1c: {  	s12 =	sadd.s32 $0x60600, s10;
	[dreg:$0x1f] =	wrdreg s9  }
0x1d: {  	s14 =	sadd.s32 $0x30900, s10;
	[smem:$0x7ED] =	sst s12  }
0x1e: {  	s18 =	sadd.s32 $0x60C00, s10;
	[smem:$0x7EF] =	sst s14  }
0x1f: {  	s7 =	sshrl.u32 s7, $0x3;
	s22 =	sadd.s32 $0x90F00, s10;
	[smem:$0x7F3] =	sst s18  }
0x20: {  	s13 =	sor.u32 $0x20, s7;
	s25 =	sadd.s32 $0x61200, s10;
	[smem:$0x7F7] =	sst s22  }
0x21: {  	s7 =	sor.u32 $0x30, s7;
	s8 =	sadd.s32 s0, s13;
	[smem:$0x7F9] =	sst s25  }
0x22: {  	s0 =	sadd.s32 s0, s7;
	[dreg:$0x7] =	wrdreg s8  }
0x23: {  	s7 =	sadd.s32 s5, s17;
	[dreg:$0x8] =	wrdreg s0  }
0x24: {  	s11 =	sadd.s32 $0x30600, s10;
	[dreg:$0x10] =	wrdreg s7  }
0x25: {  	s13 =	sadd.s32 $0x90600, s10;
	[smem:$0x7EC] =	sst s11  }
0x26: {  	s16 =	sadd.s32 $0x90900, s10;
	[smem:$0x7EE] =	sst s13  }
0x27: {  	s17 =	sadd.s32 $0x30C00, s10;
	[smem:$0x7F1] =	sst s16  }
0x28: {  	s19 =	sadd.s32 $0x90C00, s10;
	[smem:$0x7F2] =	sst s17  }
0x29: {  	s20 =	sadd.s32 $0x30F00, s10;
	[smem:$0x7F4] =	sst s19  }
0x2a: {  	s23 =	sadd.s32 $0x31200, s10;
	[smem:$0x7F5] =	sst s20  }
0x2b: {  	s24 =	sadd.s32 $0x100, s1;
	s28 =	sadd.s32 $0x91200, s10;
	[smem:$0x7F8] =	sst s23  }
0x2c: {  	s26 =	sadd.s32 $0x200, s1;
	s29 =	sadd.s32 $0x31500, s10;
	[smem:$0x7FA] =	sst s28  }
0x2d: {  	s30 =	sadd.s32 $0x61500, s10;
	s31 =	sadd.s32 $0x91500, s10;
	[smem:$0x7FB] =	sst s29  }
0x2e: {  	s25 =	simm.s32 $0x19;
	s9 =	simm.s32 $0x11;
	[smem:$0x7FC] =	sst s30  }
0x2f: {  	s0 =	sadd.s32 s5, s15;
	s7 =	sadd.s32 $0x30300, s10;
	[smem:$0x7FD] =	sst s31  }
0x30: {  	s8 =	sadd.s32 $0x60300, s10;
	s15 =	sadd.s32 $0x60900, s10;
	[dreg:$0xe] =	wrdreg s0  }
0x31: {  	s13 =	simm.s32 $0x15;
	s23 =	simm.s32 $0x16;
	[dreg:$0x1d] =	wrdreg s7  }
0x32: {  	s11 =	simm.s32 $0x17;
	s17 =	simm.s32 $0x14;
	[dreg:$0x1e] =	wrdreg s8  }
0x33: {  	s16 =	simm.s32 $0x0;
	s0 =	sadd.s32 s5, s21;
	[smem:$0x7F0] =	sst s15  }
0x34: {  	v0 =	vlaneseq.u32;
	s5 =	sadd.s32 $0x60000, s10;
	s21 =	sadd.s32 $0x60F00, s10;
	[dreg:$0x14] =	wrdreg s0  }
0x35: {  	v1 =	vshrl.u32 v0, $0x3;
	s8 =	simm.s32 $0x10;
	s10 =	simm.s32 $0x12;
	[dreg:$0x1b] =	wrdreg s5  }
0x36: {  	vm0 =	vmmov $0xffff;
	v0 =	vand.u32 $0x7, v0;
	v1 =	vmul.u32 $0x8, v1;
	s15 =	simm.s32 $0x13;
	[smem:$0x7F6] =	sst s21;
	s0 =	simm.s32 $0x18  }
.LBB2_1:
0x37: {  	s2 =	rddreg [dreg:$0x5]  }
0x38: {  	[tilespmem:s3], [sflag:$0x19] =	stream.linear.gather [hbm4b:s2+s3], $0x40, $0x38;
	[tilespmem:$0x1E200] =	vst v63  }
0x39: {  	s22 =	rddreg [dreg:$0x6];
	s4 =	simm.s32 $0x80  }
0x3a: {  	[tilespmem:s4], [sflag:$0x19] =	stream.linear.gather [hbm4b:s22+s3], $0x40, $0x38;
	[tilespmem:$0x1E200] =	vst v63  }
0x3b: {  	s30 =	rddreg [dreg:$0x7];
	s31 =	simm.s32 $0x100  }
0x3c: {  	[tilespmem:s31], [sflag:$0x19] =	stream.linear.gather [hbm4b:s30+s3], $0x40, $0x38;
	[tilespmem:$0x1E200] =	vst v63  }
0x3d: {  	s5 =	rddreg [dreg:$0x8];
	s6 =	simm.s32 $0x180  }
0x3e: {  	[tilespmem:s6], [sflag:$0x19] =	stream.linear.gather [hbm4b:s5+s3], $0x40, $0x38;
	[tilespmem:$0x1E200] =	vst v63  }
0x3f: {  	_ =	swait.ge [sflag:s25], $0x40  }
0x40: {  	[sflag:s25] =	ssyncset.done $0x0  }
0x41: {  	[sflag:s25] =	ssyncadd.s32 $0xFFFFFFC0  }
0x42: {  	_ =	swait.ge [sflag:s25], $0x40  }
0x43: {  	[sflag:s25] =	ssyncset.done $0x0  }
0x44: {  	[sflag:s25] =	ssyncadd.s32 $0xFFFFFFC0  }
0x45: {  	_ =	swait.ge [sflag:s25], $0x40  }
0x46: {  	[sflag:s25] =	ssyncset.done $0x0  }
0x47: {  	[sflag:s25] =	ssyncadd.s32 $0xFFFFFFC0  }
0x48: {  	_ =	swait.ge [sflag:s25], $0x40  }
0x49: {  	[sflag:s25] =	ssyncset.done $0x0  }
0x4a: {  	s12 =	simm.s32 $0x200;
	s7 =	rddreg [dreg:$0x9];
	[sflag:s25] =	ssyncadd.s32 $0xFFFFFFC0  }
0x4b: {  	[tilespmem:s12], [sflag:$0x1] =	stream.linear.gather [hbm4b:s7+s3], $0x1800, $0x38;
	[tilespmem:$0x1E200] =	vst v63  }
0x4c: {  	v2 =	vld.msk [tilespmem:$0x0], $0xff;
	_ =	sdelay $0x4  }
0x4d: {  	v3 =	vshrl.u32 v2, $0x3  }
0x4e: {  	v3 =	vmul.u32 $0x30, v3  }
0x4f: {  	v2 =	vand.u32 $0x7, v2  }
0x50: {  	v2 =	vor.u32 v2, v3  }
0x51: {  	v2 =	vperm.xlane v2, v0;
	_ =	sdelay $0x1  }
0x52: {  	v2 =	vadd.s32 v1, v2;
	_ =	sdelay $0x3  }
0x53: {  	s14 =	simm.s32 $0x6200  }
0x54: {  	[tilespmem:s14], [sflag:$0x15] =	stream.indirect_vreg.gather [hbm4b:s1+s3], $0x80, v2, vm0, $0xb8;
	[tilespmem:$0x1E200] =	vst v63  }
0x55: {  	s18 =	simm.s32 $0x6A00  }
0x56: {  	[tilespmem:s18], [sflag:$0x15] =	stream.indirect_vreg.gather [hbm4b:s24+s3], $0x80, v2, vm0, $0xb8;
	[tilespmem:$0x1E200] =	vst v63  }
0x57: {  	s19 =	simm.s32 $0x7200  }
0x58: {  	[tilespmem:s19], [sflag:$0x15] =	stream.indirect_vreg.gather [hbm4b:s26+s3], $0x80, v2, vm0, $0xb8;
	[tilespmem:$0x1E200] =	vst v63  }
0x59: {  	v2 =	vld.msk [tilespmem:$0x80], $0xff;
	_ =	sdelay $0x4  }
0x5a: {  	v3 =	vshrl.u32 v2, $0x3  }
0x5b: {  	v3 =	vmul.u32 $0x30, v3  }
0x5c: {  	v2 =	vand.u32 $0x7, v2  }
0x5d: {  	v2 =	vor.u32 v2, v3  }
0x5e: {  	v2 =	vperm.xlane v2, v0;
	_ =	sdelay $0x1  }
0x5f: {  	v2 =	vadd.s32 v1, v2;
	_ =	sdelay $0x3  }
0x60: {  	s20 =	simm.s32 $0x7A00  }
0x61: {  	[tilespmem:s20], [sflag:$0x15] =	stream.indirect_vreg.gather [hbm4b:s1+s3], $0x80, v2, vm0, $0xb8;
	[tilespmem:$0x1E200] =	vst v63  }
0x62: {  	s21 =	simm.s32 $0x8200  }
0x63: {  	[tilespmem:s21], [sflag:$0x15] =	stream.indirect_vreg.gather [hbm4b:s24+s3], $0x80, v2, vm0, $0xb8;
	[tilespmem:$0x1E200] =	vst v63  }
0x64: {  	s22 =	simm.s32 $0x8A00  }
0x65: {  	[tilespmem:s22], [sflag:$0x15] =	stream.indirect_vreg.gather [hbm4b:s26+s3], $0x80, v2, vm0, $0xb8;
	[tilespmem:$0x1E200] =	vst v63  }
0x66: {  	v2 =	vld.msk [tilespmem:$0x100], $0xff;
	_ =	sdelay $0x4  }
0x67: {  	v3 =	vshrl.u32 v2, $0x3  }
0x68: {  	v3 =	vmul.u32 $0x30, v3  }
0x69: {  	v2 =	vand.u32 $0x7, v2  }
0x6a: {  	v2 =	vor.u32 v2, v3  }
0x6b: {  	v2 =	vperm.xlane v2, v0;
	_ =	sdelay $0x1  }
0x6c: {  	v2 =	vadd.s32 v1, v2;
	_ =	sdelay $0x3  }
0x6d: {  	s30 =	simm.s32 $0x9200  }
0x6e: {  	[tilespmem:s30], [sflag:$0x15] =	stream.indirect_vreg.gather [hbm4b:s1+s3], $0x80, v2, vm0, $0xb8;
	[tilespmem:$0x1E200] =	vst v63  }
0x6f: {  	s31 =	simm.s32 $0x9A00  }
0x70: {  	[tilespmem:s31], [sflag:$0x15] =	stream.indirect_vreg.gather [hbm4b:s24+s3], $0x80, v2, vm0, $0xb8;
	[tilespmem:$0x1E200] =	vst v63  }
0x71: {  	s4 =	simm.s32 $0xA200  }
0x72: {  	[tilespmem:s4], [sflag:$0x15] =	stream.indirect_vreg.gather [hbm4b:s26+s3], $0x80, v2, vm0, $0xb8;
	[tilespmem:$0x1E200] =	vst v63  }
0x73: {  	v2 =	vld.msk [tilespmem:$0x180], $0xff;
	_ =	sdelay $0x4  }
0x74: {  	v3 =	vshrl.u32 v2, $0x3  }
0x75: {  	v3 =	vmul.u32 $0x30, v3  }
0x76: {  	v2 =	vand.u32 $0x7, v2  }
0x77: {  	v2 =	vor.u32 v2, v3  }
0x78: {  	v2 =	vperm.xlane v2, v0;
	_ =	sdelay $0x1  }
0x79: {  	v2 =	vadd.s32 v1, v2;
	_ =	sdelay $0x3  }
0x7a: {  	s5 =	simm.s32 $0xAA00  }
0x7b: {  	[tilespmem:s5], [sflag:$0x15] =	stream.indirect_vreg.gather [hbm4b:s1+s3], $0x80, v2, vm0, $0xb8;
	[tilespmem:$0x1E200] =	vst v63  }
0x7c: {  	s6 =	simm.s32 $0xB200  }
0x7d: {  	[tilespmem:s6], [sflag:$0x15] =	stream.indirect_vreg.gather [hbm4b:s24+s3], $0x80, v2, vm0, $0xb8;
	[tilespmem:$0x1E200] =	vst v63  }
0x7e: {  	s7 =	simm.s32 $0xBA00  }
0x7f: {  	[tilespmem:s7], [sflag:$0x15] =	stream.indirect_vreg.gather [hbm4b:s26+s3], $0x80, v2, vm0, $0xb8;
	[tilespmem:$0x1E200] =	vst v63  }
0x80: {  	s12 =	rddreg [dreg:$0xa];
	s14 =	simm.s32 $0x1A00  }
0x81: {  	[tilespmem:s14], [sflag:$0x2] =	stream.linear.gather [hbm4b:s12+s3], $0x1800, $0x38;
	[tilespmem:$0x1E200] =	vst v63  }
0x82: {  	v2 =	vld.msk [tilespmem:$0x8], $0xff;
	_ =	sdelay $0x4  }
0x83: {  	v3 =	vshrl.u32 v2, $0x3  }
0x84: {  	v3 =	vmul.u32 $0x30, v3  }
0x85: {  	v2 =	vand.u32 $0x7, v2  }
0x86: {  	v2 =	vor.u32 v2, v3  }
0x87: {  	v2 =	vperm.xlane v2, v0;
	_ =	sdelay $0x1  }
0x88: {  	v2 =	vadd.s32 v1, v2;
	_ =	sdelay $0x3  }
0x89: {  	s18 =	simm.s32 $0xC200  }
0x8a: {  	[tilespmem:s18], [sflag:$0x16] =	stream.indirect_vreg.gather [hbm4b:s1+s3], $0x80, v2, vm0, $0xb8;
	[tilespmem:$0x1E200] =	vst v63  }
0x8b: {  	s19 =	simm.s32 $0xCA00  }
0x8c: {  	[tilespmem:s19], [sflag:$0x16] =	stream.indirect_vreg.gather [hbm4b:s24+s3], $0x80, v2, vm0, $0xb8;
	[tilespmem:$0x1E200] =	vst v63  }
0x8d: {  	s20 =	simm.s32 $0xD200  }
0x8e: {  	[tilespmem:s20], [sflag:$0x16] =	stream.indirect_vreg.gather [hbm4b:s26+s3], $0x80, v2, vm0, $0xb8;
	[tilespmem:$0x1E200] =	vst v63  }
0x8f: {  	v2 =	vld.msk [tilespmem:$0x88], $0xff;
	_ =	sdelay $0x4  }
0x90: {  	v3 =	vshrl.u32 v2, $0x3  }
0x91: {  	v3 =	vmul.u32 $0x30, v3  }
0x92: {  	v2 =	vand.u32 $0x7, v2  }
0x93: {  	v2 =	vor.u32 v2, v3  }
0x94: {  	v2 =	vperm.xlane v2, v0;
	_ =	sdelay $0x1  }
0x95: {  	v2 =	vadd.s32 v1, v2;
	_ =	sdelay $0x3  }
0x96: {  	s21 =	simm.s32 $0xDA00  }
0x97: {  	[tilespmem:s21], [sflag:$0x16] =	stream.indirect_vreg.gather [hbm4b:s1+s3], $0x80, v2, vm0, $0xb8;
	[tilespmem:$0x1E200] =	vst v63  }
0x98: {  	s22 =	simm.s32 $0xE200  }
0x99: {  	[tilespmem:s22], [sflag:$0x16] =	stream.indirect_vreg.gather [hbm4b:s24+s3], $0x80, v2, vm0, $0xb8;
	[tilespmem:$0x1E200] =	vst v63  }
0x9a: {  	s30 =	simm.s32 $0xEA00  }
0x9b: {  	[tilespmem:s30], [sflag:$0x16] =	stream.indirect_vreg.gather [hbm4b:s26+s3], $0x80, v2, vm0, $0xb8;
	[tilespmem:$0x1E200] =	vst v63  }
0x9c: {  	v2 =	vld.msk [tilespmem:$0x108], $0xff;
	_ =	sdelay $0x4  }
0x9d: {  	v3 =	vshrl.u32 v2, $0x3  }
0x9e: {  	v3 =	vmul.u32 $0x30, v3  }
0x9f: {  	v2 =	vand.u32 $0x7, v2  }
0xa0: {  	v2 =	vor.u32 v2, v3  }
0xa1: {  	v2 =	vperm.xlane v2, v0;
	_ =	sdelay $0x1  }
0xa2: {  	v2 =	vadd.s32 v1, v2;
	_ =	sdelay $0x3  }
0xa3: {  	s31 =	simm.s32 $0xF200  }
0xa4: {  	[tilespmem:s31], [sflag:$0x16] =	stream.indirect_vreg.gather [hbm4b:s1+s3], $0x80, v2, vm0, $0xb8;
	[tilespmem:$0x1E200] =	vst v63  }
0xa5: {  	s4 =	simm.s32 $0xFA00  }
0xa6: {  	[tilespmem:s4], [sflag:$0x16] =	stream.indirect_vreg.gather [hbm4b:s24+s3], $0x80, v2, vm0, $0xb8;
	[tilespmem:$0x1E200] =	vst v63  }
0xa7: {  	s5 =	simm.s32 $0x10200  }
0xa8: {  	[tilespmem:s5], [sflag:$0x16] =	stream.indirect_vreg.gather [hbm4b:s26+s3], $0x80, v2, vm0, $0xb8;
	[tilespmem:$0x1E200] =	vst v63  }
0xa9: {  	v2 =	vld.msk [tilespmem:$0x188], $0xff;
	_ =	sdelay $0x4  }
0xaa: {  	v3 =	vshrl.u32 v2, $0x3  }
0xab: {  	v3 =	vmul.u32 $0x30, v3  }
0xac: {  	v2 =	vand.u32 $0x7, v2  }
0xad: {  	v2 =	vor.u32 v2, v3  }
0xae: {  	v2 =	vperm.xlane v2, v0;
	_ =	sdelay $0x1  }
0xaf: {  	v2 =	vadd.s32 v1, v2;
	_ =	sdelay $0x3  }
0xb0: {  	s6 =	simm.s32 $0x10A00  }
0xb1: {  	[tilespmem:s6], [sflag:$0x16] =	stream.indirect_vreg.gather [hbm4b:s1+s3], $0x80, v2, vm0, $0xb8;
	[tilespmem:$0x1E200] =	vst v63  }
0xb2: {  	s7 =	simm.s32 $0x11200  }
0xb3: {  	[tilespmem:s7], [sflag:$0x16] =	stream.indirect_vreg.gather [hbm4b:s24+s3], $0x80, v2, vm0, $0xb8;
	[tilespmem:$0x1E200] =	vst v63  }
0xb4: {  	s12 =	simm.s32 $0x11A00  }
0xb5: {  	[tilespmem:s12], [sflag:$0x16] =	stream.indirect_vreg.gather [hbm4b:s26+s3], $0x80, v2, vm0, $0xb8;
	[tilespmem:$0x1E200] =	vst v63  }
0xb6: {  	s14 =	rddreg [dreg:$0xb];
	s18 =	simm.s32 $0x3200  }
0xb7: {  	[tilespmem:s18], [sflag:$0x3] =	stream.linear.gather [hbm4b:s14+s3], $0x1800, $0x38;
	[tilespmem:$0x1E200] =	vst v63  }
0xb8: {  	v2 =	vld.msk [tilespmem:$0x10], $0xff;
	_ =	sdelay $0x4  }
0xb9: {  	v3 =	vshrl.u32 v2, $0x3  }
0xba: {  	v3 =	vmul.u32 $0x30, v3  }
0xbb: {  	v2 =	vand.u32 $0x7, v2  }
0xbc: {  	v2 =	vor.u32 v2, v3  }
0xbd: {  	v2 =	vperm.xlane v2, v0;
	_ =	sdelay $0x1  }
0xbe: {  	v2 =	vadd.s32 v1, v2;
	_ =	sdelay $0x3  }
0xbf: {  	s19 =	simm.s32 $0x12200  }
0xc0: {  	[tilespmem:s19], [sflag:$0x17] =	stream.indirect_vreg.gather [hbm4b:s1+s3], $0x80, v2, vm0, $0xb8;
	[tilespmem:$0x1E200] =	vst v63  }
0xc1: {  	s20 =	simm.s32 $0x12A00  }
0xc2: {  	[tilespmem:s20], [sflag:$0x17] =	stream.indirect_vreg.gather [hbm4b:s24+s3], $0x80, v2, vm0, $0xb8;
	[tilespmem:$0x1E200] =	vst v63  }
0xc3: {  	s21 =	simm.s32 $0x13200  }
0xc4: {  	[tilespmem:s21], [sflag:$0x17] =	stream.indirect_vreg.gather [hbm4b:s26+s3], $0x80, v2, vm0, $0xb8;
	[tilespmem:$0x1E200] =	vst v63  }
0xc5: {  	v2 =	vld.msk [tilespmem:$0x90], $0xff;
	_ =	sdelay $0x4  }
0xc6: {  	v3 =	vshrl.u32 v2, $0x3  }
0xc7: {  	v3 =	vmul.u32 $0x30, v3  }
0xc8: {  	v2 =	vand.u32 $0x7, v2  }
0xc9: {  	v2 =	vor.u32 v2, v3  }
0xca: {  	v2 =	vperm.xlane v2, v0;
	_ =	sdelay $0x1  }
0xcb: {  	v2 =	vadd.s32 v1, v2;
	_ =	sdelay $0x3  }
0xcc: {  	s22 =	simm.s32 $0x13A00  }
0xcd: {  	[tilespmem:s22], [sflag:$0x17] =	stream.indirect_vreg.gather [hbm4b:s1+s3], $0x80, v2, vm0, $0xb8;
	[tilespmem:$0x1E200] =	vst v63  }
0xce: {  	s30 =	simm.s32 $0x14200  }
0xcf: {  	[tilespmem:s30], [sflag:$0x17] =	stream.indirect_vreg.gather [hbm4b:s24+s3], $0x80, v2, vm0, $0xb8;
	[tilespmem:$0x1E200] =	vst v63  }
0xd0: {  	s31 =	simm.s32 $0x14A00  }
0xd1: {  	[tilespmem:s31], [sflag:$0x17] =	stream.indirect_vreg.gather [hbm4b:s26+s3], $0x80, v2, vm0, $0xb8;
	[tilespmem:$0x1E200] =	vst v63  }
0xd2: {  	v2 =	vld.msk [tilespmem:$0x110], $0xff;
	_ =	sdelay $0x4  }
0xd3: {  	v3 =	vshrl.u32 v2, $0x3  }
0xd4: {  	v3 =	vmul.u32 $0x30, v3  }
0xd5: {  	v2 =	vand.u32 $0x7, v2  }
0xd6: {  	v2 =	vor.u32 v2, v3  }
0xd7: {  	v2 =	vperm.xlane v2, v0;
	_ =	sdelay $0x1  }
0xd8: {  	v2 =	vadd.s32 v1, v2;
	_ =	sdelay $0x3  }
0xd9: {  	s4 =	simm.s32 $0x15200  }
0xda: {  	[tilespmem:s4], [sflag:$0x17] =	stream.indirect_vreg.gather [hbm4b:s1+s3], $0x80, v2, vm0, $0xb8;
	[tilespmem:$0x1E200] =	vst v63  }
0xdb: {  	s5 =	simm.s32 $0x15A00  }
0xdc: {  	[tilespmem:s5], [sflag:$0x17] =	stream.indirect_vreg.gather [hbm4b:s24+s3], $0x80, v2, vm0, $0xb8;
	[tilespmem:$0x1E200] =	vst v63  }
0xdd: {  	s6 =	simm.s32 $0x16200  }
0xde: {  	[tilespmem:s6], [sflag:$0x17] =	stream.indirect_vreg.gather [hbm4b:s26+s3], $0x80, v2, vm0, $0xb8;
	[tilespmem:$0x1E200] =	vst v63  }
0xdf: {  	v2 =	vld.msk [tilespmem:$0x190], $0xff;
	_ =	sdelay $0x4  }
0xe0: {  	v3 =	vshrl.u32 v2, $0x3  }
0xe1: {  	v3 =	vmul.u32 $0x30, v3  }
0xe2: {  	v2 =	vand.u32 $0x7, v2  }
0xe3: {  	v2 =	vor.u32 v2, v3  }
0xe4: {  	v2 =	vperm.xlane v2, v0;
	_ =	sdelay $0x1  }
0xe5: {  	v2 =	vadd.s32 v1, v2;
	_ =	sdelay $0x3  }
0xe6: {  	s7 =	simm.s32 $0x16A00  }
0xe7: {  	[tilespmem:s7], [sflag:$0x17] =	stream.indirect_vreg.gather [hbm4b:s1+s3], $0x80, v2, vm0, $0xb8;
	[tilespmem:$0x1E200] =	vst v63  }
0xe8: {  	s12 =	simm.s32 $0x17200  }
0xe9: {  	[tilespmem:s12], [sflag:$0x17] =	stream.indirect_vreg.gather [hbm4b:s24+s3], $0x80, v2, vm0, $0xb8;
	[tilespmem:$0x1E200] =	vst v63  }
0xea: {  	s14 =	simm.s32 $0x17A00;
	s18 =	simm.s32 $0x1  }
0xeb: {  	[tilespmem:s14], [sflag:$0x17] =	stream.indirect_vreg.gather [hbm4b:s26+s3], $0x80, v2, vm0, $0xb8;
	[tilespmem:$0x1E200] =	vst v63  }
0xec: {  	_ =	swait.ge [sflag:s18], $0x1800  }
0xed: {  	[sflag:s18] =	ssyncset.done $0x0  }
0xee: {  	[sflag:s18] =	ssyncadd.s32 $0xFFFFE800  }
0xef: {  	s19 =	smulhi.u32 $0xAAAAAAAB, s3;
	_ =	swait.ge [sflag:s13], $0x1800  }
0xf0: {  	[sflag:s13] =	ssyncset.done $0x0  }
0xf1: {  	s4 =	sshrl.u32 s19, $0x5;
	[sflag:s13] =	ssyncadd.s32 $0xFFFFE800  }
0xf2: {  	s4 =	smul.u32 $0x1800, s4;
	s12 =	simm.s32 $0x0;
	_ =	swait.ge [sflag:s13], $0x1800  }
0xf3: {  	s12 =	smul.u32 $0xAAAB, s12;
	[sflag:s13] =	ssyncset.done $0x0  }
0xf4: {  	s14 =	simm.s32 $0x30;
	[sflag:s13] =	ssyncadd.s32 $0xFFFFE800  }
0xf5: {  	s20 =	sshrl.u32 s12, $0x18;
	s18 =	ssub.s32 $0x0, s4;
	_ =	swait.ge [sflag:s13], $0x1800  }
0xf6: {  	s19 =	smul.u32 $0x1800, s20;
	s21 =	sadd.s32 $0x180, s18;
	[sflag:s13] =	ssyncset.done $0x0  }
0xf7: {  	s12 =	sshrl.u32 s12, $0xE;
	s4 =	sand.u32 $0xFFFFFC00, s21;
	[sflag:s13] =	ssyncadd.s32 $0xFFFFE800  }
0xf8: {  	s14 =	sand.u32 $0x70, s14;
	s4 =	sadd.s32 s19, s4;
	_ =	swait.ge [sflag:s13], $0x1800  }
0xf9: {  	s21 =	sand.u32 $0x380, s12;
	s4 =	sor.u32 s14, s4;
	[sflag:s13] =	ssyncset.done $0x0  }
0xfa: {  	s20 =	sor.u32 s21, s4;
	[sflag:s13] =	ssyncadd.s32 $0xFFFFE800  }
0xfb: {  	s22 =	sadd.s32 $0x80, s18;
	v2 =	vld [tilespmem:s20+$0xAA00]  }
0xfc: {  	s30 =	simm.s32 $0x10;
	s4 =	sand.u32 $0xFFFFFC00, s22;
	v3 =	vld [tilespmem:s20+$0x6200]  }
0xfd: {  	s12 =	sand.u32 $0x50, s30;
	s4 =	sadd.s32 s19, s4;
	v4 =	vld [tilespmem:s20+$0x200]  }
0xfe: {  	s4 =	sor.u32 s12, s4;
	v5 =	vld [tilespmem:s20+$0x7A00]  }
0xff: {  	s31 =	sadd.s32 $0x100, s18;
	s4 =	sor.u32 s21, s4;
	v6 =	vld [tilespmem:s20+$0x9200]  }
0x100: {  	s2 =	simm.s32 $0x20;
	s12 =	sand.u32 $0xFFFFFC00, s31;
	v7 =	vld [tilespmem:s4+$0x6200]  }
0x101: {  	s14 =	sand.u32 $0x60, s2;
	s12 =	sadd.s32 s19, s12;
	v8 =	vld [tilespmem:s4+$0x7A00]  }
0x102: {  	s5 =	simm.s32 $0x4;
	s12 =	sor.u32 s14, s12;
	v9 =	vld [tilespmem:s4+$0x9200]  }
0x103: {  	s28 =	smulhi.u32 $0xAAAAAAAB, s5;
	s14 =	sor.u32 s21, s12;
	v10 =	vld [tilespmem:s4+$0xAA00]  }
0x104: {  	s18 =	sand.u32 $0xFFFFFC00, s18;
	s22 =	simm.s32 $0x0;
	v11 =	vld [tilespmem:s14+$0x6200]  }
0x105: {  	s7 =	sshrl.u32 s28, $0x5;
	s18 =	sadd.s32 s19, s18;
	s6 =	sand.u32 $0x40, s22;
	v12 =	vld [tilespmem:s14+$0x7A00]  }
0x106: {  	s18 =	sor.u32 s6, s18;
	s19 =	smul.u32 $0x1800, s7;
	s12 =	simm.s32 $0x4;
	v13 =	vld [tilespmem:s14+$0x9200]  }
0x107: {  	s22 =	sor.u32 s21, s18;
	s28 =	smul.u32 $0xAAAB, s12;
	v14 =	vld [tilespmem:s14+$0xAA00]  }
0x108: {  	v15 =	vld [tilespmem:s22+$0x6200]  }
0x109: {  	s29 =	ssub.s32 $0x200, s19;
	s21 =	sshrl.u32 s28, $0x18;
	v16 =	vld [tilespmem:s22+$0x7A00]  }
0x10a: {  	s30 =	sadd.s32 $0x180, s29;
	v17 =	vld [tilespmem:s22+$0x9200];
	s21 =	smul.u32 $0x1800, s21;
	v2 =	vmul.f32 $2.771281240e+01, v2  }
0x10b: {  	s19 =	simm.s32 $0x70;
	s18 =	sand.u32 $0xFFFFFC00, s30;
	v19 =	vld [tilespmem:s4+$0x200];
	v3 =	vmul.f32 $2.771281240e+01, v3;
	v5 =	vmul.f32 $2.771281240e+01, v5  }
0x10c: {  	s30 =	sand.u32 $0x70, s19;
	s28 =	sshrl.u32 s28, $0xE;
	v20 =	vld [tilespmem:s14+$0x200];
	s18 =	sadd.s32 s21, s18;
	v6 =	vmul.f32 $2.771281240e+01, v6;
	v7 =	vmul.f32 $2.771281240e+01, v7  }
0x10d: {  	v18 =	vld [tilespmem:s22+$0xAA00];
	s28 =	sand.u32 $0x380, s28;
	s18 =	sor.u32 s30, s18;
	v8 =	vmul.f32 $2.771281240e+01, v8;
	v9 =	vmul.f32 $2.771281240e+01, v9;
	v2 =	vadd.f32 v2, v4  }
0x10e: {  	v21 =	vld [tilespmem:s22+$0x200];
	v10 =	vmul.f32 $2.771281240e+01, v10;
	v11 =	vmul.f32 $2.771281240e+01, v11;
	s18 =	sor.u32 s28, s18;
	v3 =	vadd.f32 v3, v4  }
0x10f: {  	s31 =	sadd.s32 $0x80, s29;
	[tilespmem:s20+$0xAA00] =	vst v2;
	v2 =	vadd.f32 v5, v4;
	v5 =	vmul.f32 $2.771281240e+01, v12;
	v12 =	vmul.f32 $2.771281240e+01, v13;
	v13 =	vld [tilespmem:s18+$0xAA00]  }
0x110: {  	s30 =	sand.u32 $0xFFFFFC00, s31;
	s31 =	simm.s32 $0x50;
	v7 =	vadd.f32 v7, v19;
	v4 =	vadd.f32 v6, v4;
	[tilespmem:s20+$0x6200] =	vst v3;
	v3 =	vmul.f32 $2.771281240e+01, v14;
	v14 =	vld [tilespmem:s18+$0x6200]  }
0x111: {  	s30 =	sadd.s32 s21, s30;
	s31 =	sand.u32 $0x50, s31;
	v8 =	vadd.f32 v8, v19;
	v22 =	vadd.f32 v11, v20;
	v6 =	vmul.f32 $2.771281240e+01, v15;
	[tilespmem:s20+$0x7A00] =	vst v2;
	v2 =	vld [tilespmem:s18+$0x200]  }
0x112: {  	s6 =	simm.s32 $0x40;
	s30 =	sor.u32 s31, s30;
	v15 =	vmul.f32 $2.771281240e+01, v16;
	v16 =	vadd.f32 v9, v19;
	[tilespmem:s20+$0x9200] =	vst v4;
	v4 =	vmul.f32 $2.771281240e+01, v17;
	v17 =	vld [tilespmem:s18+$0x7A00]  }
0x113: {  	s7 =	simm.s32 $0x60;
	s2 =	sadd.s32 $0x100, s29;
	v18 =	vmul.f32 $2.771281240e+01, v18;
	v19 =	vadd.f32 v10, v19;
	v9 =	vld [tilespmem:s18+$0x9200];
	[tilespmem:s4+$0x6200] =	vst v7;
	s20 =	sor.u32 s28, s30;
	v10 =	vadd.f32 v5, v20  }
0x114: {  	s29 =	sand.u32 $0xFFFFFC00, s29;
	s5 =	sand.u32 $0xFFFFFC00, s2;
	s2 =	sand.u32 $0x60, s7;
	[tilespmem:s4+$0x7A00] =	vst v8;
	v12 =	vadd.f32 v12, v20;
	v8 =	vadd.f32 v3, v20;
	v7 =	vld [tilespmem:s20+$0x6200];
	v5 =	vmul.f32 $2.771281240e+01, v13  }
0x115: {  	s29 =	sadd.s32 s21, s29;
	s21 =	sadd.s32 s21, s5;
	s30 =	sand.u32 $0x40, s6;
	v6 =	vadd.f32 v6, v21;
	v3 =	vadd.f32 v15, v21;
	[tilespmem:s4+$0x9200] =	vst v16;
	v11 =	vld [tilespmem:s20+$0x7A00];
	v63 =	vmul.f32 $2.771281240e+01, v14  }
0x116: {  	s2 =	sor.u32 s2, s21;
	[tilespmem:s4+$0xAA00] =	vst v19;
	s4 =	simm.s32 $0x200;
	s29 =	sor.u32 s30, s29;
	v4 =	vadd.f32 v4, v21;
	v13 =	vld [tilespmem:s20+$0x9200];
	v16 =	vadd.f32 v5, v2  }
0x117: {  	[tilespmem:s14+$0x6200] =	vst v22;
	s21 =	sor.u32 s28, s29;
	s29 =	sor.u32 s28, s2;
	s28 =	simm.s32 $0x8;
	v14 =	vld [tilespmem:s20+$0xAA00];
	v15 =	vadd.f32 v63, v2;
	v17 =	vmul.f32 $2.771281240e+01, v17;
	v5 =	vadd.f32 v18, v21  }
.LBB2_2:
0x118: {  	s2 =	smulhi.u32 $0xAAAAAAAB, s28;
	v18 =	vld [tilespmem:s29+$0x6200];
	v9 =	vmul.f32 $2.771281240e+01, v9;
	[tilespmem:s18+$0xAA00] =	vst v16  }
0x119: {  	s12 =	sadd.s32 $0x4, s12;
	v7 =	vmul.f32 $2.771281240e+01, v7;
	v16 =	vld [tilespmem:s29+$0x7A00];
	v17 =	vadd.f32 v17, v2;
	[tilespmem:s14+$0x7A00] =	vst v10  }
0x11a: {  	s30 =	smul.u32 $0xAAAB, s12;
	p0 =	slt.u32 s12, $0x17C;
	s2 =	sshrl.u32 s2, $0x5;
	v10 =	vmul.f32 $2.771281240e+01, v11;
	v11 =	vld [tilespmem:s29+$0x9200];
	v2 =	vadd.f32 v9, v2;
	[tilespmem:s14+$0x9200] =	vst v12  }
0x11b: {  	s2 =	smul.u32 $0x1800, s2;
	v9 =	vmul.f32 $2.771281240e+01, v13;
	v12 =	vld [tilespmem:s29+$0xAA00];
	[tilespmem:s14+$0xAA00] =	vst v8;
	s14 =	smov.u32 s29  }
0x11c: {  	s4 =	sadd.s32 $0x200, s4;
	v8 =	vld [tilespmem:s21+$0x6200];
	v13 =	vmul.f32 $2.771281240e+01, v14;
	[tilespmem:s18+$0x6200] =	vst v15  }
0x11d: {  	s19 =	sadd.s32 $0x40, s19;
	s29 =	sshrl.u32 s30, $0x18;
	s2 =	ssub.s32 s4, s2;
	v14 =	vld [tilespmem:s21+$0x7A00];
	v15 =	vmul.f32 $2.771281240e+01, v18;
	[tilespmem:s18+$0x7A00] =	vst v17  }
0x11e: {  	s29 =	smul.u32 $0x1800, s29;
	s31 =	sadd.s32 $0x80, s2;
	s5 =	sadd.s32 $0x180, s2;
	v17 =	vld [tilespmem:s21+$0x9200];
	v16 =	vmul.f32 $2.771281240e+01, v16;
	[tilespmem:s18+$0x9200] =	vst v2  }
0x11f: {  	s6 =	sand.u32 $0x70, s19;
	s18 =	sadd.s32 $0x100, s2;
	s5 =	sand.u32 $0xFFFFFC00, s5;
	v2 =	vld [tilespmem:s21+$0xAA00];
	v11 =	vmul.f32 $2.771281240e+01, v11;
	[tilespmem:s22+$0x6200] =	vst v6  }
0x120: {  	s7 =	sadd.s32 $0xFFFFFFF0, s19;
	s30 =	sshrl.u32 s30, $0xE;
	s5 =	sadd.s32 s29, s5;
	v6 =	vld [tilespmem:s20+$0x200];
	v18 =	vmul.f32 $2.771281240e+01, v12;
	[tilespmem:s22+$0x7A00] =	vst v3  }
0x121: {  	s30 =	sand.u32 $0x380, s30;
	s31 =	sand.u32 $0xFFFFFC00, s31;
	s5 =	sor.u32 s6, s5;
	v3 =	vmul.f32 $2.771281240e+01, v8;
	v8 =	vld [tilespmem:s14+$0x200];
	[tilespmem:s22+$0x9200] =	vst v4  }
0x122: {  	s2 =	sand.u32 $0xFFFFFC00, s2;
	s6 =	sand.u32 $0xFFFFFC00, s18;
	s18 =	sor.u32 s30, s5;
	v19 =	vld [tilespmem:s21+$0x200];
	v4 =	vmul.f32 $2.771281240e+01, v14;
	[tilespmem:s22+$0xAA00] =	vst v5  }
0x123: {  	s7 =	sand.u32 $0x60, s7;
	s5 =	sadd.s32 $0xFFFFFFD0, s19;
	s22 =	sadd.s32 $0xFFFFFFE0, s19;
	v5 =	vld [tilespmem:s18+$0xAA00]  }
0x124: {  	s2 =	sadd.s32 s29, s2;
	s31 =	sadd.s32 s29, s31;
	s6 =	sadd.s32 s29, s6;
	v17 =	vmul.f32 $2.771281240e+01, v17;
	v14 =	vld [tilespmem:s18+$0x6200];
	v20 =	vmul.f32 $2.771281240e+01, v2  }
0x125: {  	s5 =	sand.u32 $0x40, s5;
	s22 =	sand.u32 $0x50, s22;
	s6 =	sor.u32 s7, s6;
	v2 =	vld [tilespmem:s18+$0x200];
	v7 =	vadd.f32 v7, v6;
	v12 =	vadd.f32 v10, v6  }
0x126: {  	s2 =	sor.u32 s5, s2;
	s5 =	sor.u32 s22, s31;
	s29 =	sor.u32 s30, s6;
	v22 =	vadd.f32 v9, v6;
	v23 =	vadd.f32 v13, v6;
	v21 =	vld [tilespmem:s18+$0x7A00]  }
.Ltmp0:
0x127: {  	s2 =	sor.u32 s30, s2;
	s5 =	sor.u32 s30, s5;
	v24 =	vadd.f32 v15, v8;
	v10 =	vadd.f32 v16, v8;
	v9 =	vld [tilespmem:s18+$0x9200];
	[tilespmem:s20+$0x6200] =	vst v7;
	(pc) =	sbr.rel @p0 .LBB2_2-.Ltmp0, $4  }
0x128: {  	s22 =	smov.u32 s21;
	s21 =	smov.u32 s2;
	v7 =	vld [tilespmem:s5+$0x6200];
	v5 =	vmul.f32 $2.771281240e+01, v5;
	[tilespmem:s20+$0x7A00] =	vst v12;
	v12 =	vadd.f32 v11, v8;
	v8 =	vadd.f32 v18, v8  }
0x129: {  	v6 =	vadd.f32 v3, v19;
	v3 =	vadd.f32 v4, v19;
	v11 =	vld [tilespmem:s5+$0x7A00];
	v15 =	vmul.f32 $2.771281240e+01, v14;
	[tilespmem:s20+$0x9200] =	vst v22  }
0x12a: {  	v4 =	vadd.f32 v17, v19;
	v13 =	vld [tilespmem:s5+$0x9200];
	v16 =	vadd.f32 v5, v2;
	[tilespmem:s20+$0xAA00] =	vst v23;
	s20 =	smov.u32 s5  }
0x12b: {  	s28 =	sadd.s32 $0x4, s28;
	v5 =	vadd.f32 v20, v19;
	v14 =	vld [tilespmem:s20+$0xAA00];
	v15 =	vadd.f32 v15, v2;
	v17 =	vmul.f32 $2.771281240e+01, v21;
	[tilespmem:s14+$0x6200] =	vst v24  }
0x12c: {  	[tilespmem:s18+$0xAA00] =	vst v16  }
0x12d: {  	[tilespmem:s14+$0x7A00] =	vst v10  }
0x12e: {  	[tilespmem:s14+$0x9200] =	vst v12  }
0x12f: {  	v10 =	vld [tilespmem:s29+$0x6200];
	[tilespmem:s14+$0xAA00] =	vst v8  }
0x130: {  	v9 =	vmul.f32 $2.771281240e+01, v9;
	v8 =	vld [tilespmem:s20+$0x200];
	[tilespmem:s22+$0x6200] =	vst v6  }
0x131: {  	[tilespmem:s22+$0x7A00] =	vst v3;
	v3 =	vld [tilespmem:s29+$0x200];
	v12 =	vadd.f32 v17, v2  }
0x132: {  	[tilespmem:s22+$0x9200] =	vst v4;
	v2 =	vadd.f32 v9, v2;
	v9 =	vld [tilespmem:s29+$0x7A00]  }
0x133: {  	v6 =	vmul.f32 $2.771281240e+01, v11;
	[tilespmem:s18+$0x7A00] =	vst v12;
	v12 =	vld [tilespmem:s29+$0x9200]  }
0x134: {  	v11 =	vmul.f32 $2.771281240e+01, v13;
	v13 =	vld [tilespmem:s21+$0x6200];
	[tilespmem:s18+$0x9200] =	vst v2;
	v2 =	vmul.f32 $2.771281240e+01, v7  }
0x135: {  	[tilespmem:s22+$0xAA00] =	vst v5;
	v7 =	vld [tilespmem:s29+$0xAA00];
	v5 =	vadd.f32 v6, v8  }
0x136: {  	[tilespmem:s18+$0x6200] =	vst v15;
	v4 =	vmul.f32 $2.771281240e+01, v14;
	v14 =	vld [tilespmem:s21+$0x7A00];
	v2 =	vadd.f32 v2, v8  }
0x137: {  	v6 =	vmul.f32 $2.771281240e+01, v10;
	v10 =	vld [tilespmem:s21+$0x9200];
	v11 =	vadd.f32 v11, v8;
	[tilespmem:s20+$0x7A00] =	vst v5  }
0x138: {  	v4 =	vadd.f32 v4, v8;
	[tilespmem:s20+$0x6200] =	vst v2;
	v2 =	vmul.f32 $2.771281240e+01, v9;
	v9 =	vld [tilespmem:s21+$0x200]  }
0x139: {  	v5 =	vld [tilespmem:s21+$0xAA00];
	v6 =	vadd.f32 v6, v3;
	[tilespmem:s20+$0x9200] =	vst v11;
	v8 =	vmul.f32 $2.771281240e+01, v12  }
0x13a: {  	[tilespmem:s20+$0xAA00] =	vst v4;
	v7 =	vmul.f32 $2.771281240e+01, v7;
	v2 =	vadd.f32 v2, v3  }
0x13b: {  	v4 =	vmul.f32 $2.771281240e+01, v13;
	[tilespmem:s29+$0x6200] =	vst v6;
	v8 =	vadd.f32 v8, v3  }
0x13c: {  	v6 =	vmul.f32 $2.771281240e+01, v14;
	v3 =	vadd.f32 v7, v3;
	[tilespmem:s29+$0x7A00] =	vst v2  }
0x13d: {  	v2 =	vmul.f32 $2.771281240e+01, v10;
	[tilespmem:s29+$0x9200] =	vst v8;
	v4 =	vadd.f32 v4, v9  }
0x13e: {  	v5 =	vmul.f32 $2.771281240e+01, v5;
	v6 =	vadd.f32 v6, v9;
	[tilespmem:s29+$0xAA00] =	vst v3  }
0x13f: {  	v2 =	vadd.f32 v2, v9;
	[tilespmem:s21+$0x6200] =	vst v4  }
0x140: {  	v3 =	vadd.f32 v5, v9;
	[tilespmem:s21+$0x7A00] =	vst v6  }
0x141: {  	[tilespmem:s21+$0x9200] =	vst v2  }
0x142: {  	[tilespmem:s21+$0xAA00] =	vst v3  }
0x143: {  	s2 =	simm.s32 $0x0;
	s5 =	simm.s32 $0x6200;
	s4 =	rddreg [dreg:$0xc]  }
0x144: {  	[hbm4b:s4+s2] =	stream.linear.scatter [tilespmem:s5], [sflag:$0x5], $0x1800, $0x38;
	[tilespmem:$0x1E200] =	vst v63  }
0x145: {  	s14 =	simm.s32 $0x7A00;
	s12 =	rddreg [dreg:$0x1a]  }
0x146: {  	[hbm4b:s12+s2] =	stream.linear.scatter [tilespmem:s14], [sflag:$0x6], $0x1800, $0x38;
	[tilespmem:$0x1E200] =	vst v63  }
0x147: {  	s19 =	simm.s32 $0x9200;
	s18 =	rddreg [dreg:$0x1b]  }
0x148: {  	[hbm4b:s18+s2] =	stream.linear.scatter [tilespmem:s19], [sflag:$0x7], $0x1800, $0x38;
	[tilespmem:$0x1E200] =	vst v63  }
0x149: {  	s21 =	simm.s32 $0xAA00;
	s20 =	rddreg [dreg:$0x1c]  }
0x14a: {  	[hbm4b:s20+s2] =	stream.linear.scatter [tilespmem:s21], [sflag:$0x8], $0x1800, $0x38;
	[tilespmem:$0x1E200] =	vst v63  }
0x14b: {  	s30 =	simm.s32 $0x4A00;
	s22 =	rddreg [dreg:$0xd]  }
0x14c: {  	[tilespmem:s30], [sflag:$0x4] =	stream.linear.gather [hbm4b:s22+s2], $0x1800, $0x38;
	[tilespmem:$0x1E200] =	vst v63  }
0x14d: {  	v2 =	vld.msk [tilespmem:$0x18], $0xff;
	_ =	sdelay $0x4  }
0x14e: {  	v3 =	vshrl.u32 v2, $0x3  }
0x14f: {  	v3 =	vmul.u32 $0x30, v3  }
0x150: {  	v2 =	vand.u32 $0x7, v2  }
0x151: {  	v2 =	vor.u32 v2, v3  }
0x152: {  	v2 =	vperm.xlane v2, v0;
	_ =	sdelay $0x1  }
0x153: {  	v2 =	vadd.s32 v1, v2;
	_ =	sdelay $0x3  }
0x154: {  	s31 =	simm.s32 $0x18200  }
0x155: {  	[tilespmem:s31], [sflag:$0x18] =	stream.indirect_vreg.gather [hbm4b:s1+s2], $0x80, v2, vm0, $0xb8;
	[tilespmem:$0x1E200] =	vst v63  }
0x156: {  	s5 =	simm.s32 $0x18A00  }
0x157: {  	[tilespmem:s5], [sflag:$0x18] =	stream.indirect_vreg.gather [hbm4b:s24+s2], $0x80, v2, vm0, $0xb8;
	[tilespmem:$0x1E200] =	vst v63  }
0x158: {  	s6 =	simm.s32 $0x19200  }
0x159: {  	[tilespmem:s6], [sflag:$0x18] =	stream.indirect_vreg.gather [hbm4b:s26+s2], $0x80, v2, vm0, $0xb8;
	[tilespmem:$0x1E200] =	vst v63  }
0x15a: {  	v2 =	vld.msk [tilespmem:$0x98], $0xff;
	_ =	sdelay $0x4  }
0x15b: {  	v3 =	vshrl.u32 v2, $0x3  }
0x15c: {  	v3 =	vmul.u32 $0x30, v3  }
0x15d: {  	v2 =	vand.u32 $0x7, v2  }
0x15e: {  	v2 =	vor.u32 v2, v3  }
0x15f: {  	v2 =	vperm.xlane v2, v0;
	_ =	sdelay $0x1  }
0x160: {  	v2 =	vadd.s32 v1, v2;
	_ =	sdelay $0x3  }
0x161: {  	s7 =	simm.s32 $0x19A00  }
0x162: {  	[tilespmem:s7], [sflag:$0x18] =	stream.indirect_vreg.gather [hbm4b:s1+s2], $0x80, v2, vm0, $0xb8;
	[tilespmem:$0x1E200] =	vst v63  }
0x163: {  	s12 =	simm.s32 $0x1A200  }
0x164: {  	[tilespmem:s12], [sflag:$0x18] =	stream.indirect_vreg.gather [hbm4b:s24+s2], $0x80, v2, vm0, $0xb8;
	[tilespmem:$0x1E200] =	vst v63  }
0x165: {  	s14 =	simm.s32 $0x1AA00  }
0x166: {  	[tilespmem:s14], [sflag:$0x18] =	stream.indirect_vreg.gather [hbm4b:s26+s2], $0x80, v2, vm0, $0xb8;
	[tilespmem:$0x1E200] =	vst v63  }
0x167: {  	v2 =	vld.msk [tilespmem:$0x118], $0xff;
	_ =	sdelay $0x4  }
0x168: {  	v3 =	vshrl.u32 v2, $0x3  }
0x169: {  	v3 =	vmul.u32 $0x30, v3  }
0x16a: {  	v2 =	vand.u32 $0x7, v2  }
0x16b: {  	v2 =	vor.u32 v2, v3  }
0x16c: {  	v2 =	vperm.xlane v2, v0;
	_ =	sdelay $0x1  }
0x16d: {  	v2 =	vadd.s32 v1, v2;
	_ =	sdelay $0x3  }
0x16e: {  	s18 =	simm.s32 $0x1B200  }
0x16f: {  	[tilespmem:s18], [sflag:$0x18] =	stream.indirect_vreg.gather [hbm4b:s1+s2], $0x80, v2, vm0, $0xb8;
	[tilespmem:$0x1E200] =	vst v63  }
0x170: {  	s19 =	simm.s32 $0x1BA00  }
0x171: {  	[tilespmem:s19], [sflag:$0x18] =	stream.indirect_vreg.gather [hbm4b:s24+s2], $0x80, v2, vm0, $0xb8;
	[tilespmem:$0x1E200] =	vst v63  }
0x172: {  	s20 =	simm.s32 $0x1C200  }
0x173: {  	[tilespmem:s20], [sflag:$0x18] =	stream.indirect_vreg.gather [hbm4b:s26+s2], $0x80, v2, vm0, $0xb8;
	[tilespmem:$0x1E200] =	vst v63  }
0x174: {  	v2 =	vld.msk [tilespmem:$0x198], $0xff;
	_ =	sdelay $0x4  }
0x175: {  	v3 =	vshrl.u32 v2, $0x3  }
0x176: {  	v3 =	vmul.u32 $0x30, v3  }
0x177: {  	v2 =	vand.u32 $0x7, v2  }
0x178: {  	v2 =	vor.u32 v2, v3  }
0x179: {  	v2 =	vperm.xlane v2, v0;
	_ =	sdelay $0x1  }
0x17a: {  	v2 =	vadd.s32 v1, v2;
	_ =	sdelay $0x3  }
0x17b: {  	s21 =	simm.s32 $0x1CA00  }
0x17c: {  	[tilespmem:s21], [sflag:$0x18] =	stream.indirect_vreg.gather [hbm4b:s1+s2], $0x80, v2, vm0, $0xb8;
	[tilespmem:$0x1E200] =	vst v63  }
0x17d: {  	s22 =	simm.s32 $0x1D200  }
0x17e: {  	[tilespmem:s22], [sflag:$0x18] =	stream.indirect_vreg.gather [hbm4b:s24+s2], $0x80, v2, vm0, $0xb8;
	[tilespmem:$0x1E200] =	vst v63  }
0x17f: {  	s30 =	simm.s32 $0x1DA00;
	s31 =	simm.s32 $0x2  }
0x180: {  	[tilespmem:s30], [sflag:$0x18] =	stream.indirect_vreg.gather [hbm4b:s26+s2], $0x80, v2, vm0, $0xb8;
	[tilespmem:$0x1E200] =	vst v63  }
0x181: {  	_ =	swait.ge [sflag:s31], $0x1800  }
0x182: {  	[sflag:s31] =	ssyncset.done $0x0  }
0x183: {  	[sflag:s31] =	ssyncadd.s32 $0xFFFFE800  }
0x184: {  	_ =	swait.ge [sflag:s23], $0x1800  }
0x185: {  	s2 =	smulhi.u32 $0xAAAAAAAB, s2;
	[sflag:s23] =	ssyncset.done $0x0  }
0x186: {  	s5 =	simm.s32 $0x0;
	[sflag:s23] =	ssyncadd.s32 $0xFFFFE800  }
0x187: {  	s4 =	smul.u32 $0xAAAB, s5;
	s2 =	sshrl.u32 s2, $0x5;
	_ =	swait.ge [sflag:s23], $0x1800  }
0x188: {  	s2 =	smul.u32 $0x1800, s2;
	[sflag:s23] =	ssyncset.done $0x0  }
0x189: {  	s6 =	sshrl.u32 s4, $0x18;
	[sflag:s23] =	ssyncadd.s32 $0xFFFFE800  }
0x18a: {  	s4 =	sshrl.u32 s4, $0xE;
	s2 =	ssub.s32 $0x0, s2;
	_ =	swait.ge [sflag:s23], $0x1800  }
0x18b: {  	s5 =	smul.u32 $0x1800, s6;
	s6 =	sadd.s32 $0x180, s2;
	[sflag:s23] =	ssyncset.done $0x0  }
0x18c: {  	s7 =	simm.s32 $0x30;
	s6 =	sand.u32 $0xFFFFFC00, s6;
	[sflag:s23] =	ssyncadd.s32 $0xFFFFE800  }
0x18d: {  	s7 =	sand.u32 $0x70, s7;
	s6 =	sadd.s32 s5, s6;
	_ =	swait.ge [sflag:s23], $0x1800  }
0x18e: {  	s18 =	sand.u32 $0x380, s4;
	s7 =	sor.u32 s7, s6;
	[sflag:s23] =	ssyncset.done $0x0  }
0x18f: {  	s20 =	sor.u32 s18, s7;
	[sflag:s23] =	ssyncadd.s32 $0xFFFFE800  }
0x190: {  	s12 =	sadd.s32 $0x80, s2;
	v2 =	vld [tilespmem:s20+$0x10A00]  }
0x191: {  	s14 =	simm.s32 $0x10;
	s4 =	sand.u32 $0xFFFFFC00, s12;
	v3 =	vld [tilespmem:s20+$0xC200]  }
0x192: {  	s4 =	sadd.s32 s5, s4;
	s6 =	sand.u32 $0x50, s14;
	v4 =	vld [tilespmem:s20+$0x1A00]  }
0x193: {  	s4 =	sor.u32 s6, s4;
	v5 =	vld [tilespmem:s20+$0xDA00]  }
0x194: {  	s19 =	sadd.s32 $0x100, s2;
	s4 =	sor.u32 s18, s4;
	v6 =	vld [tilespmem:s20+$0xF200]  }
0x195: {  	s21 =	simm.s32 $0x20;
	s6 =	sand.u32 $0xFFFFFC00, s19;
	v7 =	vld [tilespmem:s4+$0xC200]  }
0x196: {  	s7 =	sand.u32 $0x60, s21;
	s6 =	sadd.s32 s5, s6;
	v8 =	vld [tilespmem:s4+$0xDA00]  }
0x197: {  	s6 =	sor.u32 s7, s6;
	v9 =	vld [tilespmem:s4+$0xF200]  }
0x198: {  	s22 =	simm.s32 $0x4;
	s14 =	sor.u32 s18, s6;
	v10 =	vld [tilespmem:s4+$0x10A00]  }
0x199: {  	s30 =	simm.s32 $0x0;
	s2 =	sand.u32 $0xFFFFFC00, s2;
	s6 =	smulhi.u32 $0xAAAAAAAB, s22;
	v11 =	vld [tilespmem:s14+$0xC200]  }
0x19a: {  	s31 =	sand.u32 $0x40, s30;
	s2 =	sadd.s32 s5, s2;
	s12 =	simm.s32 $0x4;
	v12 =	vld [tilespmem:s14+$0xDA00]  }
0x19b: {  	s2 =	sor.u32 s31, s2;
	s7 =	smul.u32 $0xAAAB, s12;
	s6 =	sshrl.u32 s6, $0x5;
	v13 =	vld [tilespmem:s14+$0xF200]  }
0x19c: {  	s22 =	sor.u32 s18, s2;
	s19 =	smul.u32 $0x1800, s6;
	v14 =	vld [tilespmem:s14+$0x10A00]  }
0x19d: {  	v15 =	vld [tilespmem:s22+$0xC200]  }
0x19e: {  	s21 =	sshrl.u32 s7, $0x18;
	v16 =	vld [tilespmem:s22+$0xDA00];
	s2 =	ssub.s32 $0x200, s19  }
0x19f: {  	s21 =	smul.u32 $0x1800, s21;
	v17 =	vld [tilespmem:s22+$0xF200];
	s30 =	sadd.s32 $0x180, s2;
	v2 =	vmul.f32 $2.771281240e+01, v2  }
0x1a0: {  	v19 =	vld [tilespmem:s4+$0x1A00];
	s19 =	simm.s32 $0x70;
	s5 =	sand.u32 $0xFFFFFC00, s30;
	v3 =	vmul.f32 $2.771281240e+01, v3;
	v5 =	vmul.f32 $2.771281240e+01, v5  }
0x1a1: {  	s6 =	sshrl.u32 s7, $0xE;
	v20 =	vld [tilespmem:s14+$0x1A00];
	s31 =	sand.u32 $0x70, s19;
	v6 =	vmul.f32 $2.771281240e+01, v6;
	v7 =	vmul.f32 $2.771281240e+01, v7;
	s5 =	sadd.s32 s21, s5  }
0x1a2: {  	v18 =	vld [tilespmem:s22+$0x10A00];
	s28 =	sand.u32 $0x380, s6;
	v8 =	vmul.f32 $2.771281240e+01, v8;
	v9 =	vmul.f32 $2.771281240e+01, v9;
	s5 =	sor.u32 s31, s5;
	v2 =	vadd.f32 v2, v4  }
0x1a3: {  	v21 =	vld [tilespmem:s22+$0x1A00];
	v10 =	vmul.f32 $2.771281240e+01, v10;
	v11 =	vmul.f32 $2.771281240e+01, v11;
	v3 =	vadd.f32 v3, v4;
	s18 =	sor.u32 s28, s5  }
0x1a4: {  	s6 =	sadd.s32 $0x80, s2;
	[tilespmem:s20+$0x10A00] =	vst v2;
	v2 =	vadd.f32 v5, v4;
	v5 =	vmul.f32 $2.771281240e+01, v12;
	v12 =	vmul.f32 $2.771281240e+01, v13;
	v13 =	vld [tilespmem:s18+$0x10A00]  }
0x1a5: {  	s7 =	simm.s32 $0x50;
	s5 =	sand.u32 $0xFFFFFC00, s6;
	v7 =	vadd.f32 v7, v19;
	v4 =	vadd.f32 v6, v4;
	[tilespmem:s20+$0xC200] =	vst v3;
	v3 =	vmul.f32 $2.771281240e+01, v14;
	v14 =	vld [tilespmem:s18+$0xC200]  }
0x1a6: {  	s6 =	sand.u32 $0x50, s7;
	v8 =	vadd.f32 v8, v19;
	v22 =	vadd.f32 v11, v20;
	s5 =	sadd.s32 s21, s5;
	v6 =	vmul.f32 $2.771281240e+01, v15;
	[tilespmem:s20+$0xDA00] =	vst v2;
	v2 =	vld [tilespmem:s18+$0x1A00]  }
0x1a7: {  	s30 =	sadd.s32 $0x100, s2;
	s2 =	sand.u32 $0xFFFFFC00, s2;
	v15 =	vmul.f32 $2.771281240e+01, v16;
	s5 =	sor.u32 s6, s5;
	v16 =	vadd.f32 v9, v19;
	[tilespmem:s20+$0xF200] =	vst v4;
	v4 =	vmul.f32 $2.771281240e+01, v17;
	v17 =	vld [tilespmem:s18+$0xDA00]  }
0x1a8: {  	v18 =	vmul.f32 $2.771281240e+01, v18;
	s2 =	sadd.s32 s21, s2;
	v19 =	vadd.f32 v10, v19;
	v9 =	vld [tilespmem:s18+$0xF200];
	[tilespmem:s4+$0xC200] =	vst v7;
	s20 =	sor.u32 s28, s5;
	v10 =	vadd.f32 v5, v20  }
0x1a9: {  	s31 =	sand.u32 $0xFFFFFC00, s30;
	s30 =	simm.s32 $0x60;
	s7 =	simm.s32 $0x40;
	[tilespmem:s4+$0xDA00] =	vst v8;
	v12 =	vadd.f32 v12, v20;
	v8 =	vadd.f32 v3, v20;
	v7 =	vld [tilespmem:s20+$0xC200];
	v5 =	vmul.f32 $2.771281240e+01, v13  }
0x1aa: {  	s6 =	sadd.s32 s21, s31;
	s5 =	sand.u32 $0x40, s7;
	s7 =	sand.u32 $0x60, s30;
	v6 =	vadd.f32 v6, v21;
	v3 =	vadd.f32 v15, v21;
	[tilespmem:s4+$0xF200] =	vst v16;
	v11 =	vld [tilespmem:s20+$0xDA00];
	v63 =	vmul.f32 $2.771281240e+01, v14  }
0x1ab: {  	[tilespmem:s4+$0x10A00] =	vst v19;
	s4 =	simm.s32 $0x200;
	s2 =	sor.u32 s5, s2;
	s31 =	sor.u32 s7, s6;
	v4 =	vadd.f32 v4, v21;
	v13 =	vld [tilespmem:s20+$0xF200];
	v16 =	vadd.f32 v5, v2  }
0x1ac: {  	[tilespmem:s14+$0xC200] =	vst v22;
	s21 =	sor.u32 s28, s2;
	s29 =	sor.u32 s28, s31;
	s28 =	simm.s32 $0x8;
	v14 =	vld [tilespmem:s20+$0x10A00];
	v15 =	vadd.f32 v63, v2;
	v17 =	vmul.f32 $2.771281240e+01, v17;
	v5 =	vadd.f32 v18, v21  }
.LBB2_4:
0x1ad: {  	s2 =	smulhi.u32 $0xAAAAAAAB, s28;
	v18 =	vld [tilespmem:s29+$0xC200];
	v9 =	vmul.f32 $2.771281240e+01, v9;
	[tilespmem:s18+$0x10A00] =	vst v16  }
0x1ae: {  	s12 =	sadd.s32 $0x4, s12;
	v7 =	vmul.f32 $2.771281240e+01, v7;
	v16 =	vld [tilespmem:s29+$0xDA00];
	v17 =	vadd.f32 v17, v2;
	[tilespmem:s14+$0xDA00] =	vst v10  }
0x1af: {  	s5 =	smul.u32 $0xAAAB, s12;
	p0 =	slt.u32 s12, $0x17C;
	s2 =	sshrl.u32 s2, $0x5;
	v10 =	vmul.f32 $2.771281240e+01, v11;
	v11 =	vld [tilespmem:s29+$0xF200];
	v2 =	vadd.f32 v9, v2;
	[tilespmem:s14+$0xF200] =	vst v12  }
0x1b0: {  	s2 =	smul.u32 $0x1800, s2;
	v9 =	vmul.f32 $2.771281240e+01, v13;
	v12 =	vld [tilespmem:s29+$0x10A00];
	[tilespmem:s14+$0x10A00] =	vst v8;
	s14 =	smov.u32 s29  }
0x1b1: {  	s4 =	sadd.s32 $0x200, s4;
	v8 =	vld [tilespmem:s21+$0xC200];
	v13 =	vmul.f32 $2.771281240e+01, v14;
	[tilespmem:s18+$0xC200] =	vst v15  }
0x1b2: {  	s19 =	sadd.s32 $0x40, s19;
	s6 =	sshrl.u32 s5, $0x18;
	s2 =	ssub.s32 s4, s2;
	v14 =	vld [tilespmem:s21+$0xDA00];
	v15 =	vmul.f32 $2.771281240e+01, v18;
	[tilespmem:s18+$0xDA00] =	vst v17  }
0x1b3: {  	s6 =	smul.u32 $0x1800, s6;
	s7 =	sadd.s32 $0x80, s2;
	s29 =	sadd.s32 $0x180, s2;
	v17 =	vld [tilespmem:s21+$0xF200];
	v16 =	vmul.f32 $2.771281240e+01, v16;
	[tilespmem:s18+$0xF200] =	vst v2  }
0x1b4: {  	s30 =	sand.u32 $0x70, s19;
	s18 =	sadd.s32 $0x100, s2;
	s29 =	sand.u32 $0xFFFFFC00, s29;
	v2 =	vld [tilespmem:s21+$0x10A00];
	v11 =	vmul.f32 $2.771281240e+01, v11;
	[tilespmem:s22+$0xC200] =	vst v6  }
0x1b5: {  	s31 =	sadd.s32 $0xFFFFFFF0, s19;
	s5 =	sshrl.u32 s5, $0xE;
	s29 =	sadd.s32 s6, s29;
	v6 =	vld [tilespmem:s20+$0x1A00];
	v18 =	vmul.f32 $2.771281240e+01, v12;
	[tilespmem:s22+$0xDA00] =	vst v3  }
0x1b6: {  	s5 =	sand.u32 $0x380, s5;
	s7 =	sand.u32 $0xFFFFFC00, s7;
	s29 =	sor.u32 s30, s29;
	v3 =	vmul.f32 $2.771281240e+01, v8;
	v8 =	vld [tilespmem:s14+$0x1A00];
	[tilespmem:s22+$0xF200] =	vst v4  }
0x1b7: {  	s2 =	sand.u32 $0xFFFFFC00, s2;
	s30 =	sand.u32 $0xFFFFFC00, s18;
	s18 =	sor.u32 s5, s29;
	v19 =	vld [tilespmem:s21+$0x1A00];
	v4 =	vmul.f32 $2.771281240e+01, v14;
	[tilespmem:s22+$0x10A00] =	vst v5  }
0x1b8: {  	s2 =	sadd.s32 s6, s2;
	s22 =	sadd.s32 $0xFFFFFFD0, s19;
	s29 =	sadd.s32 $0xFFFFFFE0, s19;
	v5 =	vld [tilespmem:s18+$0x10A00]  }
0x1b9: {  	s7 =	sadd.s32 s6, s7;
	s6 =	sadd.s32 s6, s30;
	s30 =	sand.u32 $0x60, s31;
	v17 =	vmul.f32 $2.771281240e+01, v17;
	v14 =	vld [tilespmem:s18+$0xC200];
	v20 =	vmul.f32 $2.771281240e+01, v2  }
0x1ba: {  	s22 =	sand.u32 $0x40, s22;
	s29 =	sand.u32 $0x50, s29;
	s6 =	sor.u32 s30, s6;
	v2 =	vld [tilespmem:s18+$0x1A00];
	v7 =	vadd.f32 v7, v6;
	v12 =	vadd.f32 v10, v6  }
0x1bb: {  	s2 =	sor.u32 s22, s2;
	s7 =	sor.u32 s29, s7;
	s29 =	sor.u32 s5, s6;
	v22 =	vadd.f32 v9, v6;
	v23 =	vadd.f32 v13, v6;
	v21 =	vld [tilespmem:s18+$0xDA00]  }
.Ltmp1:
0x1bc: {  	s2 =	sor.u32 s5, s2;
	s7 =	sor.u32 s5, s7;
	v24 =	vadd.f32 v15, v8;
	v10 =	vadd.f32 v16, v8;
	v9 =	vld [tilespmem:s18+$0xF200];
	[tilespmem:s20+$0xC200] =	vst v7;
	(pc) =	sbr.rel @p0 .LBB2_4-.Ltmp1, $4  }
0x1bd: {  	s22 =	smov.u32 s21;
	s21 =	smov.u32 s2;
	v7 =	vld [tilespmem:s7+$0xC200];
	v5 =	vmul.f32 $2.771281240e+01, v5;
	[tilespmem:s20+$0xDA00] =	vst v12;
	v12 =	vadd.f32 v11, v8;
	v8 =	vadd.f32 v18, v8  }
0x1be: {  	v6 =	vadd.f32 v3, v19;
	v3 =	vadd.f32 v4, v19;
	v11 =	vld [tilespmem:s7+$0xDA00];
	v15 =	vmul.f32 $2.771281240e+01, v14;
	[tilespmem:s20+$0xF200] =	vst v22  }
0x1bf: {  	v4 =	vadd.f32 v17, v19;
	v13 =	vld [tilespmem:s7+$0xF200];
	v16 =	vadd.f32 v5, v2;
	[tilespmem:s20+$0x10A00] =	vst v23;
	s20 =	smov.u32 s7  }
0x1c0: {  	s28 =	sadd.s32 $0x4, s28;
	v5 =	vadd.f32 v20, v19;
	v14 =	vld [tilespmem:s20+$0x10A00];
	v15 =	vadd.f32 v15, v2;
	v17 =	vmul.f32 $2.771281240e+01, v21;
	[tilespmem:s14+$0xC200] =	vst v24  }
0x1c1: {  	[tilespmem:s18+$0x10A00] =	vst v16  }
0x1c2: {  	[tilespmem:s14+$0xDA00] =	vst v10  }
0x1c3: {  	[tilespmem:s14+$0xF200] =	vst v12  }
0x1c4: {  	v10 =	vld [tilespmem:s29+$0xC200];
	[tilespmem:s14+$0x10A00] =	vst v8  }
0x1c5: {  	v9 =	vmul.f32 $2.771281240e+01, v9;
	v8 =	vld [tilespmem:s20+$0x1A00];
	[tilespmem:s22+$0xC200] =	vst v6  }
0x1c6: {  	[tilespmem:s22+$0xDA00] =	vst v3;
	v3 =	vld [tilespmem:s29+$0x1A00];
	v12 =	vadd.f32 v17, v2  }
0x1c7: {  	[tilespmem:s22+$0xF200] =	vst v4;
	v2 =	vadd.f32 v9, v2;
	v9 =	vld [tilespmem:s29+$0xDA00]  }
0x1c8: {  	v6 =	vmul.f32 $2.771281240e+01, v11;
	[tilespmem:s18+$0xDA00] =	vst v12;
	v12 =	vld [tilespmem:s29+$0xF200]  }
0x1c9: {  	v11 =	vmul.f32 $2.771281240e+01, v13;
	v13 =	vld [tilespmem:s21+$0xC200];
	[tilespmem:s18+$0xF200] =	vst v2;
	v2 =	vmul.f32 $2.771281240e+01, v7  }
0x1ca: {  	[tilespmem:s22+$0x10A00] =	vst v5;
	v7 =	vld [tilespmem:s29+$0x10A00];
	v5 =	vadd.f32 v6, v8  }
0x1cb: {  	[tilespmem:s18+$0xC200] =	vst v15;
	v4 =	vmul.f32 $2.771281240e+01, v14;
	v14 =	vld [tilespmem:s21+$0xDA00];
	v2 =	vadd.f32 v2, v8  }
0x1cc: {  	v6 =	vmul.f32 $2.771281240e+01, v10;
	v10 =	vld [tilespmem:s21+$0xF200];
	v11 =	vadd.f32 v11, v8;
	[tilespmem:s20+$0xDA00] =	vst v5  }
0x1cd: {  	v4 =	vadd.f32 v4, v8;
	[tilespmem:s20+$0xC200] =	vst v2;
	v2 =	vmul.f32 $2.771281240e+01, v9;
	v9 =	vld [tilespmem:s21+$0x1A00]  }
0x1ce: {  	v5 =	vld [tilespmem:s21+$0x10A00];
	v6 =	vadd.f32 v6, v3;
	[tilespmem:s20+$0xF200] =	vst v11;
	v8 =	vmul.f32 $2.771281240e+01, v12  }
0x1cf: {  	[tilespmem:s20+$0x10A00] =	vst v4;
	v7 =	vmul.f32 $2.771281240e+01, v7;
	v2 =	vadd.f32 v2, v3  }
0x1d0: {  	v4 =	vmul.f32 $2.771281240e+01, v13;
	[tilespmem:s29+$0xC200] =	vst v6;
	v8 =	vadd.f32 v8, v3  }
0x1d1: {  	v6 =	vmul.f32 $2.771281240e+01, v14;
	v3 =	vadd.f32 v7, v3;
	[tilespmem:s29+$0xDA00] =	vst v2  }
0x1d2: {  	v2 =	vmul.f32 $2.771281240e+01, v10;
	[tilespmem:s29+$0xF200] =	vst v8;
	v4 =	vadd.f32 v4, v9  }
0x1d3: {  	v5 =	vmul.f32 $2.771281240e+01, v5;
	v6 =	vadd.f32 v6, v9;
	[tilespmem:s29+$0x10A00] =	vst v3  }
0x1d4: {  	v2 =	vadd.f32 v2, v9;
	[tilespmem:s21+$0xC200] =	vst v4  }
0x1d5: {  	v3 =	vadd.f32 v5, v9;
	[tilespmem:s21+$0xDA00] =	vst v6  }
0x1d6: {  	[tilespmem:s21+$0xF200] =	vst v2  }
0x1d7: {  	[tilespmem:s21+$0x10A00] =	vst v3  }
0x1d8: {  	s4 =	simm.s32 $0x0;
	s5 =	simm.s32 $0xC200;
	s2 =	rddreg [dreg:$0xe]  }
0x1d9: {  	[hbm4b:s2+s4] =	stream.linear.scatter [tilespmem:s5], [sflag:$0x9], $0x1800, $0x38;
	[tilespmem:$0x1E200] =	vst v63  }
0x1da: {  	s31 =	simm.s32 $0xDA00;
	s30 =	rddreg [dreg:$0x1d]  }
0x1db: {  	[hbm4b:s30+s4] =	stream.linear.scatter [tilespmem:s31], [sflag:$0xA], $0x1800, $0x38;
	[tilespmem:$0x1E200] =	vst v63  }
0x1dc: {  	s7 =	simm.s32 $0xF200;
	s6 =	rddreg [dreg:$0x1e]  }
0x1dd: {  	[hbm4b:s6+s4] =	stream.linear.scatter [tilespmem:s7], [sflag:$0xB], $0x1800, $0x38;
	[tilespmem:$0x1E200] =	vst v63  }
0x1de: {  	s14 =	simm.s32 $0x10A00;
	s18 =	simm.s32 $0x5;
	s12 =	rddreg [dreg:$0x1f]  }
0x1df: {  	[hbm4b:s12+s4] =	stream.linear.scatter [tilespmem:s14], [sflag:$0xC], $0x1800, $0x38;
	[tilespmem:$0x1E200] =	vst v63  }
0x1e0: {  	_ =	swait.ge [sflag:s18], $0x1800  }
0x1e1: {  	[sflag:s18] =	ssyncset.done $0x0  }
0x1e2: {  	s19 =	simm.s32 $0x6;
	[sflag:s18] =	ssyncadd.s32 $0xFFFFE800  }
0x1e3: {  	_ =	swait.ge [sflag:s19], $0x1800  }
0x1e4: {  	[sflag:s19] =	ssyncset.done $0x0  }
0x1e5: {  	s20 =	simm.s32 $0x7;
	[sflag:s19] =	ssyncadd.s32 $0xFFFFE800  }
0x1e6: {  	_ =	swait.ge [sflag:s20], $0x1800  }
0x1e7: {  	[sflag:s20] =	ssyncset.done $0x0  }
0x1e8: {  	s21 =	simm.s32 $0x8;
	[sflag:s20] =	ssyncadd.s32 $0xFFFFE800  }
0x1e9: {  	_ =	swait.ge [sflag:s21], $0x1800  }
0x1ea: {  	[sflag:s21] =	ssyncset.done $0x0  }
0x1eb: {  	s30 =	simm.s32 $0x200;
	s22 =	rddreg [dreg:$0xf];
	[sflag:s21] =	ssyncadd.s32 $0xFFFFE800  }
0x1ec: {  	[tilespmem:s30], [sflag:$0x1] =	stream.linear.gather [hbm4b:s22+s4], $0x1800, $0x38;
	[tilespmem:$0x1E200] =	vst v63  }
0x1ed: {  	v2 =	vld.msk [tilespmem:$0x20], $0xff;
	_ =	sdelay $0x4  }
0x1ee: {  	v3 =	vshrl.u32 v2, $0x3  }
0x1ef: {  	v3 =	vmul.u32 $0x30, v3  }
0x1f0: {  	v2 =	vand.u32 $0x7, v2  }
0x1f1: {  	v2 =	vor.u32 v2, v3  }
0x1f2: {  	v2 =	vperm.xlane v2, v0;
	_ =	sdelay $0x1  }
0x1f3: {  	v2 =	vadd.s32 v1, v2;
	_ =	sdelay $0x3  }
0x1f4: {  	s31 =	simm.s32 $0x6200  }
0x1f5: {  	[tilespmem:s31], [sflag:$0x15] =	stream.indirect_vreg.gather [hbm4b:s1+s4], $0x80, v2, vm0, $0xb8;
	[tilespmem:$0x1E200] =	vst v63  }
0x1f6: {  	s5 =	simm.s32 $0x6A00  }
0x1f7: {  	[tilespmem:s5], [sflag:$0x15] =	stream.indirect_vreg.gather [hbm4b:s24+s4], $0x80, v2, vm0, $0xb8;
	[tilespmem:$0x1E200] =	vst v63  }
0x1f8: {  	s6 =	simm.s32 $0x7200  }
0x1f9: {  	[tilespmem:s6], [sflag:$0x15] =	stream.indirect_vreg.gather [hbm4b:s26+s4], $0x80, v2, vm0, $0xb8;
	[tilespmem:$0x1E200] =	vst v63  }
0x1fa: {  	v2 =	vld.msk [tilespmem:$0xA0], $0xff;
	_ =	sdelay $0x4  }
0x1fb: {  	v3 =	vshrl.u32 v2, $0x3  }
0x1fc: {  	v3 =	vmul.u32 $0x30, v3  }
0x1fd: {  	v2 =	vand.u32 $0x7, v2  }
0x1fe: {  	v2 =	vor.u32 v2, v3  }
0x1ff: {  	v2 =	vperm.xlane v2, v0;
	_ =	sdelay $0x1  }
0x200: {  	v2 =	vadd.s32 v1, v2;
	_ =	sdelay $0x3  }
0x201: {  	s7 =	simm.s32 $0x7A00  }
0x202: {  	[tilespmem:s7], [sflag:$0x15] =	stream.indirect_vreg.gather [hbm4b:s1+s4], $0x80, v2, vm0, $0xb8;
	[tilespmem:$0x1E200] =	vst v63  }
0x203: {  	s12 =	simm.s32 $0x8200  }
0x204: {  	[tilespmem:s12], [sflag:$0x15] =	stream.indirect_vreg.gather [hbm4b:s24+s4], $0x80, v2, vm0, $0xb8;
	[tilespmem:$0x1E200] =	vst v63  }
0x205: {  	s14 =	simm.s32 $0x8A00  }
0x206: {  	[tilespmem:s14], [sflag:$0x15] =	stream.indirect_vreg.gather [hbm4b:s26+s4], $0x80, v2, vm0, $0xb8;
	[tilespmem:$0x1E200] =	vst v63  }
0x207: {  	v2 =	vld.msk [tilespmem:$0x120], $0xff;
	_ =	sdelay $0x4  }
0x208: {  	v3 =	vshrl.u32 v2, $0x3  }
0x209: {  	v3 =	vmul.u32 $0x30, v3  }
0x20a: {  	v2 =	vand.u32 $0x7, v2  }
0x20b: {  	v2 =	vor.u32 v2, v3  }
0x20c: {  	v2 =	vperm.xlane v2, v0;
	_ =	sdelay $0x1  }
0x20d: {  	v2 =	vadd.s32 v1, v2;
	_ =	sdelay $0x3  }
0x20e: {  	s18 =	simm.s32 $0x9200  }
0x20f: {  	[tilespmem:s18], [sflag:$0x15] =	stream.indirect_vreg.gather [hbm4b:s1+s4], $0x80, v2, vm0, $0xb8;
	[tilespmem:$0x1E200] =	vst v63  }
0x210: {  	s19 =	simm.s32 $0x9A00  }
0x211: {  	[tilespmem:s19], [sflag:$0x15] =	stream.indirect_vreg.gather [hbm4b:s24+s4], $0x80, v2, vm0, $0xb8;
	[tilespmem:$0x1E200] =	vst v63  }
0x212: {  	s20 =	simm.s32 $0xA200  }
0x213: {  	[tilespmem:s20], [sflag:$0x15] =	stream.indirect_vreg.gather [hbm4b:s26+s4], $0x80, v2, vm0, $0xb8;
	[tilespmem:$0x1E200] =	vst v63  }
0x214: {  	v2 =	vld.msk [tilespmem:$0x1A0], $0xff;
	_ =	sdelay $0x4  }
0x215: {  	v3 =	vshrl.u32 v2, $0x3  }
0x216: {  	v3 =	vmul.u32 $0x30, v3  }
0x217: {  	v2 =	vand.u32 $0x7, v2  }
0x218: {  	v2 =	vor.u32 v2, v3  }
0x219: {  	v2 =	vperm.xlane v2, v0;
	_ =	sdelay $0x1  }
0x21a: {  	v2 =	vadd.s32 v1, v2;
	_ =	sdelay $0x3  }
0x21b: {  	s21 =	simm.s32 $0xAA00  }
0x21c: {  	[tilespmem:s21], [sflag:$0x15] =	stream.indirect_vreg.gather [hbm4b:s1+s4], $0x80, v2, vm0, $0xb8;
	[tilespmem:$0x1E200] =	vst v63  }
0x21d: {  	s22 =	simm.s32 $0xB200  }
0x21e: {  	[tilespmem:s22], [sflag:$0x15] =	stream.indirect_vreg.gather [hbm4b:s24+s4], $0x80, v2, vm0, $0xb8;
	[tilespmem:$0x1E200] =	vst v63  }
0x21f: {  	s30 =	simm.s32 $0xBA00;
	s31 =	simm.s32 $0x3  }
0x220: {  	[tilespmem:s30], [sflag:$0x15] =	stream.indirect_vreg.gather [hbm4b:s26+s4], $0x80, v2, vm0, $0xb8;
	[tilespmem:$0x1E200] =	vst v63  }
0x221: {  	_ =	swait.ge [sflag:s31], $0x1800  }
0x222: {  	[sflag:s31] =	ssyncset.done $0x0  }
0x223: {  	[sflag:s31] =	ssyncadd.s32 $0xFFFFE800  }
0x224: {  	_ =	swait.ge [sflag:s11], $0x1800  }
0x225: {  	s4 =	smulhi.u32 $0xAAAAAAAB, s4;
	[sflag:s11] =	ssyncset.done $0x0  }
0x226: {  	s5 =	simm.s32 $0x0;
	[sflag:s11] =	ssyncadd.s32 $0xFFFFE800  }
0x227: {  	s2 =	sshrl.u32 s4, $0x5;
	s4 =	smul.u32 $0xAAAB, s5;
	_ =	swait.ge [sflag:s11], $0x1800  }
0x228: {  	s2 =	smul.u32 $0x1800, s2;
	[sflag:s11] =	ssyncset.done $0x0  }
0x229: {  	s7 =	simm.s32 $0x30;
	[sflag:s11] =	ssyncadd.s32 $0xFFFFE800  }
0x22a: {  	s6 =	sshrl.u32 s4, $0x18;
	s2 =	ssub.s32 $0x0, s2;
	_ =	swait.ge [sflag:s11], $0x1800  }
0x22b: {  	s5 =	smul.u32 $0x1800, s6;
	s6 =	sadd.s32 $0x180, s2;
	[sflag:s11] =	ssyncset.done $0x0  }
0x22c: {  	s7 =	sand.u32 $0x70, s7;
	s6 =	sand.u32 $0xFFFFFC00, s6;
	[sflag:s11] =	ssyncadd.s32 $0xFFFFE800  }
0x22d: {  	s4 =	sshrl.u32 s4, $0xE;
	s6 =	sadd.s32 s5, s6;
	_ =	swait.ge [sflag:s11], $0x1800  }
0x22e: {  	s18 =	sand.u32 $0x380, s4;
	s7 =	sor.u32 s7, s6;
	[sflag:s11] =	ssyncset.done $0x0  }
0x22f: {  	s20 =	sor.u32 s18, s7;
	[sflag:s11] =	ssyncadd.s32 $0xFFFFE800  }
0x230: {  	s12 =	sadd.s32 $0x80, s2;
	v2 =	vld [tilespmem:s20+$0x16A00]  }
0x231: {  	s14 =	simm.s32 $0x10;
	s4 =	sand.u32 $0xFFFFFC00, s12;
	v3 =	vld [tilespmem:s20+$0x12200]  }
0x232: {  	s4 =	sadd.s32 s5, s4;
	s6 =	sand.u32 $0x50, s14;
	v4 =	vld [tilespmem:s20+$0x3200]  }
0x233: {  	s4 =	sor.u32 s6, s4;
	v5 =	vld [tilespmem:s20+$0x13A00]  }
0x234: {  	s19 =	sadd.s32 $0x100, s2;
	s4 =	sor.u32 s18, s4;
	v6 =	vld [tilespmem:s20+$0x15200]  }
0x235: {  	s21 =	simm.s32 $0x20;
	s6 =	sand.u32 $0xFFFFFC00, s19;
	v7 =	vld [tilespmem:s4+$0x12200]  }
0x236: {  	s7 =	sand.u32 $0x60, s21;
	s6 =	sadd.s32 s5, s6;
	v8 =	vld [tilespmem:s4+$0x13A00]  }
0x237: {  	s6 =	sor.u32 s7, s6;
	v9 =	vld [tilespmem:s4+$0x15200]  }
0x238: {  	s22 =	simm.s32 $0x4;
	s14 =	sor.u32 s18, s6;
	v10 =	vld [tilespmem:s4+$0x16A00]  }
0x239: {  	s30 =	simm.s32 $0x0;
	s2 =	sand.u32 $0xFFFFFC00, s2;
	s6 =	smulhi.u32 $0xAAAAAAAB, s22;
	v11 =	vld [tilespmem:s14+$0x12200]  }
0x23a: {  	s31 =	sand.u32 $0x40, s30;
	s2 =	sadd.s32 s5, s2;
	s12 =	simm.s32 $0x4;
	v12 =	vld [tilespmem:s14+$0x13A00]  }
0x23b: {  	s2 =	sor.u32 s31, s2;
	s7 =	smul.u32 $0xAAAB, s12;
	s6 =	sshrl.u32 s6, $0x5;
	v13 =	vld [tilespmem:s14+$0x15200]  }
0x23c: {  	s22 =	sor.u32 s18, s2;
	s19 =	smul.u32 $0x1800, s6;
	v14 =	vld [tilespmem:s14+$0x16A00]  }
0x23d: {  	v15 =	vld [tilespmem:s22+$0x12200]  }
0x23e: {  	s21 =	sshrl.u32 s7, $0x18;
	v16 =	vld [tilespmem:s22+$0x13A00];
	s2 =	ssub.s32 $0x200, s19  }
0x23f: {  	s21 =	smul.u32 $0x1800, s21;
	v17 =	vld [tilespmem:s22+$0x15200];
	s30 =	sadd.s32 $0x180, s2;
	v2 =	vmul.f32 $2.771281240e+01, v2  }
0x240: {  	v19 =	vld [tilespmem:s4+$0x3200];
	s19 =	simm.s32 $0x70;
	s5 =	sand.u32 $0xFFFFFC00, s30;
	v3 =	vmul.f32 $2.771281240e+01, v3;
	v5 =	vmul.f32 $2.771281240e+01, v5  }
0x241: {  	s6 =	sshrl.u32 s7, $0xE;
	v20 =	vld [tilespmem:s14+$0x3200];
	s31 =	sand.u32 $0x70, s19;
	v6 =	vmul.f32 $2.771281240e+01, v6;
	v7 =	vmul.f32 $2.771281240e+01, v7;
	s5 =	sadd.s32 s21, s5  }
0x242: {  	v18 =	vld [tilespmem:s22+$0x16A00];
	s28 =	sand.u32 $0x380, s6;
	v8 =	vmul.f32 $2.771281240e+01, v8;
	v9 =	vmul.f32 $2.771281240e+01, v9;
	s5 =	sor.u32 s31, s5;
	v2 =	vadd.f32 v2, v4  }
0x243: {  	v21 =	vld [tilespmem:s22+$0x3200];
	v10 =	vmul.f32 $2.771281240e+01, v10;
	v11 =	vmul.f32 $2.771281240e+01, v11;
	v3 =	vadd.f32 v3, v4;
	s18 =	sor.u32 s28, s5  }
0x244: {  	s6 =	sadd.s32 $0x80, s2;
	[tilespmem:s20+$0x16A00] =	vst v2;
	v2 =	vadd.f32 v5, v4;
	v5 =	vmul.f32 $2.771281240e+01, v12;
	v12 =	vmul.f32 $2.771281240e+01, v13;
	v13 =	vld [tilespmem:s18+$0x16A00]  }
0x245: {  	s7 =	simm.s32 $0x50;
	s5 =	sand.u32 $0xFFFFFC00, s6;
	v7 =	vadd.f32 v7, v19;
	v4 =	vadd.f32 v6, v4;
	[tilespmem:s20+$0x12200] =	vst v3;
	v3 =	vmul.f32 $2.771281240e+01, v14;
	v14 =	vld [tilespmem:s18+$0x12200]  }
0x246: {  	s6 =	sand.u32 $0x50, s7;
	v8 =	vadd.f32 v8, v19;
	v22 =	vadd.f32 v11, v20;
	s5 =	sadd.s32 s21, s5;
	v6 =	vmul.f32 $2.771281240e+01, v15;
	[tilespmem:s20+$0x13A00] =	vst v2;
	v2 =	vld [tilespmem:s18+$0x3200]  }
0x247: {  	s30 =	sadd.s32 $0x100, s2;
	s2 =	sand.u32 $0xFFFFFC00, s2;
	v15 =	vmul.f32 $2.771281240e+01, v16;
	s5 =	sor.u32 s6, s5;
	v16 =	vadd.f32 v9, v19;
	[tilespmem:s20+$0x15200] =	vst v4;
	v4 =	vmul.f32 $2.771281240e+01, v17;
	v17 =	vld [tilespmem:s18+$0x13A00]  }
0x248: {  	v18 =	vmul.f32 $2.771281240e+01, v18;
	s2 =	sadd.s32 s21, s2;
	v19 =	vadd.f32 v10, v19;
	v9 =	vld [tilespmem:s18+$0x15200];
	[tilespmem:s4+$0x12200] =	vst v7;
	s20 =	sor.u32 s28, s5;
	v10 =	vadd.f32 v5, v20  }
0x249: {  	s31 =	sand.u32 $0xFFFFFC00, s30;
	s30 =	simm.s32 $0x60;
	s7 =	simm.s32 $0x40;
	[tilespmem:s4+$0x13A00] =	vst v8;
	v12 =	vadd.f32 v12, v20;
	v8 =	vadd.f32 v3, v20;
	v7 =	vld [tilespmem:s20+$0x12200];
	v5 =	vmul.f32 $2.771281240e+01, v13  }
0x24a: {  	s6 =	sadd.s32 s21, s31;
	s5 =	sand.u32 $0x40, s7;
	s7 =	sand.u32 $0x60, s30;
	v6 =	vadd.f32 v6, v21;
	v3 =	vadd.f32 v15, v21;
	[tilespmem:s4+$0x15200] =	vst v16;
	v11 =	vld [tilespmem:s20+$0x13A00];
	v63 =	vmul.f32 $2.771281240e+01, v14  }
0x24b: {  	[tilespmem:s4+$0x16A00] =	vst v19;
	s4 =	simm.s32 $0x200;
	s2 =	sor.u32 s5, s2;
	s31 =	sor.u32 s7, s6;
	v4 =	vadd.f32 v4, v21;
	v13 =	vld [tilespmem:s20+$0x15200];
	v16 =	vadd.f32 v5, v2  }
0x24c: {  	[tilespmem:s14+$0x12200] =	vst v22;
	s21 =	sor.u32 s28, s2;
	s29 =	sor.u32 s28, s31;
	s28 =	simm.s32 $0x8;
	v14 =	vld [tilespmem:s20+$0x16A00];
	v15 =	vadd.f32 v63, v2;
	v17 =	vmul.f32 $2.771281240e+01, v17;
	v5 =	vadd.f32 v18, v21  }
.LBB2_6:
0x24d: {  	s2 =	smulhi.u32 $0xAAAAAAAB, s28;
	v18 =	vld [tilespmem:s29+$0x12200];
	v9 =	vmul.f32 $2.771281240e+01, v9;
	[tilespmem:s18+$0x16A00] =	vst v16  }
0x24e: {  	s12 =	sadd.s32 $0x4, s12;
	v7 =	vmul.f32 $2.771281240e+01, v7;
	v16 =	vld [tilespmem:s29+$0x13A00];
	v17 =	vadd.f32 v17, v2;
	[tilespmem:s14+$0x13A00] =	vst v10  }
0x24f: {  	s5 =	smul.u32 $0xAAAB, s12;
	p0 =	slt.u32 s12, $0x17C;
	s2 =	sshrl.u32 s2, $0x5;
	v10 =	vmul.f32 $2.771281240e+01, v11;
	v11 =	vld [tilespmem:s29+$0x15200];
	v2 =	vadd.f32 v9, v2;
	[tilespmem:s14+$0x15200] =	vst v12  }
0x250: {  	s2 =	smul.u32 $0x1800, s2;
	v9 =	vmul.f32 $2.771281240e+01, v13;
	v12 =	vld [tilespmem:s29+$0x16A00];
	[tilespmem:s14+$0x16A00] =	vst v8;
	s14 =	smov.u32 s29  }
0x251: {  	s4 =	sadd.s32 $0x200, s4;
	v8 =	vld [tilespmem:s21+$0x12200];
	v13 =	vmul.f32 $2.771281240e+01, v14;
	[tilespmem:s18+$0x12200] =	vst v15  }
0x252: {  	s19 =	sadd.s32 $0x40, s19;
	s6 =	sshrl.u32 s5, $0x18;
	s2 =	ssub.s32 s4, s2;
	v14 =	vld [tilespmem:s21+$0x13A00];
	v15 =	vmul.f32 $2.771281240e+01, v18;
	[tilespmem:s18+$0x13A00] =	vst v17  }
0x253: {  	s6 =	smul.u32 $0x1800, s6;
	s7 =	sadd.s32 $0x80, s2;
	s29 =	sadd.s32 $0x180, s2;
	v17 =	vld [tilespmem:s21+$0x15200];
	v16 =	vmul.f32 $2.771281240e+01, v16;
	[tilespmem:s18+$0x15200] =	vst v2  }
0x254: {  	s30 =	sand.u32 $0x70, s19;
	s18 =	sadd.s32 $0x100, s2;
	s29 =	sand.u32 $0xFFFFFC00, s29;
	v2 =	vld [tilespmem:s21+$0x16A00];
	v11 =	vmul.f32 $2.771281240e+01, v11;
	[tilespmem:s22+$0x12200] =	vst v6  }
0x255: {  	s31 =	sadd.s32 $0xFFFFFFF0, s19;
	s5 =	sshrl.u32 s5, $0xE;
	s29 =	sadd.s32 s6, s29;
	v6 =	vld [tilespmem:s20+$0x3200];
	v18 =	vmul.f32 $2.771281240e+01, v12;
	[tilespmem:s22+$0x13A00] =	vst v3  }
0x256: {  	s5 =	sand.u32 $0x380, s5;
	s7 =	sand.u32 $0xFFFFFC00, s7;
	s29 =	sor.u32 s30, s29;
	v3 =	vmul.f32 $2.771281240e+01, v8;
	v8 =	vld [tilespmem:s14+$0x3200];
	[tilespmem:s22+$0x15200] =	vst v4  }
0x257: {  	s2 =	sand.u32 $0xFFFFFC00, s2;
	s30 =	sand.u32 $0xFFFFFC00, s18;
	s18 =	sor.u32 s5, s29;
	v19 =	vld [tilespmem:s21+$0x3200];
	v4 =	vmul.f32 $2.771281240e+01, v14;
	[tilespmem:s22+$0x16A00] =	vst v5  }
0x258: {  	s2 =	sadd.s32 s6, s2;
	s22 =	sadd.s32 $0xFFFFFFD0, s19;
	s29 =	sadd.s32 $0xFFFFFFE0, s19;
	v5 =	vld [tilespmem:s18+$0x16A00]  }
0x259: {  	s7 =	sadd.s32 s6, s7;
	s6 =	sadd.s32 s6, s30;
	s30 =	sand.u32 $0x60, s31;
	v17 =	vmul.f32 $2.771281240e+01, v17;
	v14 =	vld [tilespmem:s18+$0x12200];
	v20 =	vmul.f32 $2.771281240e+01, v2  }
0x25a: {  	s22 =	sand.u32 $0x40, s22;
	s29 =	sand.u32 $0x50, s29;
	s6 =	sor.u32 s30, s6;
	v2 =	vld [tilespmem:s18+$0x3200];
	v7 =	vadd.f32 v7, v6;
	v12 =	vadd.f32 v10, v6  }
0x25b: {  	s2 =	sor.u32 s22, s2;
	s7 =	sor.u32 s29, s7;
	s29 =	sor.u32 s5, s6;
	v22 =	vadd.f32 v9, v6;
	v23 =	vadd.f32 v13, v6;
	v21 =	vld [tilespmem:s18+$0x13A00]  }
.Ltmp2:
0x25c: {  	s2 =	sor.u32 s5, s2;
	s7 =	sor.u32 s5, s7;
	v24 =	vadd.f32 v15, v8;
	v10 =	vadd.f32 v16, v8;
	v9 =	vld [tilespmem:s18+$0x15200];
	[tilespmem:s20+$0x12200] =	vst v7;
	(pc) =	sbr.rel @p0 .LBB2_6-.Ltmp2, $4  }
0x25d: {  	s22 =	smov.u32 s21;
	s21 =	smov.u32 s2;
	v7 =	vld [tilespmem:s7+$0x12200];
	v5 =	vmul.f32 $2.771281240e+01, v5;
	[tilespmem:s20+$0x13A00] =	vst v12;
	v12 =	vadd.f32 v11, v8;
	v8 =	vadd.f32 v18, v8  }
0x25e: {  	v6 =	vadd.f32 v3, v19;
	v3 =	vadd.f32 v4, v19;
	v11 =	vld [tilespmem:s7+$0x13A00];
	v15 =	vmul.f32 $2.771281240e+01, v14;
	[tilespmem:s20+$0x15200] =	vst v22  }
0x25f: {  	v4 =	vadd.f32 v17, v19;
	v13 =	vld [tilespmem:s7+$0x15200];
	v16 =	vadd.f32 v5, v2;
	[tilespmem:s20+$0x16A00] =	vst v23;
	s20 =	smov.u32 s7  }
0x260: {  	s28 =	sadd.s32 $0x4, s28;
	v5 =	vadd.f32 v20, v19;
	v14 =	vld [tilespmem:s20+$0x16A00];
	v15 =	vadd.f32 v15, v2;
	v17 =	vmul.f32 $2.771281240e+01, v21;
	[tilespmem:s14+$0x12200] =	vst v24  }
0x261: {  	[tilespmem:s18+$0x16A00] =	vst v16  }
0x262: {  	[tilespmem:s14+$0x13A00] =	vst v10  }
0x263: {  	[tilespmem:s14+$0x15200] =	vst v12  }
0x264: {  	v10 =	vld [tilespmem:s29+$0x12200];
	[tilespmem:s14+$0x16A00] =	vst v8  }
0x265: {  	v9 =	vmul.f32 $2.771281240e+01, v9;
	v8 =	vld [tilespmem:s20+$0x3200];
	[tilespmem:s22+$0x12200] =	vst v6  }
0x266: {  	[tilespmem:s22+$0x13A00] =	vst v3;
	v3 =	vld [tilespmem:s29+$0x3200];
	v12 =	vadd.f32 v17, v2  }
0x267: {  	[tilespmem:s22+$0x15200] =	vst v4;
	v2 =	vadd.f32 v9, v2;
	v9 =	vld [tilespmem:s29+$0x13A00]  }
0x268: {  	v6 =	vmul.f32 $2.771281240e+01, v11;
	[tilespmem:s18+$0x13A00] =	vst v12;
	v12 =	vld [tilespmem:s29+$0x15200]  }
0x269: {  	v11 =	vmul.f32 $2.771281240e+01, v13;
	v13 =	vld [tilespmem:s21+$0x12200];
	[tilespmem:s18+$0x15200] =	vst v2;
	v2 =	vmul.f32 $2.771281240e+01, v7  }
0x26a: {  	[tilespmem:s22+$0x16A00] =	vst v5;
	v7 =	vld [tilespmem:s29+$0x16A00];
	v5 =	vadd.f32 v6, v8  }
0x26b: {  	[tilespmem:s18+$0x12200] =	vst v15;
	v4 =	vmul.f32 $2.771281240e+01, v14;
	v14 =	vld [tilespmem:s21+$0x13A00];
	v2 =	vadd.f32 v2, v8  }
0x26c: {  	v6 =	vmul.f32 $2.771281240e+01, v10;
	v10 =	vld [tilespmem:s21+$0x15200];
	v11 =	vadd.f32 v11, v8;
	[tilespmem:s20+$0x13A00] =	vst v5  }
0x26d: {  	v4 =	vadd.f32 v4, v8;
	[tilespmem:s20+$0x12200] =	vst v2;
	v2 =	vmul.f32 $2.771281240e+01, v9;
	v9 =	vld [tilespmem:s21+$0x3200]  }
0x26e: {  	v5 =	vld [tilespmem:s21+$0x16A00];
	v6 =	vadd.f32 v6, v3;
	[tilespmem:s20+$0x15200] =	vst v11;
	v8 =	vmul.f32 $2.771281240e+01, v12  }
0x26f: {  	[tilespmem:s20+$0x16A00] =	vst v4;
	v7 =	vmul.f32 $2.771281240e+01, v7;
	v2 =	vadd.f32 v2, v3  }
0x270: {  	v4 =	vmul.f32 $2.771281240e+01, v13;
	[tilespmem:s29+$0x12200] =	vst v6;
	v8 =	vadd.f32 v8, v3  }
0x271: {  	v6 =	vmul.f32 $2.771281240e+01, v14;
	v3 =	vadd.f32 v7, v3;
	[tilespmem:s29+$0x13A00] =	vst v2  }
0x272: {  	v2 =	vmul.f32 $2.771281240e+01, v10;
	[tilespmem:s29+$0x15200] =	vst v8;
	v4 =	vadd.f32 v4, v9  }
0x273: {  	v5 =	vmul.f32 $2.771281240e+01, v5;
	v6 =	vadd.f32 v6, v9;
	[tilespmem:s29+$0x16A00] =	vst v3  }
0x274: {  	v2 =	vadd.f32 v2, v9;
	[tilespmem:s21+$0x12200] =	vst v4  }
0x275: {  	v3 =	vadd.f32 v5, v9;
	[tilespmem:s21+$0x13A00] =	vst v6  }
0x276: {  	[tilespmem:s21+$0x15200] =	vst v2  }
0x277: {  	[tilespmem:s21+$0x16A00] =	vst v3  }
0x278: {  	s2 =	rddreg [dreg:$0x10]  }
0x279: {  	s4 =	simm.s32 $0x0;
	s5 =	simm.s32 $0x12200;
	s30 =	sld [smem:$0x7EC]  }
0x27a: {  	[hbm4b:s2+s4] =	stream.linear.scatter [tilespmem:s5], [sflag:$0xD], $0x1800, $0x38;
	[tilespmem:$0x1E200] =	vst v63  }
0x27b: {  	s31 =	simm.s32 $0x13A00;
	s6 =	sld [smem:$0x7ED]  }
0x27c: {  	[hbm4b:s30+s4] =	stream.linear.scatter [tilespmem:s31], [sflag:$0xE], $0x1800, $0x38;
	[tilespmem:$0x1E200] =	vst v63  }
0x27d: {  	s7 =	simm.s32 $0x15200;
	s12 =	sld [smem:$0x7EE]  }
0x27e: {  	[hbm4b:s6+s4] =	stream.linear.scatter [tilespmem:s7], [sflag:$0xF], $0x1800, $0x38;
	[tilespmem:$0x1E200] =	vst v63  }
0x27f: {  	s14 =	simm.s32 $0x16A00;
	s18 =	simm.s32 $0x9  }
0x280: {  	[hbm4b:s12+s4] =	stream.linear.scatter [tilespmem:s14], [sflag:$0x10], $0x1800, $0x38;
	[tilespmem:$0x1E200] =	vst v63  }
0x281: {  	_ =	swait.ge [sflag:s18], $0x1800  }
0x282: {  	[sflag:s18] =	ssyncset.done $0x0  }
0x283: {  	s19 =	simm.s32 $0xA;
	[sflag:s18] =	ssyncadd.s32 $0xFFFFE800  }
0x284: {  	_ =	swait.ge [sflag:s19], $0x1800  }
0x285: {  	[sflag:s19] =	ssyncset.done $0x0  }
0x286: {  	s20 =	simm.s32 $0xB;
	[sflag:s19] =	ssyncadd.s32 $0xFFFFE800  }
0x287: {  	_ =	swait.ge [sflag:s20], $0x1800  }
0x288: {  	[sflag:s20] =	ssyncset.done $0x0  }
0x289: {  	s21 =	simm.s32 $0xC;
	[sflag:s20] =	ssyncadd.s32 $0xFFFFE800  }
0x28a: {  	_ =	swait.ge [sflag:s21], $0x1800  }
0x28b: {  	[sflag:s21] =	ssyncset.done $0x0  }
0x28c: {  	s30 =	simm.s32 $0x1A00;
	s22 =	rddreg [dreg:$0x11];
	[sflag:s21] =	ssyncadd.s32 $0xFFFFE800  }
0x28d: {  	[tilespmem:s30], [sflag:$0x2] =	stream.linear.gather [hbm4b:s22+s4], $0x1800, $0x38;
	[tilespmem:$0x1E200] =	vst v63  }
0x28e: {  	v2 =	vld.msk [tilespmem:$0x28], $0xff;
	_ =	sdelay $0x4  }
0x28f: {  	v3 =	vshrl.u32 v2, $0x3  }
0x290: {  	v3 =	vmul.u32 $0x30, v3  }
0x291: {  	v2 =	vand.u32 $0x7, v2  }
0x292: {  	v2 =	vor.u32 v2, v3  }
0x293: {  	v2 =	vperm.xlane v2, v0;
	_ =	sdelay $0x1  }
0x294: {  	v2 =	vadd.s32 v1, v2;
	_ =	sdelay $0x3  }
0x295: {  	s31 =	simm.s32 $0xC200  }
0x296: {  	[tilespmem:s31], [sflag:$0x16] =	stream.indirect_vreg.gather [hbm4b:s1+s4], $0x80, v2, vm0, $0xb8;
	[tilespmem:$0x1E200] =	vst v63  }
0x297: {  	s5 =	simm.s32 $0xCA00  }
0x298: {  	[tilespmem:s5], [sflag:$0x16] =	stream.indirect_vreg.gather [hbm4b:s24+s4], $0x80, v2, vm0, $0xb8;
	[tilespmem:$0x1E200] =	vst v63  }
0x299: {  	s6 =	simm.s32 $0xD200  }
0x29a: {  	[tilespmem:s6], [sflag:$0x16] =	stream.indirect_vreg.gather [hbm4b:s26+s4], $0x80, v2, vm0, $0xb8;
	[tilespmem:$0x1E200] =	vst v63  }
0x29b: {  	v2 =	vld.msk [tilespmem:$0xA8], $0xff;
	_ =	sdelay $0x4  }
0x29c: {  	v3 =	vshrl.u32 v2, $0x3  }
0x29d: {  	v3 =	vmul.u32 $0x30, v3  }
0x29e: {  	v2 =	vand.u32 $0x7, v2  }
0x29f: {  	v2 =	vor.u32 v2, v3  }
0x2a0: {  	v2 =	vperm.xlane v2, v0;
	_ =	sdelay $0x1  }
0x2a1: {  	v2 =	vadd.s32 v1, v2;
	_ =	sdelay $0x3  }
0x2a2: {  	s7 =	simm.s32 $0xDA00  }
0x2a3: {  	[tilespmem:s7], [sflag:$0x16] =	stream.indirect_vreg.gather [hbm4b:s1+s4], $0x80, v2, vm0, $0xb8;
	[tilespmem:$0x1E200] =	vst v63  }
0x2a4: {  	s12 =	simm.s32 $0xE200  }
0x2a5: {  	[tilespmem:s12], [sflag:$0x16] =	stream.indirect_vreg.gather [hbm4b:s24+s4], $0x80, v2, vm0, $0xb8;
	[tilespmem:$0x1E200] =	vst v63  }
0x2a6: {  	s14 =	simm.s32 $0xEA00  }
0x2a7: {  	[tilespmem:s14], [sflag:$0x16] =	stream.indirect_vreg.gather [hbm4b:s26+s4], $0x80, v2, vm0, $0xb8;
	[tilespmem:$0x1E200] =	vst v63  }
0x2a8: {  	v2 =	vld.msk [tilespmem:$0x128], $0xff;
	_ =	sdelay $0x4  }
0x2a9: {  	v3 =	vshrl.u32 v2, $0x3  }
0x2aa: {  	v3 =	vmul.u32 $0x30, v3  }
0x2ab: {  	v2 =	vand.u32 $0x7, v2  }
0x2ac: {  	v2 =	vor.u32 v2, v3  }
0x2ad: {  	v2 =	vperm.xlane v2, v0;
	_ =	sdelay $0x1  }
0x2ae: {  	v2 =	vadd.s32 v1, v2;
	_ =	sdelay $0x3  }
0x2af: {  	s18 =	simm.s32 $0xF200  }
0x2b0: {  	[tilespmem:s18], [sflag:$0x16] =	stream.indirect_vreg.gather [hbm4b:s1+s4], $0x80, v2, vm0, $0xb8;
	[tilespmem:$0x1E200] =	vst v63  }
0x2b1: {  	s19 =	simm.s32 $0xFA00  }
0x2b2: {  	[tilespmem:s19], [sflag:$0x16] =	stream.indirect_vreg.gather [hbm4b:s24+s4], $0x80, v2, vm0, $0xb8;
	[tilespmem:$0x1E200] =	vst v63  }
0x2b3: {  	s20 =	simm.s32 $0x10200  }
0x2b4: {  	[tilespmem:s20], [sflag:$0x16] =	stream.indirect_vreg.gather [hbm4b:s26+s4], $0x80, v2, vm0, $0xb8;
	[tilespmem:$0x1E200] =	vst v63  }
0x2b5: {  	v2 =	vld.msk [tilespmem:$0x1A8], $0xff;
	_ =	sdelay $0x4  }
0x2b6: {  	v3 =	vshrl.u32 v2, $0x3  }
0x2b7: {  	v3 =	vmul.u32 $0x30, v3  }
0x2b8: {  	v2 =	vand.u32 $0x7, v2  }
0x2b9: {  	v2 =	vor.u32 v2, v3  }
0x2ba: {  	v2 =	vperm.xlane v2, v0;
	_ =	sdelay $0x1  }
0x2bb: {  	v2 =	vadd.s32 v1, v2;
	_ =	sdelay $0x3  }
0x2bc: {  	s21 =	simm.s32 $0x10A00  }
0x2bd: {  	[tilespmem:s21], [sflag:$0x16] =	stream.indirect_vreg.gather [hbm4b:s1+s4], $0x80, v2, vm0, $0xb8;
	[tilespmem:$0x1E200] =	vst v63  }
0x2be: {  	s22 =	simm.s32 $0x11200  }
0x2bf: {  	[tilespmem:s22], [sflag:$0x16] =	stream.indirect_vreg.gather [hbm4b:s24+s4], $0x80, v2, vm0, $0xb8;
	[tilespmem:$0x1E200] =	vst v63  }
0x2c0: {  	s30 =	simm.s32 $0x11A00;
	s31 =	simm.s32 $0x4  }
0x2c1: {  	[tilespmem:s30], [sflag:$0x16] =	stream.indirect_vreg.gather [hbm4b:s26+s4], $0x80, v2, vm0, $0xb8;
	[tilespmem:$0x1E200] =	vst v63  }
0x2c2: {  	_ =	swait.ge [sflag:s31], $0x1800  }
0x2c3: {  	[sflag:s31] =	ssyncset.done $0x0  }
0x2c4: {  	[sflag:s31] =	ssyncadd.s32 $0xFFFFE800  }
0x2c5: {  	_ =	swait.ge [sflag:s0], $0x1800  }
0x2c6: {  	s4 =	smulhi.u32 $0xAAAAAAAB, s4;
	[sflag:s0] =	ssyncset.done $0x0  }
0x2c7: {  	s5 =	simm.s32 $0x0;
	[sflag:s0] =	ssyncadd.s32 $0xFFFFE800  }
0x2c8: {  	s2 =	sshrl.u32 s4, $0x5;
	s4 =	smul.u32 $0xAAAB, s5;
	_ =	swait.ge [sflag:s0], $0x1800  }
0x2c9: {  	s2 =	smul.u32 $0x1800, s2;
	[sflag:s0] =	ssyncset.done $0x0  }
0x2ca: {  	s7 =	simm.s32 $0x30;
	[sflag:s0] =	ssyncadd.s32 $0xFFFFE800  }
0x2cb: {  	s6 =	sshrl.u32 s4, $0x18;
	s2 =	ssub.s32 $0x0, s2;
	_ =	swait.ge [sflag:s0], $0x1800  }
0x2cc: {  	s5 =	smul.u32 $0x1800, s6;
	s6 =	sadd.s32 $0x180, s2;
	[sflag:s0] =	ssyncset.done $0x0  }
0x2cd: {  	s7 =	sand.u32 $0x70, s7;
	s6 =	sand.u32 $0xFFFFFC00, s6;
	[sflag:s0] =	ssyncadd.s32 $0xFFFFE800  }
0x2ce: {  	s4 =	sshrl.u32 s4, $0xE;
	s6 =	sadd.s32 s5, s6;
	_ =	swait.ge [sflag:s0], $0x1800  }
0x2cf: {  	s18 =	sand.u32 $0x380, s4;
	s7 =	sor.u32 s7, s6;
	[sflag:s0] =	ssyncset.done $0x0  }
0x2d0: {  	s20 =	sor.u32 s18, s7;
	[sflag:s0] =	ssyncadd.s32 $0xFFFFE800  }
0x2d1: {  	s12 =	sadd.s32 $0x80, s2;
	v2 =	vld [tilespmem:s20+$0x1CA00]  }
0x2d2: {  	s14 =	simm.s32 $0x10;
	s4 =	sand.u32 $0xFFFFFC00, s12;
	v3 =	vld [tilespmem:s20+$0x18200]  }
0x2d3: {  	s4 =	sadd.s32 s5, s4;
	s6 =	sand.u32 $0x50, s14;
	v4 =	vld [tilespmem:s20+$0x4A00]  }
0x2d4: {  	s4 =	sor.u32 s6, s4;
	v5 =	vld [tilespmem:s20+$0x19A00]  }
0x2d5: {  	s19 =	sadd.s32 $0x100, s2;
	s4 =	sor.u32 s18, s4;
	v6 =	vld [tilespmem:s20+$0x1B200]  }
0x2d6: {  	s21 =	simm.s32 $0x20;
	s6 =	sand.u32 $0xFFFFFC00, s19;
	v7 =	vld [tilespmem:s4+$0x18200]  }
0x2d7: {  	s7 =	sand.u32 $0x60, s21;
	s6 =	sadd.s32 s5, s6;
	v8 =	vld [tilespmem:s4+$0x19A00]  }
0x2d8: {  	s6 =	sor.u32 s7, s6;
	v9 =	vld [tilespmem:s4+$0x1B200]  }
0x2d9: {  	s22 =	simm.s32 $0x4;
	s14 =	sor.u32 s18, s6;
	v10 =	vld [tilespmem:s4+$0x1CA00]  }
0x2da: {  	s30 =	simm.s32 $0x0;
	s2 =	sand.u32 $0xFFFFFC00, s2;
	s6 =	smulhi.u32 $0xAAAAAAAB, s22;
	v11 =	vld [tilespmem:s14+$0x18200]  }
0x2db: {  	s31 =	sand.u32 $0x40, s30;
	s2 =	sadd.s32 s5, s2;
	s12 =	simm.s32 $0x4;
	v12 =	vld [tilespmem:s14+$0x19A00]  }
0x2dc: {  	s2 =	sor.u32 s31, s2;
	s7 =	smul.u32 $0xAAAB, s12;
	s6 =	sshrl.u32 s6, $0x5;
	v13 =	vld [tilespmem:s14+$0x1B200]  }
0x2dd: {  	s22 =	sor.u32 s18, s2;
	s19 =	smul.u32 $0x1800, s6;
	v14 =	vld [tilespmem:s14+$0x1CA00]  }
0x2de: {  	v15 =	vld [tilespmem:s22+$0x18200]  }
0x2df: {  	s21 =	sshrl.u32 s7, $0x18;
	v16 =	vld [tilespmem:s22+$0x19A00];
	s2 =	ssub.s32 $0x200, s19  }
0x2e0: {  	s21 =	smul.u32 $0x1800, s21;
	v17 =	vld [tilespmem:s22+$0x1B200];
	s30 =	sadd.s32 $0x180, s2;
	v2 =	vmul.f32 $2.771281240e+01, v2  }
0x2e1: {  	v19 =	vld [tilespmem:s4+$0x4A00];
	s19 =	simm.s32 $0x70;
	s5 =	sand.u32 $0xFFFFFC00, s30;
	v3 =	vmul.f32 $2.771281240e+01, v3;
	v5 =	vmul.f32 $2.771281240e+01, v5  }
0x2e2: {  	s6 =	sshrl.u32 s7, $0xE;
	v20 =	vld [tilespmem:s14+$0x4A00];
	s31 =	sand.u32 $0x70, s19;
	v6 =	vmul.f32 $2.771281240e+01, v6;
	v7 =	vmul.f32 $2.771281240e+01, v7;
	s5 =	sadd.s32 s21, s5  }
0x2e3: {  	v18 =	vld [tilespmem:s22+$0x1CA00];
	s28 =	sand.u32 $0x380, s6;
	v8 =	vmul.f32 $2.771281240e+01, v8;
	v9 =	vmul.f32 $2.771281240e+01, v9;
	s5 =	sor.u32 s31, s5;
	v2 =	vadd.f32 v2, v4  }
0x2e4: {  	v21 =	vld [tilespmem:s22+$0x4A00];
	v10 =	vmul.f32 $2.771281240e+01, v10;
	v11 =	vmul.f32 $2.771281240e+01, v11;
	v3 =	vadd.f32 v3, v4;
	s18 =	sor.u32 s28, s5  }
0x2e5: {  	s6 =	sadd.s32 $0x80, s2;
	[tilespmem:s20+$0x1CA00] =	vst v2;
	v2 =	vadd.f32 v5, v4;
	v5 =	vmul.f32 $2.771281240e+01, v12;
	v12 =	vmul.f32 $2.771281240e+01, v13;
	v13 =	vld [tilespmem:s18+$0x1CA00]  }
0x2e6: {  	s7 =	simm.s32 $0x50;
	s5 =	sand.u32 $0xFFFFFC00, s6;
	v7 =	vadd.f32 v7, v19;
	v4 =	vadd.f32 v6, v4;
	[tilespmem:s20+$0x18200] =	vst v3;
	v3 =	vmul.f32 $2.771281240e+01, v14;
	v14 =	vld [tilespmem:s18+$0x18200]  }
0x2e7: {  	s6 =	sand.u32 $0x50, s7;
	v8 =	vadd.f32 v8, v19;
	v22 =	vadd.f32 v11, v20;
	s5 =	sadd.s32 s21, s5;
	v6 =	vmul.f32 $2.771281240e+01, v15;
	[tilespmem:s20+$0x19A00] =	vst v2;
	v2 =	vld [tilespmem:s18+$0x4A00]  }
0x2e8: {  	s30 =	sadd.s32 $0x100, s2;
	s2 =	sand.u32 $0xFFFFFC00, s2;
	v15 =	vmul.f32 $2.771281240e+01, v16;
	s5 =	sor.u32 s6, s5;
	v16 =	vadd.f32 v9, v19;
	[tilespmem:s20+$0x1B200] =	vst v4;
	v4 =	vmul.f32 $2.771281240e+01, v17;
	v17 =	vld [tilespmem:s18+$0x19A00]  }
0x2e9: {  	v18 =	vmul.f32 $2.771281240e+01, v18;
	s2 =	sadd.s32 s21, s2;
	v19 =	vadd.f32 v10, v19;
	v9 =	vld [tilespmem:s18+$0x1B200];
	[tilespmem:s4+$0x18200] =	vst v7;
	s20 =	sor.u32 s28, s5;
	v10 =	vadd.f32 v5, v20  }
0x2ea: {  	s31 =	sand.u32 $0xFFFFFC00, s30;
	s30 =	simm.s32 $0x60;
	s7 =	simm.s32 $0x40;
	[tilespmem:s4+$0x19A00] =	vst v8;
	v12 =	vadd.f32 v12, v20;
	v8 =	vadd.f32 v3, v20;
	v7 =	vld [tilespmem:s20+$0x18200];
	v5 =	vmul.f32 $2.771281240e+01, v13  }
0x2eb: {  	s6 =	sadd.s32 s21, s31;
	s5 =	sand.u32 $0x40, s7;
	s7 =	sand.u32 $0x60, s30;
	v6 =	vadd.f32 v6, v21;
	v3 =	vadd.f32 v15, v21;
	[tilespmem:s4+$0x1B200] =	vst v16;
	v11 =	vld [tilespmem:s20+$0x19A00];
	v63 =	vmul.f32 $2.771281240e+01, v14  }
0x2ec: {  	[tilespmem:s4+$0x1CA00] =	vst v19;
	s4 =	simm.s32 $0x200;
	s2 =	sor.u32 s5, s2;
	s31 =	sor.u32 s7, s6;
	v4 =	vadd.f32 v4, v21;
	v13 =	vld [tilespmem:s20+$0x1B200];
	v16 =	vadd.f32 v5, v2  }
0x2ed: {  	[tilespmem:s14+$0x18200] =	vst v22;
	s21 =	sor.u32 s28, s2;
	s29 =	sor.u32 s28, s31;
	s28 =	simm.s32 $0x8;
	v14 =	vld [tilespmem:s20+$0x1CA00];
	v15 =	vadd.f32 v63, v2;
	v17 =	vmul.f32 $2.771281240e+01, v17;
	v5 =	vadd.f32 v18, v21  }
.LBB2_8:
0x2ee: {  	s2 =	smulhi.u32 $0xAAAAAAAB, s28;
	v18 =	vld [tilespmem:s29+$0x18200];
	v9 =	vmul.f32 $2.771281240e+01, v9;
	[tilespmem:s18+$0x1CA00] =	vst v16  }
0x2ef: {  	s12 =	sadd.s32 $0x4, s12;
	v7 =	vmul.f32 $2.771281240e+01, v7;
	v16 =	vld [tilespmem:s29+$0x19A00];
	v17 =	vadd.f32 v17, v2;
	[tilespmem:s14+$0x19A00] =	vst v10  }
0x2f0: {  	s5 =	smul.u32 $0xAAAB, s12;
	p0 =	slt.u32 s12, $0x17C;
	s2 =	sshrl.u32 s2, $0x5;
	v10 =	vmul.f32 $2.771281240e+01, v11;
	v11 =	vld [tilespmem:s29+$0x1B200];
	v2 =	vadd.f32 v9, v2;
	[tilespmem:s14+$0x1B200] =	vst v12  }
0x2f1: {  	s2 =	smul.u32 $0x1800, s2;
	v9 =	vmul.f32 $2.771281240e+01, v13;
	v12 =	vld [tilespmem:s29+$0x1CA00];
	[tilespmem:s14+$0x1CA00] =	vst v8;
	s14 =	smov.u32 s29  }
0x2f2: {  	s4 =	sadd.s32 $0x200, s4;
	v8 =	vld [tilespmem:s21+$0x18200];
	v13 =	vmul.f32 $2.771281240e+01, v14;
	[tilespmem:s18+$0x18200] =	vst v15  }
0x2f3: {  	s19 =	sadd.s32 $0x40, s19;
	s6 =	sshrl.u32 s5, $0x18;
	s2 =	ssub.s32 s4, s2;
	v14 =	vld [tilespmem:s21+$0x19A00];
	v15 =	vmul.f32 $2.771281240e+01, v18;
	[tilespmem:s18+$0x19A00] =	vst v17  }
0x2f4: {  	s6 =	smul.u32 $0x1800, s6;
	s7 =	sadd.s32 $0x80, s2;
	s29 =	sadd.s32 $0x180, s2;
	v17 =	vld [tilespmem:s21+$0x1B200];
	v16 =	vmul.f32 $2.771281240e+01, v16;
	[tilespmem:s18+$0x1B200] =	vst v2  }
0x2f5: {  	s30 =	sand.u32 $0x70, s19;
	s18 =	sadd.s32 $0x100, s2;
	s29 =	sand.u32 $0xFFFFFC00, s29;
	v2 =	vld [tilespmem:s21+$0x1CA00];
	v11 =	vmul.f32 $2.771281240e+01, v11;
	[tilespmem:s22+$0x18200] =	vst v6  }
0x2f6: {  	s31 =	sadd.s32 $0xFFFFFFF0, s19;
	s5 =	sshrl.u32 s5, $0xE;
	s29 =	sadd.s32 s6, s29;
	v6 =	vld [tilespmem:s20+$0x4A00];
	v18 =	vmul.f32 $2.771281240e+01, v12;
	[tilespmem:s22+$0x19A00] =	vst v3  }
0x2f7: {  	s5 =	sand.u32 $0x380, s5;
	s7 =	sand.u32 $0xFFFFFC00, s7;
	s29 =	sor.u32 s30, s29;
	v3 =	vmul.f32 $2.771281240e+01, v8;
	v8 =	vld [tilespmem:s14+$0x4A00];
	[tilespmem:s22+$0x1B200] =	vst v4  }
0x2f8: {  	s2 =	sand.u32 $0xFFFFFC00, s2;
	s30 =	sand.u32 $0xFFFFFC00, s18;
	s18 =	sor.u32 s5, s29;
	v19 =	vld [tilespmem:s21+$0x4A00];
	v4 =	vmul.f32 $2.771281240e+01, v14;
	[tilespmem:s22+$0x1CA00] =	vst v5  }
0x2f9: {  	s2 =	sadd.s32 s6, s2;
	s22 =	sadd.s32 $0xFFFFFFD0, s19;
	s29 =	sadd.s32 $0xFFFFFFE0, s19;
	v5 =	vld [tilespmem:s18+$0x1CA00]  }
0x2fa: {  	s7 =	sadd.s32 s6, s7;
	s6 =	sadd.s32 s6, s30;
	s30 =	sand.u32 $0x60, s31;
	v17 =	vmul.f32 $2.771281240e+01, v17;
	v14 =	vld [tilespmem:s18+$0x18200];
	v20 =	vmul.f32 $2.771281240e+01, v2  }
0x2fb: {  	s22 =	sand.u32 $0x40, s22;
	s29 =	sand.u32 $0x50, s29;
	s6 =	sor.u32 s30, s6;
	v2 =	vld [tilespmem:s18+$0x4A00];
	v7 =	vadd.f32 v7, v6;
	v12 =	vadd.f32 v10, v6  }
0x2fc: {  	s2 =	sor.u32 s22, s2;
	s7 =	sor.u32 s29, s7;
	s29 =	sor.u32 s5, s6;
	v22 =	vadd.f32 v9, v6;
	v23 =	vadd.f32 v13, v6;
	v21 =	vld [tilespmem:s18+$0x19A00]  }
.Ltmp3:
0x2fd: {  	s2 =	sor.u32 s5, s2;
	s7 =	sor.u32 s5, s7;
	v24 =	vadd.f32 v15, v8;
	v10 =	vadd.f32 v16, v8;
	v9 =	vld [tilespmem:s18+$0x1B200];
	[tilespmem:s20+$0x18200] =	vst v7;
	(pc) =	sbr.rel @p0 .LBB2_8-.Ltmp3, $4  }
0x2fe: {  	s22 =	smov.u32 s21;
	s21 =	smov.u32 s2;
	v7 =	vld [tilespmem:s7+$0x18200];
	v5 =	vmul.f32 $2.771281240e+01, v5;
	[tilespmem:s20+$0x19A00] =	vst v12;
	v12 =	vadd.f32 v11, v8;
	v8 =	vadd.f32 v18, v8  }
0x2ff: {  	v6 =	vadd.f32 v3, v19;
	v3 =	vadd.f32 v4, v19;
	v11 =	vld [tilespmem:s7+$0x19A00];
	v15 =	vmul.f32 $2.771281240e+01, v14;
	[tilespmem:s20+$0x1B200] =	vst v22  }
0x300: {  	v4 =	vadd.f32 v17, v19;
	v13 =	vld [tilespmem:s7+$0x1B200];
	v16 =	vadd.f32 v5, v2;
	[tilespmem:s20+$0x1CA00] =	vst v23;
	s20 =	smov.u32 s7  }
0x301: {  	s28 =	sadd.s32 $0x4, s28;
	v5 =	vadd.f32 v20, v19;
	v14 =	vld [tilespmem:s20+$0x1CA00];
	v15 =	vadd.f32 v15, v2;
	v17 =	vmul.f32 $2.771281240e+01, v21;
	[tilespmem:s14+$0x18200] =	vst v24  }
0x302: {  	[tilespmem:s18+$0x1CA00] =	vst v16  }
0x303: {  	[tilespmem:s14+$0x19A00] =	vst v10  }
0x304: {  	[tilespmem:s14+$0x1B200] =	vst v12  }
0x305: {  	v10 =	vld [tilespmem:s29+$0x18200];
	[tilespmem:s14+$0x1CA00] =	vst v8  }
0x306: {  	v9 =	vmul.f32 $2.771281240e+01, v9;
	v8 =	vld [tilespmem:s20+$0x4A00];
	[tilespmem:s22+$0x18200] =	vst v6  }
0x307: {  	[tilespmem:s22+$0x19A00] =	vst v3;
	v3 =	vld [tilespmem:s29+$0x4A00];
	v12 =	vadd.f32 v17, v2  }
0x308: {  	[tilespmem:s22+$0x1B200] =	vst v4;
	v2 =	vadd.f32 v9, v2;
	v9 =	vld [tilespmem:s29+$0x19A00]  }
0x309: {  	v6 =	vmul.f32 $2.771281240e+01, v11;
	[tilespmem:s18+$0x19A00] =	vst v12;
	v12 =	vld [tilespmem:s29+$0x1B200]  }
0x30a: {  	v11 =	vmul.f32 $2.771281240e+01, v13;
	v13 =	vld [tilespmem:s21+$0x18200];
	[tilespmem:s18+$0x1B200] =	vst v2;
	v2 =	vmul.f32 $2.771281240e+01, v7  }
0x30b: {  	[tilespmem:s22+$0x1CA00] =	vst v5;
	v7 =	vld [tilespmem:s29+$0x1CA00];
	v5 =	vadd.f32 v6, v8  }
0x30c: {  	[tilespmem:s18+$0x18200] =	vst v15;
	v4 =	vmul.f32 $2.771281240e+01, v14;
	v14 =	vld [tilespmem:s21+$0x19A00];
	v2 =	vadd.f32 v2, v8  }
0x30d: {  	v6 =	vmul.f32 $2.771281240e+01, v10;
	v10 =	vld [tilespmem:s21+$0x1B200];
	v11 =	vadd.f32 v11, v8;
	[tilespmem:s20+$0x19A00] =	vst v5  }
0x30e: {  	v4 =	vadd.f32 v4, v8;
	[tilespmem:s20+$0x18200] =	vst v2;
	v2 =	vmul.f32 $2.771281240e+01, v9;
	v9 =	vld [tilespmem:s21+$0x4A00]  }
0x30f: {  	v5 =	vld [tilespmem:s21+$0x1CA00];
	v6 =	vadd.f32 v6, v3;
	[tilespmem:s20+$0x1B200] =	vst v11;
	v8 =	vmul.f32 $2.771281240e+01, v12  }
0x310: {  	[tilespmem:s20+$0x1CA00] =	vst v4;
	v7 =	vmul.f32 $2.771281240e+01, v7;
	v2 =	vadd.f32 v2, v3  }
0x311: {  	v4 =	vmul.f32 $2.771281240e+01, v13;
	[tilespmem:s29+$0x18200] =	vst v6;
	v8 =	vadd.f32 v8, v3  }
0x312: {  	v6 =	vmul.f32 $2.771281240e+01, v14;
	v3 =	vadd.f32 v7, v3;
	[tilespmem:s29+$0x19A00] =	vst v2  }
0x313: {  	v2 =	vmul.f32 $2.771281240e+01, v10;
	[tilespmem:s29+$0x1B200] =	vst v8;
	v4 =	vadd.f32 v4, v9  }
0x314: {  	v5 =	vmul.f32 $2.771281240e+01, v5;
	v6 =	vadd.f32 v6, v9;
	[tilespmem:s29+$0x1CA00] =	vst v3  }
0x315: {  	v2 =	vadd.f32 v2, v9;
	[tilespmem:s21+$0x18200] =	vst v4  }
0x316: {  	v3 =	vadd.f32 v5, v9;
	[tilespmem:s21+$0x19A00] =	vst v6  }
0x317: {  	[tilespmem:s21+$0x1B200] =	vst v2  }
0x318: {  	[tilespmem:s21+$0x1CA00] =	vst v3  }
0x319: {  	s4 =	simm.s32 $0x0;
	s5 =	simm.s32 $0x18200;
	s2 =	rddreg [dreg:$0x12]  }
0x31a: {  	[hbm4b:s2+s4] =	stream.linear.scatter [tilespmem:s5], [sflag:$0x11], $0x1800, $0x38;
	[tilespmem:$0x1E200] =	vst v63  }
0x31b: {  	s5 =	sld [smem:$0x7EF];
	_ =	sdelay $0x1  }
0x31c: {  	s6 =	simm.s32 $0x19A00;
	s7 =	sld [smem:$0x7F0]  }
0x31d: {  	[hbm4b:s5+s4] =	stream.linear.scatter [tilespmem:s6], [sflag:$0x12], $0x1800, $0x38;
	[tilespmem:$0x1E200] =	vst v63  }
0x31e: {  	s12 =	simm.s32 $0x1B200;
	s14 =	sld [smem:$0x7F1]  }
0x31f: {  	[hbm4b:s7+s4] =	stream.linear.scatter [tilespmem:s12], [sflag:$0x13], $0x1800, $0x38;
	[tilespmem:$0x1E200] =	vst v63  }
0x320: {  	s19 =	simm.s32 $0xD;
	s18 =	simm.s32 $0x1CA00  }
0x321: {  	[hbm4b:s14+s4] =	stream.linear.scatter [tilespmem:s18], [sflag:$0x14], $0x1800, $0x38;
	[tilespmem:$0x1E200] =	vst v63  }
0x322: {  	_ =	swait.ge [sflag:s19], $0x1800  }
0x323: {  	[sflag:s19] =	ssyncset.done $0x0  }
0x324: {  	s20 =	simm.s32 $0xE;
	[sflag:s19] =	ssyncadd.s32 $0xFFFFE800  }
0x325: {  	_ =	swait.ge [sflag:s20], $0x1800  }
0x326: {  	[sflag:s20] =	ssyncset.done $0x0  }
0x327: {  	s21 =	simm.s32 $0xF;
	[sflag:s20] =	ssyncadd.s32 $0xFFFFE800  }
0x328: {  	_ =	swait.ge [sflag:s21], $0x1800  }
0x329: {  	[sflag:s21] =	ssyncset.done $0x0  }
0x32a: {  	[sflag:s21] =	ssyncadd.s32 $0xFFFFE800  }
0x32b: {  	_ =	swait.ge [sflag:s8], $0x1800  }
0x32c: {  	[sflag:s8] =	ssyncset.done $0x0  }
0x32d: {  	s30 =	simm.s32 $0x3200;
	s22 =	rddreg [dreg:$0x13];
	[sflag:s8] =	ssyncadd.s32 $0xFFFFE800  }
0x32e: {  	[tilespmem:s30], [sflag:$0x3] =	stream.linear.gather [hbm4b:s22+s4], $0x1800, $0x38;
	[tilespmem:$0x1E200] =	vst v63  }
0x32f: {  	v2 =	vld.msk [tilespmem:$0x30], $0xff;
	_ =	sdelay $0x4  }
0x330: {  	v3 =	vshrl.u32 v2, $0x3  }
0x331: {  	v3 =	vmul.u32 $0x30, v3  }
0x332: {  	v2 =	vand.u32 $0x7, v2  }
0x333: {  	v2 =	vor.u32 v2, v3  }
0x334: {  	v2 =	vperm.xlane v2, v0;
	_ =	sdelay $0x1  }
0x335: {  	v2 =	vadd.s32 v1, v2;
	_ =	sdelay $0x3  }
0x336: {  	s31 =	simm.s32 $0x12200  }
0x337: {  	[tilespmem:s31], [sflag:$0x17] =	stream.indirect_vreg.gather [hbm4b:s1+s4], $0x80, v2, vm0, $0xb8;
	[tilespmem:$0x1E200] =	vst v63  }
0x338: {  	s5 =	simm.s32 $0x12A00  }
0x339: {  	[tilespmem:s5], [sflag:$0x17] =	stream.indirect_vreg.gather [hbm4b:s24+s4], $0x80, v2, vm0, $0xb8;
	[tilespmem:$0x1E200] =	vst v63  }
0x33a: {  	s6 =	simm.s32 $0x13200  }
0x33b: {  	[tilespmem:s6], [sflag:$0x17] =	stream.indirect_vreg.gather [hbm4b:s26+s4], $0x80, v2, vm0, $0xb8;
	[tilespmem:$0x1E200] =	vst v63  }
0x33c: {  	v2 =	vld.msk [tilespmem:$0xB0], $0xff;
	_ =	sdelay $0x4  }
0x33d: {  	v3 =	vshrl.u32 v2, $0x3  }
0x33e: {  	v3 =	vmul.u32 $0x30, v3  }
0x33f: {  	v2 =	vand.u32 $0x7, v2  }
0x340: {  	v2 =	vor.u32 v2, v3  }
0x341: {  	v2 =	vperm.xlane v2, v0;
	_ =	sdelay $0x1  }
0x342: {  	v2 =	vadd.s32 v1, v2;
	_ =	sdelay $0x3  }
0x343: {  	s7 =	simm.s32 $0x13A00  }
0x344: {  	[tilespmem:s7], [sflag:$0x17] =	stream.indirect_vreg.gather [hbm4b:s1+s4], $0x80, v2, vm0, $0xb8;
	[tilespmem:$0x1E200] =	vst v63  }
0x345: {  	s12 =	simm.s32 $0x14200  }
0x346: {  	[tilespmem:s12], [sflag:$0x17] =	stream.indirect_vreg.gather [hbm4b:s24+s4], $0x80, v2, vm0, $0xb8;
	[tilespmem:$0x1E200] =	vst v63  }
0x347: {  	s14 =	simm.s32 $0x14A00  }
0x348: {  	[tilespmem:s14], [sflag:$0x17] =	stream.indirect_vreg.gather [hbm4b:s26+s4], $0x80, v2, vm0, $0xb8;
	[tilespmem:$0x1E200] =	vst v63  }
0x349: {  	v2 =	vld.msk [tilespmem:$0x130], $0xff;
	_ =	sdelay $0x4  }
0x34a: {  	v3 =	vshrl.u32 v2, $0x3  }
0x34b: {  	v3 =	vmul.u32 $0x30, v3  }
0x34c: {  	v2 =	vand.u32 $0x7, v2  }
0x34d: {  	v2 =	vor.u32 v2, v3  }
0x34e: {  	v2 =	vperm.xlane v2, v0;
	_ =	sdelay $0x1  }
0x34f: {  	v2 =	vadd.s32 v1, v2;
	_ =	sdelay $0x3  }
0x350: {  	s18 =	simm.s32 $0x15200  }
0x351: {  	[tilespmem:s18], [sflag:$0x17] =	stream.indirect_vreg.gather [hbm4b:s1+s4], $0x80, v2, vm0, $0xb8;
	[tilespmem:$0x1E200] =	vst v63  }
0x352: {  	s19 =	simm.s32 $0x15A00  }
0x353: {  	[tilespmem:s19], [sflag:$0x17] =	stream.indirect_vreg.gather [hbm4b:s24+s4], $0x80, v2, vm0, $0xb8;
	[tilespmem:$0x1E200] =	vst v63  }
0x354: {  	s20 =	simm.s32 $0x16200  }
0x355: {  	[tilespmem:s20], [sflag:$0x17] =	stream.indirect_vreg.gather [hbm4b:s26+s4], $0x80, v2, vm0, $0xb8;
	[tilespmem:$0x1E200] =	vst v63  }
0x356: {  	v2 =	vld.msk [tilespmem:$0x1B0], $0xff;
	_ =	sdelay $0x4  }
0x357: {  	v3 =	vshrl.u32 v2, $0x3  }
0x358: {  	v3 =	vmul.u32 $0x30, v3  }
0x359: {  	v2 =	vand.u32 $0x7, v2  }
0x35a: {  	v2 =	vor.u32 v2, v3  }
0x35b: {  	v2 =	vperm.xlane v2, v0;
	_ =	sdelay $0x1  }
0x35c: {  	v2 =	vadd.s32 v1, v2;
	_ =	sdelay $0x3  }
0x35d: {  	s21 =	simm.s32 $0x16A00  }
0x35e: {  	[tilespmem:s21], [sflag:$0x17] =	stream.indirect_vreg.gather [hbm4b:s1+s4], $0x80, v2, vm0, $0xb8;
	[tilespmem:$0x1E200] =	vst v63  }
0x35f: {  	s22 =	simm.s32 $0x17200  }
0x360: {  	[tilespmem:s22], [sflag:$0x17] =	stream.indirect_vreg.gather [hbm4b:s24+s4], $0x80, v2, vm0, $0xb8;
	[tilespmem:$0x1E200] =	vst v63  }
0x361: {  	s30 =	simm.s32 $0x17A00;
	s31 =	simm.s32 $0x1  }
0x362: {  	[tilespmem:s30], [sflag:$0x17] =	stream.indirect_vreg.gather [hbm4b:s26+s4], $0x80, v2, vm0, $0xb8;
	[tilespmem:$0x1E200] =	vst v63  }
0x363: {  	_ =	swait.ge [sflag:s31], $0x1800  }
0x364: {  	[sflag:s31] =	ssyncset.done $0x0  }
0x365: {  	[sflag:s31] =	ssyncadd.s32 $0xFFFFE800  }
0x366: {  	_ =	swait.ge [sflag:s13], $0x1800  }
0x367: {  	s4 =	smulhi.u32 $0xAAAAAAAB, s4;
	[sflag:s13] =	ssyncset.done $0x0  }
0x368: {  	s5 =	simm.s32 $0x0;
	[sflag:s13] =	ssyncadd.s32 $0xFFFFE800  }
0x369: {  	s2 =	sshrl.u32 s4, $0x5;
	s4 =	smul.u32 $0xAAAB, s5;
	_ =	swait.ge [sflag:s13], $0x1800  }
0x36a: {  	s2 =	smul.u32 $0x1800, s2;
	[sflag:s13] =	ssyncset.done $0x0  }
0x36b: {  	s7 =	simm.s32 $0x30;
	[sflag:s13] =	ssyncadd.s32 $0xFFFFE800  }
0x36c: {  	s6 =	sshrl.u32 s4, $0x18;
	s2 =	ssub.s32 $0x0, s2;
	_ =	swait.ge [sflag:s13], $0x1800  }
0x36d: {  	s5 =	smul.u32 $0x1800, s6;
	s6 =	sadd.s32 $0x180, s2;
	[sflag:s13] =	ssyncset.done $0x0  }
0x36e: {  	s7 =	sand.u32 $0x70, s7;
	s6 =	sand.u32 $0xFFFFFC00, s6;
	[sflag:s13] =	ssyncadd.s32 $0xFFFFE800  }
0x36f: {  	s4 =	sshrl.u32 s4, $0xE;
	s6 =	sadd.s32 s5, s6;
	_ =	swait.ge [sflag:s13], $0x1800  }
0x370: {  	s18 =	sand.u32 $0x380, s4;
	s7 =	sor.u32 s7, s6;
	[sflag:s13] =	ssyncset.done $0x0  }
0x371: {  	s20 =	sor.u32 s18, s7;
	[sflag:s13] =	ssyncadd.s32 $0xFFFFE800  }
0x372: {  	s12 =	sadd.s32 $0x80, s2;
	v2 =	vld [tilespmem:s20+$0xAA00]  }
0x373: {  	s14 =	simm.s32 $0x10;
	s4 =	sand.u32 $0xFFFFFC00, s12;
	v3 =	vld [tilespmem:s20+$0x6200]  }
0x374: {  	s4 =	sadd.s32 s5, s4;
	s6 =	sand.u32 $0x50, s14;
	v4 =	vld [tilespmem:s20+$0x200]  }
0x375: {  	s4 =	sor.u32 s6, s4;
	v5 =	vld [tilespmem:s20+$0x7A00]  }
0x376: {  	s19 =	sadd.s32 $0x100, s2;
	s4 =	sor.u32 s18, s4;
	v6 =	vld [tilespmem:s20+$0x9200]  }
0x377: {  	s21 =	simm.s32 $0x20;
	s6 =	sand.u32 $0xFFFFFC00, s19;
	v7 =	vld [tilespmem:s4+$0x6200]  }
0x378: {  	s7 =	sand.u32 $0x60, s21;
	s6 =	sadd.s32 s5, s6;
	v8 =	vld [tilespmem:s4+$0x7A00]  }
0x379: {  	s6 =	sor.u32 s7, s6;
	v9 =	vld [tilespmem:s4+$0x9200]  }
0x37a: {  	s22 =	simm.s32 $0x4;
	s14 =	sor.u32 s18, s6;
	v10 =	vld [tilespmem:s4+$0xAA00]  }
0x37b: {  	s30 =	simm.s32 $0x0;
	s2 =	sand.u32 $0xFFFFFC00, s2;
	s6 =	smulhi.u32 $0xAAAAAAAB, s22;
	v11 =	vld [tilespmem:s14+$0x6200]  }
0x37c: {  	s31 =	sand.u32 $0x40, s30;
	s2 =	sadd.s32 s5, s2;
	s12 =	simm.s32 $0x4;
	v12 =	vld [tilespmem:s14+$0x7A00]  }
0x37d: {  	s2 =	sor.u32 s31, s2;
	s7 =	smul.u32 $0xAAAB, s12;
	s6 =	sshrl.u32 s6, $0x5;
	v13 =	vld [tilespmem:s14+$0x9200]  }
0x37e: {  	s22 =	sor.u32 s18, s2;
	s19 =	smul.u32 $0x1800, s6;
	v14 =	vld [tilespmem:s14+$0xAA00]  }
0x37f: {  	v15 =	vld [tilespmem:s22+$0x6200]  }
0x380: {  	s21 =	sshrl.u32 s7, $0x18;
	v16 =	vld [tilespmem:s22+$0x7A00];
	s2 =	ssub.s32 $0x200, s19  }
0x381: {  	s21 =	smul.u32 $0x1800, s21;
	v17 =	vld [tilespmem:s22+$0x9200];
	s30 =	sadd.s32 $0x180, s2;
	v2 =	vmul.f32 $2.771281240e+01, v2  }
0x382: {  	v19 =	vld [tilespmem:s4+$0x200];
	s19 =	simm.s32 $0x70;
	s5 =	sand.u32 $0xFFFFFC00, s30;
	v3 =	vmul.f32 $2.771281240e+01, v3;
	v5 =	vmul.f32 $2.771281240e+01, v5  }
0x383: {  	s6 =	sshrl.u32 s7, $0xE;
	v20 =	vld [tilespmem:s14+$0x200];
	s31 =	sand.u32 $0x70, s19;
	v6 =	vmul.f32 $2.771281240e+01, v6;
	v7 =	vmul.f32 $2.771281240e+01, v7;
	s5 =	sadd.s32 s21, s5  }
0x384: {  	v18 =	vld [tilespmem:s22+$0xAA00];
	s28 =	sand.u32 $0x380, s6;
	v8 =	vmul.f32 $2.771281240e+01, v8;
	v9 =	vmul.f32 $2.771281240e+01, v9;
	s5 =	sor.u32 s31, s5;
	v2 =	vadd.f32 v2, v4  }
0x385: {  	v21 =	vld [tilespmem:s22+$0x200];
	v10 =	vmul.f32 $2.771281240e+01, v10;
	v11 =	vmul.f32 $2.771281240e+01, v11;
	v3 =	vadd.f32 v3, v4;
	s18 =	sor.u32 s28, s5  }
0x386: {  	s6 =	sadd.s32 $0x80, s2;
	[tilespmem:s20+$0xAA00] =	vst v2;
	v2 =	vadd.f32 v5, v4;
	v5 =	vmul.f32 $2.771281240e+01, v12;
	v12 =	vmul.f32 $2.771281240e+01, v13;
	v13 =	vld [tilespmem:s18+$0xAA00]  }
0x387: {  	s7 =	simm.s32 $0x50;
	s5 =	sand.u32 $0xFFFFFC00, s6;
	v7 =	vadd.f32 v7, v19;
	v4 =	vadd.f32 v6, v4;
	[tilespmem:s20+$0x6200] =	vst v3;
	v3 =	vmul.f32 $2.771281240e+01, v14;
	v14 =	vld [tilespmem:s18+$0x6200]  }
0x388: {  	s6 =	sand.u32 $0x50, s7;
	v8 =	vadd.f32 v8, v19;
	v22 =	vadd.f32 v11, v20;
	s5 =	sadd.s32 s21, s5;
	v6 =	vmul.f32 $2.771281240e+01, v15;
	[tilespmem:s20+$0x7A00] =	vst v2;
	v2 =	vld [tilespmem:s18+$0x200]  }
0x389: {  	s30 =	sadd.s32 $0x100, s2;
	s2 =	sand.u32 $0xFFFFFC00, s2;
	v15 =	vmul.f32 $2.771281240e+01, v16;
	s5 =	sor.u32 s6, s5;
	v16 =	vadd.f32 v9, v19;
	[tilespmem:s20+$0x9200] =	vst v4;
	v4 =	vmul.f32 $2.771281240e+01, v17;
	v17 =	vld [tilespmem:s18+$0x7A00]  }
0x38a: {  	v18 =	vmul.f32 $2.771281240e+01, v18;
	s2 =	sadd.s32 s21, s2;
	v19 =	vadd.f32 v10, v19;
	v9 =	vld [tilespmem:s18+$0x9200];
	[tilespmem:s4+$0x6200] =	vst v7;
	s20 =	sor.u32 s28, s5;
	v10 =	vadd.f32 v5, v20  }
0x38b: {  	s31 =	sand.u32 $0xFFFFFC00, s30;
	s30 =	simm.s32 $0x60;
	s7 =	simm.s32 $0x40;
	[tilespmem:s4+$0x7A00] =	vst v8;
	v12 =	vadd.f32 v12, v20;
	v8 =	vadd.f32 v3, v20;
	v7 =	vld [tilespmem:s20+$0x6200];
	v5 =	vmul.f32 $2.771281240e+01, v13  }
0x38c: {  	s6 =	sadd.s32 s21, s31;
	s5 =	sand.u32 $0x40, s7;
	s7 =	sand.u32 $0x60, s30;
	v6 =	vadd.f32 v6, v21;
	v3 =	vadd.f32 v15, v21;
	[tilespmem:s4+$0x9200] =	vst v16;
	v11 =	vld [tilespmem:s20+$0x7A00];
	v63 =	vmul.f32 $2.771281240e+01, v14  }
0x38d: {  	[tilespmem:s4+$0xAA00] =	vst v19;
	s4 =	simm.s32 $0x200;
	s2 =	sor.u32 s5, s2;
	s31 =	sor.u32 s7, s6;
	v4 =	vadd.f32 v4, v21;
	v13 =	vld [tilespmem:s20+$0x9200];
	v16 =	vadd.f32 v5, v2  }
0x38e: {  	[tilespmem:s14+$0x6200] =	vst v22;
	s21 =	sor.u32 s28, s2;
	s29 =	sor.u32 s28, s31;
	s28 =	simm.s32 $0x8;
	v14 =	vld [tilespmem:s20+$0xAA00];
	v15 =	vadd.f32 v63, v2;
	v17 =	vmul.f32 $2.771281240e+01, v17;
	v5 =	vadd.f32 v18, v21  }
.LBB2_10:
0x38f: {  	s2 =	smulhi.u32 $0xAAAAAAAB, s28;
	v18 =	vld [tilespmem:s29+$0x6200];
	v9 =	vmul.f32 $2.771281240e+01, v9;
	[tilespmem:s18+$0xAA00] =	vst v16  }
0x390: {  	s12 =	sadd.s32 $0x4, s12;
	v7 =	vmul.f32 $2.771281240e+01, v7;
	v16 =	vld [tilespmem:s29+$0x7A00];
	v17 =	vadd.f32 v17, v2;
	[tilespmem:s14+$0x7A00] =	vst v10  }
0x391: {  	s5 =	smul.u32 $0xAAAB, s12;
	p0 =	slt.u32 s12, $0x17C;
	s2 =	sshrl.u32 s2, $0x5;
	v10 =	vmul.f32 $2.771281240e+01, v11;
	v11 =	vld [tilespmem:s29+$0x9200];
	v2 =	vadd.f32 v9, v2;
	[tilespmem:s14+$0x9200] =	vst v12  }
0x392: {  	s2 =	smul.u32 $0x1800, s2;
	v9 =	vmul.f32 $2.771281240e+01, v13;
	v12 =	vld [tilespmem:s29+$0xAA00];
	[tilespmem:s14+$0xAA00] =	vst v8;
	s14 =	smov.u32 s29  }
0x393: {  	s4 =	sadd.s32 $0x200, s4;
	v8 =	vld [tilespmem:s21+$0x6200];
	v13 =	vmul.f32 $2.771281240e+01, v14;
	[tilespmem:s18+$0x6200] =	vst v15  }
0x394: {  	s19 =	sadd.s32 $0x40, s19;
	s6 =	sshrl.u32 s5, $0x18;
	s2 =	ssub.s32 s4, s2;
	v14 =	vld [tilespmem:s21+$0x7A00];
	v15 =	vmul.f32 $2.771281240e+01, v18;
	[tilespmem:s18+$0x7A00] =	vst v17  }
0x395: {  	s6 =	smul.u32 $0x1800, s6;
	s7 =	sadd.s32 $0x80, s2;
	s29 =	sadd.s32 $0x180, s2;
	v17 =	vld [tilespmem:s21+$0x9200];
	v16 =	vmul.f32 $2.771281240e+01, v16;
	[tilespmem:s18+$0x9200] =	vst v2  }
0x396: {  	s30 =	sand.u32 $0x70, s19;
	s18 =	sadd.s32 $0x100, s2;
	s29 =	sand.u32 $0xFFFFFC00, s29;
	v2 =	vld [tilespmem:s21+$0xAA00];
	v11 =	vmul.f32 $2.771281240e+01, v11;
	[tilespmem:s22+$0x6200] =	vst v6  }
0x397: {  	s31 =	sadd.s32 $0xFFFFFFF0, s19;
	s5 =	sshrl.u32 s5, $0xE;
	s29 =	sadd.s32 s6, s29;
	v6 =	vld [tilespmem:s20+$0x200];
	v18 =	vmul.f32 $2.771281240e+01, v12;
	[tilespmem:s22+$0x7A00] =	vst v3  }
0x398: {  	s5 =	sand.u32 $0x380, s5;
	s7 =	sand.u32 $0xFFFFFC00, s7;
	s29 =	sor.u32 s30, s29;
	v3 =	vmul.f32 $2.771281240e+01, v8;
	v8 =	vld [tilespmem:s14+$0x200];
	[tilespmem:s22+$0x9200] =	vst v4  }
0x399: {  	s2 =	sand.u32 $0xFFFFFC00, s2;
	s30 =	sand.u32 $0xFFFFFC00, s18;
	s18 =	sor.u32 s5, s29;
	v19 =	vld [tilespmem:s21+$0x200];
	v4 =	vmul.f32 $2.771281240e+01, v14;
	[tilespmem:s22+$0xAA00] =	vst v5  }
0x39a: {  	s2 =	sadd.s32 s6, s2;
	s22 =	sadd.s32 $0xFFFFFFD0, s19;
	s29 =	sadd.s32 $0xFFFFFFE0, s19;
	v5 =	vld [tilespmem:s18+$0xAA00]  }
0x39b: {  	s7 =	sadd.s32 s6, s7;
	s6 =	sadd.s32 s6, s30;
	s30 =	sand.u32 $0x60, s31;
	v17 =	vmul.f32 $2.771281240e+01, v17;
	v14 =	vld [tilespmem:s18+$0x6200];
	v20 =	vmul.f32 $2.771281240e+01, v2  }
0x39c: {  	s22 =	sand.u32 $0x40, s22;
	s29 =	sand.u32 $0x50, s29;
	s6 =	sor.u32 s30, s6;
	v2 =	vld [tilespmem:s18+$0x200];
	v7 =	vadd.f32 v7, v6;
	v12 =	vadd.f32 v10, v6  }
0x39d: {  	s2 =	sor.u32 s22, s2;
	s7 =	sor.u32 s29, s7;
	s29 =	sor.u32 s5, s6;
	v22 =	vadd.f32 v9, v6;
	v23 =	vadd.f32 v13, v6;
	v21 =	vld [tilespmem:s18+$0x7A00]  }
.Ltmp4:
0x39e: {  	s2 =	sor.u32 s5, s2;
	s7 =	sor.u32 s5, s7;
	v24 =	vadd.f32 v15, v8;
	v10 =	vadd.f32 v16, v8;
	v9 =	vld [tilespmem:s18+$0x9200];
	[tilespmem:s20+$0x6200] =	vst v7;
	(pc) =	sbr.rel @p0 .LBB2_10-.Ltmp4, $4  }
0x39f: {  	s22 =	smov.u32 s21;
	s21 =	smov.u32 s2;
	v7 =	vld [tilespmem:s7+$0x6200];
	v5 =	vmul.f32 $2.771281240e+01, v5;
	[tilespmem:s20+$0x7A00] =	vst v12;
	v12 =	vadd.f32 v11, v8;
	v8 =	vadd.f32 v18, v8  }
0x3a0: {  	v6 =	vadd.f32 v3, v19;
	v3 =	vadd.f32 v4, v19;
	v11 =	vld [tilespmem:s7+$0x7A00];
	v15 =	vmul.f32 $2.771281240e+01, v14;
	[tilespmem:s20+$0x9200] =	vst v22  }
0x3a1: {  	v4 =	vadd.f32 v17, v19;
	v13 =	vld [tilespmem:s7+$0x9200];
	v16 =	vadd.f32 v5, v2;
	[tilespmem:s20+$0xAA00] =	vst v23;
	s20 =	smov.u32 s7  }
0x3a2: {  	s28 =	sadd.s32 $0x4, s28;
	v5 =	vadd.f32 v20, v19;
	v14 =	vld [tilespmem:s20+$0xAA00];
	v15 =	vadd.f32 v15, v2;
	v17 =	vmul.f32 $2.771281240e+01, v21;
	[tilespmem:s14+$0x6200] =	vst v24  }
0x3a3: {  	[tilespmem:s18+$0xAA00] =	vst v16  }
0x3a4: {  	[tilespmem:s14+$0x7A00] =	vst v10  }
0x3a5: {  	[tilespmem:s14+$0x9200] =	vst v12  }
0x3a6: {  	v10 =	vld [tilespmem:s29+$0x6200];
	[tilespmem:s14+$0xAA00] =	vst v8  }
0x3a7: {  	v9 =	vmul.f32 $2.771281240e+01, v9;
	v8 =	vld [tilespmem:s20+$0x200];
	[tilespmem:s22+$0x6200] =	vst v6  }
0x3a8: {  	[tilespmem:s22+$0x7A00] =	vst v3;
	v3 =	vld [tilespmem:s29+$0x200];
	v12 =	vadd.f32 v17, v2  }
0x3a9: {  	[tilespmem:s22+$0x9200] =	vst v4;
	v2 =	vadd.f32 v9, v2;
	v9 =	vld [tilespmem:s29+$0x7A00]  }
0x3aa: {  	v6 =	vmul.f32 $2.771281240e+01, v11;
	[tilespmem:s18+$0x7A00] =	vst v12;
	v12 =	vld [tilespmem:s29+$0x9200]  }
0x3ab: {  	v11 =	vmul.f32 $2.771281240e+01, v13;
	v13 =	vld [tilespmem:s21+$0x6200];
	[tilespmem:s18+$0x9200] =	vst v2;
	v2 =	vmul.f32 $2.771281240e+01, v7  }
0x3ac: {  	[tilespmem:s22+$0xAA00] =	vst v5;
	v7 =	vld [tilespmem:s29+$0xAA00];
	v5 =	vadd.f32 v6, v8  }
0x3ad: {  	[tilespmem:s18+$0x6200] =	vst v15;
	v4 =	vmul.f32 $2.771281240e+01, v14;
	v14 =	vld [tilespmem:s21+$0x7A00];
	v2 =	vadd.f32 v2, v8  }
0x3ae: {  	v6 =	vmul.f32 $2.771281240e+01, v10;
	v10 =	vld [tilespmem:s21+$0x9200];
	v11 =	vadd.f32 v11, v8;
	[tilespmem:s20+$0x7A00] =	vst v5  }
0x3af: {  	v4 =	vadd.f32 v4, v8;
	[tilespmem:s20+$0x6200] =	vst v2;
	v2 =	vmul.f32 $2.771281240e+01, v9;
	v9 =	vld [tilespmem:s21+$0x200]  }
0x3b0: {  	v5 =	vld [tilespmem:s21+$0xAA00];
	v6 =	vadd.f32 v6, v3;
	[tilespmem:s20+$0x9200] =	vst v11;
	v8 =	vmul.f32 $2.771281240e+01, v12  }
0x3b1: {  	[tilespmem:s20+$0xAA00] =	vst v4;
	v7 =	vmul.f32 $2.771281240e+01, v7;
	v2 =	vadd.f32 v2, v3  }
0x3b2: {  	v4 =	vmul.f32 $2.771281240e+01, v13;
	[tilespmem:s29+$0x6200] =	vst v6;
	v8 =	vadd.f32 v8, v3  }
0x3b3: {  	v6 =	vmul.f32 $2.771281240e+01, v14;
	v3 =	vadd.f32 v7, v3;
	[tilespmem:s29+$0x7A00] =	vst v2  }
0x3b4: {  	v2 =	vmul.f32 $2.771281240e+01, v10;
	[tilespmem:s29+$0x9200] =	vst v8;
	v4 =	vadd.f32 v4, v9  }
0x3b5: {  	v5 =	vmul.f32 $2.771281240e+01, v5;
	v6 =	vadd.f32 v6, v9;
	[tilespmem:s29+$0xAA00] =	vst v3  }
0x3b6: {  	v2 =	vadd.f32 v2, v9;
	[tilespmem:s21+$0x6200] =	vst v4  }
0x3b7: {  	v3 =	vadd.f32 v5, v9;
	[tilespmem:s21+$0x7A00] =	vst v6  }
0x3b8: {  	[tilespmem:s21+$0x9200] =	vst v2  }
0x3b9: {  	[tilespmem:s21+$0xAA00] =	vst v3  }
0x3ba: {  	s2 =	rddreg [dreg:$0x14]  }
0x3bb: {  	s4 =	simm.s32 $0x0;
	s5 =	simm.s32 $0x6200;
	s12 =	sld [smem:$0x7F2]  }
0x3bc: {  	[hbm4b:s2+s4] =	stream.linear.scatter [tilespmem:s5], [sflag:$0x5], $0x1800, $0x38;
	[tilespmem:$0x1E200] =	vst v63  }
0x3bd: {  	s14 =	simm.s32 $0x7A00;
	s18 =	sld [smem:$0x7F3]  }
0x3be: {  	[hbm4b:s12+s4] =	stream.linear.scatter [tilespmem:s14], [sflag:$0x6], $0x1800, $0x38;
	[tilespmem:$0x1E200] =	vst v63  }
0x3bf: {  	s19 =	simm.s32 $0x9200;
	s20 =	sld [smem:$0x7F4]  }
0x3c0: {  	[hbm4b:s18+s4] =	stream.linear.scatter [tilespmem:s19], [sflag:$0x7], $0x1800, $0x38;
	[tilespmem:$0x1E200] =	vst v63  }
0x3c1: {  	s21 =	simm.s32 $0xAA00  }
0x3c2: {  	[hbm4b:s20+s4] =	stream.linear.scatter [tilespmem:s21], [sflag:$0x8], $0x1800, $0x38;
	[tilespmem:$0x1E200] =	vst v63  }
0x3c3: {  	_ =	swait.ge [sflag:s9], $0x1800  }
0x3c4: {  	[sflag:s9] =	ssyncset.done $0x0  }
0x3c5: {  	[sflag:s9] =	ssyncadd.s32 $0xFFFFE800  }
0x3c6: {  	_ =	swait.ge [sflag:s10], $0x1800  }
0x3c7: {  	[sflag:s10] =	ssyncset.done $0x0  }
0x3c8: {  	[sflag:s10] =	ssyncadd.s32 $0xFFFFE800  }
0x3c9: {  	_ =	swait.ge [sflag:s15], $0x1800  }
0x3ca: {  	[sflag:s15] =	ssyncset.done $0x0  }
0x3cb: {  	[sflag:s15] =	ssyncadd.s32 $0xFFFFE800  }
0x3cc: {  	_ =	swait.ge [sflag:s17], $0x1800  }
0x3cd: {  	[sflag:s17] =	ssyncset.done $0x0  }
0x3ce: {  	s30 =	simm.s32 $0x4A00;
	s22 =	rddreg [dreg:$0x15];
	[sflag:s17] =	ssyncadd.s32 $0xFFFFE800  }
0x3cf: {  	[tilespmem:s30], [sflag:$0x4] =	stream.linear.gather [hbm4b:s22+s4], $0x1800, $0x38;
	[tilespmem:$0x1E200] =	vst v63  }
0x3d0: {  	v2 =	vld.msk [tilespmem:$0x38], $0xff;
	_ =	sdelay $0x4  }
0x3d1: {  	v3 =	vshrl.u32 v2, $0x3  }
0x3d2: {  	v3 =	vmul.u32 $0x30, v3  }
0x3d3: {  	v2 =	vand.u32 $0x7, v2  }
0x3d4: {  	v2 =	vor.u32 v2, v3  }
0x3d5: {  	v2 =	vperm.xlane v2, v0;
	_ =	sdelay $0x1  }
0x3d6: {  	v2 =	vadd.s32 v1, v2;
	_ =	sdelay $0x3  }
0x3d7: {  	s31 =	simm.s32 $0x18200  }
0x3d8: {  	[tilespmem:s31], [sflag:$0x18] =	stream.indirect_vreg.gather [hbm4b:s1+s4], $0x80, v2, vm0, $0xb8;
	[tilespmem:$0x1E200] =	vst v63  }
0x3d9: {  	s5 =	simm.s32 $0x18A00  }
0x3da: {  	[tilespmem:s5], [sflag:$0x18] =	stream.indirect_vreg.gather [hbm4b:s24+s4], $0x80, v2, vm0, $0xb8;
	[tilespmem:$0x1E200] =	vst v63  }
0x3db: {  	s6 =	simm.s32 $0x19200  }
0x3dc: {  	[tilespmem:s6], [sflag:$0x18] =	stream.indirect_vreg.gather [hbm4b:s26+s4], $0x80, v2, vm0, $0xb8;
	[tilespmem:$0x1E200] =	vst v63  }
0x3dd: {  	v2 =	vld.msk [tilespmem:$0xB8], $0xff;
	_ =	sdelay $0x4  }
0x3de: {  	v3 =	vshrl.u32 v2, $0x3  }
0x3df: {  	v3 =	vmul.u32 $0x30, v3  }
0x3e0: {  	v2 =	vand.u32 $0x7, v2  }
0x3e1: {  	v2 =	vor.u32 v2, v3  }
0x3e2: {  	v2 =	vperm.xlane v2, v0;
	_ =	sdelay $0x1  }
0x3e3: {  	v2 =	vadd.s32 v1, v2;
	_ =	sdelay $0x3  }
0x3e4: {  	s7 =	simm.s32 $0x19A00  }
0x3e5: {  	[tilespmem:s7], [sflag:$0x18] =	stream.indirect_vreg.gather [hbm4b:s1+s4], $0x80, v2, vm0, $0xb8;
	[tilespmem:$0x1E200] =	vst v63  }
0x3e6: {  	s12 =	simm.s32 $0x1A200  }
0x3e7: {  	[tilespmem:s12], [sflag:$0x18] =	stream.indirect_vreg.gather [hbm4b:s24+s4], $0x80, v2, vm0, $0xb8;
	[tilespmem:$0x1E200] =	vst v63  }
0x3e8: {  	s14 =	simm.s32 $0x1AA00  }
0x3e9: {  	[tilespmem:s14], [sflag:$0x18] =	stream.indirect_vreg.gather [hbm4b:s26+s4], $0x80, v2, vm0, $0xb8;
	[tilespmem:$0x1E200] =	vst v63  }
0x3ea: {  	v2 =	vld.msk [tilespmem:$0x138], $0xff;
	_ =	sdelay $0x4  }
0x3eb: {  	v3 =	vshrl.u32 v2, $0x3  }
0x3ec: {  	v3 =	vmul.u32 $0x30, v3  }
0x3ed: {  	v2 =	vand.u32 $0x7, v2  }
0x3ee: {  	v2 =	vor.u32 v2, v3  }
0x3ef: {  	v2 =	vperm.xlane v2, v0;
	_ =	sdelay $0x1  }
0x3f0: {  	v2 =	vadd.s32 v1, v2;
	_ =	sdelay $0x3  }
0x3f1: {  	s18 =	simm.s32 $0x1B200  }
0x3f2: {  	[tilespmem:s18], [sflag:$0x18] =	stream.indirect_vreg.gather [hbm4b:s1+s4], $0x80, v2, vm0, $0xb8;
	[tilespmem:$0x1E200] =	vst v63  }
0x3f3: {  	s19 =	simm.s32 $0x1BA00  }
0x3f4: {  	[tilespmem:s19], [sflag:$0x18] =	stream.indirect_vreg.gather [hbm4b:s24+s4], $0x80, v2, vm0, $0xb8;
	[tilespmem:$0x1E200] =	vst v63  }
0x3f5: {  	s20 =	simm.s32 $0x1C200  }
0x3f6: {  	[tilespmem:s20], [sflag:$0x18] =	stream.indirect_vreg.gather [hbm4b:s26+s4], $0x80, v2, vm0, $0xb8;
	[tilespmem:$0x1E200] =	vst v63  }
0x3f7: {  	v2 =	vld.msk [tilespmem:$0x1B8], $0xff;
	_ =	sdelay $0x4  }
0x3f8: {  	v3 =	vshrl.u32 v2, $0x3  }
0x3f9: {  	v3 =	vmul.u32 $0x30, v3  }
0x3fa: {  	v2 =	vand.u32 $0x7, v2  }
0x3fb: {  	v2 =	vor.u32 v2, v3  }
0x3fc: {  	v2 =	vperm.xlane v2, v0;
	_ =	sdelay $0x1  }
0x3fd: {  	v2 =	vadd.s32 v1, v2;
	_ =	sdelay $0x3  }
0x3fe: {  	s21 =	simm.s32 $0x1CA00  }
0x3ff: {  	[tilespmem:s21], [sflag:$0x18] =	stream.indirect_vreg.gather [hbm4b:s1+s4], $0x80, v2, vm0, $0xb8;
	[tilespmem:$0x1E200] =	vst v63  }
0x400: {  	s22 =	simm.s32 $0x1D200  }
0x401: {  	[tilespmem:s22], [sflag:$0x18] =	stream.indirect_vreg.gather [hbm4b:s24+s4], $0x80, v2, vm0, $0xb8;
	[tilespmem:$0x1E200] =	vst v63  }
0x402: {  	s30 =	simm.s32 $0x1DA00;
	s31 =	simm.s32 $0x2  }
0x403: {  	[tilespmem:s30], [sflag:$0x18] =	stream.indirect_vreg.gather [hbm4b:s26+s4], $0x80, v2, vm0, $0xb8;
	[tilespmem:$0x1E200] =	vst v63  }
0x404: {  	_ =	swait.ge [sflag:s31], $0x1800  }
0x405: {  	[sflag:s31] =	ssyncset.done $0x0  }
0x406: {  	[sflag:s31] =	ssyncadd.s32 $0xFFFFE800  }
0x407: {  	_ =	swait.ge [sflag:s23], $0x1800  }
0x408: {  	s4 =	smulhi.u32 $0xAAAAAAAB, s4;
	[sflag:s23] =	ssyncset.done $0x0  }
0x409: {  	s5 =	simm.s32 $0x0;
	[sflag:s23] =	ssyncadd.s32 $0xFFFFE800  }
0x40a: {  	s2 =	sshrl.u32 s4, $0x5;
	s4 =	smul.u32 $0xAAAB, s5;
	_ =	swait.ge [sflag:s23], $0x1800  }
0x40b: {  	s2 =	smul.u32 $0x1800, s2;
	[sflag:s23] =	ssyncset.done $0x0  }
0x40c: {  	s7 =	simm.s32 $0x30;
	[sflag:s23] =	ssyncadd.s32 $0xFFFFE800  }
0x40d: {  	s6 =	sshrl.u32 s4, $0x18;
	s2 =	ssub.s32 $0x0, s2;
	_ =	swait.ge [sflag:s23], $0x1800  }
0x40e: {  	s5 =	smul.u32 $0x1800, s6;
	s6 =	sadd.s32 $0x180, s2;
	[sflag:s23] =	ssyncset.done $0x0  }
0x40f: {  	s7 =	sand.u32 $0x70, s7;
	s6 =	sand.u32 $0xFFFFFC00, s6;
	[sflag:s23] =	ssyncadd.s32 $0xFFFFE800  }
0x410: {  	s4 =	sshrl.u32 s4, $0xE;
	s6 =	sadd.s32 s5, s6;
	_ =	swait.ge [sflag:s23], $0x1800  }
0x411: {  	s18 =	sand.u32 $0x380, s4;
	s7 =	sor.u32 s7, s6;
	[sflag:s23] =	ssyncset.done $0x0  }
0x412: {  	s20 =	sor.u32 s18, s7;
	[sflag:s23] =	ssyncadd.s32 $0xFFFFE800  }
0x413: {  	s12 =	sadd.s32 $0x80, s2;
	v2 =	vld [tilespmem:s20+$0x10A00]  }
0x414: {  	s14 =	simm.s32 $0x10;
	s4 =	sand.u32 $0xFFFFFC00, s12;
	v3 =	vld [tilespmem:s20+$0xC200]  }
0x415: {  	s4 =	sadd.s32 s5, s4;
	s6 =	sand.u32 $0x50, s14;
	v4 =	vld [tilespmem:s20+$0x1A00]  }
0x416: {  	s4 =	sor.u32 s6, s4;
	v5 =	vld [tilespmem:s20+$0xDA00]  }
0x417: {  	s19 =	sadd.s32 $0x100, s2;
	s4 =	sor.u32 s18, s4;
	v6 =	vld [tilespmem:s20+$0xF200]  }
0x418: {  	s21 =	simm.s32 $0x20;
	s6 =	sand.u32 $0xFFFFFC00, s19;
	v7 =	vld [tilespmem:s4+$0xC200]  }
0x419: {  	s7 =	sand.u32 $0x60, s21;
	s6 =	sadd.s32 s5, s6;
	v8 =	vld [tilespmem:s4+$0xDA00]  }
0x41a: {  	s6 =	sor.u32 s7, s6;
	v9 =	vld [tilespmem:s4+$0xF200]  }
0x41b: {  	s22 =	simm.s32 $0x4;
	s14 =	sor.u32 s18, s6;
	v10 =	vld [tilespmem:s4+$0x10A00]  }
0x41c: {  	s30 =	simm.s32 $0x0;
	s2 =	sand.u32 $0xFFFFFC00, s2;
	s6 =	smulhi.u32 $0xAAAAAAAB, s22;
	v11 =	vld [tilespmem:s14+$0xC200]  }
0x41d: {  	s31 =	sand.u32 $0x40, s30;
	s2 =	sadd.s32 s5, s2;
	s12 =	simm.s32 $0x4;
	v12 =	vld [tilespmem:s14+$0xDA00]  }
0x41e: {  	s2 =	sor.u32 s31, s2;
	s7 =	smul.u32 $0xAAAB, s12;
	s6 =	sshrl.u32 s6, $0x5;
	v13 =	vld [tilespmem:s14+$0xF200]  }
0x41f: {  	s22 =	sor.u32 s18, s2;
	s19 =	smul.u32 $0x1800, s6;
	v14 =	vld [tilespmem:s14+$0x10A00]  }
0x420: {  	v15 =	vld [tilespmem:s22+$0xC200]  }
0x421: {  	s21 =	sshrl.u32 s7, $0x18;
	v16 =	vld [tilespmem:s22+$0xDA00];
	s2 =	ssub.s32 $0x200, s19  }
0x422: {  	s21 =	smul.u32 $0x1800, s21;
	v17 =	vld [tilespmem:s22+$0xF200];
	s30 =	sadd.s32 $0x180, s2;
	v2 =	vmul.f32 $2.771281240e+01, v2  }
0x423: {  	v19 =	vld [tilespmem:s4+$0x1A00];
	s19 =	simm.s32 $0x70;
	s5 =	sand.u32 $0xFFFFFC00, s30;
	v3 =	vmul.f32 $2.771281240e+01, v3;
	v5 =	vmul.f32 $2.771281240e+01, v5  }
0x424: {  	s6 =	sshrl.u32 s7, $0xE;
	v20 =	vld [tilespmem:s14+$0x1A00];
	s31 =	sand.u32 $0x70, s19;
	v6 =	vmul.f32 $2.771281240e+01, v6;
	v7 =	vmul.f32 $2.771281240e+01, v7;
	s5 =	sadd.s32 s21, s5  }
0x425: {  	v18 =	vld [tilespmem:s22+$0x10A00];
	s28 =	sand.u32 $0x380, s6;
	v8 =	vmul.f32 $2.771281240e+01, v8;
	v9 =	vmul.f32 $2.771281240e+01, v9;
	s5 =	sor.u32 s31, s5;
	v2 =	vadd.f32 v2, v4  }
0x426: {  	v21 =	vld [tilespmem:s22+$0x1A00];
	v10 =	vmul.f32 $2.771281240e+01, v10;
	v11 =	vmul.f32 $2.771281240e+01, v11;
	v3 =	vadd.f32 v3, v4;
	s18 =	sor.u32 s28, s5  }
0x427: {  	s6 =	sadd.s32 $0x80, s2;
	[tilespmem:s20+$0x10A00] =	vst v2;
	v2 =	vadd.f32 v5, v4;
	v5 =	vmul.f32 $2.771281240e+01, v12;
	v12 =	vmul.f32 $2.771281240e+01, v13;
	v13 =	vld [tilespmem:s18+$0x10A00]  }
0x428: {  	s7 =	simm.s32 $0x50;
	s5 =	sand.u32 $0xFFFFFC00, s6;
	v7 =	vadd.f32 v7, v19;
	v4 =	vadd.f32 v6, v4;
	[tilespmem:s20+$0xC200] =	vst v3;
	v3 =	vmul.f32 $2.771281240e+01, v14;
	v14 =	vld [tilespmem:s18+$0xC200]  }
0x429: {  	s6 =	sand.u32 $0x50, s7;
	v8 =	vadd.f32 v8, v19;
	v22 =	vadd.f32 v11, v20;
	s5 =	sadd.s32 s21, s5;
	v6 =	vmul.f32 $2.771281240e+01, v15;
	[tilespmem:s20+$0xDA00] =	vst v2;
	v2 =	vld [tilespmem:s18+$0x1A00]  }
0x42a: {  	s30 =	sadd.s32 $0x100, s2;
	s2 =	sand.u32 $0xFFFFFC00, s2;
	v15 =	vmul.f32 $2.771281240e+01, v16;
	s5 =	sor.u32 s6, s5;
	v16 =	vadd.f32 v9, v19;
	[tilespmem:s20+$0xF200] =	vst v4;
	v4 =	vmul.f32 $2.771281240e+01, v17;
	v17 =	vld [tilespmem:s18+$0xDA00]  }
0x42b: {  	v18 =	vmul.f32 $2.771281240e+01, v18;
	s2 =	sadd.s32 s21, s2;
	v19 =	vadd.f32 v10, v19;
	v9 =	vld [tilespmem:s18+$0xF200];
	[tilespmem:s4+$0xC200] =	vst v7;
	s20 =	sor.u32 s28, s5;
	v10 =	vadd.f32 v5, v20  }
0x42c: {  	s31 =	sand.u32 $0xFFFFFC00, s30;
	s30 =	simm.s32 $0x60;
	s7 =	simm.s32 $0x40;
	[tilespmem:s4+$0xDA00] =	vst v8;
	v12 =	vadd.f32 v12, v20;
	v8 =	vadd.f32 v3, v20;
	v7 =	vld [tilespmem:s20+$0xC200];
	v5 =	vmul.f32 $2.771281240e+01, v13  }
0x42d: {  	s6 =	sadd.s32 s21, s31;
	s5 =	sand.u32 $0x40, s7;
	s7 =	sand.u32 $0x60, s30;
	v6 =	vadd.f32 v6, v21;
	v3 =	vadd.f32 v15, v21;
	[tilespmem:s4+$0xF200] =	vst v16;
	v11 =	vld [tilespmem:s20+$0xDA00];
	v63 =	vmul.f32 $2.771281240e+01, v14  }
0x42e: {  	[tilespmem:s4+$0x10A00] =	vst v19;
	s4 =	simm.s32 $0x200;
	s2 =	sor.u32 s5, s2;
	s31 =	sor.u32 s7, s6;
	v4 =	vadd.f32 v4, v21;
	v13 =	vld [tilespmem:s20+$0xF200];
	v16 =	vadd.f32 v5, v2  }
0x42f: {  	[tilespmem:s14+$0xC200] =	vst v22;
	s21 =	sor.u32 s28, s2;
	s29 =	sor.u32 s28, s31;
	s28 =	simm.s32 $0x8;
	v14 =	vld [tilespmem:s20+$0x10A00];
	v15 =	vadd.f32 v63, v2;
	v17 =	vmul.f32 $2.771281240e+01, v17;
	v5 =	vadd.f32 v18, v21  }
.LBB2_12:
0x430: {  	s2 =	smulhi.u32 $0xAAAAAAAB, s28;
	v18 =	vld [tilespmem:s29+$0xC200];
	v9 =	vmul.f32 $2.771281240e+01, v9;
	[tilespmem:s18+$0x10A00] =	vst v16  }
0x431: {  	s12 =	sadd.s32 $0x4, s12;
	v7 =	vmul.f32 $2.771281240e+01, v7;
	v16 =	vld [tilespmem:s29+$0xDA00];
	v17 =	vadd.f32 v17, v2;
	[tilespmem:s14+$0xDA00] =	vst v10  }
0x432: {  	s5 =	smul.u32 $0xAAAB, s12;
	p0 =	slt.u32 s12, $0x17C;
	s2 =	sshrl.u32 s2, $0x5;
	v10 =	vmul.f32 $2.771281240e+01, v11;
	v11 =	vld [tilespmem:s29+$0xF200];
	v2 =	vadd.f32 v9, v2;
	[tilespmem:s14+$0xF200] =	vst v12  }
0x433: {  	s2 =	smul.u32 $0x1800, s2;
	v9 =	vmul.f32 $2.771281240e+01, v13;
	v12 =	vld [tilespmem:s29+$0x10A00];
	[tilespmem:s14+$0x10A00] =	vst v8;
	s14 =	smov.u32 s29  }
0x434: {  	s4 =	sadd.s32 $0x200, s4;
	v8 =	vld [tilespmem:s21+$0xC200];
	v13 =	vmul.f32 $2.771281240e+01, v14;
	[tilespmem:s18+$0xC200] =	vst v15  }
0x435: {  	s19 =	sadd.s32 $0x40, s19;
	s6 =	sshrl.u32 s5, $0x18;
	s2 =	ssub.s32 s4, s2;
	v14 =	vld [tilespmem:s21+$0xDA00];
	v15 =	vmul.f32 $2.771281240e+01, v18;
	[tilespmem:s18+$0xDA00] =	vst v17  }
0x436: {  	s6 =	smul.u32 $0x1800, s6;
	s7 =	sadd.s32 $0x80, s2;
	s29 =	sadd.s32 $0x180, s2;
	v17 =	vld [tilespmem:s21+$0xF200];
	v16 =	vmul.f32 $2.771281240e+01, v16;
	[tilespmem:s18+$0xF200] =	vst v2  }
0x437: {  	s30 =	sand.u32 $0x70, s19;
	s18 =	sadd.s32 $0x100, s2;
	s29 =	sand.u32 $0xFFFFFC00, s29;
	v2 =	vld [tilespmem:s21+$0x10A00];
	v11 =	vmul.f32 $2.771281240e+01, v11;
	[tilespmem:s22+$0xC200] =	vst v6  }
0x438: {  	s31 =	sadd.s32 $0xFFFFFFF0, s19;
	s5 =	sshrl.u32 s5, $0xE;
	s29 =	sadd.s32 s6, s29;
	v6 =	vld [tilespmem:s20+$0x1A00];
	v18 =	vmul.f32 $2.771281240e+01, v12;
	[tilespmem:s22+$0xDA00] =	vst v3  }
0x439: {  	s5 =	sand.u32 $0x380, s5;
	s7 =	sand.u32 $0xFFFFFC00, s7;
	s29 =	sor.u32 s30, s29;
	v3 =	vmul.f32 $2.771281240e+01, v8;
	v8 =	vld [tilespmem:s14+$0x1A00];
	[tilespmem:s22+$0xF200] =	vst v4  }
0x43a: {  	s2 =	sand.u32 $0xFFFFFC00, s2;
	s30 =	sand.u32 $0xFFFFFC00, s18;
	s18 =	sor.u32 s5, s29;
	v19 =	vld [tilespmem:s21+$0x1A00];
	v4 =	vmul.f32 $2.771281240e+01, v14;
	[tilespmem:s22+$0x10A00] =	vst v5  }
0x43b: {  	s2 =	sadd.s32 s6, s2;
	s22 =	sadd.s32 $0xFFFFFFD0, s19;
	s29 =	sadd.s32 $0xFFFFFFE0, s19;
	v5 =	vld [tilespmem:s18+$0x10A00]  }
0x43c: {  	s7 =	sadd.s32 s6, s7;
	s6 =	sadd.s32 s6, s30;
	s30 =	sand.u32 $0x60, s31;
	v17 =	vmul.f32 $2.771281240e+01, v17;
	v14 =	vld [tilespmem:s18+$0xC200];
	v20 =	vmul.f32 $2.771281240e+01, v2  }
0x43d: {  	s22 =	sand.u32 $0x40, s22;
	s29 =	sand.u32 $0x50, s29;
	s6 =	sor.u32 s30, s6;
	v2 =	vld [tilespmem:s18+$0x1A00];
	v7 =	vadd.f32 v7, v6;
	v12 =	vadd.f32 v10, v6  }
0x43e: {  	s2 =	sor.u32 s22, s2;
	s7 =	sor.u32 s29, s7;
	s29 =	sor.u32 s5, s6;
	v22 =	vadd.f32 v9, v6;
	v23 =	vadd.f32 v13, v6;
	v21 =	vld [tilespmem:s18+$0xDA00]  }
.Ltmp5:
0x43f: {  	s2 =	sor.u32 s5, s2;
	s7 =	sor.u32 s5, s7;
	v24 =	vadd.f32 v15, v8;
	v10 =	vadd.f32 v16, v8;
	v9 =	vld [tilespmem:s18+$0xF200];
	[tilespmem:s20+$0xC200] =	vst v7;
	(pc) =	sbr.rel @p0 .LBB2_12-.Ltmp5, $4  }
0x440: {  	s22 =	smov.u32 s21;
	s21 =	smov.u32 s2;
	v7 =	vld [tilespmem:s7+$0xC200];
	v5 =	vmul.f32 $2.771281240e+01, v5;
	[tilespmem:s20+$0xDA00] =	vst v12;
	v12 =	vadd.f32 v11, v8;
	v8 =	vadd.f32 v18, v8  }
0x441: {  	v6 =	vadd.f32 v3, v19;
	v3 =	vadd.f32 v4, v19;
	v11 =	vld [tilespmem:s7+$0xDA00];
	v15 =	vmul.f32 $2.771281240e+01, v14;
	[tilespmem:s20+$0xF200] =	vst v22  }
0x442: {  	v4 =	vadd.f32 v17, v19;
	v13 =	vld [tilespmem:s7+$0xF200];
	v16 =	vadd.f32 v5, v2;
	[tilespmem:s20+$0x10A00] =	vst v23;
	s20 =	smov.u32 s7  }
0x443: {  	s28 =	sadd.s32 $0x4, s28;
	v5 =	vadd.f32 v20, v19;
	v14 =	vld [tilespmem:s20+$0x10A00];
	v15 =	vadd.f32 v15, v2;
	v17 =	vmul.f32 $2.771281240e+01, v21;
	[tilespmem:s14+$0xC200] =	vst v24  }
0x444: {  	[tilespmem:s18+$0x10A00] =	vst v16  }
0x445: {  	[tilespmem:s14+$0xDA00] =	vst v10  }
0x446: {  	[tilespmem:s14+$0xF200] =	vst v12  }
0x447: {  	v10 =	vld [tilespmem:s29+$0xC200];
	[tilespmem:s14+$0x10A00] =	vst v8  }
0x448: {  	v9 =	vmul.f32 $2.771281240e+01, v9;
	v8 =	vld [tilespmem:s20+$0x1A00];
	[tilespmem:s22+$0xC200] =	vst v6  }
0x449: {  	[tilespmem:s22+$0xDA00] =	vst v3;
	v3 =	vld [tilespmem:s29+$0x1A00];
	v12 =	vadd.f32 v17, v2  }
0x44a: {  	[tilespmem:s22+$0xF200] =	vst v4;
	v2 =	vadd.f32 v9, v2;
	v9 =	vld [tilespmem:s29+$0xDA00]  }
0x44b: {  	v6 =	vmul.f32 $2.771281240e+01, v11;
	[tilespmem:s18+$0xDA00] =	vst v12;
	v12 =	vld [tilespmem:s29+$0xF200]  }
0x44c: {  	v11 =	vmul.f32 $2.771281240e+01, v13;
	v13 =	vld [tilespmem:s21+$0xC200];
	[tilespmem:s18+$0xF200] =	vst v2;
	v2 =	vmul.f32 $2.771281240e+01, v7  }
0x44d: {  	[tilespmem:s22+$0x10A00] =	vst v5;
	v7 =	vld [tilespmem:s29+$0x10A00];
	v5 =	vadd.f32 v6, v8  }
0x44e: {  	[tilespmem:s18+$0xC200] =	vst v15;
	v4 =	vmul.f32 $2.771281240e+01, v14;
	v14 =	vld [tilespmem:s21+$0xDA00];
	v2 =	vadd.f32 v2, v8  }
0x44f: {  	v6 =	vmul.f32 $2.771281240e+01, v10;
	v10 =	vld [tilespmem:s21+$0xF200];
	v11 =	vadd.f32 v11, v8;
	[tilespmem:s20+$0xDA00] =	vst v5  }
0x450: {  	v4 =	vadd.f32 v4, v8;
	[tilespmem:s20+$0xC200] =	vst v2;
	v2 =	vmul.f32 $2.771281240e+01, v9;
	v9 =	vld [tilespmem:s21+$0x1A00]  }
0x451: {  	v5 =	vld [tilespmem:s21+$0x10A00];
	v6 =	vadd.f32 v6, v3;
	[tilespmem:s20+$0xF200] =	vst v11;
	v8 =	vmul.f32 $2.771281240e+01, v12  }
0x452: {  	[tilespmem:s20+$0x10A00] =	vst v4;
	v7 =	vmul.f32 $2.771281240e+01, v7;
	v2 =	vadd.f32 v2, v3  }
0x453: {  	v4 =	vmul.f32 $2.771281240e+01, v13;
	[tilespmem:s29+$0xC200] =	vst v6;
	v8 =	vadd.f32 v8, v3  }
0x454: {  	v6 =	vmul.f32 $2.771281240e+01, v14;
	v3 =	vadd.f32 v7, v3;
	[tilespmem:s29+$0xDA00] =	vst v2  }
0x455: {  	v2 =	vmul.f32 $2.771281240e+01, v10;
	[tilespmem:s29+$0xF200] =	vst v8;
	v4 =	vadd.f32 v4, v9  }
0x456: {  	v5 =	vmul.f32 $2.771281240e+01, v5;
	v6 =	vadd.f32 v6, v9;
	[tilespmem:s29+$0x10A00] =	vst v3  }
0x457: {  	v2 =	vadd.f32 v2, v9;
	[tilespmem:s21+$0xC200] =	vst v4  }
0x458: {  	v3 =	vadd.f32 v5, v9;
	[tilespmem:s21+$0xDA00] =	vst v6  }
0x459: {  	[tilespmem:s21+$0xF200] =	vst v2  }
0x45a: {  	[tilespmem:s21+$0x10A00] =	vst v3  }
0x45b: {  	s4 =	rddreg [dreg:$0x16]  }
0x45c: {  	s2 =	simm.s32 $0x0;
	s5 =	simm.s32 $0xC200;
	s18 =	sld [smem:$0x7F5]  }
0x45d: {  	[hbm4b:s4+s2] =	stream.linear.scatter [tilespmem:s5], [sflag:$0x9], $0x1800, $0x38;
	[tilespmem:$0x1E200] =	vst v63  }
0x45e: {  	s19 =	simm.s32 $0xDA00;
	s20 =	sld [smem:$0x7F6]  }
0x45f: {  	[hbm4b:s18+s2] =	stream.linear.scatter [tilespmem:s19], [sflag:$0xA], $0x1800, $0x38;
	[tilespmem:$0x1E200] =	vst v63  }
0x460: {  	s21 =	simm.s32 $0xF200;
	s22 =	sld [smem:$0x7F7]  }
0x461: {  	[hbm4b:s20+s2] =	stream.linear.scatter [tilespmem:s21], [sflag:$0xB], $0x1800, $0x38;
	[tilespmem:$0x1E200] =	vst v63  }
0x462: {  	s30 =	simm.s32 $0x10A00;
	s31 =	simm.s32 $0x3  }
0x463: {  	[hbm4b:s22+s2] =	stream.linear.scatter [tilespmem:s30], [sflag:$0xC], $0x1800, $0x38;
	[tilespmem:$0x1E200] =	vst v63  }
0x464: {  	_ =	swait.ge [sflag:s31], $0x1800  }
0x465: {  	[sflag:s31] =	ssyncset.done $0x0  }
0x466: {  	[sflag:s31] =	ssyncadd.s32 $0xFFFFE800  }
0x467: {  	_ =	swait.ge [sflag:s11], $0x1800  }
0x468: {  	s2 =	smulhi.u32 $0xAAAAAAAB, s2;
	[sflag:s11] =	ssyncset.done $0x0  }
0x469: {  	s5 =	simm.s32 $0x0;
	[sflag:s11] =	ssyncadd.s32 $0xFFFFE800  }
0x46a: {  	s4 =	smul.u32 $0xAAAB, s5;
	s2 =	sshrl.u32 s2, $0x5;
	_ =	swait.ge [sflag:s11], $0x1800  }
0x46b: {  	s2 =	smul.u32 $0x1800, s2;
	[sflag:s11] =	ssyncset.done $0x0  }
0x46c: {  	s7 =	simm.s32 $0x30;
	[sflag:s11] =	ssyncadd.s32 $0xFFFFE800  }
0x46d: {  	s6 =	sshrl.u32 s4, $0x18;
	s2 =	ssub.s32 $0x0, s2;
	_ =	swait.ge [sflag:s11], $0x1800  }
0x46e: {  	s5 =	smul.u32 $0x1800, s6;
	s6 =	sadd.s32 $0x180, s2;
	[sflag:s11] =	ssyncset.done $0x0  }
0x46f: {  	s7 =	sand.u32 $0x70, s7;
	s6 =	sand.u32 $0xFFFFFC00, s6;
	[sflag:s11] =	ssyncadd.s32 $0xFFFFE800  }
0x470: {  	s4 =	sshrl.u32 s4, $0xE;
	s6 =	sadd.s32 s5, s6;
	_ =	swait.ge [sflag:s11], $0x1800  }
0x471: {  	s18 =	sand.u32 $0x380, s4;
	s7 =	sor.u32 s7, s6;
	[sflag:s11] =	ssyncset.done $0x0  }
0x472: {  	s4 =	sor.u32 s18, s7;
	[sflag:s11] =	ssyncadd.s32 $0xFFFFE800  }
0x473: {  	s12 =	sadd.s32 $0x80, s2;
	v2 =	vld [tilespmem:s4+$0x16A00]  }
0x474: {  	s14 =	simm.s32 $0x10;
	s6 =	sand.u32 $0xFFFFFC00, s12;
	v3 =	vld [tilespmem:s4+$0x12200]  }
0x475: {  	s6 =	sadd.s32 s5, s6;
	s7 =	sand.u32 $0x50, s14;
	v4 =	vld [tilespmem:s4+$0x3200]  }
0x476: {  	s6 =	sor.u32 s7, s6;
	v5 =	vld [tilespmem:s4+$0x13A00]  }
0x477: {  	s19 =	sadd.s32 $0x100, s2;
	s21 =	sor.u32 s18, s6;
	v6 =	vld [tilespmem:s4+$0x15200]  }
0x478: {  	s22 =	simm.s32 $0x20;
	s20 =	sand.u32 $0xFFFFFC00, s19;
	v7 =	vld [tilespmem:s21+$0x12200]  }
0x479: {  	s7 =	sand.u32 $0x60, s22;
	s6 =	sadd.s32 s5, s20;
	v8 =	vld [tilespmem:s21+$0x13A00]  }
0x47a: {  	s6 =	sor.u32 s7, s6;
	v9 =	vld [tilespmem:s21+$0x15200]  }
0x47b: {  	s30 =	simm.s32 $0x4;
	s14 =	sor.u32 s18, s6;
	v10 =	vld [tilespmem:s21+$0x16A00]  }
0x47c: {  	s31 =	simm.s32 $0x0;
	s2 =	sand.u32 $0xFFFFFC00, s2;
	s6 =	smulhi.u32 $0xAAAAAAAB, s30;
	v11 =	vld [tilespmem:s14+$0x12200]  }
0x47d: {  	s2 =	sadd.s32 s5, s2;
	s12 =	simm.s32 $0x4;
	s7 =	sand.u32 $0x40, s31;
	v12 =	vld [tilespmem:s14+$0x13A00]  }
0x47e: {  	s20 =	smul.u32 $0xAAAB, s12;
	s2 =	sor.u32 s7, s2;
	s19 =	sshrl.u32 s6, $0x5;
	v13 =	vld [tilespmem:s14+$0x15200]  }
0x47f: {  	s22 =	sor.u32 s18, s2;
	v14 =	vld [tilespmem:s14+$0x16A00];
	s30 =	smul.u32 $0x1800, s19  }
0x480: {  	v15 =	vld [tilespmem:s22+$0x12200]  }
0x481: {  	s31 =	sshrl.u32 s20, $0x18;
	v16 =	vld [tilespmem:s22+$0x13A00];
	s2 =	ssub.s32 $0x200, s30  }
0x482: {  	s28 =	smul.u32 $0x1800, s31;
	v17 =	vld [tilespmem:s22+$0x15200];
	s7 =	sadd.s32 $0x180, s2;
	v2 =	vmul.f32 $2.771281240e+01, v2  }
0x483: {  	v19 =	vld [tilespmem:s21+$0x3200];
	s19 =	simm.s32 $0x70;
	v3 =	vmul.f32 $2.771281240e+01, v3;
	v5 =	vmul.f32 $2.771281240e+01, v5;
	s5 =	sand.u32 $0xFFFFFC00, s7  }
0x484: {  	s6 =	sshrl.u32 s20, $0xE;
	v20 =	vld [tilespmem:s14+$0x3200];
	s18 =	sand.u32 $0x70, s19;
	v6 =	vmul.f32 $2.771281240e+01, v6;
	v7 =	vmul.f32 $2.771281240e+01, v7;
	s5 =	sadd.s32 s28, s5  }
0x485: {  	v18 =	vld [tilespmem:s22+$0x16A00];
	s29 =	sand.u32 $0x380, s6;
	v8 =	vmul.f32 $2.771281240e+01, v8;
	v9 =	vmul.f32 $2.771281240e+01, v9;
	v2 =	vadd.f32 v2, v4;
	s5 =	sor.u32 s18, s5  }
0x486: {  	v21 =	vld [tilespmem:s22+$0x3200];
	v10 =	vmul.f32 $2.771281240e+01, v10;
	v11 =	vmul.f32 $2.771281240e+01, v11;
	v3 =	vadd.f32 v3, v4;
	s18 =	sor.u32 s29, s5  }
0x487: {  	s20 =	sadd.s32 $0x80, s2;
	[tilespmem:s4+$0x16A00] =	vst v2;
	v2 =	vadd.f32 v5, v4;
	v5 =	vmul.f32 $2.771281240e+01, v12;
	v12 =	vmul.f32 $2.771281240e+01, v13;
	v13 =	vld [tilespmem:s18+$0x16A00]  }
0x488: {  	s30 =	simm.s32 $0x50;
	v7 =	vadd.f32 v7, v19;
	s5 =	sand.u32 $0xFFFFFC00, s20;
	v4 =	vadd.f32 v6, v4;
	[tilespmem:s4+$0x12200] =	vst v3;
	v3 =	vmul.f32 $2.771281240e+01, v14;
	v14 =	vld [tilespmem:s18+$0x12200]  }
0x489: {  	s6 =	sand.u32 $0x50, s30;
	v8 =	vadd.f32 v8, v19;
	v22 =	vadd.f32 v11, v20;
	v6 =	vmul.f32 $2.771281240e+01, v15;
	s5 =	sadd.s32 s28, s5;
	[tilespmem:s4+$0x13A00] =	vst v2;
	v2 =	vld [tilespmem:s18+$0x3200]  }
0x48a: {  	s31 =	sadd.s32 $0x100, s2;
	v15 =	vmul.f32 $2.771281240e+01, v16;
	v16 =	vadd.f32 v9, v19;
	s5 =	sor.u32 s6, s5;
	[tilespmem:s4+$0x15200] =	vst v4;
	v4 =	vmul.f32 $2.771281240e+01, v17;
	v17 =	vld [tilespmem:s18+$0x13A00]  }
0x48b: {  	s2 =	sand.u32 $0xFFFFFC00, s2;
	v18 =	vmul.f32 $2.771281240e+01, v18;
	s7 =	simm.s32 $0x60;
	v19 =	vadd.f32 v10, v19;
	v9 =	vld [tilespmem:s18+$0x15200];
	[tilespmem:s21+$0x12200] =	vst v7;
	s20 =	sor.u32 s29, s5;
	v10 =	vadd.f32 v5, v20  }
0x48c: {  	s2 =	sadd.s32 s28, s2;
	[tilespmem:s21+$0x13A00] =	vst v8;
	s6 =	simm.s32 $0x40;
	s4 =	sand.u32 $0xFFFFFC00, s31;
	v12 =	vadd.f32 v12, v20;
	v8 =	vadd.f32 v3, v20;
	v7 =	vld [tilespmem:s20+$0x12200];
	v5 =	vmul.f32 $2.771281240e+01, v13  }
0x48d: {  	[tilespmem:s14+$0x12200] =	vst v22;
	s5 =	sand.u32 $0x40, s6;
	s6 =	sand.u32 $0x60, s7;
	v6 =	vadd.f32 v6, v21;
	v3 =	vadd.f32 v15, v21;
	s30 =	sadd.s32 s28, s4;
	v11 =	vld [tilespmem:s20+$0x13A00];
	v63 =	vmul.f32 $2.771281240e+01, v14  }
0x48e: {  	[tilespmem:s21+$0x15200] =	vst v16;
	s4 =	simm.s32 $0x200;
	s2 =	sor.u32 s5, s2;
	s31 =	sor.u32 s6, s30;
	v4 =	vadd.f32 v4, v21;
	v13 =	vld [tilespmem:s20+$0x15200];
	v16 =	vadd.f32 v5, v2  }
0x48f: {  	[tilespmem:s21+$0x16A00] =	vst v19;
	s28 =	simm.s32 $0x8;
	s21 =	sor.u32 s29, s2;
	s29 =	sor.u32 s29, s31;
	v14 =	vld [tilespmem:s20+$0x16A00];
	v15 =	vadd.f32 v63, v2;
	v17 =	vmul.f32 $2.771281240e+01, v17;
	v5 =	vadd.f32 v18, v21  }
.LBB2_14:
0x490: {  	s2 =	smulhi.u32 $0xAAAAAAAB, s28;
	v18 =	vld [tilespmem:s29+$0x12200];
	v9 =	vmul.f32 $2.771281240e+01, v9;
	[tilespmem:s18+$0x16A00] =	vst v16  }
0x491: {  	s12 =	sadd.s32 $0x4, s12;
	v7 =	vmul.f32 $2.771281240e+01, v7;
	v16 =	vld [tilespmem:s29+$0x13A00];
	v17 =	vadd.f32 v17, v2;
	[tilespmem:s14+$0x13A00] =	vst v10  }
0x492: {  	s5 =	smul.u32 $0xAAAB, s12;
	p0 =	slt.u32 s12, $0x17C;
	s2 =	sshrl.u32 s2, $0x5;
	v10 =	vmul.f32 $2.771281240e+01, v11;
	v11 =	vld [tilespmem:s29+$0x15200];
	v2 =	vadd.f32 v9, v2;
	[tilespmem:s14+$0x15200] =	vst v12  }
0x493: {  	s2 =	smul.u32 $0x1800, s2;
	v9 =	vmul.f32 $2.771281240e+01, v13;
	v12 =	vld [tilespmem:s29+$0x16A00];
	[tilespmem:s14+$0x16A00] =	vst v8;
	s14 =	smov.u32 s29  }
0x494: {  	s4 =	sadd.s32 $0x200, s4;
	v8 =	vld [tilespmem:s21+$0x12200];
	v13 =	vmul.f32 $2.771281240e+01, v14;
	[tilespmem:s18+$0x12200] =	vst v15  }
0x495: {  	s19 =	sadd.s32 $0x40, s19;
	s6 =	sshrl.u32 s5, $0x18;
	s2 =	ssub.s32 s4, s2;
	v14 =	vld [tilespmem:s21+$0x13A00];
	v15 =	vmul.f32 $2.771281240e+01, v18;
	[tilespmem:s18+$0x13A00] =	vst v17  }
0x496: {  	s6 =	smul.u32 $0x1800, s6;
	s7 =	sadd.s32 $0x80, s2;
	s29 =	sadd.s32 $0x180, s2;
	v17 =	vld [tilespmem:s21+$0x15200];
	v16 =	vmul.f32 $2.771281240e+01, v16;
	[tilespmem:s18+$0x15200] =	vst v2  }
0x497: {  	s30 =	sand.u32 $0x70, s19;
	s18 =	sadd.s32 $0x100, s2;
	s29 =	sand.u32 $0xFFFFFC00, s29;
	v2 =	vld [tilespmem:s21+$0x16A00];
	v11 =	vmul.f32 $2.771281240e+01, v11;
	[tilespmem:s22+$0x12200] =	vst v6  }
0x498: {  	s31 =	sadd.s32 $0xFFFFFFF0, s19;
	s5 =	sshrl.u32 s5, $0xE;
	s29 =	sadd.s32 s6, s29;
	v6 =	vld [tilespmem:s20+$0x3200];
	v18 =	vmul.f32 $2.771281240e+01, v12;
	[tilespmem:s22+$0x13A00] =	vst v3  }
0x499: {  	s5 =	sand.u32 $0x380, s5;
	s7 =	sand.u32 $0xFFFFFC00, s7;
	s29 =	sor.u32 s30, s29;
	v3 =	vmul.f32 $2.771281240e+01, v8;
	v8 =	vld [tilespmem:s14+$0x3200];
	[tilespmem:s22+$0x15200] =	vst v4  }
0x49a: {  	s2 =	sand.u32 $0xFFFFFC00, s2;
	s30 =	sand.u32 $0xFFFFFC00, s18;
	s18 =	sor.u32 s5, s29;
	v19 =	vld [tilespmem:s21+$0x3200];
	v4 =	vmul.f32 $2.771281240e+01, v14;
	[tilespmem:s22+$0x16A00] =	vst v5  }
0x49b: {  	s2 =	sadd.s32 s6, s2;
	s22 =	sadd.s32 $0xFFFFFFD0, s19;
	s29 =	sadd.s32 $0xFFFFFFE0, s19;
	v5 =	vld [tilespmem:s18+$0x16A00]  }
0x49c: {  	s7 =	sadd.s32 s6, s7;
	s6 =	sadd.s32 s6, s30;
	s30 =	sand.u32 $0x60, s31;
	v17 =	vmul.f32 $2.771281240e+01, v17;
	v14 =	vld [tilespmem:s18+$0x12200];
	v20 =	vmul.f32 $2.771281240e+01, v2  }
0x49d: {  	s22 =	sand.u32 $0x40, s22;
	s29 =	sand.u32 $0x50, s29;
	s6 =	sor.u32 s30, s6;
	v2 =	vld [tilespmem:s18+$0x3200];
	v7 =	vadd.f32 v7, v6;
	v12 =	vadd.f32 v10, v6  }
0x49e: {  	s2 =	sor.u32 s22, s2;
	s7 =	sor.u32 s29, s7;
	s29 =	sor.u32 s5, s6;
	v22 =	vadd.f32 v9, v6;
	v23 =	vadd.f32 v13, v6;
	v21 =	vld [tilespmem:s18+$0x13A00]  }
.Ltmp6:
0x49f: {  	s2 =	sor.u32 s5, s2;
	s7 =	sor.u32 s5, s7;
	v24 =	vadd.f32 v15, v8;
	v10 =	vadd.f32 v16, v8;
	v9 =	vld [tilespmem:s18+$0x15200];
	[tilespmem:s20+$0x12200] =	vst v7;
	(pc) =	sbr.rel @p0 .LBB2_14-.Ltmp6, $4  }
0x4a0: {  	s22 =	smov.u32 s21;
	s21 =	smov.u32 s2;
	v7 =	vld [tilespmem:s7+$0x12200];
	v5 =	vmul.f32 $2.771281240e+01, v5;
	[tilespmem:s20+$0x13A00] =	vst v12;
	v12 =	vadd.f32 v11, v8;
	v8 =	vadd.f32 v18, v8  }
0x4a1: {  	v6 =	vadd.f32 v3, v19;
	v3 =	vadd.f32 v4, v19;
	v11 =	vld [tilespmem:s7+$0x13A00];
	v15 =	vmul.f32 $2.771281240e+01, v14;
	[tilespmem:s20+$0x15200] =	vst v22  }
0x4a2: {  	v4 =	vadd.f32 v17, v19;
	v13 =	vld [tilespmem:s7+$0x15200];
	v16 =	vadd.f32 v5, v2;
	[tilespmem:s20+$0x16A00] =	vst v23;
	s20 =	smov.u32 s7  }
0x4a3: {  	s28 =	sadd.s32 $0x4, s28;
	v5 =	vadd.f32 v20, v19;
	v14 =	vld [tilespmem:s20+$0x16A00];
	v15 =	vadd.f32 v15, v2;
	v17 =	vmul.f32 $2.771281240e+01, v21;
	[tilespmem:s14+$0x12200] =	vst v24  }
0x4a4: {  	[tilespmem:s18+$0x16A00] =	vst v16  }
0x4a5: {  	[tilespmem:s14+$0x13A00] =	vst v10  }
0x4a6: {  	[tilespmem:s14+$0x15200] =	vst v12  }
0x4a7: {  	v10 =	vld [tilespmem:s29+$0x12200];
	[tilespmem:s14+$0x16A00] =	vst v8  }
0x4a8: {  	v9 =	vmul.f32 $2.771281240e+01, v9;
	v8 =	vld [tilespmem:s20+$0x3200];
	[tilespmem:s22+$0x12200] =	vst v6  }
0x4a9: {  	[tilespmem:s22+$0x13A00] =	vst v3;
	v3 =	vld [tilespmem:s29+$0x3200];
	v12 =	vadd.f32 v17, v2  }
0x4aa: {  	[tilespmem:s22+$0x15200] =	vst v4;
	v2 =	vadd.f32 v9, v2;
	v9 =	vld [tilespmem:s29+$0x13A00]  }
0x4ab: {  	v6 =	vmul.f32 $2.771281240e+01, v11;
	[tilespmem:s18+$0x13A00] =	vst v12;
	v12 =	vld [tilespmem:s29+$0x15200]  }
0x4ac: {  	v11 =	vmul.f32 $2.771281240e+01, v13;
	v13 =	vld [tilespmem:s21+$0x12200];
	[tilespmem:s18+$0x15200] =	vst v2;
	v2 =	vmul.f32 $2.771281240e+01, v7  }
0x4ad: {  	[tilespmem:s22+$0x16A00] =	vst v5;
	v7 =	vld [tilespmem:s29+$0x16A00];
	v5 =	vadd.f32 v6, v8  }
0x4ae: {  	[tilespmem:s18+$0x12200] =	vst v15;
	v4 =	vmul.f32 $2.771281240e+01, v14;
	v14 =	vld [tilespmem:s21+$0x13A00];
	v2 =	vadd.f32 v2, v8  }
0x4af: {  	v6 =	vmul.f32 $2.771281240e+01, v10;
	v10 =	vld [tilespmem:s21+$0x15200];
	v11 =	vadd.f32 v11, v8;
	[tilespmem:s20+$0x13A00] =	vst v5  }
0x4b0: {  	v4 =	vadd.f32 v4, v8;
	[tilespmem:s20+$0x12200] =	vst v2;
	v2 =	vmul.f32 $2.771281240e+01, v9;
	v9 =	vld [tilespmem:s21+$0x3200]  }
0x4b1: {  	v5 =	vld [tilespmem:s21+$0x16A00];
	v6 =	vadd.f32 v6, v3;
	[tilespmem:s20+$0x15200] =	vst v11;
	v8 =	vmul.f32 $2.771281240e+01, v12  }
0x4b2: {  	[tilespmem:s20+$0x16A00] =	vst v4;
	v7 =	vmul.f32 $2.771281240e+01, v7;
	v2 =	vadd.f32 v2, v3  }
0x4b3: {  	v4 =	vmul.f32 $2.771281240e+01, v13;
	[tilespmem:s29+$0x12200] =	vst v6;
	v8 =	vadd.f32 v8, v3  }
0x4b4: {  	v6 =	vmul.f32 $2.771281240e+01, v14;
	v3 =	vadd.f32 v7, v3;
	[tilespmem:s29+$0x13A00] =	vst v2  }
0x4b5: {  	v2 =	vmul.f32 $2.771281240e+01, v10;
	[tilespmem:s29+$0x15200] =	vst v8;
	v4 =	vadd.f32 v4, v9  }
0x4b6: {  	v5 =	vmul.f32 $2.771281240e+01, v5;
	v6 =	vadd.f32 v6, v9;
	[tilespmem:s29+$0x16A00] =	vst v3  }
0x4b7: {  	v2 =	vadd.f32 v2, v9;
	[tilespmem:s21+$0x12200] =	vst v4  }
0x4b8: {  	v3 =	vadd.f32 v5, v9;
	[tilespmem:s21+$0x13A00] =	vst v6  }
0x4b9: {  	[tilespmem:s21+$0x15200] =	vst v2  }
0x4ba: {  	[tilespmem:s21+$0x16A00] =	vst v3  }
0x4bb: {  	s4 =	rddreg [dreg:$0x17]  }
0x4bc: {  	s2 =	simm.s32 $0x0;
	s5 =	simm.s32 $0x12200;
	s18 =	sld [smem:$0x7F8]  }
0x4bd: {  	[hbm4b:s4+s2] =	stream.linear.scatter [tilespmem:s5], [sflag:$0xD], $0x1800, $0x38;
	[tilespmem:$0x1E200] =	vst v63  }
0x4be: {  	s19 =	simm.s32 $0x13A00;
	s20 =	sld [smem:$0x7F9]  }
0x4bf: {  	[hbm4b:s18+s2] =	stream.linear.scatter [tilespmem:s19], [sflag:$0xE], $0x1800, $0x38;
	[tilespmem:$0x1E200] =	vst v63  }
0x4c0: {  	s21 =	simm.s32 $0x15200;
	s22 =	sld [smem:$0x7FA]  }
0x4c1: {  	[hbm4b:s20+s2] =	stream.linear.scatter [tilespmem:s21], [sflag:$0xF], $0x1800, $0x38;
	[tilespmem:$0x1E200] =	vst v63  }
0x4c2: {  	s30 =	simm.s32 $0x16A00;
	s31 =	simm.s32 $0x4  }
0x4c3: {  	[hbm4b:s22+s2] =	stream.linear.scatter [tilespmem:s30], [sflag:$0x10], $0x1800, $0x38;
	[tilespmem:$0x1E200] =	vst v63  }
0x4c4: {  	_ =	swait.ge [sflag:s31], $0x1800  }
0x4c5: {  	[sflag:s31] =	ssyncset.done $0x0  }
0x4c6: {  	[sflag:s31] =	ssyncadd.s32 $0xFFFFE800  }
0x4c7: {  	_ =	swait.ge [sflag:s0], $0x1800  }
0x4c8: {  	s2 =	smulhi.u32 $0xAAAAAAAB, s2;
	[sflag:s0] =	ssyncset.done $0x0  }
0x4c9: {  	s5 =	simm.s32 $0x0;
	[sflag:s0] =	ssyncadd.s32 $0xFFFFE800  }
0x4ca: {  	s4 =	smul.u32 $0xAAAB, s5;
	s2 =	sshrl.u32 s2, $0x5;
	_ =	swait.ge [sflag:s0], $0x1800  }
0x4cb: {  	s2 =	smul.u32 $0x1800, s2;
	[sflag:s0] =	ssyncset.done $0x0  }
0x4cc: {  	s7 =	simm.s32 $0x30;
	[sflag:s0] =	ssyncadd.s32 $0xFFFFE800  }
0x4cd: {  	s6 =	sshrl.u32 s4, $0x18;
	s2 =	ssub.s32 $0x0, s2;
	_ =	swait.ge [sflag:s0], $0x1800  }
0x4ce: {  	s5 =	smul.u32 $0x1800, s6;
	s6 =	sadd.s32 $0x180, s2;
	[sflag:s0] =	ssyncset.done $0x0  }
0x4cf: {  	s7 =	sand.u32 $0x70, s7;
	s6 =	sand.u32 $0xFFFFFC00, s6;
	[sflag:s0] =	ssyncadd.s32 $0xFFFFE800  }
0x4d0: {  	s4 =	sshrl.u32 s4, $0xE;
	s6 =	sadd.s32 s5, s6;
	_ =	swait.ge [sflag:s0], $0x1800  }
0x4d1: {  	s18 =	sand.u32 $0x380, s4;
	s7 =	sor.u32 s7, s6;
	[sflag:s0] =	ssyncset.done $0x0  }
0x4d2: {  	s4 =	sor.u32 s18, s7;
	[sflag:s0] =	ssyncadd.s32 $0xFFFFE800  }
0x4d3: {  	s12 =	sadd.s32 $0x80, s2;
	v2 =	vld [tilespmem:s4+$0x1CA00]  }
0x4d4: {  	s14 =	simm.s32 $0x10;
	s6 =	sand.u32 $0xFFFFFC00, s12;
	v3 =	vld [tilespmem:s4+$0x18200]  }
0x4d5: {  	s6 =	sadd.s32 s5, s6;
	s7 =	sand.u32 $0x50, s14;
	v4 =	vld [tilespmem:s4+$0x4A00]  }
0x4d6: {  	s6 =	sor.u32 s7, s6;
	v5 =	vld [tilespmem:s4+$0x19A00]  }
0x4d7: {  	s19 =	sadd.s32 $0x100, s2;
	s21 =	sor.u32 s18, s6;
	v6 =	vld [tilespmem:s4+$0x1B200]  }
0x4d8: {  	s22 =	simm.s32 $0x20;
	s20 =	sand.u32 $0xFFFFFC00, s19;
	v7 =	vld [tilespmem:s21+$0x18200]  }
0x4d9: {  	s7 =	sand.u32 $0x60, s22;
	s6 =	sadd.s32 s5, s20;
	v8 =	vld [tilespmem:s21+$0x19A00]  }
0x4da: {  	s6 =	sor.u32 s7, s6;
	v9 =	vld [tilespmem:s21+$0x1B200]  }
0x4db: {  	s30 =	simm.s32 $0x4;
	s14 =	sor.u32 s18, s6;
	v10 =	vld [tilespmem:s21+$0x1CA00]  }
0x4dc: {  	s31 =	simm.s32 $0x0;
	s2 =	sand.u32 $0xFFFFFC00, s2;
	s6 =	smulhi.u32 $0xAAAAAAAB, s30;
	v11 =	vld [tilespmem:s14+$0x18200]  }
0x4dd: {  	s2 =	sadd.s32 s5, s2;
	s12 =	simm.s32 $0x4;
	s7 =	sand.u32 $0x40, s31;
	v12 =	vld [tilespmem:s14+$0x19A00]  }
0x4de: {  	s20 =	smul.u32 $0xAAAB, s12;
	s2 =	sor.u32 s7, s2;
	s19 =	sshrl.u32 s6, $0x5;
	v13 =	vld [tilespmem:s14+$0x1B200]  }
0x4df: {  	s22 =	sor.u32 s18, s2;
	v14 =	vld [tilespmem:s14+$0x1CA00];
	s30 =	smul.u32 $0x1800, s19  }
0x4e0: {  	v15 =	vld [tilespmem:s22+$0x18200]  }
0x4e1: {  	s31 =	sshrl.u32 s20, $0x18;
	v16 =	vld [tilespmem:s22+$0x19A00];
	s2 =	ssub.s32 $0x200, s30  }
0x4e2: {  	s28 =	smul.u32 $0x1800, s31;
	v17 =	vld [tilespmem:s22+$0x1B200];
	s7 =	sadd.s32 $0x180, s2;
	v2 =	vmul.f32 $2.771281240e+01, v2  }
0x4e3: {  	v19 =	vld [tilespmem:s21+$0x4A00];
	s19 =	simm.s32 $0x70;
	v3 =	vmul.f32 $2.771281240e+01, v3;
	v5 =	vmul.f32 $2.771281240e+01, v5;
	s5 =	sand.u32 $0xFFFFFC00, s7  }
0x4e4: {  	s6 =	sshrl.u32 s20, $0xE;
	v20 =	vld [tilespmem:s14+$0x4A00];
	s18 =	sand.u32 $0x70, s19;
	v6 =	vmul.f32 $2.771281240e+01, v6;
	v7 =	vmul.f32 $2.771281240e+01, v7;
	s5 =	sadd.s32 s28, s5  }
0x4e5: {  	v18 =	vld [tilespmem:s22+$0x1CA00];
	s29 =	sand.u32 $0x380, s6;
	v8 =	vmul.f32 $2.771281240e+01, v8;
	v9 =	vmul.f32 $2.771281240e+01, v9;
	v2 =	vadd.f32 v2, v4;
	s5 =	sor.u32 s18, s5  }
0x4e6: {  	v21 =	vld [tilespmem:s22+$0x4A00];
	v10 =	vmul.f32 $2.771281240e+01, v10;
	v11 =	vmul.f32 $2.771281240e+01, v11;
	v3 =	vadd.f32 v3, v4;
	s18 =	sor.u32 s29, s5  }
0x4e7: {  	s20 =	sadd.s32 $0x80, s2;
	[tilespmem:s4+$0x1CA00] =	vst v2;
	v2 =	vadd.f32 v5, v4;
	v5 =	vmul.f32 $2.771281240e+01, v12;
	v12 =	vmul.f32 $2.771281240e+01, v13;
	v13 =	vld [tilespmem:s18+$0x1CA00]  }
0x4e8: {  	s30 =	simm.s32 $0x50;
	v7 =	vadd.f32 v7, v19;
	s5 =	sand.u32 $0xFFFFFC00, s20;
	v4 =	vadd.f32 v6, v4;
	[tilespmem:s4+$0x18200] =	vst v3;
	v3 =	vmul.f32 $2.771281240e+01, v14;
	v14 =	vld [tilespmem:s18+$0x18200]  }
0x4e9: {  	s6 =	sand.u32 $0x50, s30;
	v22 =	vadd.f32 v9, v19;
	v23 =	vadd.f32 v11, v20;
	v6 =	vmul.f32 $2.771281240e+01, v15;
	s5 =	sadd.s32 s28, s5;
	[tilespmem:s4+$0x19A00] =	vst v2;
	v2 =	vld [tilespmem:s18+$0x4A00]  }
0x4ea: {  	s31 =	sadd.s32 $0x100, s2;
	v15 =	vmul.f32 $2.771281240e+01, v16;
	v16 =	vadd.f32 v8, v19;
	s5 =	sor.u32 s6, s5;
	[tilespmem:s4+$0x1B200] =	vst v4;
	v4 =	vmul.f32 $2.771281240e+01, v17;
	v17 =	vld [tilespmem:s18+$0x19A00]  }
0x4eb: {  	s2 =	sand.u32 $0xFFFFFC00, s2;
	v18 =	vmul.f32 $2.771281240e+01, v18;
	s7 =	simm.s32 $0x60;
	v19 =	vadd.f32 v10, v19;
	v8 =	vld [tilespmem:s18+$0x1B200];
	[tilespmem:s21+$0x18200] =	vst v7;
	s20 =	sor.u32 s29, s5;
	v10 =	vadd.f32 v5, v20  }
0x4ec: {  	s2 =	sadd.s32 s28, s2;
	[tilespmem:s21+$0x1B200] =	vst v22;
	s6 =	simm.s32 $0x40;
	s4 =	sand.u32 $0xFFFFFC00, s31;
	v12 =	vadd.f32 v12, v20;
	v9 =	vadd.f32 v3, v20;
	v7 =	vld [tilespmem:s20+$0x18200];
	v24 =	vmul.f32 $2.771281240e+01, v13  }
0x4ed: {  	[tilespmem:s14+$0x18200] =	vst v23;
	s5 =	sand.u32 $0x40, s6;
	s6 =	sand.u32 $0x60, s7;
	v5 =	vadd.f32 v6, v21;
	v3 =	vadd.f32 v15, v21;
	s30 =	sadd.s32 s28, s4;
	v11 =	vld [tilespmem:s20+$0x19A00];
	v63 =	vmul.f32 $2.771281240e+01, v14  }
0x4ee: {  	[tilespmem:s21+$0x19A00] =	vst v16;
	v6 =	vadd.f32 v18, v21;
	s4 =	simm.s32 $0x200;
	s2 =	sor.u32 s5, s2;
	s31 =	sor.u32 s6, s30;
	v13 =	vld [tilespmem:s20+$0x1B200];
	v16 =	vadd.f32 v24, v2  }
0x4ef: {  	[tilespmem:s21+$0x1CA00] =	vst v19;
	s28 =	simm.s32 $0x8;
	v4 =	vadd.f32 v4, v21;
	s21 =	sor.u32 s29, s2;
	s29 =	sor.u32 s29, s31;
	v14 =	vld [tilespmem:s20+$0x1CA00];
	v15 =	vadd.f32 v63, v2;
	v17 =	vmul.f32 $2.771281240e+01, v17  }
.LBB2_16:
0x4f0: {  	s2 =	smulhi.u32 $0xAAAAAAAB, s28;
	v18 =	vld [tilespmem:s29+$0x18200];
	v8 =	vmul.f32 $2.771281240e+01, v8;
	[tilespmem:s18+$0x1CA00] =	vst v16  }
0x4f1: {  	s12 =	sadd.s32 $0x4, s12;
	v7 =	vmul.f32 $2.771281240e+01, v7;
	v16 =	vld [tilespmem:s29+$0x19A00];
	v17 =	vadd.f32 v17, v2;
	[tilespmem:s14+$0x19A00] =	vst v10  }
0x4f2: {  	s5 =	smul.u32 $0xAAAB, s12;
	p0 =	slt.u32 s12, $0x17C;
	s2 =	sshrl.u32 s2, $0x5;
	v10 =	vmul.f32 $2.771281240e+01, v11;
	v11 =	vld [tilespmem:s29+$0x1B200];
	v2 =	vadd.f32 v8, v2;
	[tilespmem:s14+$0x1B200] =	vst v12  }
0x4f3: {  	s2 =	smul.u32 $0x1800, s2;
	v8 =	vmul.f32 $2.771281240e+01, v13;
	v12 =	vld [tilespmem:s29+$0x1CA00];
	[tilespmem:s14+$0x1CA00] =	vst v9;
	s14 =	smov.u32 s29  }
0x4f4: {  	s4 =	sadd.s32 $0x200, s4;
	v9 =	vld [tilespmem:s21+$0x18200];
	v13 =	vmul.f32 $2.771281240e+01, v14;
	[tilespmem:s18+$0x18200] =	vst v15  }
0x4f5: {  	s19 =	sadd.s32 $0x40, s19;
	s6 =	sshrl.u32 s5, $0x18;
	s2 =	ssub.s32 s4, s2;
	v14 =	vld [tilespmem:s21+$0x19A00];
	v15 =	vmul.f32 $2.771281240e+01, v18;
	[tilespmem:s18+$0x19A00] =	vst v17  }
0x4f6: {  	s6 =	smul.u32 $0x1800, s6;
	s7 =	sadd.s32 $0x80, s2;
	s29 =	sadd.s32 $0x180, s2;
	v17 =	vld [tilespmem:s21+$0x1B200];
	v16 =	vmul.f32 $2.771281240e+01, v16;
	[tilespmem:s18+$0x1B200] =	vst v2  }
0x4f7: {  	s30 =	sand.u32 $0x70, s19;
	s18 =	sadd.s32 $0x100, s2;
	s29 =	sand.u32 $0xFFFFFC00, s29;
	v2 =	vld [tilespmem:s21+$0x1CA00];
	v11 =	vmul.f32 $2.771281240e+01, v11;
	[tilespmem:s22+$0x18200] =	vst v5  }
0x4f8: {  	s31 =	sadd.s32 $0xFFFFFFF0, s19;
	s5 =	sshrl.u32 s5, $0xE;
	s29 =	sadd.s32 s6, s29;
	v5 =	vld [tilespmem:s20+$0x4A00];
	v18 =	vmul.f32 $2.771281240e+01, v12;
	[tilespmem:s22+$0x19A00] =	vst v3  }
0x4f9: {  	s5 =	sand.u32 $0x380, s5;
	s7 =	sand.u32 $0xFFFFFC00, s7;
	s29 =	sor.u32 s30, s29;
	v3 =	vmul.f32 $2.771281240e+01, v9;
	v9 =	vld [tilespmem:s14+$0x4A00];
	[tilespmem:s22+$0x1B200] =	vst v4  }
0x4fa: {  	s2 =	sand.u32 $0xFFFFFC00, s2;
	s30 =	sand.u32 $0xFFFFFC00, s18;
	s18 =	sor.u32 s5, s29;
	v19 =	vld [tilespmem:s21+$0x4A00];
	v4 =	vmul.f32 $2.771281240e+01, v14;
	[tilespmem:s22+$0x1CA00] =	vst v6  }
0x4fb: {  	s2 =	sadd.s32 s6, s2;
	s22 =	sadd.s32 $0xFFFFFFD0, s19;
	s29 =	sadd.s32 $0xFFFFFFE0, s19;
	v6 =	vld [tilespmem:s18+$0x1CA00]  }
0x4fc: {  	s7 =	sadd.s32 s6, s7;
	s6 =	sadd.s32 s6, s30;
	s30 =	sand.u32 $0x60, s31;
	v17 =	vmul.f32 $2.771281240e+01, v17;
	v14 =	vld [tilespmem:s18+$0x18200];
	v20 =	vmul.f32 $2.771281240e+01, v2  }
0x4fd: {  	s22 =	sand.u32 $0x40, s22;
	s29 =	sand.u32 $0x50, s29;
	s6 =	sor.u32 s30, s6;
	v2 =	vld [tilespmem:s18+$0x4A00];
	v7 =	vadd.f32 v7, v5;
	v12 =	vadd.f32 v10, v5  }
0x4fe: {  	s2 =	sor.u32 s22, s2;
	s7 =	sor.u32 s29, s7;
	s29 =	sor.u32 s5, s6;
	v22 =	vadd.f32 v8, v5;
	v23 =	vadd.f32 v13, v5;
	v21 =	vld [tilespmem:s18+$0x19A00]  }
.Ltmp7:
0x4ff: {  	s2 =	sor.u32 s5, s2;
	s7 =	sor.u32 s5, s7;
	v24 =	vadd.f32 v15, v9;
	v10 =	vadd.f32 v16, v9;
	v8 =	vld [tilespmem:s18+$0x1B200];
	[tilespmem:s20+$0x18200] =	vst v7;
	(pc) =	sbr.rel @p0 .LBB2_16-.Ltmp7, $4  }
0x500: {  	s22 =	smov.u32 s21;
	s21 =	smov.u32 s2;
	v7 =	vld [tilespmem:s7+$0x18200];
	v6 =	vmul.f32 $2.771281240e+01, v6;
	[tilespmem:s20+$0x19A00] =	vst v12;
	v12 =	vadd.f32 v11, v9;
	v9 =	vadd.f32 v18, v9  }
0x501: {  	v5 =	vadd.f32 v3, v19;
	v3 =	vadd.f32 v4, v19;
	v11 =	vld [tilespmem:s7+$0x19A00];
	v15 =	vmul.f32 $2.771281240e+01, v14;
	[tilespmem:s20+$0x1B200] =	vst v22  }
0x502: {  	v4 =	vadd.f32 v17, v19;
	v13 =	vld [tilespmem:s7+$0x1B200];
	v16 =	vadd.f32 v6, v2;
	[tilespmem:s20+$0x1CA00] =	vst v23;
	s20 =	smov.u32 s7  }
0x503: {  	s28 =	sadd.s32 $0x4, s28;
	v6 =	vadd.f32 v20, v19;
	v14 =	vld [tilespmem:s20+$0x1CA00];
	v15 =	vadd.f32 v15, v2;
	v17 =	vmul.f32 $2.771281240e+01, v21;
	[tilespmem:s14+$0x18200] =	vst v24  }
0x504: {  	[tilespmem:s14+$0x19A00] =	vst v10  }
0x505: {  	[tilespmem:s14+$0x1B200] =	vst v12  }
0x506: {  	[tilespmem:s14+$0x1CA00] =	vst v9  }
0x507: {  	v44 =	vld [tilespmem:s29+$0x18200];
	[tilespmem:s18+$0x1CA00] =	vst v16  }
0x508: {  	v46 =	vld [tilespmem:s20+$0x4A00];
	[tilespmem:s22+$0x18200] =	vst v5  }
0x509: {  	v8 =	vmul.f32 $2.771281240e+01, v8;
	v47 =	vld [tilespmem:s29+$0x19A00];
	[tilespmem:s22+$0x19A00] =	vst v3  }
0x50a: {  	v48 =	vld [tilespmem:s29+$0x1CA00];
	[tilespmem:s22+$0x1B200] =	vst v4  }
0x50b: {  	v3 =	vld [tilespmem:s29+$0x4A00];
	v45 =	vadd.f32 v17, v2;
	[tilespmem:s18+$0x18200] =	vst v15;
	v7 =	vmul.f32 $2.771281240e+01, v7;
	v2 =	vadd.f32 v8, v2  }
0x50c: {  	v51 =	vld [tilespmem:s21+$0x18200];
	[tilespmem:s22+$0x1CA00] =	vst v6;
	v49 =	vmul.f32 $2.771281240e+01, v11  }
0x50d: {  	v50 =	vmul.f32 $2.771281240e+01, v13;
	[tilespmem:s18+$0x1B200] =	vst v2;
	v2 =	vld [tilespmem:s29+$0x1B200];
	v52 =	vadd.f32 v7, v46  }
0x50e: {  	v57 =	vld [tilespmem:s21+$0x4A00];
	[tilespmem:s18+$0x19A00] =	vst v45;
	v53 =	vmul.f32 $2.771281240e+01, v14;
	v5 =	vadd.f32 v49, v46  }
0x50f: {  	v55 =	vld [tilespmem:s21+$0x1B200];
	v9 =	vmul.f32 $2.771281240e+01, v44;
	v11 =	vadd.f32 v50, v46;
	[tilespmem:s20+$0x18200] =	vst v52  }
0x510: {  	v54 =	vld [tilespmem:s21+$0x19A00];
	v56 =	vmul.f32 $2.771281240e+01, v47;
	v6 =	vadd.f32 v53, v46;
	[tilespmem:s20+$0x19A00] =	vst v5  }
0x511: {  	v58 =	vld [tilespmem:s21+$0x1CA00];
	v61 =	vmul.f32 $2.771281240e+01, v51;
	v59 =	vadd.f32 v9, v3;
	[tilespmem:s20+$0x1B200] =	vst v11  }
0x512: {  	v4 =	vadd.f32 v56, v3;
	[tilespmem:s20+$0x1CA00] =	vst v6;
	v2 =	vmul.f32 $2.771281240e+01, v2  }
0x513: {  	v60 =	vmul.f32 $2.771281240e+01, v48;
	v63 =	vadd.f32 v61, v57;
	[tilespmem:s29+$0x18200] =	vst v59  }
0x514: {  	v62 =	vmul.f32 $2.771281240e+01, v55;
	[tilespmem:s29+$0x19A00] =	vst v4;
	v2 =	vadd.f32 v2, v3  }
0x515: {  	v7 =	vmul.f32 $2.771281240e+01, v54;
	[tilespmem:s21+$0x18200] =	vst v63;
	v3 =	vadd.f32 v60, v3  }
0x516: {  	v4 =	vadd.f32 v62, v57;
	[tilespmem:s29+$0x1B200] =	vst v2;
	v2 =	vmul.f32 $2.771281240e+01, v58  }
0x517: {  	[tilespmem:s29+$0x1CA00] =	vst v3;
	v3 =	vadd.f32 v7, v57  }
0x518: {  	[tilespmem:s21+$0x1B200] =	vst v4;
	v2 =	vadd.f32 v2, v57  }
0x519: {  	[tilespmem:s21+$0x19A00] =	vst v3  }
0x51a: {  	[tilespmem:s21+$0x1CA00] =	vst v2  }
0x51b: {  	s2 =	rddreg [dreg:$0x18]  }
0x51c: {  	s4 =	simm.s32 $0x18200;
	s28 =	sld [smem:$0x7FB]  }
0x51d: {  	[hbm4b:s2+s3] =	stream.linear.scatter [tilespmem:s4], [sflag:$0x11], $0x1800, $0x38;
	[tilespmem:$0x1E200] =	vst v63  }
0x51e: {  	s29 =	simm.s32 $0x19A00;
	s30 =	sld [smem:$0x7FC]  }
0x51f: {  	[hbm4b:s28+s3] =	stream.linear.scatter [tilespmem:s29], [sflag:$0x12], $0x1800, $0x38;
	[tilespmem:$0x1E200] =	vst v63  }
0x520: {  	s31 =	simm.s32 $0x1B200;
	s5 =	sld [smem:$0x7FD]  }
0x521: {  	[hbm4b:s30+s3] =	stream.linear.scatter [tilespmem:s31], [sflag:$0x13], $0x1800, $0x38;
	[tilespmem:$0x1E200] =	vst v63  }
0x522: {  	s6 =	simm.s32 $0x1CA00;
	s7 =	simm.s32 $0x5  }
0x523: {  	[hbm4b:s5+s3] =	stream.linear.scatter [tilespmem:s6], [sflag:$0x14], $0x1800, $0x38;
	[tilespmem:$0x1E200] =	vst v63  }
0x524: {  	_ =	swait.ge [sflag:s7], $0x1800  }
0x525: {  	[sflag:s7] =	ssyncset.done $0x0  }
0x526: {  	s12 =	simm.s32 $0x6;
	[sflag:s7] =	ssyncadd.s32 $0xFFFFE800  }
0x527: {  	_ =	swait.ge [sflag:s12], $0x1800  }
0x528: {  	[sflag:s12] =	ssyncset.done $0x0  }
0x529: {  	s14 =	simm.s32 $0x7;
	[sflag:s12] =	ssyncadd.s32 $0xFFFFE800  }
0x52a: {  	_ =	swait.ge [sflag:s14], $0x1800  }
0x52b: {  	[sflag:s14] =	ssyncset.done $0x0  }
0x52c: {  	s18 =	simm.s32 $0x8;
	[sflag:s14] =	ssyncadd.s32 $0xFFFFE800  }
0x52d: {  	_ =	swait.ge [sflag:s18], $0x1800  }
0x52e: {  	[sflag:s18] =	ssyncset.done $0x0  }
0x52f: {  	s19 =	simm.s32 $0x9;
	[sflag:s18] =	ssyncadd.s32 $0xFFFFE800  }
0x530: {  	_ =	swait.ge [sflag:s19], $0x1800  }
0x531: {  	[sflag:s19] =	ssyncset.done $0x0  }
0x532: {  	s20 =	simm.s32 $0xA;
	[sflag:s19] =	ssyncadd.s32 $0xFFFFE800  }
0x533: {  	_ =	swait.ge [sflag:s20], $0x1800  }
0x534: {  	[sflag:s20] =	ssyncset.done $0x0  }
0x535: {  	s21 =	simm.s32 $0xB;
	[sflag:s20] =	ssyncadd.s32 $0xFFFFE800  }
0x536: {  	_ =	swait.ge [sflag:s21], $0x1800  }
0x537: {  	[sflag:s21] =	ssyncset.done $0x0  }
0x538: {  	s22 =	simm.s32 $0xC;
	[sflag:s21] =	ssyncadd.s32 $0xFFFFE800  }
0x539: {  	_ =	swait.ge [sflag:s22], $0x1800  }
0x53a: {  	[sflag:s22] =	ssyncset.done $0x0  }
0x53b: {  	s28 =	simm.s32 $0xD;
	[sflag:s22] =	ssyncadd.s32 $0xFFFFE800  }
0x53c: {  	_ =	swait.ge [sflag:s28], $0x1800  }
0x53d: {  	[sflag:s28] =	ssyncset.done $0x0  }
0x53e: {  	s29 =	simm.s32 $0xE;
	[sflag:s28] =	ssyncadd.s32 $0xFFFFE800  }
0x53f: {  	_ =	swait.ge [sflag:s29], $0x1800  }
0x540: {  	[sflag:s29] =	ssyncset.done $0x0  }
0x541: {  	s30 =	simm.s32 $0xF;
	[sflag:s29] =	ssyncadd.s32 $0xFFFFE800  }
0x542: {  	_ =	swait.ge [sflag:s30], $0x1800  }
0x543: {  	[sflag:s30] =	ssyncset.done $0x0  }
0x544: {  	[sflag:s30] =	ssyncadd.s32 $0xFFFFE800  }
0x545: {  	_ =	swait.ge [sflag:s8], $0x1800  }
0x546: {  	[sflag:s8] =	ssyncset.done $0x0  }
0x547: {  	[sflag:s8] =	ssyncadd.s32 $0xFFFFE800  }
0x548: {  	_ =	swait.ge [sflag:s9], $0x1800  }
0x549: {  	[sflag:s9] =	ssyncset.done $0x0  }
0x54a: {  	[sflag:s9] =	ssyncadd.s32 $0xFFFFE800  }
0x54b: {  	_ =	swait.ge [sflag:s10], $0x1800  }
0x54c: {  	[sflag:s10] =	ssyncset.done $0x0  }
0x54d: {  	[sflag:s10] =	ssyncadd.s32 $0xFFFFE800  }
0x54e: {  	_ =	swait.ge [sflag:s15], $0x1800  }
0x54f: {  	[sflag:s15] =	ssyncset.done $0x0  }
0x550: {  	[sflag:s15] =	ssyncadd.s32 $0xFFFFE800  }
0x551: {  	_ =	swait.ge [sflag:s17], $0x1800  }
0x552: {  	s16 =	sadd.s32 $0x1, s16;
	s31 =	rddreg [dreg:$0x19]  }
0x553: {  	p0 =	sne.s32 s16, s31  }
.Ltmp8:
0x554: {  	_ = 	snop;
	(pc) =	sbr.rel @p0 .LBB2_1-.Ltmp8, $3  }
0x555: {  	_ =	sdelay $0x1  }
0x556: {  	[sflag:s17] =	ssyncset.done $0x0  }
0x557: {  	[sflag:s17] =	ssyncadd.s32 $0xFFFFE800  }
0x558: {  	_ =	sfence.sel $0x180000  }
0x559: {  	[bflag:$0x0] =	sbarrier.arrive $0xFFFF  }
0x55a: {  	_ =	strace $0x90000047  }
0x55b: {  	s0 =	stileid.u32;
	[bflag:$0x2] =	sbarrier.arrive $0xFFFF  }
0x55c: {  	p0 =	sne.s32 s0, $0x0;
	s0 =	rddreg [dreg:$0x4]  }
0x55d: {  	s0 =	sadd.s32 @!p0 $0x100000, s0  }
0x55e: {  	[sflag:s0] =	ssyncadd.tile.s32 @!p0 $0x1;
	_ =	shalt  }
.Lfunc_end2:
_tile_overlayer_lowered:
.L_overlay_start_2:
0x55f: {  	(tag) =	ssettag $0x2  }
0x560: {  	s0 =	rddreg [dreg:$0x0];
	s2 =	stileid.u32  }
0x561: {  	s1 =	rddreg [dreg:$0x1];
	p0 =	sne.s32 s2, $0x0  }
0x562: {  	s3 =	rddreg [dreg:$0x2];
	[bflag:$0x3] =	sbarrier.arrive $0xFFFF;
	s2 =	simm.s32 @!p0 $0x1C1A  }
0x563: {  	[timem:s3], [sflag:s2] =	dma.local @!p0 [hbm:s0], s1  }
0x564: {  	s0 =	simm.s32 @!p0 $0x1A  }
0x565: {  	_ =	swait.ge @!p0 [sflag:s0], s1  }
0x566: {  	s1 =	ssub.s32 @!p0 $0x0, s1;
	[sflag:s0] =	ssyncset.done @!p0 $0x0  }
0x567: {  	[sflag:s0] =	ssyncadd.s32 @!p0 s1  }
0x568: {  	[bflag:$0x3] =	sbarrier.arrive $0xFFFF  }
0x569: {  	_ =	shalt  }

</sc_bundles>
